<compile_context>
chip_gen: v7x
topology: tpu7x:2x2x1
jax: 0.10.2.dev20260603
libtpu: 0.0.44.dev20260713+nightly
codegen_flags: <defaults>
</compile_context>

<pallas_src>
import functools

import jax
import jax.numpy as jnp
from jax import lax
from jax.experimental import pallas as pl
from jax.experimental.pallas import tpu as pltpu
from jax.experimental.pallas import tpu_sc as plsc

_B, _C, _N, _OUT, _K = 4, 64, 4096, 64, 20
_R = 1024
_KP = 20
_NW = 32
_G = _B * _N
_CH = _G // _NW
_SUB = 16
_NSUB = _CH // _SUB


def _stage1_kernel(xb_ref, xr_ref, w_ref, bias_ref,
                   u_ref, vt_ref, idx_ref):
    xb = xb_ref[0]
    xr = xr_ref[0]
    W = w_ref[...]
    wc = W[:, :_C]
    wd = W[:, _C:]
    f32 = jnp.float32
    vt = jax.lax.dot_general(xr, wd, (((0,), (1,)), ((), ())),
                             preferred_element_type=f32)
    vt_ref[0] = jnp.concatenate([vt, vt * vt], axis=1)
    u_ref[0] = jax.lax.dot_general(xr, wc - wd, (((0,), (1,)), ((), ())),
                                   preferred_element_type=f32) \
        + bias_ref[0][None, :]
    inner = jax.lax.dot_general(xr, xb, (((0,), (0,)), ((), ())),
                                preferred_element_type=f32)
    xx = jnp.sum(xb * xb, axis=0)
    d = xx[None, :] - 2.0 * inner
    icol = jax.lax.broadcasted_iota(jnp.int32, (_N, 128), 1)
    irow = jax.lax.broadcasted_iota(jnp.int32, (_N, 128), 0)
    iotac = jnp.where(icol < 64, irow // 64, irow % 64).astype(jnp.bfloat16)
    kiota = jax.lax.broadcasted_iota(jnp.int32, (1, _KP), 1)
    base = pl.program_id(0) * _N
    inf = f32(jnp.inf)

    def body(k, carry):
        d, ia = carry
        rm = jnp.min(d, axis=1, keepdims=True)
        ohb = (d == rm).astype(jnp.bfloat16)
        prod = jax.lax.dot_general(ohb, iotac, (((1,), (0,)), ((), ())),
                                   preferred_element_type=f32)
        mi_f = prod[:, :1] * 64.0 + prod[:, 64:65] + 0.5
        mi = jnp.minimum(mi_f.astype(jnp.int32), _N - 1)
        d = jnp.where(d == rm, inf, d)
        ia = jnp.where(kiota == k, mi + base, ia)
        return d, ia

    _, ia = jax.lax.fori_loop(
        0, _K, body, (d, jnp.zeros((_R, _KP), jnp.int32)))
    idx_ref[0] = ia


def _sc_gather(vt_hbm, idx_hbm, u_hbm,
               mx_hbm, mn_hbm, accw_hbm,
               idx_b0, idx_b1, rows_b0, rows_b1, u_b0, u_b1,
               mx_b, mn_b, acc_b, sem0, sem1):
    f32 = jnp.float32
    kf = f32(_K)
    wid = lax.axis_index("s") * 2 + lax.axis_index("c")
    base = wid * _CH
    zero = jnp.zeros((16,), f32)
    ninf = jnp.full((16,), -jnp.inf, f32)
    pinf = jnp.full((16,), jnp.inf, f32)

    def issue(sb, idx_s, u_s, rows_s, sem):
        g0 = base + sb * _SUB
        pltpu.sync_copy(idx_hbm.at[pl.ds(g0 * _KP, _SUB * _KP)], idx_s)
        pltpu.sync_copy(u_hbm.at[pl.ds(g0, _SUB)], u_s)
        pltpu.async_copy(vt_hbm.at[idx_s], rows_s, sem)

    def chunk(sb, rows_s, u_s, acc):
        def pair_body(jp, acc):
            a = list(acc)
            js = (2 * jp, 2 * jp + 1)
            st = [[None] * 4 for _ in range(2)]
            for t in range(2):
                for c in range(4):
                    st[t][c] = [zero, zero, ninf, pinf]
            for k in range(_K):
                for t in range(2):
                    jb = js[t] * _KP + k
                    for c in range(4):
                        vv = rows_s[jb, pl.ds(c * 16, 16)]
                        s_, q_, mx_, mn_ = st[t][c]
                        st[t][c] = [s_ + vv, q_ + vv * vv,
                                    jnp.maximum(mx_, vv),
                                    jnp.minimum(mn_, vv)]
            for t in range(2):
                for c in range(4):
                    sl = pl.ds(c * 16, 16)
                    s_, q_, mx_, mn_ = st[t][c]
                    mx_b[js[t], sl] = mx_
                    mn_b[js[t], sl] = mn_
                    u = u_s[js[t], sl]
                    a[c] = a[c] + kf * u + s_
                    a[4 + c] = a[4 + c] + kf * u * u + 2.0 * u * s_ + q_
            return tuple(a)

        acc = lax.fori_loop(0, _SUB // 2, pair_body, acc)
        g0 = base + sb * _SUB
        pltpu.sync_copy(mx_b, mx_hbm.at[pl.ds(g0, _SUB)])
        pltpu.sync_copy(mn_b, mn_hbm.at[pl.ds(g0, _SUB)])
        return acc

    issue(0, idx_b0, u_b0, rows_b0, sem0)

    def loop(sb2, acc):
        sb = 2 * sb2
        issue(sb + 1, idx_b1, u_b1, rows_b1, sem1)
        pltpu.make_async_copy(vt_hbm.at[idx_b0], rows_b0, sem0).wait()
        acc = chunk(sb, rows_b0, u_b0, acc)

        @pl.when(sb2 < _NSUB // 2 - 1)
        def _():
            issue(sb + 2, idx_b0, u_b0, rows_b0, sem0)

        pltpu.make_async_copy(vt_hbm.at[idx_b1], rows_b1, sem1).wait()
        acc = chunk(sb + 1, rows_b1, u_b1, acc)
        return acc

    acc = lax.fori_loop(0, _NSUB // 2, loop, tuple(zero for _ in range(8)))
    for r in range(2, 8):
        for c in range(4):
            acc_b[r, pl.ds(c * 16, 16)] = zero
    for c in range(4):
        acc_b[0, pl.ds(c * 16, 16)] = acc[c]
        acc_b[1, pl.ds(c * 16, 16)] = acc[4 + c]
    pltpu.sync_copy(acc_b, accw_hbm.at[wid])


def _stage2_kernel(u_ref, mx_ref, mn_ref, acc_ref, g_ref, be_ref, o_ref):
    u = u_ref[0]
    mx = mx_ref[0]
    mn = mn_ref[0]
    acc = jnp.sum(acc_ref[...], axis=0)
    cnt = jnp.float32(_G * _K)
    mean = acc[0, :] / cnt
    var = acc[1, :] / cnt - mean * mean
    rstd = jax.lax.rsqrt(var + 1e-5)
    gamma = g_ref[0]
    beta = be_ref[0]
    a = gamma * rstd
    c = beta - a * mean
    choose = jnp.where((gamma >= 0.0)[None, :], mx, mn)
    o_ref[0] = jnp.maximum(a[None, :] * (u + choose) + c[None, :], 0.0)


def kernel(x, W, b, gamma, beta):
    f32 = jnp.float32
    b2 = b.reshape(1, _OUT).astype(f32)
    g2 = gamma.reshape(1, _OUT).astype(f32)
    be2 = beta.reshape(1, _OUT).astype(f32)
    nb = _N // _R
    row_block = pl.BlockSpec((1, _R, _OUT), lambda b_, i: (b_, i, 0))
    u, vt, idx = pl.pallas_call(
        _stage1_kernel,
        grid=(_B, nb),
        in_specs=[
            pl.BlockSpec((1, _C, _N), lambda b_, i: (b_, 0, 0)),
            pl.BlockSpec((1, _C, _R), lambda b_, i: (b_, 0, i)),
            pl.BlockSpec((_OUT, 2 * _C), lambda b_, i: (0, 0)),
            pl.BlockSpec((1, _OUT), lambda b_, i: (0, 0)),
        ],
        out_specs=[row_block,
                   pl.BlockSpec((1, _R, 2 * _OUT), lambda b_, i: (b_, i, 0)),
                   pl.BlockSpec((1, _R, _KP), lambda b_, i: (b_, i, 0))],
        out_shape=[
            jax.ShapeDtypeStruct((_B, _N, _OUT), f32),
            jax.ShapeDtypeStruct((_B, _N, 2 * _OUT), f32),
            jax.ShapeDtypeStruct((_B, _N, _KP), jnp.int32),
        ],
    )(x, x, W, b2)

    sc = functools.partial(
        pl.kernel,
        mesh=plsc.VectorSubcoreMesh(core_axis_name="c", subcore_axis_name="s"),
        out_type=[
            jax.ShapeDtypeStruct((_G, _OUT), f32),
            jax.ShapeDtypeStruct((_G, _OUT), f32),
            jax.ShapeDtypeStruct((_NW, 8, _OUT), f32),
        ],
        scratch_types=[
            pltpu.VMEM((_SUB * _KP,), jnp.int32),
            pltpu.VMEM((_SUB * _KP,), jnp.int32),
            pltpu.VMEM((_SUB * _KP, 2 * _OUT), f32),
            pltpu.VMEM((_SUB * _KP, 2 * _OUT), f32),
            pltpu.VMEM((_SUB, _OUT), f32),
            pltpu.VMEM((_SUB, _OUT), f32),
            pltpu.VMEM((_SUB, _OUT), f32),
            pltpu.VMEM((_SUB, _OUT), f32),
            pltpu.VMEM((8, _OUT), f32),
            pltpu.SemaphoreType.DMA,
            pltpu.SemaphoreType.DMA,
        ],
    )(_sc_gather)
    mx, mn, accw = sc(vt.reshape(_G, 2 * _OUT), idx.reshape(_G * _KP),
                      u.reshape(_G, _OUT))

    out = pl.pallas_call(
        _stage2_kernel,
        grid=(_B, nb),
        in_specs=[
            row_block, row_block, row_block,
            pl.BlockSpec((_NW, 8, _OUT), lambda b_, i: (0, 0, 0)),
            pl.BlockSpec((1, _OUT), lambda b_, i: (0, 0)),
            pl.BlockSpec((1, _OUT), lambda b_, i: (0, 0)),
        ],
        out_specs=row_block,
        out_shape=jax.ShapeDtypeStruct((_B, _N, _OUT), f32),
    )(u, mx.reshape(_B, _N, _OUT), mn.reshape(_B, _N, _OUT),
      accw, g2, be2)
    return jnp.transpose(out, (0, 2, 1))

# --- scband reference (transcript-rebuilt; emitter-appended) ---
"""Pipeline reference for scband-edge-conv-block-21741124452962 (READ-ONLY COPY).

The authoritative reference and input builder live on the scoring server;
editing this copy changes nothing except your own understanding.
"""

import jax, jax.numpy as jnp
import numpy as np

B, C, N = 4, 64, 4096
OUT = 64
K = 20

def setup_inputs(seed: int = 0):
    key = jax.random.key(seed)
    ks = jax.random.split(key, 5)
    x = jax.random.normal(ks[0], (B, C, N), dtype=jnp.float32)
    W = jax.random.normal(ks[1], (OUT, 2 * C), dtype=jnp.float32) * 0.05
    b = jnp.zeros((OUT,), dtype=jnp.float32)
    gamma = jnp.ones((OUT,), dtype=jnp.float32)
    beta = jnp.zeros((OUT,), dtype=jnp.float32)
    return {"x": x, "W": W, "b": b, "gamma": gamma, "beta": beta}

def _knn_inds(x, k):
    # x: [B, C, N]; squared pairwise distance, then k nearest (smallest dist)
    xx = jnp.sum(x * x, axis=1)                      # [B, N]
    inner = jnp.einsum('bcn,bcm->bnm', x, x)         # [B, N, N]
    pdist = xx[:, :, None] - 2.0 * inner + xx[:, None, :]
    _, idx = jax.lax.top_k(-pdist, k)                # [B, N, K]
    return idx

def _edge_feature(x, idx):
    # x: [B, C, N], idx: [B, N, K] -> edge feature [B, 2C, N, K]
    b_, c_, n_ = x.shape
    k_ = idx.shape[-1]
    xt = jnp.transpose(x, (0, 2, 1))                 # [B, N, C]
    batch_idx = jnp.arange(b_)[:, None, None]
    neighbors = xt[batch_idx, idx]                   # [B, N, K, C] gather
    central = jnp.broadcast_to(xt[:, :, None, :], (b_, n_, k_, c_))
    feat = jnp.concatenate([central, neighbors - central], axis=-1)  # [B, N, K, 2C]
    return jnp.transpose(feat, (0, 3, 1, 2))         # [B, 2C, N, K]

def reference(x, W, b, gamma, beta):
    feat = _edge_feature(x, _knn_inds(x, K))         # [B, 2C, N, K]
    # SharedMLP ndim=2: Conv2d(2C->OUT, kernel 1) + BatchNorm2d (batch stats) + ReLU
    y = jnp.einsum('oc,bcnk->bonk', W, feat) + b[None, :, None, None]
    mean = jnp.mean(y, axis=(0, 2, 3), keepdims=True)
    var = jnp.var(y, axis=(0, 2, 3), keepdims=True)
    y = (y - mean) / jnp.sqrt(var + 1e-5)
    y = gamma[None, :, None, None] * y + beta[None, :, None, None]
    y = jax.nn.relu(y)
    # max pool over neighbor dim (dim 3)
    return jnp.max(y, axis=3)                        # [B, OUT, N]

if __name__ == "__main__":
    import jax
    _d = setup_inputs()
    print(jax.jit(kernel)(*tuple(_d.values())))

</pallas_src>

<mosaic_0001>
#map = affine_map<(d0, d1) -> (0, 0)>
#map1 = affine_map<(d0, d1) -> (0)>
#map2 = affine_map<(d0, d1) -> (0, 0, 0)>
module attributes {stable_mosaic.version = 14 : i64} {
  func.func @_sc_gather(%arg0: i32, %arg1: i32, %arg2: memref<16384x128xf32, #tpu.memory_space<hbm>>, %arg3: memref<327680xi32, #tpu.memory_space<hbm>>, %arg4: memref<16384x64xf32, #tpu.memory_space<hbm>>, %arg5: memref<16384x64xf32, #tpu.memory_space<hbm>>, %arg6: memref<16384x64xf32, #tpu.memory_space<hbm>>, %arg7: memref<32x8x64xf32, #tpu.memory_space<hbm>>, %arg8: memref<320xi32, #tpu.memory_space<vmem>>, %arg9: memref<320xi32, #tpu.memory_space<vmem>>, %arg10: memref<320x128xf32, #tpu.memory_space<vmem>>, %arg11: memref<320x128xf32, #tpu.memory_space<vmem>>, %arg12: memref<16x64xf32, #tpu.memory_space<vmem>>, %arg13: memref<16x64xf32, #tpu.memory_space<vmem>>, %arg14: memref<16x64xf32, #tpu.memory_space<vmem>>, %arg15: memref<16x64xf32, #tpu.memory_space<vmem>>, %arg16: memref<8x64xf32, #tpu.memory_space<vmem>>, %arg17: memref<!tpu.dma_semaphore, #tpu.memory_space<semaphore_mem>>, %arg18: memref<!tpu.dma_semaphore, #tpu.memory_space<semaphore_mem>>) attributes {dimension_semantics = [#tpu.dimension_semantics<core_parallel>, #tpu.dimension_semantics<subcore_parallel>], iteration_bounds = array<i64: 2, 16>, scalar_prefetch = 0 : i64, scratch_operands = 11 : i64, tpu.core_type = #tpu.core_type<sc_vector_subcore>, window_params = [{transform_indices = #map}, {transform_indices = #map1}, {transform_indices = #map}, {transform_indices = #map}, {transform_indices = #map}, {transform_indices = #map2}]} {
    %mul3A = arith.constant 2 : i32
    %mul3A_0 = arith.muli %arg1, %mul3A : i32
    %add3A = arith.addi %mul3A_0, %arg0 : i32
    %mul3A_1 = arith.constant 512 : i32
    %mul3A_2 = arith.muli %add3A, %mul3A_1 : i32
    %broadcast_in_dim3A = arith.constant 0.000000e+00 : f32
    %broadcast_in_dim3A_3 = vector.broadcast %broadcast_in_dim3A : f32 to vector<16xf32>
    %broadcast_in_dim3A_4 = arith.constant 0xFF800000 : f32
    %broadcast_in_dim3A_5 = vector.broadcast %broadcast_in_dim3A_4 : f32 to vector<16xf32>
    %broadcast_in_dim3A_6 = arith.constant 0x7F800000 : f32
    %broadcast_in_dim3A_7 = vector.broadcast %broadcast_in_dim3A_6 : f32 to vector<16xf32>
    %add3A_8 = arith.constant 0 : i32
    %add3A_9 = arith.addi %mul3A_2, %add3A_8 : i32
    %mul3A_10 = arith.constant 20 : i32
    %mul3A_11 = arith.muli %add3A_9, %mul3A_10 : i32
    "tpu.region"() ({
      %run_scoped3A = tpu.sem_alloc : memref<!tpu.dma_semaphore, #tpu.memory_space<semaphore_mem>>
      %dma_start3A_211 = tpu.memref_slice %arg3[%mul3A_11] : memref<327680xi32, #tpu.memory_space<hbm>> -> memref<320xi32, #tpu.memory_space<hbm>>
      %dma_start3A_212 = tpu.memref_slice %arg3[%mul3A_11] : memref<327680xi32, #tpu.memory_space<hbm>> -> memref<320xi32, #tpu.memory_space<hbm>>
      tpu.enqueue_dma source(%dma_start3A_212 : memref<320xi32, #tpu.memory_space<hbm>>) target(%arg8 : memref<320xi32, #tpu.memory_space<vmem>>) target_semaphore(%run_scoped3A : memref<!tpu.dma_semaphore, #tpu.memory_space<semaphore_mem>>)
      %dma_wait3A = tpu.memref_slice %arg3[%mul3A_11] : memref<327680xi32, #tpu.memory_space<hbm>> -> memref<320xi32, #tpu.memory_space<hbm>>
      %dma_wait3A_213 = tpu.memref_slice %arg3[%mul3A_11] : memref<327680xi32, #tpu.memory_space<hbm>> -> memref<320xi32, #tpu.memory_space<hbm>>
      tpu.wait_dma2 semaphore(%run_scoped3A : memref<!tpu.dma_semaphore, #tpu.memory_space<semaphore_mem>>) src(%dma_wait3A_213 : memref<320xi32, #tpu.memory_space<hbm>>) dst(%arg8 : memref<320xi32, #tpu.memory_space<vmem>>)
      tpu.yield
    }) : () -> ()
    "tpu.region"() ({
      %run_scoped3A = tpu.sem_alloc : memref<!tpu.dma_semaphore, #tpu.memory_space<semaphore_mem>>
      %dma_start3A_211 = arith.constant 0 : i32
      %dma_start3A_212 = tpu.memref_slice %arg4[%add3A_9, %dma_start3A_211] : memref<16384x64xf32, #tpu.memory_space<hbm>> -> memref<16x64xf32, #tpu.memory_space<hbm>>
      %dma_start3A_213 = arith.constant 0 : i32
      %dma_start3A_214 = tpu.memref_slice %arg4[%add3A_9, %dma_start3A_213] : memref<16384x64xf32, #tpu.memory_space<hbm>> -> memref<16x64xf32, #tpu.memory_space<hbm>>
      tpu.enqueue_dma source(%dma_start3A_214 : memref<16x64xf32, #tpu.memory_space<hbm>>) target(%arg12 : memref<16x64xf32, #tpu.memory_space<vmem>>) target_semaphore(%run_scoped3A : memref<!tpu.dma_semaphore, #tpu.memory_space<semaphore_mem>>)
      %dma_wait3A = arith.constant 0 : i32
      %dma_wait3A_215 = tpu.memref_slice %arg4[%add3A_9, %dma_wait3A] : memref<16384x64xf32, #tpu.memory_space<hbm>> -> memref<16x64xf32, #tpu.memory_space<hbm>>
      %dma_wait3A_216 = arith.constant 0 : i32
      %dma_wait3A_217 = tpu.memref_slice %arg4[%add3A_9, %dma_wait3A_216] : memref<16384x64xf32, #tpu.memory_space<hbm>> -> memref<16x64xf32, #tpu.memory_space<hbm>>
      tpu.wait_dma2 semaphore(%run_scoped3A : memref<!tpu.dma_semaphore, #tpu.memory_space<semaphore_mem>>) src(%dma_wait3A_217 : memref<16x64xf32, #tpu.memory_space<hbm>>) dst(%arg12 : memref<16x64xf32, #tpu.memory_space<vmem>>)
      tpu.yield
    }) : () -> ()
    %dma_start3A = arith.constant 0 : i32
    %dma_start3A_12 = arith.constant 0 : i32
    %dma_start3A_13 = tpu.memref_slice %arg2[%dma_start3A, %dma_start3A_12] : memref<16384x128xf32, #tpu.memory_space<hbm>> -> memref<16384x128xf32, #tpu.memory_space<hbm>>
    tpu.enqueue_indirect_dma source(%dma_start3A_13 : memref<16384x128xf32, #tpu.memory_space<hbm>>) target(%arg10 : memref<320x128xf32, #tpu.memory_space<vmem>>) offsets(%arg8 : memref<320xi32, #tpu.memory_space<vmem>>) semaphore(%arg17 : memref<!tpu.dma_semaphore, #tpu.memory_space<semaphore_mem>>)
    %scan3A = arith.constant 2.000000e+01 : f32
    %scan3A_14 = arith.constant 0 : i32
    %scan3A_15 = arith.constant 16 : i32
    %scan3A_16 = arith.addi %scan3A_14, %scan3A_15 : i32
    %scan3A_17 = arith.constant 1 : i32
    %scan3A_18:8 = scf.for %scan3A_211 = %scan3A_14 to %scan3A_16 step %scan3A_17 iter_args(%scan3A_212 = %broadcast_in_dim3A_3, %scan3A_213 = %broadcast_in_dim3A_3, %scan3A_214 = %broadcast_in_dim3A_3, %scan3A_215 = %broadcast_in_dim3A_3, %scan3A_216 = %broadcast_in_dim3A_3, %scan3A_217 = %broadcast_in_dim3A_3, %scan3A_218 = %broadcast_in_dim3A_3, %scan3A_219 = %broadcast_in_dim3A_3) -> (vector<16xf32>, vector<16xf32>, vector<16xf32>, vector<16xf32>, vector<16xf32>, vector<16xf32>, vector<16xf32>, vector<16xf32>)  : i32 {
      %mul3A_220 = arith.constant 2 : i32
      %mul3A_221 = arith.muli %mul3A_220, %scan3A_211 : i32
      %add3A_222 = arith.constant 1 : i32
      %add3A_223 = arith.addi %mul3A_221, %add3A_222 : i32
      %mul3A_224 = arith.constant 16 : i32
      %mul3A_225 = arith.muli %add3A_223, %mul3A_224 : i32
      %add3A_226 = arith.addi %mul3A_2, %mul3A_225 : i32
      %mul3A_227 = arith.constant 20 : i32
      %mul3A_228 = arith.muli %add3A_226, %mul3A_227 : i32
      "tpu.region"() ({
        %run_scoped3A = tpu.sem_alloc : memref<!tpu.dma_semaphore, #tpu.memory_space<semaphore_mem>>
        %dma_start3A_259 = tpu.memref_slice %arg3[%mul3A_228] : memref<327680xi32, #tpu.memory_space<hbm>> -> memref<320xi32, #tpu.memory_space<hbm>>
        %dma_start3A_260 = tpu.memref_slice %arg3[%mul3A_228] : memref<327680xi32, #tpu.memory_space<hbm>> -> memref<320xi32, #tpu.memory_space<hbm>>
        tpu.enqueue_dma source(%dma_start3A_260 : memref<320xi32, #tpu.memory_space<hbm>>) target(%arg9 : memref<320xi32, #tpu.memory_space<vmem>>) target_semaphore(%run_scoped3A : memref<!tpu.dma_semaphore, #tpu.memory_space<semaphore_mem>>)
        %dma_wait3A_261 = tpu.memref_slice %arg3[%mul3A_228] : memref<327680xi32, #tpu.memory_space<hbm>> -> memref<320xi32, #tpu.memory_space<hbm>>
        %dma_wait3A_262 = tpu.memref_slice %arg3[%mul3A_228] : memref<327680xi32, #tpu.memory_space<hbm>> -> memref<320xi32, #tpu.memory_space<hbm>>
        tpu.wait_dma2 semaphore(%run_scoped3A : memref<!tpu.dma_semaphore, #tpu.memory_space<semaphore_mem>>) src(%dma_wait3A_262 : memref<320xi32, #tpu.memory_space<hbm>>) dst(%arg9 : memref<320xi32, #tpu.memory_space<vmem>>)
        tpu.yield
      }) : () -> ()
      "tpu.region"() ({
        %run_scoped3A = tpu.sem_alloc : memref<!tpu.dma_semaphore, #tpu.memory_space<semaphore_mem>>
        %dma_start3A_259 = arith.constant 0 : i32
        %dma_start3A_260 = tpu.memref_slice %arg4[%add3A_226, %dma_start3A_259] : memref<16384x64xf32, #tpu.memory_space<hbm>> -> memref<16x64xf32, #tpu.memory_space<hbm>>
        %dma_start3A_261 = arith.constant 0 : i32
        %dma_start3A_262 = tpu.memref_slice %arg4[%add3A_226, %dma_start3A_261] : memref<16384x64xf32, #tpu.memory_space<hbm>> -> memref<16x64xf32, #tpu.memory_space<hbm>>
        tpu.enqueue_dma source(%dma_start3A_262 : memref<16x64xf32, #tpu.memory_space<hbm>>) target(%arg13 : memref<16x64xf32, #tpu.memory_space<vmem>>) target_semaphore(%run_scoped3A : memref<!tpu.dma_semaphore, #tpu.memory_space<semaphore_mem>>)
        %dma_wait3A_263 = arith.constant 0 : i32
        %dma_wait3A_264 = tpu.memref_slice %arg4[%add3A_226, %dma_wait3A_263] : memref<16384x64xf32, #tpu.memory_space<hbm>> -> memref<16x64xf32, #tpu.memory_space<hbm>>
        %dma_wait3A_265 = arith.constant 0 : i32
        %dma_wait3A_266 = tpu.memref_slice %arg4[%add3A_226, %dma_wait3A_265] : memref<16384x64xf32, #tpu.memory_space<hbm>> -> memref<16x64xf32, #tpu.memory_space<hbm>>
        tpu.wait_dma2 semaphore(%run_scoped3A : memref<!tpu.dma_semaphore, #tpu.memory_space<semaphore_mem>>) src(%dma_wait3A_266 : memref<16x64xf32, #tpu.memory_space<hbm>>) dst(%arg13 : memref<16x64xf32, #tpu.memory_space<vmem>>)
        tpu.yield
      }) : () -> ()
      %dma_start3A_229 = arith.constant 0 : i32
      %dma_start3A_230 = arith.constant 0 : i32
      %dma_start3A_231 = tpu.memref_slice %arg2[%dma_start3A_229, %dma_start3A_230] : memref<16384x128xf32, #tpu.memory_space<hbm>> -> memref<16384x128xf32, #tpu.memory_space<hbm>>
      tpu.enqueue_indirect_dma source(%dma_start3A_231 : memref<16384x128xf32, #tpu.memory_space<hbm>>) target(%arg11 : memref<320x128xf32, #tpu.memory_space<vmem>>) offsets(%arg9 : memref<320xi32, #tpu.memory_space<vmem>>) semaphore(%arg18 : memref<!tpu.dma_semaphore, #tpu.memory_space<semaphore_mem>>)
      %dma_wait3A = arith.constant 0 : i32
      %dma_wait3A_232 = arith.constant 0 : i32
      %dma_wait3A_233 = tpu.memref_slice %arg2[%dma_wait3A, %dma_wait3A_232] : memref<16384x128xf32, #tpu.memory_space<hbm>> -> memref<16384x128xf32, #tpu.memory_space<hbm>>
      tpu.wait_indirect_dma semaphore(%arg17 : memref<!tpu.dma_semaphore, #tpu.memory_space<semaphore_mem>>) src(%dma_wait3A_233 : memref<16384x128xf32, #tpu.memory_space<hbm>>) dst(%arg10 : memref<320x128xf32, #tpu.memory_space<vmem>>)
      %scan3A_234 = arith.constant 0 : i32
      %scan3A_235 = arith.constant 8 : i32
      %scan3A_236 = arith.addi %scan3A_234, %scan3A_235 : i32
      %scan3A_237 = arith.constant 1 : i32
      %scan3A_238:8 = scf.for %scan3A_259 = %scan3A_234 to %scan3A_236 step %scan3A_237 iter_args(%scan3A_260 = %scan3A_212, %scan3A_261 = %scan3A_213, %scan3A_262 = %scan3A_214, %scan3A_263 = %scan3A_215, %scan3A_264 = %scan3A_216, %scan3A_265 = %scan3A_217, %scan3A_266 = %scan3A_218, %scan3A_267 = %scan3A_219) -> (vector<16xf32>, vector<16xf32>, vector<16xf32>, vector<16xf32>, vector<16xf32>, vector<16xf32>, vector<16xf32>, vector<16xf32>)  : i32 {
        %mul3A_268 = arith.constant 2 : i32
        %mul3A_269 = arith.muli %mul3A_268, %scan3A_259 : i32
        %mul3A_270 = arith.constant 2 : i32
        %mul3A_271 = arith.muli %mul3A_270, %scan3A_259 : i32
        %add3A_272 = arith.constant 1 : i32
        %add3A_273 = arith.addi %mul3A_271, %add3A_272 : i32
        %mul3A_274 = arith.constant 20 : i32
        %mul3A_275 = arith.muli %mul3A_269, %mul3A_274 : i32
        %add3A_276 = arith.constant 0 : i32
        %add3A_277 = arith.addi %mul3A_275, %add3A_276 : i32
        %get3A = arith.index_cast %add3A_277 : i32 to index
        %get3A_278 = arith.constant 0 : index
        %get3A_279 = tpu.vector_load %arg10[%get3A, %get3A_278] {strides = array<i32>} : memref<320x128xf32, #tpu.memory_space<vmem>>, vector<1x16xf32>,
        %get3A_280 = vector.shape_cast %get3A_279 : vector<1x16xf32> to vector<16xf32>
        %add3A_281 = arith.addf %broadcast_in_dim3A_3, %get3A_280 : vector<16xf32>
        %mul3A_282 = arith.mulf %get3A_280, %get3A_280 : vector<16xf32>
        %add3A_283 = arith.addf %broadcast_in_dim3A_3, %mul3A_282 : vector<16xf32>
        %max3A = arith.maximumf %broadcast_in_dim3A_5, %get3A_280 : vector<16xf32>
        %min3A = arith.minimumf %broadcast_in_dim3A_7, %get3A_280 : vector<16xf32>
        %get3A_284 = arith.index_cast %add3A_277 : i32 to index
        %get3A_285 = arith.constant 16 : index
        %get3A_286 = tpu.vector_load %arg10[%get3A_284, %get3A_285] {strides = array<i32>} : memref<320x128xf32, #tpu.memory_space<vmem>>, vector<1x16xf32>,
        %get3A_287 = vector.shape_cast %get3A_286 : vector<1x16xf32> to vector<16xf32>
        %add3A_288 = arith.addf %broadcast_in_dim3A_3, %get3A_287 : vector<16xf32>
        %mul3A_289 = arith.mulf %get3A_287, %get3A_287 : vector<16xf32>
        %add3A_290 = arith.addf %broadcast_in_dim3A_3, %mul3A_289 : vector<16xf32>
        %max3A_291 = arith.maximumf %broadcast_in_dim3A_5, %get3A_287 : vector<16xf32>
        %min3A_292 = arith.minimumf %broadcast_in_dim3A_7, %get3A_287 : vector<16xf32>
        %get3A_293 = arith.index_cast %add3A_277 : i32 to index
        %get3A_294 = arith.constant 32 : index
        %get3A_295 = tpu.vector_load %arg10[%get3A_293, %get3A_294] {strides = array<i32>} : memref<320x128xf32, #tpu.memory_space<vmem>>, vector<1x16xf32>,
        %get3A_296 = vector.shape_cast %get3A_295 : vector<1x16xf32> to vector<16xf32>
        %add3A_297 = arith.addf %broadcast_in_dim3A_3, %get3A_296 : vector<16xf32>
        %mul3A_298 = arith.mulf %get3A_296, %get3A_296 : vector<16xf32>
        %add3A_299 = arith.addf %broadcast_in_dim3A_3, %mul3A_298 : vector<16xf32>
        %max3A_300 = arith.maximumf %broadcast_in_dim3A_5, %get3A_296 : vector<16xf32>
        %min3A_301 = arith.minimumf %broadcast_in_dim3A_7, %get3A_296 : vector<16xf32>
        %get3A_302 = arith.index_cast %add3A_277 : i32 to index
        %get3A_303 = arith.constant 48 : index
        %get3A_304 = tpu.vector_load %arg10[%get3A_302, %get3A_303] {strides = array<i32>} : memref<320x128xf32, #tpu.memory_space<vmem>>, vector<1x16xf32>,
        %get3A_305 = vector.shape_cast %get3A_304 : vector<1x16xf32> to vector<16xf32>
        %add3A_306 = arith.addf %broadcast_in_dim3A_3, %get3A_305 : vector<16xf32>
        %mul3A_307 = arith.mulf %get3A_305, %get3A_305 : vector<16xf32>
        %add3A_308 = arith.addf %broadcast_in_dim3A_3, %mul3A_307 : vector<16xf32>
        %max3A_309 = arith.maximumf %broadcast_in_dim3A_5, %get3A_305 : vector<16xf32>
        %min3A_310 = arith.minimumf %broadcast_in_dim3A_7, %get3A_305 : vector<16xf32>
        %mul3A_311 = arith.constant 20 : i32
        %mul3A_312 = arith.muli %add3A_273, %mul3A_311 : i32
        %add3A_313 = arith.constant 0 : i32
        %add3A_314 = arith.addi %mul3A_312, %add3A_313 : i32
        %get3A_315 = arith.index_cast %add3A_314 : i32 to index
        %get3A_316 = arith.constant 0 : index
        %get3A_317 = tpu.vector_load %arg10[%get3A_315, %get3A_316] {strides = array<i32>} : memref<320x128xf32, #tpu.memory_space<vmem>>, vector<1x16xf32>,
        %get3A_318 = vector.shape_cast %get3A_317 : vector<1x16xf32> to vector<16xf32>
        %add3A_319 = arith.addf %broadcast_in_dim3A_3, %get3A_318 : vector<16xf32>
        %mul3A_320 = arith.mulf %get3A_318, %get3A_318 : vector<16xf32>
        %add3A_321 = arith.addf %broadcast_in_dim3A_3, %mul3A_320 : vector<16xf32>
        %max3A_322 = arith.maximumf %broadcast_in_dim3A_5, %get3A_318 : vector<16xf32>
        %min3A_323 = arith.minimumf %broadcast_in_dim3A_7, %get3A_318 : vector<16xf32>
        %get3A_324 = arith.index_cast %add3A_314 : i32 to index
        %get3A_325 = arith.constant 16 : index
        %get3A_326 = tpu.vector_load %arg10[%get3A_324, %get3A_325] {strides = array<i32>} : memref<320x128xf32, #tpu.memory_space<vmem>>, vector<1x16xf32>,
        %get3A_327 = vector.shape_cast %get3A_326 : vector<1x16xf32> to vector<16xf32>
        %add3A_328 = arith.addf %broadcast_in_dim3A_3, %get3A_327 : vector<16xf32>
        %mul3A_329 = arith.mulf %get3A_327, %get3A_327 : vector<16xf32>
        %add3A_330 = arith.addf %broadcast_in_dim3A_3, %mul3A_329 : vector<16xf32>
        %max3A_331 = arith.maximumf %broadcast_in_dim3A_5, %get3A_327 : vector<16xf32>
        %min3A_332 = arith.minimumf %broadcast_in_dim3A_7, %get3A_327 : vector<16xf32>
        %get3A_333 = arith.index_cast %add3A_314 : i32 to index
        %get3A_334 = arith.constant 32 : index
        %get3A_335 = tpu.vector_load %arg10[%get3A_333, %get3A_334] {strides = array<i32>} : memref<320x128xf32, #tpu.memory_space<vmem>>, vector<1x16xf32>,
        %get3A_336 = vector.shape_cast %get3A_335 : vector<1x16xf32> to vector<16xf32>
        %add3A_337 = arith.addf %broadcast_in_dim3A_3, %get3A_336 : vector<16xf32>
        %mul3A_338 = arith.mulf %get3A_336, %get3A_336 : vector<16xf32>
        %add3A_339 = arith.addf %broadcast_in_dim3A_3, %mul3A_338 : vector<16xf32>
        %max3A_340 = arith.maximumf %broadcast_in_dim3A_5, %get3A_336 : vector<16xf32>
        %min3A_341 = arith.minimumf %broadcast_in_dim3A_7, %get3A_336 : vector<16xf32>
        %get3A_342 = arith.index_cast %add3A_314 : i32 to index
        %get3A_343 = arith.constant 48 : index
        %get3A_344 = tpu.vector_load %arg10[%get3A_342, %get3A_343] {strides = array<i32>} : memref<320x128xf32, #tpu.memory_space<vmem>>, vector<1x16xf32>,
        %get3A_345 = vector.shape_cast %get3A_344 : vector<1x16xf32> to vector<16xf32>
        %add3A_346 = arith.addf %broadcast_in_dim3A_3, %get3A_345 : vector<16xf32>
        %mul3A_347 = arith.mulf %get3A_345, %get3A_345 : vector<16xf32>
        %add3A_348 = arith.addf %broadcast_in_dim3A_3, %mul3A_347 : vector<16xf32>
        %max3A_349 = arith.maximumf %broadcast_in_dim3A_5, %get3A_345 : vector<16xf32>
        %min3A_350 = arith.minimumf %broadcast_in_dim3A_7, %get3A_345 : vector<16xf32>
        %mul3A_351 = arith.constant 20 : i32
        %mul3A_352 = arith.muli %mul3A_269, %mul3A_351 : i32
        %add3A_353 = arith.constant 1 : i32
        %add3A_354 = arith.addi %mul3A_352, %add3A_353 : i32
        %get3A_355 = arith.index_cast %add3A_354 : i32 to index
        %get3A_356 = arith.constant 0 : index
        %get3A_357 = tpu.vector_load %arg10[%get3A_355, %get3A_356] {strides = array<i32>} : memref<320x128xf32, #tpu.memory_space<vmem>>, vector<1x16xf32>,
        %get3A_358 = vector.shape_cast %get3A_357 : vector<1x16xf32> to vector<16xf32>
        %add3A_359 = arith.addf %add3A_281, %get3A_358 : vector<16xf32>
        %mul3A_360 = arith.mulf %get3A_358, %get3A_358 : vector<16xf32>
        %add3A_361 = arith.addf %add3A_283, %mul3A_360 : vector<16xf32>
        %max3A_362 = arith.maximumf %max3A, %get3A_358 : vector<16xf32>
        %min3A_363 = arith.minimumf %min3A, %get3A_358 : vector<16xf32>
        %get3A_364 = arith.index_cast %add3A_354 : i32 to index
        %get3A_365 = arith.constant 16 : index
        %get3A_366 = tpu.vector_load %arg10[%get3A_364, %get3A_365] {strides = array<i32>} : memref<320x128xf32, #tpu.memory_space<vmem>>, vector<1x16xf32>,
        %get3A_367 = vector.shape_cast %get3A_366 : vector<1x16xf32> to vector<16xf32>
        %add3A_368 = arith.addf %add3A_288, %get3A_367 : vector<16xf32>
        %mul3A_369 = arith.mulf %get3A_367, %get3A_367 : vector<16xf32>
        %add3A_370 = arith.addf %add3A_290, %mul3A_369 : vector<16xf32>
        %max3A_371 = arith.maximumf %max3A_291, %get3A_367 : vector<16xf32>
        %min3A_372 = arith.minimumf %min3A_292, %get3A_367 : vector<16xf32>
        %get3A_373 = arith.index_cast %add3A_354 : i32 to index
        %get3A_374 = arith.constant 32 : index
        %get3A_375 = tpu.vector_load %arg10[%get3A_373, %get3A_374] {strides = array<i32>} : memref<320x128xf32, #tpu.memory_space<vmem>>, vector<1x16xf32>,
        %get3A_376 = vector.shape_cast %get3A_375 : vector<1x16xf32> to vector<16xf32>
        %add3A_377 = arith.addf %add3A_297, %get3A_376 : vector<16xf32>
        %mul3A_378 = arith.mulf %get3A_376, %get3A_376 : vector<16xf32>
        %add3A_379 = arith.addf %add3A_299, %mul3A_378 : vector<16xf32>
        %max3A_380 = arith.maximumf %max3A_300, %get3A_376 : vector<16xf32>
        %min3A_381 = arith.minimumf %min3A_301, %get3A_376 : vector<16xf32>
        %get3A_382 = arith.index_cast %add3A_354 : i32 to index
        %get3A_383 = arith.constant 48 : index
        %get3A_384 = tpu.vector_load %arg10[%get3A_382, %get3A_383] {strides = array<i32>} : memref<320x128xf32, #tpu.memory_space<vmem>>, vector<1x16xf32>,
        %get3A_385 = vector.shape_cast %get3A_384 : vector<1x16xf32> to vector<16xf32>
        %add3A_386 = arith.addf %add3A_306, %get3A_385 : vector<16xf32>
        %mul3A_387 = arith.mulf %get3A_385, %get3A_385 : vector<16xf32>
        %add3A_388 = arith.addf %add3A_308, %mul3A_387 : vector<16xf32>
        %max3A_389 = arith.maximumf %max3A_309, %get3A_385 : vector<16xf32>
        %min3A_390 = arith.minimumf %min3A_310, %get3A_385 : vector<16xf32>
        %mul3A_391 = arith.constant 20 : i32
        %mul3A_392 = arith.muli %add3A_273, %mul3A_391 : i32
        %add3A_393 = arith.constant 1 : i32
        %add3A_394 = arith.addi %mul3A_392, %add3A_393 : i32
        %get3A_395 = arith.index_cast %add3A_394 : i32 to index
        %get3A_396 = arith.constant 0 : index
        %get3A_397 = tpu.vector_load %arg10[%get3A_395, %get3A_396] {strides = array<i32>} : memref<320x128xf32, #tpu.memory_space<vmem>>, vector<1x16xf32>,
        %get3A_398 = vector.shape_cast %get3A_397 : vector<1x16xf32> to vector<16xf32>
        %add3A_399 = arith.addf %add3A_319, %get3A_398 : vector<16xf32>
        %mul3A_400 = arith.mulf %get3A_398, %get3A_398 : vector<16xf32>
        %add3A_401 = arith.addf %add3A_321, %mul3A_400 : vector<16xf32>
        %max3A_402 = arith.maximumf %max3A_322, %get3A_398 : vector<16xf32>
        %min3A_403 = arith.minimumf %min3A_323, %get3A_398 : vector<16xf32>
        %get3A_404 = arith.index_cast %add3A_394 : i32 to index
        %get3A_405 = arith.constant 16 : index
        %get3A_406 = tpu.vector_load %arg10[%get3A_404, %get3A_405] {strides = array<i32>} : memref<320x128xf32, #tpu.memory_space<vmem>>, vector<1x16xf32>,
        %get3A_407 = vector.shape_cast %get3A_406 : vector<1x16xf32> to vector<16xf32>
        %add3A_408 = arith.addf %add3A_328, %get3A_407 : vector<16xf32>
        %mul3A_409 = arith.mulf %get3A_407, %get3A_407 : vector<16xf32>
        %add3A_410 = arith.addf %add3A_330, %mul3A_409 : vector<16xf32>
        %max3A_411 = arith.maximumf %max3A_331, %get3A_407 : vector<16xf32>
        %min3A_412 = arith.minimumf %min3A_332, %get3A_407 : vector<16xf32>
        %get3A_413 = arith.index_cast %add3A_394 : i32 to index
        %get3A_414 = arith.constant 32 : index
        %get3A_415 = tpu.vector_load %arg10[%get3A_413, %get3A_414] {strides = array<i32>} : memref<320x128xf32, #tpu.memory_space<vmem>>, vector<1x16xf32>,
        %get3A_416 = vector.shape_cast %get3A_415 : vector<1x16xf32> to vector<16xf32>
        %add3A_417 = arith.addf %add3A_337, %get3A_416 : vector<16xf32>
        %mul3A_418 = arith.mulf %get3A_416, %get3A_416 : vector<16xf32>
        %add3A_419 = arith.addf %add3A_339, %mul3A_418 : vector<16xf32>
        %max3A_420 = arith.maximumf %max3A_340, %get3A_416 : vector<16xf32>
        %min3A_421 = arith.minimumf %min3A_341, %get3A_416 : vector<16xf32>
        %get3A_422 = arith.index_cast %add3A_394 : i32 to index
        %get3A_423 = arith.constant 48 : index
        %get3A_424 = tpu.vector_load %arg10[%get3A_422, %get3A_423] {strides = array<i32>} : memref<320x128xf32, #tpu.memory_space<vmem>>, vector<1x16xf32>,
        %get3A_425 = vector.shape_cast %get3A_424 : vector<1x16xf32> to vector<16xf32>
        %add3A_426 = arith.addf %add3A_346, %get3A_425 : vector<16xf32>
        %mul3A_427 = arith.mulf %get3A_425, %get3A_425 : vector<16xf32>
        %add3A_428 = arith.addf %add3A_348, %mul3A_427 : vector<16xf32>
        %max3A_429 = arith.maximumf %max3A_349, %get3A_425 : vector<16xf32>
        %min3A_430 = arith.minimumf %min3A_350, %get3A_425 : vector<16xf32>
        %mul3A_431 = arith.constant 20 : i32
        %mul3A_432 = arith.muli %mul3A_269, %mul3A_431 : i32
        %add3A_433 = arith.constant 2 : i32
        %add3A_434 = arith.addi %mul3A_432, %add3A_433 : i32
        %get3A_435 = arith.index_cast %add3A_434 : i32 to index
        %get3A_436 = arith.constant 0 : index
        %get3A_437 = tpu.vector_load %arg10[%get3A_435, %get3A_436] {strides = array<i32>} : memref<320x128xf32, #tpu.memory_space<vmem>>, vector<1x16xf32>,
        %get3A_438 = vector.shape_cast %get3A_437 : vector<1x16xf32> to vector<16xf32>
        %add3A_439 = arith.addf %add3A_359, %get3A_438 : vector<16xf32>
        %mul3A_440 = arith.mulf %get3A_438, %get3A_438 : vector<16xf32>
        %add3A_441 = arith.addf %add3A_361, %mul3A_440 : vector<16xf32>
        %max3A_442 = arith.maximumf %max3A_362, %get3A_438 : vector<16xf32>
        %min3A_443 = arith.minimumf %min3A_363, %get3A_438 : vector<16xf32>
        %get3A_444 = arith.index_cast %add3A_434 : i32 to index
        %get3A_445 = arith.constant 16 : index
        %get3A_446 = tpu.vector_load %arg10[%get3A_444, %get3A_445] {strides = array<i32>} : memref<320x128xf32, #tpu.memory_space<vmem>>, vector<1x16xf32>,
        %get3A_447 = vector.shape_cast %get3A_446 : vector<1x16xf32> to vector<16xf32>
        %add3A_448 = arith.addf %add3A_368, %get3A_447 : vector<16xf32>
        %mul3A_449 = arith.mulf %get3A_447, %get3A_447 : vector<16xf32>
        %add3A_450 = arith.addf %add3A_370, %mul3A_449 : vector<16xf32>
        %max3A_451 = arith.maximumf %max3A_371, %get3A_447 : vector<16xf32>
        %min3A_452 = arith.minimumf %min3A_372, %get3A_447 : vector<16xf32>
        %get3A_453 = arith.index_cast %add3A_434 : i32 to index
        %get3A_454 = arith.constant 32 : index
        %get3A_455 = tpu.vector_load %arg10[%get3A_453, %get3A_454] {strides = array<i32>} : memref<320x128xf32, #tpu.memory_space<vmem>>, vector<1x16xf32>,
        %get3A_456 = vector.shape_cast %get3A_455 : vector<1x16xf32> to vector<16xf32>
        %add3A_457 = arith.addf %add3A_377, %get3A_456 : vector<16xf32>
        %mul3A_458 = arith.mulf %get3A_456, %get3A_456 : vector<16xf32>
        %add3A_459 = arith.addf %add3A_379, %mul3A_458 : vector<16xf32>
        %max3A_460 = arith.maximumf %max3A_380, %get3A_456 : vector<16xf32>
        %min3A_461 = arith.minimumf %min3A_381, %get3A_456 : vector<16xf32>
        %get3A_462 = arith.index_cast %add3A_434 : i32 to index
        %get3A_463 = arith.constant 48 : index
        %get3A_464 = tpu.vector_load %arg10[%get3A_462, %get3A_463] {strides = array<i32>} : memref<320x128xf32, #tpu.memory_space<vmem>>, vector<1x16xf32>,
        %get3A_465 = vector.shape_cast %get3A_464 : vector<1x16xf32> to vector<16xf32>
        %add3A_466 = arith.addf %add3A_386, %get3A_465 : vector<16xf32>
        %mul3A_467 = arith.mulf %get3A_465, %get3A_465 : vector<16xf32>
        %add3A_468 = arith.addf %add3A_388, %mul3A_467 : vector<16xf32>
        %max3A_469 = arith.maximumf %max3A_389, %get3A_465 : vector<16xf32>
        %min3A_470 = arith.minimumf %min3A_390, %get3A_465 : vector<16xf32>
        %mul3A_471 = arith.constant 20 : i32
        %mul3A_472 = arith.muli %add3A_273, %mul3A_471 : i32
        %add3A_473 = arith.constant 2 : i32
        %add3A_474 = arith.addi %mul3A_472, %add3A_473 : i32
        %get3A_475 = arith.index_cast %add3A_474 : i32 to index
        %get3A_476 = arith.constant 0 : index
        %get3A_477 = tpu.vector_load %arg10[%get3A_475, %get3A_476] {strides = array<i32>} : memref<320x128xf32, #tpu.memory_space<vmem>>, vector<1x16xf32>,
        %get3A_478 = vector.shape_cast %get3A_477 : vector<1x16xf32> to vector<16xf32>
        %add3A_479 = arith.addf %add3A_399, %get3A_478 : vector<16xf32>
        %mul3A_480 = arith.mulf %get3A_478, %get3A_478 : vector<16xf32>
        %add3A_481 = arith.addf %add3A_401, %mul3A_480 : vector<16xf32>
        %max3A_482 = arith.maximumf %max3A_402, %get3A_478 : vector<16xf32>
        %min3A_483 = arith.minimumf %min3A_403, %get3A_478 : vector<16xf32>
        %get3A_484 = arith.index_cast %add3A_474 : i32 to index
        %get3A_485 = arith.constant 16 : index
        %get3A_486 = tpu.vector_load %arg10[%get3A_484, %get3A_485] {strides = array<i32>} : memref<320x128xf32, #tpu.memory_space<vmem>>, vector<1x16xf32>,
        %get3A_487 = vector.shape_cast %get3A_486 : vector<1x16xf32> to vector<16xf32>
        %add3A_488 = arith.addf %add3A_408, %get3A_487 : vector<16xf32>
        %mul3A_489 = arith.mulf %get3A_487, %get3A_487 : vector<16xf32>
        %add3A_490 = arith.addf %add3A_410, %mul3A_489 : vector<16xf32>
        %max3A_491 = arith.maximumf %max3A_411, %get3A_487 : vector<16xf32>
        %min3A_492 = arith.minimumf %min3A_412, %get3A_487 : vector<16xf32>
        %get3A_493 = arith.index_cast %add3A_474 : i32 to index
        %get3A_494 = arith.constant 32 : index
        %get3A_495 = tpu.vector_load %arg10[%get3A_493, %get3A_494] {strides = array<i32>} : memref<320x128xf32, #tpu.memory_space<vmem>>, vector<1x16xf32>,
        %get3A_496 = vector.shape_cast %get3A_495 : vector<1x16xf32> to vector<16xf32>
        %add3A_497 = arith.addf %add3A_417, %get3A_496 : vector<16xf32>
        %mul3A_498 = arith.mulf %get3A_496, %get3A_496 : vector<16xf32>
        %add3A_499 = arith.addf %add3A_419, %mul3A_498 : vector<16xf32>
        %max3A_500 = arith.maximumf %max3A_420, %get3A_496 : vector<16xf32>
        %min3A_501 = arith.minimumf %min3A_421, %get3A_496 : vector<16xf32>
        %get3A_502 = arith.index_cast %add3A_474 : i32 to index
        %get3A_503 = arith.constant 48 : index
        %get3A_504 = tpu.vector_load %arg10[%get3A_502, %get3A_503] {strides = array<i32>} : memref<320x128xf32, #tpu.memory_space<vmem>>, vector<1x16xf32>,
        %get3A_505 = vector.shape_cast %get3A_504 : vector<1x16xf32> to vector<16xf32>
        %add3A_506 = arith.addf %add3A_426, %get3A_505 : vector<16xf32>
        %mul3A_507 = arith.mulf %get3A_505, %get3A_505 : vector<16xf32>
        %add3A_508 = arith.addf %add3A_428, %mul3A_507 : vector<16xf32>
        %max3A_509 = arith.maximumf %max3A_429, %get3A_505 : vector<16xf32>
        %min3A_510 = arith.minimumf %min3A_430, %get3A_505 : vector<16xf32>
        %mul3A_511 = arith.constant 20 : i32
        %mul3A_512 = arith.muli %mul3A_269, %mul3A_511 : i32
        %add3A_513 = arith.constant 3 : i32
        %add3A_514 = arith.addi %mul3A_512, %add3A_513 : i32
        %get3A_515 = arith.index_cast %add3A_514 : i32 to index
        %get3A_516 = arith.constant 0 : index
        %get3A_517 = tpu.vector_load %arg10[%get3A_515, %get3A_516] {strides = array<i32>} : memref<320x128xf32, #tpu.memory_space<vmem>>, vector<1x16xf32>,
        %get3A_518 = vector.shape_cast %get3A_517 : vector<1x16xf32> to vector<16xf32>
        %add3A_519 = arith.addf %add3A_439, %get3A_518 : vector<16xf32>
        %mul3A_520 = arith.mulf %get3A_518, %get3A_518 : vector<16xf32>
        %add3A_521 = arith.addf %add3A_441, %mul3A_520 : vector<16xf32>
        %max3A_522 = arith.maximumf %max3A_442, %get3A_518 : vector<16xf32>
        %min3A_523 = arith.minimumf %min3A_443, %get3A_518 : vector<16xf32>
        %get3A_524 = arith.index_cast %add3A_514 : i32 to index
        %get3A_525 = arith.constant 16 : index
        %get3A_526 = tpu.vector_load %arg10[%get3A_524, %get3A_525] {strides = array<i32>} : memref<320x128xf32, #tpu.memory_space<vmem>>, vector<1x16xf32>,
        %get3A_527 = vector.shape_cast %get3A_526 : vector<1x16xf32> to vector<16xf32>
        %add3A_528 = arith.addf %add3A_448, %get3A_527 : vector<16xf32>
        %mul3A_529 = arith.mulf %get3A_527, %get3A_527 : vector<16xf32>
        %add3A_530 = arith.addf %add3A_450, %mul3A_529 : vector<16xf32>
        %max3A_531 = arith.maximumf %max3A_451, %get3A_527 : vector<16xf32>
        %min3A_532 = arith.minimumf %min3A_452, %get3A_527 : vector<16xf32>
        %get3A_533 = arith.index_cast %add3A_514 : i32 to index
        %get3A_534 = arith.constant 32 : index
        %get3A_535 = tpu.vector_load %arg10[%get3A_533, %get3A_534] {strides = array<i32>} : memref<320x128xf32, #tpu.memory_space<vmem>>, vector<1x16xf32>,
        %get3A_536 = vector.shape_cast %get3A_535 : vector<1x16xf32> to vector<16xf32>
        %add3A_537 = arith.addf %add3A_457, %get3A_536 : vector<16xf32>
        %mul3A_538 = arith.mulf %get3A_536, %get3A_536 : vector<16xf32>
        %add3A_539 = arith.addf %add3A_459, %mul3A_538 : vector<16xf32>
        %max3A_540 = arith.maximumf %max3A_460, %get3A_536 : vector<16xf32>
        %min3A_541 = arith.minimumf %min3A_461, %get3A_536 : vector<16xf32>
        %get3A_542 = arith.index_cast %add3A_514 : i32 to index
        %get3A_543 = arith.constant 48 : index
        %get3A_544 = tpu.vector_load %arg10[%get3A_542, %get3A_543] {strides = array<i32>} : memref<320x128xf32, #tpu.memory_space<vmem>>, vector<1x16xf32>,
        %get3A_545 = vector.shape_cast %get3A_544 : vector<1x16xf32> to vector<16xf32>
        %add3A_546 = arith.addf %add3A_466, %get3A_545 : vector<16xf32>
        %mul3A_547 = arith.mulf %get3A_545, %get3A_545 : vector<16xf32>
        %add3A_548 = arith.addf %add3A_468, %mul3A_547 : vector<16xf32>
        %max3A_549 = arith.maximumf %max3A_469, %get3A_545 : vector<16xf32>
        %min3A_550 = arith.minimumf %min3A_470, %get3A_545 : vector<16xf32>
        %mul3A_551 = arith.constant 20 : i32
        %mul3A_552 = arith.muli %add3A_273, %mul3A_551 : i32
        %add3A_553 = arith.constant 3 : i32
        %add3A_554 = arith.addi %mul3A_552, %add3A_553 : i32
        %get3A_555 = arith.index_cast %add3A_554 : i32 to index
        %get3A_556 = arith.constant 0 : index
        %get3A_557 = tpu.vector_load %arg10[%get3A_555, %get3A_556] {strides = array<i32>} : memref<320x128xf32, #tpu.memory_space<vmem>>, vector<1x16xf32>,
        %get3A_558 = vector.shape_cast %get3A_557 : vector<1x16xf32> to vector<16xf32>
        %add3A_559 = arith.addf %add3A_479, %get3A_558 : vector<16xf32>
        %mul3A_560 = arith.mulf %get3A_558, %get3A_558 : vector<16xf32>
        %add3A_561 = arith.addf %add3A_481, %mul3A_560 : vector<16xf32>
        %max3A_562 = arith.maximumf %max3A_482, %get3A_558 : vector<16xf32>
        %min3A_563 = arith.minimumf %min3A_483, %get3A_558 : vector<16xf32>
        %get3A_564 = arith.index_cast %add3A_554 : i32 to index
        %get3A_565 = arith.constant 16 : index
        %get3A_566 = tpu.vector_load %arg10[%get3A_564, %get3A_565] {strides = array<i32>} : memref<320x128xf32, #tpu.memory_space<vmem>>, vector<1x16xf32>,
        %get3A_567 = vector.shape_cast %get3A_566 : vector<1x16xf32> to vector<16xf32>
        %add3A_568 = arith.addf %add3A_488, %get3A_567 : vector<16xf32>
        %mul3A_569 = arith.mulf %get3A_567, %get3A_567 : vector<16xf32>
        %add3A_570 = arith.addf %add3A_490, %mul3A_569 : vector<16xf32>
        %max3A_571 = arith.maximumf %max3A_491, %get3A_567 : vector<16xf32>
        %min3A_572 = arith.minimumf %min3A_492, %get3A_567 : vector<16xf32>
        %get3A_573 = arith.index_cast %add3A_554 : i32 to index
        %get3A_574 = arith.constant 32 : index
        %get3A_575 = tpu.vector_load %arg10[%get3A_573, %get3A_574] {strides = array<i32>} : memref<320x128xf32, #tpu.memory_space<vmem>>, vector<1x16xf32>,
        %get3A_576 = vector.shape_cast %get3A_575 : vector<1x16xf32> to vector<16xf32>
        %add3A_577 = arith.addf %add3A_497, %get3A_576 : vector<16xf32>
        %mul3A_578 = arith.mulf %get3A_576, %get3A_576 : vector<16xf32>
        %add3A_579 = arith.addf %add3A_499, %mul3A_578 : vector<16xf32>
        %max3A_580 = arith.maximumf %max3A_500, %get3A_576 : vector<16xf32>
        %min3A_581 = arith.minimumf %min3A_501, %get3A_576 : vector<16xf32>
        %get3A_582 = arith.index_cast %add3A_554 : i32 to index
        %get3A_583 = arith.constant 48 : index
        %get3A_584 = tpu.vector_load %arg10[%get3A_582, %get3A_583] {strides = array<i32>} : memref<320x128xf32, #tpu.memory_space<vmem>>, vector<1x16xf32>,
        %get3A_585 = vector.shape_cast %get3A_584 : vector<1x16xf32> to vector<16xf32>
        %add3A_586 = arith.addf %add3A_506, %get3A_585 : vector<16xf32>
        %mul3A_587 = arith.mulf %get3A_585, %get3A_585 : vector<16xf32>
        %add3A_588 = arith.addf %add3A_508, %mul3A_587 : vector<16xf32>
        %max3A_589 = arith.maximumf %max3A_509, %get3A_585 : vector<16xf32>
        %min3A_590 = arith.minimumf %min3A_510, %get3A_585 : vector<16xf32>
        %mul3A_591 = arith.constant 20 : i32
        %mul3A_592 = arith.muli %mul3A_269, %mul3A_591 : i32
        %add3A_593 = arith.constant 4 : i32
        %add3A_594 = arith.addi %mul3A_592, %add3A_593 : i32
        %get3A_595 = arith.index_cast %add3A_594 : i32 to index
        %get3A_596 = arith.constant 0 : index
        %get3A_597 = tpu.vector_load %arg10[%get3A_595, %get3A_596] {strides = array<i32>} : memref<320x128xf32, #tpu.memory_space<vmem>>, vector<1x16xf32>,
        %get3A_598 = vector.shape_cast %get3A_597 : vector<1x16xf32> to vector<16xf32>
        %add3A_599 = arith.addf %add3A_519, %get3A_598 : vector<16xf32>
        %mul3A_600 = arith.mulf %get3A_598, %get3A_598 : vector<16xf32>
        %add3A_601 = arith.addf %add3A_521, %mul3A_600 : vector<16xf32>
        %max3A_602 = arith.maximumf %max3A_522, %get3A_598 : vector<16xf32>
        %min3A_603 = arith.minimumf %min3A_523, %get3A_598 : vector<16xf32>
        %get3A_604 = arith.index_cast %add3A_594 : i32 to index
        %get3A_605 = arith.constant 16 : index
        %get3A_606 = tpu.vector_load %arg10[%get3A_604, %get3A_605] {strides = array<i32>} : memref<320x128xf32, #tpu.memory_space<vmem>>, vector<1x16xf32>,
        %get3A_607 = vector.shape_cast %get3A_606 : vector<1x16xf32> to vector<16xf32>
        %add3A_608 = arith.addf %add3A_528, %get3A_607 : vector<16xf32>
        %mul3A_609 = arith.mulf %get3A_607, %get3A_607 : vector<16xf32>
        %add3A_610 = arith.addf %add3A_530, %mul3A_609 : vector<16xf32>
        %max3A_611 = arith.maximumf %max3A_531, %get3A_607 : vector<16xf32>
        %min3A_612 = arith.minimumf %min3A_532, %get3A_607 : vector<16xf32>
        %get3A_613 = arith.index_cast %add3A_594 : i32 to index
        %get3A_614 = arith.constant 32 : index
        %get3A_615 = tpu.vector_load %arg10[%get3A_613, %get3A_614] {strides = array<i32>} : memref<320x128xf32, #tpu.memory_space<vmem>>, vector<1x16xf32>,
        %get3A_616 = vector.shape_cast %get3A_615 : vector<1x16xf32> to vector<16xf32>
        %add3A_617 = arith.addf %add3A_537, %get3A_616 : vector<16xf32>
        %mul3A_618 = arith.mulf %get3A_616, %get3A_616 : vector<16xf32>
        %add3A_619 = arith.addf %add3A_539, %mul3A_618 : vector<16xf32>
        %max3A_620 = arith.maximumf %max3A_540, %get3A_616 : vector<16xf32>
        %min3A_621 = arith.minimumf %min3A_541, %get3A_616 : vector<16xf32>
        %get3A_622 = arith.index_cast %add3A_594 : i32 to index
        %get3A_623 = arith.constant 48 : index
        %get3A_624 = tpu.vector_load %arg10[%get3A_622, %get3A_623] {strides = array<i32>} : memref<320x128xf32, #tpu.memory_space<vmem>>, vector<1x16xf32>,
        %get3A_625 = vector.shape_cast %get3A_624 : vector<1x16xf32> to vector<16xf32>
        %add3A_626 = arith.addf %add3A_546, %get3A_625 : vector<16xf32>
        %mul3A_627 = arith.mulf %get3A_625, %get3A_625 : vector<16xf32>
        %add3A_628 = arith.addf %add3A_548, %mul3A_627 : vector<16xf32>
        %max3A_629 = arith.maximumf %max3A_549, %get3A_625 : vector<16xf32>
        %min3A_630 = arith.minimumf %min3A_550, %get3A_625 : vector<16xf32>
        %mul3A_631 = arith.constant 20 : i32
        %mul3A_632 = arith.muli %add3A_273, %mul3A_631 : i32
        %add3A_633 = arith.constant 4 : i32
        %add3A_634 = arith.addi %mul3A_632, %add3A_633 : i32
        %get3A_635 = arith.index_cast %add3A_634 : i32 to index
        %get3A_636 = arith.constant 0 : index
        %get3A_637 = tpu.vector_load %arg10[%get3A_635, %get3A_636] {strides = array<i32>} : memref<320x128xf32, #tpu.memory_space<vmem>>, vector<1x16xf32>,
        %get3A_638 = vector.shape_cast %get3A_637 : vector<1x16xf32> to vector<16xf32>
        %add3A_639 = arith.addf %add3A_559, %get3A_638 : vector<16xf32>
        %mul3A_640 = arith.mulf %get3A_638, %get3A_638 : vector<16xf32>
        %add3A_641 = arith.addf %add3A_561, %mul3A_640 : vector<16xf32>
        %max3A_642 = arith.maximumf %max3A_562, %get3A_638 : vector<16xf32>
        %min3A_643 = arith.minimumf %min3A_563, %get3A_638 : vector<16xf32>
        %get3A_644 = arith.index_cast %add3A_634 : i32 to index
        %get3A_645 = arith.constant 16 : index
        %get3A_646 = tpu.vector_load %arg10[%get3A_644, %get3A_645] {strides = array<i32>} : memref<320x128xf32, #tpu.memory_space<vmem>>, vector<1x16xf32>,
        %get3A_647 = vector.shape_cast %get3A_646 : vector<1x16xf32> to vector<16xf32>
        %add3A_648 = arith.addf %add3A_568, %get3A_647 : vector<16xf32>
        %mul3A_649 = arith.mulf %get3A_647, %get3A_647 : vector<16xf32>
        %add3A_650 = arith.addf %add3A_570, %mul3A_649 : vector<16xf32>
        %max3A_651 = arith.maximumf %max3A_571, %get3A_647 : vector<16xf32>
        %min3A_652 = arith.minimumf %min3A_572, %get3A_647 : vector<16xf32>
        %get3A_653 = arith.index_cast %add3A_634 : i32 to index
        %get3A_654 = arith.constant 32 : index
        %get3A_655 = tpu.vector_load %arg10[%get3A_653, %get3A_654] {strides = array<i32>} : memref<320x128xf32, #tpu.memory_space<vmem>>, vector<1x16xf32>,
        %get3A_656 = vector.shape_cast %get3A_655 : vector<1x16xf32> to vector<16xf32>
        %add3A_657 = arith.addf %add3A_577, %get3A_656 : vector<16xf32>
        %mul3A_658 = arith.mulf %get3A_656, %get3A_656 : vector<16xf32>
        %add3A_659 = arith.addf %add3A_579, %mul3A_658 : vector<16xf32>
        %max3A_660 = arith.maximumf %max3A_580, %get3A_656 : vector<16xf32>
        %min3A_661 = arith.minimumf %min3A_581, %get3A_656 : vector<16xf32>
        %get3A_662 = arith.index_cast %add3A_634 : i32 to index
        %get3A_663 = arith.constant 48 : index
        %get3A_664 = tpu.vector_load %arg10[%get3A_662, %get3A_663] {strides = array<i32>} : memref<320x128xf32, #tpu.memory_space<vmem>>, vector<1x16xf32>,
        %get3A_665 = vector.shape_cast %get3A_664 : vector<1x16xf32> to vector<16xf32>
        %add3A_666 = arith.addf %add3A_586, %get3A_665 : vector<16xf32>
        %mul3A_667 = arith.mulf %get3A_665, %get3A_665 : vector<16xf32>
        %add3A_668 = arith.addf %add3A_588, %mul3A_667 : vector<16xf32>
        %max3A_669 = arith.maximumf %max3A_589, %get3A_665 : vector<16xf32>
        %min3A_670 = arith.minimumf %min3A_590, %get3A_665 : vector<16xf32>
        %mul3A_671 = arith.constant 20 : i32
        %mul3A_672 = arith.muli %mul3A_269, %mul3A_671 : i32
        %add3A_673 = arith.constant 5 : i32
        %add3A_674 = arith.addi %mul3A_672, %add3A_673 : i32
        %get3A_675 = arith.index_cast %add3A_674 : i32 to index
        %get3A_676 = arith.constant 0 : index
        %get3A_677 = tpu.vector_load %arg10[%get3A_675, %get3A_676] {strides = array<i32>} : memref<320x128xf32, #tpu.memory_space<vmem>>, vector<1x16xf32>,
        %get3A_678 = vector.shape_cast %get3A_677 : vector<1x16xf32> to vector<16xf32>
        %add3A_679 = arith.addf %add3A_599, %get3A_678 : vector<16xf32>
        %mul3A_680 = arith.mulf %get3A_678, %get3A_678 : vector<16xf32>
        %add3A_681 = arith.addf %add3A_601, %mul3A_680 : vector<16xf32>
        %max3A_682 = arith.maximumf %max3A_602, %get3A_678 : vector<16xf32>
        %min3A_683 = arith.minimumf %min3A_603, %get3A_678 : vector<16xf32>
        %get3A_684 = arith.index_cast %add3A_674 : i32 to index
        %get3A_685 = arith.constant 16 : index
        %get3A_686 = tpu.vector_load %arg10[%get3A_684, %get3A_685] {strides = array<i32>} : memref<320x128xf32, #tpu.memory_space<vmem>>, vector<1x16xf32>,
        %get3A_687 = vector.shape_cast %get3A_686 : vector<1x16xf32> to vector<16xf32>
        %add3A_688 = arith.addf %add3A_608, %get3A_687 : vector<16xf32>
        %mul3A_689 = arith.mulf %get3A_687, %get3A_687 : vector<16xf32>
        %add3A_690 = arith.addf %add3A_610, %mul3A_689 : vector<16xf32>
        %max3A_691 = arith.maximumf %max3A_611, %get3A_687 : vector<16xf32>
        %min3A_692 = arith.minimumf %min3A_612, %get3A_687 : vector<16xf32>
        %get3A_693 = arith.index_cast %add3A_674 : i32 to index
        %get3A_694 = arith.constant 32 : index
        %get3A_695 = tpu.vector_load %arg10[%get3A_693, %get3A_694] {strides = array<i32>} : memref<320x128xf32, #tpu.memory_space<vmem>>, vector<1x16xf32>,
        %get3A_696 = vector.shape_cast %get3A_695 : vector<1x16xf32> to vector<16xf32>
        %add3A_697 = arith.addf %add3A_617, %get3A_696 : vector<16xf32>
        %mul3A_698 = arith.mulf %get3A_696, %get3A_696 : vector<16xf32>
        %add3A_699 = arith.addf %add3A_619, %mul3A_698 : vector<16xf32>
        %max3A_700 = arith.maximumf %max3A_620, %get3A_696 : vector<16xf32>
        %min3A_701 = arith.minimumf %min3A_621, %get3A_696 : vector<16xf32>
        %get3A_702 = arith.index_cast %add3A_674 : i32 to index
        %get3A_703 = arith.constant 48 : index
        %get3A_704 = tpu.vector_load %arg10[%get3A_702, %get3A_703] {strides = array<i32>} : memref<320x128xf32, #tpu.memory_space<vmem>>, vector<1x16xf32>,
        %get3A_705 = vector.shape_cast %get3A_704 : vector<1x16xf32> to vector<16xf32>
        %add3A_706 = arith.addf %add3A_626, %get3A_705 : vector<16xf32>
        %mul3A_707 = arith.mulf %get3A_705, %get3A_705 : vector<16xf32>
        %add3A_708 = arith.addf %add3A_628, %mul3A_707 : vector<16xf32>
        %max3A_709 = arith.maximumf %max3A_629, %get3A_705 : vector<16xf32>
        %min3A_710 = arith.minimumf %min3A_630, %get3A_705 : vector<16xf32>
        %mul3A_711 = arith.constant 20 : i32
        %mul3A_712 = arith.muli %add3A_273, %mul3A_711 : i32
        %add3A_713 = arith.constant 5 : i32
        %add3A_714 = arith.addi %mul3A_712, %add3A_713 : i32
        %get3A_715 = arith.index_cast %add3A_714 : i32 to index
        %get3A_716 = arith.constant 0 : index
        %get3A_717 = tpu.vector_load %arg10[%get3A_715, %get3A_716] {strides = array<i32>} : memref<320x128xf32, #tpu.memory_space<vmem>>, vector<1x16xf32>,
        %get3A_718 = vector.shape_cast %get3A_717 : vector<1x16xf32> to vector<16xf32>
        %add3A_719 = arith.addf %add3A_639, %get3A_718 : vector<16xf32>
        %mul3A_720 = arith.mulf %get3A_718, %get3A_718 : vector<16xf32>
        %add3A_721 = arith.addf %add3A_641, %mul3A_720 : vector<16xf32>
        %max3A_722 = arith.maximumf %max3A_642, %get3A_718 : vector<16xf32>
        %min3A_723 = arith.minimumf %min3A_643, %get3A_718 : vector<16xf32>
        %get3A_724 = arith.index_cast %add3A_714 : i32 to index
        %get3A_725 = arith.constant 16 : index
        %get3A_726 = tpu.vector_load %arg10[%get3A_724, %get3A_725] {strides = array<i32>} : memref<320x128xf32, #tpu.memory_space<vmem>>, vector<1x16xf32>,
        %get3A_727 = vector.shape_cast %get3A_726 : vector<1x16xf32> to vector<16xf32>
        %add3A_728 = arith.addf %add3A_648, %get3A_727 : vector<16xf32>
        %mul3A_729 = arith.mulf %get3A_727, %get3A_727 : vector<16xf32>
        %add3A_730 = arith.addf %add3A_650, %mul3A_729 : vector<16xf32>
        %max3A_731 = arith.maximumf %max3A_651, %get3A_727 : vector<16xf32>
        %min3A_732 = arith.minimumf %min3A_652, %get3A_727 : vector<16xf32>
        %get3A_733 = arith.index_cast %add3A_714 : i32 to index
        %get3A_734 = arith.constant 32 : index
        %get3A_735 = tpu.vector_load %arg10[%get3A_733, %get3A_734] {strides = array<i32>} : memref<320x128xf32, #tpu.memory_space<vmem>>, vector<1x16xf32>,
        %get3A_736 = vector.shape_cast %get3A_735 : vector<1x16xf32> to vector<16xf32>
        %add3A_737 = arith.addf %add3A_657, %get3A_736 : vector<16xf32>
        %mul3A_738 = arith.mulf %get3A_736, %get3A_736 : vector<16xf32>
        %add3A_739 = arith.addf %add3A_659, %mul3A_738 : vector<16xf32>
        %max3A_740 = arith.maximumf %max3A_660, %get3A_736 : vector<16xf32>
        %min3A_741 = arith.minimumf %min3A_661, %get3A_736 : vector<16xf32>
        %get3A_742 = arith.index_cast %add3A_714 : i32 to index
        %get3A_743 = arith.constant 48 : index
        %get3A_744 = tpu.vector_load %arg10[%get3A_742, %get3A_743] {strides = array<i32>} : memref<320x128xf32, #tpu.memory_space<vmem>>, vector<1x16xf32>,
        %get3A_745 = vector.shape_cast %get3A_744 : vector<1x16xf32> to vector<16xf32>
        %add3A_746 = arith.addf %add3A_666, %get3A_745 : vector<16xf32>
        %mul3A_747 = arith.mulf %get3A_745, %get3A_745 : vector<16xf32>
        %add3A_748 = arith.addf %add3A_668, %mul3A_747 : vector<16xf32>
        %max3A_749 = arith.maximumf %max3A_669, %get3A_745 : vector<16xf32>
        %min3A_750 = arith.minimumf %min3A_670, %get3A_745 : vector<16xf32>
        %mul3A_751 = arith.constant 20 : i32
        %mul3A_752 = arith.muli %mul3A_269, %mul3A_751 : i32
        %add3A_753 = arith.constant 6 : i32
        %add3A_754 = arith.addi %mul3A_752, %add3A_753 : i32
        %get3A_755 = arith.index_cast %add3A_754 : i32 to index
        %get3A_756 = arith.constant 0 : index
        %get3A_757 = tpu.vector_load %arg10[%get3A_755, %get3A_756] {strides = array<i32>} : memref<320x128xf32, #tpu.memory_space<vmem>>, vector<1x16xf32>,
        %get3A_758 = vector.shape_cast %get3A_757 : vector<1x16xf32> to vector<16xf32>
        %add3A_759 = arith.addf %add3A_679, %get3A_758 : vector<16xf32>
        %mul3A_760 = arith.mulf %get3A_758, %get3A_758 : vector<16xf32>
        %add3A_761 = arith.addf %add3A_681, %mul3A_760 : vector<16xf32>
        %max3A_762 = arith.maximumf %max3A_682, %get3A_758 : vector<16xf32>
        %min3A_763 = arith.minimumf %min3A_683, %get3A_758 : vector<16xf32>
        %get3A_764 = arith.index_cast %add3A_754 : i32 to index
        %get3A_765 = arith.constant 16 : index
        %get3A_766 = tpu.vector_load %arg10[%get3A_764, %get3A_765] {strides = array<i32>} : memref<320x128xf32, #tpu.memory_space<vmem>>, vector<1x16xf32>,
        %get3A_767 = vector.shape_cast %get3A_766 : vector<1x16xf32> to vector<16xf32>
        %add3A_768 = arith.addf %add3A_688, %get3A_767 : vector<16xf32>
        %mul3A_769 = arith.mulf %get3A_767, %get3A_767 : vector<16xf32>
        %add3A_770 = arith.addf %add3A_690, %mul3A_769 : vector<16xf32>
        %max3A_771 = arith.maximumf %max3A_691, %get3A_767 : vector<16xf32>
        %min3A_772 = arith.minimumf %min3A_692, %get3A_767 : vector<16xf32>
        %get3A_773 = arith.index_cast %add3A_754 : i32 to index
        %get3A_774 = arith.constant 32 : index
        %get3A_775 = tpu.vector_load %arg10[%get3A_773, %get3A_774] {strides = array<i32>} : memref<320x128xf32, #tpu.memory_space<vmem>>, vector<1x16xf32>,
        %get3A_776 = vector.shape_cast %get3A_775 : vector<1x16xf32> to vector<16xf32>
        %add3A_777 = arith.addf %add3A_697, %get3A_776 : vector<16xf32>
        %mul3A_778 = arith.mulf %get3A_776, %get3A_776 : vector<16xf32>
        %add3A_779 = arith.addf %add3A_699, %mul3A_778 : vector<16xf32>
        %max3A_780 = arith.maximumf %max3A_700, %get3A_776 : vector<16xf32>
        %min3A_781 = arith.minimumf %min3A_701, %get3A_776 : vector<16xf32>
        %get3A_782 = arith.index_cast %add3A_754 : i32 to index
        %get3A_783 = arith.constant 48 : index
        %get3A_784 = tpu.vector_load %arg10[%get3A_782, %get3A_783] {strides = array<i32>} : memref<320x128xf32, #tpu.memory_space<vmem>>, vector<1x16xf32>,
        %get3A_785 = vector.shape_cast %get3A_784 : vector<1x16xf32> to vector<16xf32>
        %add3A_786 = arith.addf %add3A_706, %get3A_785 : vector<16xf32>
        %mul3A_787 = arith.mulf %get3A_785, %get3A_785 : vector<16xf32>
        %add3A_788 = arith.addf %add3A_708, %mul3A_787 : vector<16xf32>
        %max3A_789 = arith.maximumf %max3A_709, %get3A_785 : vector<16xf32>
        %min3A_790 = arith.minimumf %min3A_710, %get3A_785 : vector<16xf32>
        %mul3A_791 = arith.constant 20 : i32
        %mul3A_792 = arith.muli %add3A_273, %mul3A_791 : i32
        %add3A_793 = arith.constant 6 : i32
        %add3A_794 = arith.addi %mul3A_792, %add3A_793 : i32
        %get3A_795 = arith.index_cast %add3A_794 : i32 to index
        %get3A_796 = arith.constant 0 : index
        %get3A_797 = tpu.vector_load %arg10[%get3A_795, %get3A_796] {strides = array<i32>} : memref<320x128xf32, #tpu.memory_space<vmem>>, vector<1x16xf32>,
        %get3A_798 = vector.shape_cast %get3A_797 : vector<1x16xf32> to vector<16xf32>
        %add3A_799 = arith.addf %add3A_719, %get3A_798 : vector<16xf32>
        %mul3A_800 = arith.mulf %get3A_798, %get3A_798 : vector<16xf32>
        %add3A_801 = arith.addf %add3A_721, %mul3A_800 : vector<16xf32>
        %max3A_802 = arith.maximumf %max3A_722, %get3A_798 : vector<16xf32>
        %min3A_803 = arith.minimumf %min3A_723, %get3A_798 : vector<16xf32>
        %get3A_804 = arith.index_cast %add3A_794 : i32 to index
        %get3A_805 = arith.constant 16 : index
        %get3A_806 = tpu.vector_load %arg10[%get3A_804, %get3A_805] {strides = array<i32>} : memref<320x128xf32, #tpu.memory_space<vmem>>, vector<1x16xf32>,
        %get3A_807 = vector.shape_cast %get3A_806 : vector<1x16xf32> to vector<16xf32>
        %add3A_808 = arith.addf %add3A_728, %get3A_807 : vector<16xf32>
        %mul3A_809 = arith.mulf %get3A_807, %get3A_807 : vector<16xf32>
        %add3A_810 = arith.addf %add3A_730, %mul3A_809 : vector<16xf32>
        %max3A_811 = arith.maximumf %max3A_731, %get3A_807 : vector<16xf32>
        %min3A_812 = arith.minimumf %min3A_732, %get3A_807 : vector<16xf32>
        %get3A_813 = arith.index_cast %add3A_794 : i32 to index
        %get3A_814 = arith.constant 32 : index
        %get3A_815 = tpu.vector_load %arg10[%get3A_813, %get3A_814] {strides = array<i32>} : memref<320x128xf32, #tpu.memory_space<vmem>>, vector<1x16xf32>,
        %get3A_816 = vector.shape_cast %get3A_815 : vector<1x16xf32> to vector<16xf32>
        %add3A_817 = arith.addf %add3A_737, %get3A_816 : vector<16xf32>
        %mul3A_818 = arith.mulf %get3A_816, %get3A_816 : vector<16xf32>
        %add3A_819 = arith.addf %add3A_739, %mul3A_818 : vector<16xf32>
        %max3A_820 = arith.maximumf %max3A_740, %get3A_816 : vector<16xf32>
        %min3A_821 = arith.minimumf %min3A_741, %get3A_816 : vector<16xf32>
        %get3A_822 = arith.index_cast %add3A_794 : i32 to index
        %get3A_823 = arith.constant 48 : index
        %get3A_824 = tpu.vector_load %arg10[%get3A_822, %get3A_823] {strides = array<i32>} : memref<320x128xf32, #tpu.memory_space<vmem>>, vector<1x16xf32>,
        %get3A_825 = vector.shape_cast %get3A_824 : vector<1x16xf32> to vector<16xf32>
        %add3A_826 = arith.addf %add3A_746, %get3A_825 : vector<16xf32>
        %mul3A_827 = arith.mulf %get3A_825, %get3A_825 : vector<16xf32>
        %add3A_828 = arith.addf %add3A_748, %mul3A_827 : vector<16xf32>
        %max3A_829 = arith.maximumf %max3A_749, %get3A_825 : vector<16xf32>
        %min3A_830 = arith.minimumf %min3A_750, %get3A_825 : vector<16xf32>
        %mul3A_831 = arith.constant 20 : i32
        %mul3A_832 = arith.muli %mul3A_269, %mul3A_831 : i32
        %add3A_833 = arith.constant 7 : i32
        %add3A_834 = arith.addi %mul3A_832, %add3A_833 : i32
        %get3A_835 = arith.index_cast %add3A_834 : i32 to index
        %get3A_836 = arith.constant 0 : index
        %get3A_837 = tpu.vector_load %arg10[%get3A_835, %get3A_836] {strides = array<i32>} : memref<320x128xf32, #tpu.memory_space<vmem>>, vector<1x16xf32>,
        %get3A_838 = vector.shape_cast %get3A_837 : vector<1x16xf32> to vector<16xf32>
        %add3A_839 = arith.addf %add3A_759, %get3A_838 : vector<16xf32>
        %mul3A_840 = arith.mulf %get3A_838, %get3A_838 : vector<16xf32>
        %add3A_841 = arith.addf %add3A_761, %mul3A_840 : vector<16xf32>
        %max3A_842 = arith.maximumf %max3A_762, %get3A_838 : vector<16xf32>
        %min3A_843 = arith.minimumf %min3A_763, %get3A_838 : vector<16xf32>
        %get3A_844 = arith.index_cast %add3A_834 : i32 to index
        %get3A_845 = arith.constant 16 : index
        %get3A_846 = tpu.vector_load %arg10[%get3A_844, %get3A_845] {strides = array<i32>} : memref<320x128xf32, #tpu.memory_space<vmem>>, vector<1x16xf32>,
        %get3A_847 = vector.shape_cast %get3A_846 : vector<1x16xf32> to vector<16xf32>
        %add3A_848 = arith.addf %add3A_768, %get3A_847 : vector<16xf32>
        %mul3A_849 = arith.mulf %get3A_847, %get3A_847 : vector<16xf32>
        %add3A_850 = arith.addf %add3A_770, %mul3A_849 : vector<16xf32>
        %max3A_851 = arith.maximumf %max3A_771, %get3A_847 : vector<16xf32>
        %min3A_852 = arith.minimumf %min3A_772, %get3A_847 : vector<16xf32>
        %get3A_853 = arith.index_cast %add3A_834 : i32 to index
        %get3A_854 = arith.constant 32 : index
        %get3A_855 = tpu.vector_load %arg10[%get3A_853, %get3A_854] {strides = array<i32>} : memref<320x128xf32, #tpu.memory_space<vmem>>, vector<1x16xf32>,
        %get3A_856 = vector.shape_cast %get3A_855 : vector<1x16xf32> to vector<16xf32>
        %add3A_857 = arith.addf %add3A_777, %get3A_856 : vector<16xf32>
        %mul3A_858 = arith.mulf %get3A_856, %get3A_856 : vector<16xf32>
        %add3A_859 = arith.addf %add3A_779, %mul3A_858 : vector<16xf32>
        %max3A_860 = arith.maximumf %max3A_780, %get3A_856 : vector<16xf32>
        %min3A_861 = arith.minimumf %min3A_781, %get3A_856 : vector<16xf32>
        %get3A_862 = arith.index_cast %add3A_834 : i32 to index
        %get3A_863 = arith.constant 48 : index
        %get3A_864 = tpu.vector_load %arg10[%get3A_862, %get3A_863] {strides = array<i32>} : memref<320x128xf32, #tpu.memory_space<vmem>>, vector<1x16xf32>,
        %get3A_865 = vector.shape_cast %get3A_864 : vector<1x16xf32> to vector<16xf32>
        %add3A_866 = arith.addf %add3A_786, %get3A_865 : vector<16xf32>
        %mul3A_867 = arith.mulf %get3A_865, %get3A_865 : vector<16xf32>
        %add3A_868 = arith.addf %add3A_788, %mul3A_867 : vector<16xf32>
        %max3A_869 = arith.maximumf %max3A_789, %get3A_865 : vector<16xf32>
        %min3A_870 = arith.minimumf %min3A_790, %get3A_865 : vector<16xf32>
        %mul3A_871 = arith.constant 20 : i32
        %mul3A_872 = arith.muli %add3A_273, %mul3A_871 : i32
        %add3A_873 = arith.constant 7 : i32
        %add3A_874 = arith.addi %mul3A_872, %add3A_873 : i32
        %get3A_875 = arith.index_cast %add3A_874 : i32 to index
        %get3A_876 = arith.constant 0 : index
        %get3A_877 = tpu.vector_load %arg10[%get3A_875, %get3A_876] {strides = array<i32>} : memref<320x128xf32, #tpu.memory_space<vmem>>, vector<1x16xf32>,
        %get3A_878 = vector.shape_cast %get3A_877 : vector<1x16xf32> to vector<16xf32>
        %add3A_879 = arith.addf %add3A_799, %get3A_878 : vector<16xf32>
        %mul3A_880 = arith.mulf %get3A_878, %get3A_878 : vector<16xf32>
        %add3A_881 = arith.addf %add3A_801, %mul3A_880 : vector<16xf32>
        %max3A_882 = arith.maximumf %max3A_802, %get3A_878 : vector<16xf32>
        %min3A_883 = arith.minimumf %min3A_803, %get3A_878 : vector<16xf32>
        %get3A_884 = arith.index_cast %add3A_874 : i32 to index
        %get3A_885 = arith.constant 16 : index
        %get3A_886 = tpu.vector_load %arg10[%get3A_884, %get3A_885] {strides = array<i32>} : memref<320x128xf32, #tpu.memory_space<vmem>>, vector<1x16xf32>,
        %get3A_887 = vector.shape_cast %get3A_886 : vector<1x16xf32> to vector<16xf32>
        %add3A_888 = arith.addf %add3A_808, %get3A_887 : vector<16xf32>
        %mul3A_889 = arith.mulf %get3A_887, %get3A_887 : vector<16xf32>
        %add3A_890 = arith.addf %add3A_810, %mul3A_889 : vector<16xf32>
        %max3A_891 = arith.maximumf %max3A_811, %get3A_887 : vector<16xf32>
        %min3A_892 = arith.minimumf %min3A_812, %get3A_887 : vector<16xf32>
        %get3A_893 = arith.index_cast %add3A_874 : i32 to index
        %get3A_894 = arith.constant 32 : index
        %get3A_895 = tpu.vector_load %arg10[%get3A_893, %get3A_894] {strides = array<i32>} : memref<320x128xf32, #tpu.memory_space<vmem>>, vector<1x16xf32>,
        %get3A_896 = vector.shape_cast %get3A_895 : vector<1x16xf32> to vector<16xf32>
        %add3A_897 = arith.addf %add3A_817, %get3A_896 : vector<16xf32>
        %mul3A_898 = arith.mulf %get3A_896, %get3A_896 : vector<16xf32>
        %add3A_899 = arith.addf %add3A_819, %mul3A_898 : vector<16xf32>
        %max3A_900 = arith.maximumf %max3A_820, %get3A_896 : vector<16xf32>
        %min3A_901 = arith.minimumf %min3A_821, %get3A_896 : vector<16xf32>
        %get3A_902 = arith.index_cast %add3A_874 : i32 to index
        %get3A_903 = arith.constant 48 : index
        %get3A_904 = tpu.vector_load %arg10[%get3A_902, %get3A_903] {strides = array<i32>} : memref<320x128xf32, #tpu.memory_space<vmem>>, vector<1x16xf32>,
        %get3A_905 = vector.shape_cast %get3A_904 : vector<1x16xf32> to vector<16xf32>
        %add3A_906 = arith.addf %add3A_826, %get3A_905 : vector<16xf32>
        %mul3A_907 = arith.mulf %get3A_905, %get3A_905 : vector<16xf32>
        %add3A_908 = arith.addf %add3A_828, %mul3A_907 : vector<16xf32>
        %max3A_909 = arith.maximumf %max3A_829, %get3A_905 : vector<16xf32>
        %min3A_910 = arith.minimumf %min3A_830, %get3A_905 : vector<16xf32>
        %mul3A_911 = arith.constant 20 : i32
        %mul3A_912 = arith.muli %mul3A_269, %mul3A_911 : i32
        %add3A_913 = arith.constant 8 : i32
        %add3A_914 = arith.addi %mul3A_912, %add3A_913 : i32
        %get3A_915 = arith.index_cast %add3A_914 : i32 to index
        %get3A_916 = arith.constant 0 : index
        %get3A_917 = tpu.vector_load %arg10[%get3A_915, %get3A_916] {strides = array<i32>} : memref<320x128xf32, #tpu.memory_space<vmem>>, vector<1x16xf32>,
        %get3A_918 = vector.shape_cast %get3A_917 : vector<1x16xf32> to vector<16xf32>
        %add3A_919 = arith.addf %add3A_839, %get3A_918 : vector<16xf32>
        %mul3A_920 = arith.mulf %get3A_918, %get3A_918 : vector<16xf32>
        %add3A_921 = arith.addf %add3A_841, %mul3A_920 : vector<16xf32>
        %max3A_922 = arith.maximumf %max3A_842, %get3A_918 : vector<16xf32>
        %min3A_923 = arith.minimumf %min3A_843, %get3A_918 : vector<16xf32>
        %get3A_924 = arith.index_cast %add3A_914 : i32 to index
        %get3A_925 = arith.constant 16 : index
        %get3A_926 = tpu.vector_load %arg10[%get3A_924, %get3A_925] {strides = array<i32>} : memref<320x128xf32, #tpu.memory_space<vmem>>, vector<1x16xf32>,
        %get3A_927 = vector.shape_cast %get3A_926 : vector<1x16xf32> to vector<16xf32>
        %add3A_928 = arith.addf %add3A_848, %get3A_927 : vector<16xf32>
        %mul3A_929 = arith.mulf %get3A_927, %get3A_927 : vector<16xf32>
        %add3A_930 = arith.addf %add3A_850, %mul3A_929 : vector<16xf32>
        %max3A_931 = arith.maximumf %max3A_851, %get3A_927 : vector<16xf32>
        %min3A_932 = arith.minimumf %min3A_852, %get3A_927 : vector<16xf32>
        %get3A_933 = arith.index_cast %add3A_914 : i32 to index
        %get3A_934 = arith.constant 32 : index
        %get3A_935 = tpu.vector_load %arg10[%get3A_933, %get3A_934] {strides = array<i32>} : memref<320x128xf32, #tpu.memory_space<vmem>>, vector<1x16xf32>,
        %get3A_936 = vector.shape_cast %get3A_935 : vector<1x16xf32> to vector<16xf32>
        %add3A_937 = arith.addf %add3A_857, %get3A_936 : vector<16xf32>
        %mul3A_938 = arith.mulf %get3A_936, %get3A_936 : vector<16xf32>
        %add3A_939 = arith.addf %add3A_859, %mul3A_938 : vector<16xf32>
        %max3A_940 = arith.maximumf %max3A_860, %get3A_936 : vector<16xf32>
        %min3A_941 = arith.minimumf %min3A_861, %get3A_936 : vector<16xf32>
        %get3A_942 = arith.index_cast %add3A_914 : i32 to index
        %get3A_943 = arith.constant 48 : index
        %get3A_944 = tpu.vector_load %arg10[%get3A_942, %get3A_943] {strides = array<i32>} : memref<320x128xf32, #tpu.memory_space<vmem>>, vector<1x16xf32>,
        %get3A_945 = vector.shape_cast %get3A_944 : vector<1x16xf32> to vector<16xf32>
        %add3A_946 = arith.addf %add3A_866, %get3A_945 : vector<16xf32>
        %mul3A_947 = arith.mulf %get3A_945, %get3A_945 : vector<16xf32>
        %add3A_948 = arith.addf %add3A_868, %mul3A_947 : vector<16xf32>
        %max3A_949 = arith.maximumf %max3A_869, %get3A_945 : vector<16xf32>
        %min3A_950 = arith.minimumf %min3A_870, %get3A_945 : vector<16xf32>
        %mul3A_951 = arith.constant 20 : i32
        %mul3A_952 = arith.muli %add3A_273, %mul3A_951 : i32
        %add3A_953 = arith.constant 8 : i32
        %add3A_954 = arith.addi %mul3A_952, %add3A_953 : i32
        %get3A_955 = arith.index_cast %add3A_954 : i32 to index
        %get3A_956 = arith.constant 0 : index
        %get3A_957 = tpu.vector_load %arg10[%get3A_955, %get3A_956] {strides = array<i32>} : memref<320x128xf32, #tpu.memory_space<vmem>>, vector<1x16xf32>,
        %get3A_958 = vector.shape_cast %get3A_957 : vector<1x16xf32> to vector<16xf32>
        %add3A_959 = arith.addf %add3A_879, %get3A_958 : vector<16xf32>
        %mul3A_960 = arith.mulf %get3A_958, %get3A_958 : vector<16xf32>
        %add3A_961 = arith.addf %add3A_881, %mul3A_960 : vector<16xf32>
        %max3A_962 = arith.maximumf %max3A_882, %get3A_958 : vector<16xf32>
        %min3A_963 = arith.minimumf %min3A_883, %get3A_958 : vector<16xf32>
        %get3A_964 = arith.index_cast %add3A_954 : i32 to index
        %get3A_965 = arith.constant 16 : index
        %get3A_966 = tpu.vector_load %arg10[%get3A_964, %get3A_965] {strides = array<i32>} : memref<320x128xf32, #tpu.memory_space<vmem>>, vector<1x16xf32>,
        %get3A_967 = vector.shape_cast %get3A_966 : vector<1x16xf32> to vector<16xf32>
        %add3A_968 = arith.addf %add3A_888, %get3A_967 : vector<16xf32>
        %mul3A_969 = arith.mulf %get3A_967, %get3A_967 : vector<16xf32>
        %add3A_970 = arith.addf %add3A_890, %mul3A_969 : vector<16xf32>
        %max3A_971 = arith.maximumf %max3A_891, %get3A_967 : vector<16xf32>
        %min3A_972 = arith.minimumf %min3A_892, %get3A_967 : vector<16xf32>
        %get3A_973 = arith.index_cast %add3A_954 : i32 to index
        %get3A_974 = arith.constant 32 : index
        %get3A_975 = tpu.vector_load %arg10[%get3A_973, %get3A_974] {strides = array<i32>} : memref<320x128xf32, #tpu.memory_space<vmem>>, vector<1x16xf32>,
        %get3A_976 = vector.shape_cast %get3A_975 : vector<1x16xf32> to vector<16xf32>
        %add3A_977 = arith.addf %add3A_897, %get3A_976 : vector<16xf32>
        %mul3A_978 = arith.mulf %get3A_976, %get3A_976 : vector<16xf32>
        %add3A_979 = arith.addf %add3A_899, %mul3A_978 : vector<16xf32>
        %max3A_980 = arith.maximumf %max3A_900, %get3A_976 : vector<16xf32>
        %min3A_981 = arith.minimumf %min3A_901, %get3A_976 : vector<16xf32>
        %get3A_982 = arith.index_cast %add3A_954 : i32 to index
        %get3A_983 = arith.constant 48 : index
        %get3A_984 = tpu.vector_load %arg10[%get3A_982, %get3A_983] {strides = array<i32>} : memref<320x128xf32, #tpu.memory_space<vmem>>, vector<1x16xf32>,
        %get3A_985 = vector.shape_cast %get3A_984 : vector<1x16xf32> to vector<16xf32>
        %add3A_986 = arith.addf %add3A_906, %get3A_985 : vector<16xf32>
        %mul3A_987 = arith.mulf %get3A_985, %get3A_985 : vector<16xf32>
        %add3A_988 = arith.addf %add3A_908, %mul3A_987 : vector<16xf32>
        %max3A_989 = arith.maximumf %max3A_909, %get3A_985 : vector<16xf32>
        %min3A_990 = arith.minimumf %min3A_910, %get3A_985 : vector<16xf32>
        %mul3A_991 = arith.constant 20 : i32
        %mul3A_992 = arith.muli %mul3A_269, %mul3A_991 : i32
        %add3A_993 = arith.constant 9 : i32
        %add3A_994 = arith.addi %mul3A_992, %add3A_993 : i32
        %get3A_995 = arith.index_cast %add3A_994 : i32 to index
        %get3A_996 = arith.constant 0 : index
        %get3A_997 = tpu.vector_load %arg10[%get3A_995, %get3A_996] {strides = array<i32>} : memref<320x128xf32, #tpu.memory_space<vmem>>, vector<1x16xf32>,
        %get3A_998 = vector.shape_cast %get3A_997 : vector<1x16xf32> to vector<16xf32>
        %add3A_999 = arith.addf %add3A_919, %get3A_998 : vector<16xf32>
        %mul3A_1000 = arith.mulf %get3A_998, %get3A_998 : vector<16xf32>
        %add3A_1001 = arith.addf %add3A_921, %mul3A_1000 : vector<16xf32>
        %max3A_1002 = arith.maximumf %max3A_922, %get3A_998 : vector<16xf32>
        %min3A_1003 = arith.minimumf %min3A_923, %get3A_998 : vector<16xf32>
        %get3A_1004 = arith.index_cast %add3A_994 : i32 to index
        %get3A_1005 = arith.constant 16 : index
        %get3A_1006 = tpu.vector_load %arg10[%get3A_1004, %get3A_1005] {strides = array<i32>} : memref<320x128xf32, #tpu.memory_space<vmem>>, vector<1x16xf32>,
        %get3A_1007 = vector.shape_cast %get3A_1006 : vector<1x16xf32> to vector<16xf32>
        %add3A_1008 = arith.addf %add3A_928, %get3A_1007 : vector<16xf32>
        %mul3A_1009 = arith.mulf %get3A_1007, %get3A_1007 : vector<16xf32>
        %add3A_1010 = arith.addf %add3A_930, %mul3A_1009 : vector<16xf32>
        %max3A_1011 = arith.maximumf %max3A_931, %get3A_1007 : vector<16xf32>
        %min3A_1012 = arith.minimumf %min3A_932, %get3A_1007 : vector<16xf32>
        %get3A_1013 = arith.index_cast %add3A_994 : i32 to index
        %get3A_1014 = arith.constant 32 : index
        %get3A_1015 = tpu.vector_load %arg10[%get3A_1013, %get3A_1014] {strides = array<i32>} : memref<320x128xf32, #tpu.memory_space<vmem>>, vector<1x16xf32>,
        %get3A_1016 = vector.shape_cast %get3A_1015 : vector<1x16xf32> to vector<16xf32>
        %add3A_1017 = arith.addf %add3A_937, %get3A_1016 : vector<16xf32>
        %mul3A_1018 = arith.mulf %get3A_1016, %get3A_1016 : vector<16xf32>
        %add3A_1019 = arith.addf %add3A_939, %mul3A_1018 : vector<16xf32>
        %max3A_1020 = arith.maximumf %max3A_940, %get3A_1016 : vector<16xf32>
        %min3A_1021 = arith.minimumf %min3A_941, %get3A_1016 : vector<16xf32>
        %get3A_1022 = arith.index_cast %add3A_994 : i32 to index
        %get3A_1023 = arith.constant 48 : index
        %get3A_1024 = tpu.vector_load %arg10[%get3A_1022, %get3A_1023] {strides = array<i32>} : memref<320x128xf32, #tpu.memory_space<vmem>>, vector<1x16xf32>,
        %get3A_1025 = vector.shape_cast %get3A_1024 : vector<1x16xf32> to vector<16xf32>
        %add3A_1026 = arith.addf %add3A_946, %get3A_1025 : vector<16xf32>
        %mul3A_1027 = arith.mulf %get3A_1025, %get3A_1025 : vector<16xf32>
        %add3A_1028 = arith.addf %add3A_948, %mul3A_1027 : vector<16xf32>
        %max3A_1029 = arith.maximumf %max3A_949, %get3A_1025 : vector<16xf32>
        %min3A_1030 = arith.minimumf %min3A_950, %get3A_1025 : vector<16xf32>
        %mul3A_1031 = arith.constant 20 : i32
        %mul3A_1032 = arith.muli %add3A_273, %mul3A_1031 : i32
        %add3A_1033 = arith.constant 9 : i32
        %add3A_1034 = arith.addi %mul3A_1032, %add3A_1033 : i32
        %get3A_1035 = arith.index_cast %add3A_1034 : i32 to index
        %get3A_1036 = arith.constant 0 : index
        %get3A_1037 = tpu.vector_load %arg10[%get3A_1035, %get3A_1036] {strides = array<i32>} : memref<320x128xf32, #tpu.memory_space<vmem>>, vector<1x16xf32>,
        %get3A_1038 = vector.shape_cast %get3A_1037 : vector<1x16xf32> to vector<16xf32>
        %add3A_1039 = arith.addf %add3A_959, %get3A_1038 : vector<16xf32>
        %mul3A_1040 = arith.mulf %get3A_1038, %get3A_1038 : vector<16xf32>
        %add3A_1041 = arith.addf %add3A_961, %mul3A_1040 : vector<16xf32>
        %max3A_1042 = arith.maximumf %max3A_962, %get3A_1038 : vector<16xf32>
        %min3A_1043 = arith.minimumf %min3A_963, %get3A_1038 : vector<16xf32>
        %get3A_1044 = arith.index_cast %add3A_1034 : i32 to index
        %get3A_1045 = arith.constant 16 : index
        %get3A_1046 = tpu.vector_load %arg10[%get3A_1044, %get3A_1045] {strides = array<i32>} : memref<320x128xf32, #tpu.memory_space<vmem>>, vector<1x16xf32>,
        %get3A_1047 = vector.shape_cast %get3A_1046 : vector<1x16xf32> to vector<16xf32>
        %add3A_1048 = arith.addf %add3A_968, %get3A_1047 : vector<16xf32>
        %mul3A_1049 = arith.mulf %get3A_1047, %get3A_1047 : vector<16xf32>
        %add3A_1050 = arith.addf %add3A_970, %mul3A_1049 : vector<16xf32>
        %max3A_1051 = arith.maximumf %max3A_971, %get3A_1047 : vector<16xf32>
        %min3A_1052 = arith.minimumf %min3A_972, %get3A_1047 : vector<16xf32>
        %get3A_1053 = arith.index_cast %add3A_1034 : i32 to index
        %get3A_1054 = arith.constant 32 : index
        %get3A_1055 = tpu.vector_load %arg10[%get3A_1053, %get3A_1054] {strides = array<i32>} : memref<320x128xf32, #tpu.memory_space<vmem>>, vector<1x16xf32>,
        %get3A_1056 = vector.shape_cast %get3A_1055 : vector<1x16xf32> to vector<16xf32>
        %add3A_1057 = arith.addf %add3A_977, %get3A_1056 : vector<16xf32>
        %mul3A_1058 = arith.mulf %get3A_1056, %get3A_1056 : vector<16xf32>
        %add3A_1059 = arith.addf %add3A_979, %mul3A_1058 : vector<16xf32>
        %max3A_1060 = arith.maximumf %max3A_980, %get3A_1056 : vector<16xf32>
        %min3A_1061 = arith.minimumf %min3A_981, %get3A_1056 : vector<16xf32>
        %get3A_1062 = arith.index_cast %add3A_1034 : i32 to index
        %get3A_1063 = arith.constant 48 : index
        %get3A_1064 = tpu.vector_load %arg10[%get3A_1062, %get3A_1063] {strides = array<i32>} : memref<320x128xf32, #tpu.memory_space<vmem>>, vector<1x16xf32>,
        %get3A_1065 = vector.shape_cast %get3A_1064 : vector<1x16xf32> to vector<16xf32>
        %add3A_1066 = arith.addf %add3A_986, %get3A_1065 : vector<16xf32>
        %mul3A_1067 = arith.mulf %get3A_1065, %get3A_1065 : vector<16xf32>
        %add3A_1068 = arith.addf %add3A_988, %mul3A_1067 : vector<16xf32>
        %max3A_1069 = arith.maximumf %max3A_989, %get3A_1065 : vector<16xf32>
        %min3A_1070 = arith.minimumf %min3A_990, %get3A_1065 : vector<16xf32>
        %mul3A_1071 = arith.constant 20 : i32
        %mul3A_1072 = arith.muli %mul3A_269, %mul3A_1071 : i32
        %add3A_1073 = arith.constant 10 : i32
        %add3A_1074 = arith.addi %mul3A_1072, %add3A_1073 : i32
        %get3A_1075 = arith.index_cast %add3A_1074 : i32 to index
        %get3A_1076 = arith.constant 0 : index
        %get3A_1077 = tpu.vector_load %arg10[%get3A_1075, %get3A_1076] {strides = array<i32>} : memref<320x128xf32, #tpu.memory_space<vmem>>, vector<1x16xf32>,
        %get3A_1078 = vector.shape_cast %get3A_1077 : vector<1x16xf32> to vector<16xf32>
        %add3A_1079 = arith.addf %add3A_999, %get3A_1078 : vector<16xf32>
        %mul3A_1080 = arith.mulf %get3A_1078, %get3A_1078 : vector<16xf32>
        %add3A_1081 = arith.addf %add3A_1001, %mul3A_1080 : vector<16xf32>
        %max3A_1082 = arith.maximumf %max3A_1002, %get3A_1078 : vector<16xf32>
        %min3A_1083 = arith.minimumf %min3A_1003, %get3A_1078 : vector<16xf32>
        %get3A_1084 = arith.index_cast %add3A_1074 : i32 to index
        %get3A_1085 = arith.constant 16 : index
        %get3A_1086 = tpu.vector_load %arg10[%get3A_1084, %get3A_1085] {strides = array<i32>} : memref<320x128xf32, #tpu.memory_space<vmem>>, vector<1x16xf32>,
        %get3A_1087 = vector.shape_cast %get3A_1086 : vector<1x16xf32> to vector<16xf32>
        %add3A_1088 = arith.addf %add3A_1008, %get3A_1087 : vector<16xf32>
        %mul3A_1089 = arith.mulf %get3A_1087, %get3A_1087 : vector<16xf32>
        %add3A_1090 = arith.addf %add3A_1010, %mul3A_1089 : vector<16xf32>
        %max3A_1091 = arith.maximumf %max3A_1011, %get3A_1087 : vector<16xf32>
        %min3A_1092 = arith.minimumf %min3A_1012, %get3A_1087 : vector<16xf32>
        %get3A_1093 = arith.index_cast %add3A_1074 : i32 to index
        %get3A_1094 = arith.constant 32 : index
        %get3A_1095 = tpu.vector_load %arg10[%get3A_1093, %get3A_1094] {strides = array<i32>} : memref<320x128xf32, #tpu.memory_space<vmem>>, vector<1x16xf32>,
        %get3A_1096 = vector.shape_cast %get3A_1095 : vector<1x16xf32> to vector<16xf32>
        %add3A_1097 = arith.addf %add3A_1017, %get3A_1096 : vector<16xf32>
        %mul3A_1098 = arith.mulf %get3A_1096, %get3A_1096 : vector<16xf32>
        %add3A_1099 = arith.addf %add3A_1019, %mul3A_1098 : vector<16xf32>
        %max3A_1100 = arith.maximumf %max3A_1020, %get3A_1096 : vector<16xf32>
        %min3A_1101 = arith.minimumf %min3A_1021, %get3A_1096 : vector<16xf32>
        %get3A_1102 = arith.index_cast %add3A_1074 : i32 to index
        %get3A_1103 = arith.constant 48 : index
        %get3A_1104 = tpu.vector_load %arg10[%get3A_1102, %get3A_1103] {strides = array<i32>} : memref<320x128xf32, #tpu.memory_space<vmem>>, vector<1x16xf32>,
        %get3A_1105 = vector.shape_cast %get3A_1104 : vector<1x16xf32> to vector<16xf32>
        %add3A_1106 = arith.addf %add3A_1026, %get3A_1105 : vector<16xf32>
        %mul3A_1107 = arith.mulf %get3A_1105, %get3A_1105 : vector<16xf32>
        %add3A_1108 = arith.addf %add3A_1028, %mul3A_1107 : vector<16xf32>
        %max3A_1109 = arith.maximumf %max3A_1029, %get3A_1105 : vector<16xf32>
        %min3A_1110 = arith.minimumf %min3A_1030, %get3A_1105 : vector<16xf32>
        %mul3A_1111 = arith.constant 20 : i32
        %mul3A_1112 = arith.muli %add3A_273, %mul3A_1111 : i32
        %add3A_1113 = arith.constant 10 : i32
        %add3A_1114 = arith.addi %mul3A_1112, %add3A_1113 : i32
        %get3A_1115 = arith.index_cast %add3A_1114 : i32 to index
        %get3A_1116 = arith.constant 0 : index
        %get3A_1117 = tpu.vector_load %arg10[%get3A_1115, %get3A_1116] {strides = array<i32>} : memref<320x128xf32, #tpu.memory_space<vmem>>, vector<1x16xf32>,
        %get3A_1118 = vector.shape_cast %get3A_1117 : vector<1x16xf32> to vector<16xf32>
        %add3A_1119 = arith.addf %add3A_1039, %get3A_1118 : vector<16xf32>
        %mul3A_1120 = arith.mulf %get3A_1118, %get3A_1118 : vector<16xf32>
        %add3A_1121 = arith.addf %add3A_1041, %mul3A_1120 : vector<16xf32>
        %max3A_1122 = arith.maximumf %max3A_1042, %get3A_1118 : vector<16xf32>
        %min3A_1123 = arith.minimumf %min3A_1043, %get3A_1118 : vector<16xf32>
        %get3A_1124 = arith.index_cast %add3A_1114 : i32 to index
        %get3A_1125 = arith.constant 16 : index
        %get3A_1126 = tpu.vector_load %arg10[%get3A_1124, %get3A_1125] {strides = array<i32>} : memref<320x128xf32, #tpu.memory_space<vmem>>, vector<1x16xf32>,
        %get3A_1127 = vector.shape_cast %get3A_1126 : vector<1x16xf32> to vector<16xf32>
        %add3A_1128 = arith.addf %add3A_1048, %get3A_1127 : vector<16xf32>
        %mul3A_1129 = arith.mulf %get3A_1127, %get3A_1127 : vector<16xf32>
        %add3A_1130 = arith.addf %add3A_1050, %mul3A_1129 : vector<16xf32>
        %max3A_1131 = arith.maximumf %max3A_1051, %get3A_1127 : vector<16xf32>
        %min3A_1132 = arith.minimumf %min3A_1052, %get3A_1127 : vector<16xf32>
        %get3A_1133 = arith.index_cast %add3A_1114 : i32 to index
        %get3A_1134 = arith.constant 32 : index
        %get3A_1135 = tpu.vector_load %arg10[%get3A_1133, %get3A_1134] {strides = array<i32>} : memref<320x128xf32, #tpu.memory_space<vmem>>, vector<1x16xf32>,
        %get3A_1136 = vector.shape_cast %get3A_1135 : vector<1x16xf32> to vector<16xf32>
        %add3A_1137 = arith.addf %add3A_1057, %get3A_1136 : vector<16xf32>
        %mul3A_1138 = arith.mulf %get3A_1136, %get3A_1136 : vector<16xf32>
        %add3A_1139 = arith.addf %add3A_1059, %mul3A_1138 : vector<16xf32>
        %max3A_1140 = arith.maximumf %max3A_1060, %get3A_1136 : vector<16xf32>
        %min3A_1141 = arith.minimumf %min3A_1061, %get3A_1136 : vector<16xf32>
        %get3A_1142 = arith.index_cast %add3A_1114 : i32 to index
        %get3A_1143 = arith.constant 48 : index
        %get3A_1144 = tpu.vector_load %arg10[%get3A_1142, %get3A_1143] {strides = array<i32>} : memref<320x128xf32, #tpu.memory_space<vmem>>, vector<1x16xf32>,
        %get3A_1145 = vector.shape_cast %get3A_1144 : vector<1x16xf32> to vector<16xf32>
        %add3A_1146 = arith.addf %add3A_1066, %get3A_1145 : vector<16xf32>
        %mul3A_1147 = arith.mulf %get3A_1145, %get3A_1145 : vector<16xf32>
        %add3A_1148 = arith.addf %add3A_1068, %mul3A_1147 : vector<16xf32>
        %max3A_1149 = arith.maximumf %max3A_1069, %get3A_1145 : vector<16xf32>
        %min3A_1150 = arith.minimumf %min3A_1070, %get3A_1145 : vector<16xf32>
        %mul3A_1151 = arith.constant 20 : i32
        %mul3A_1152 = arith.muli %mul3A_269, %mul3A_1151 : i32
        %add3A_1153 = arith.constant 11 : i32
        %add3A_1154 = arith.addi %mul3A_1152, %add3A_1153 : i32
        %get3A_1155 = arith.index_cast %add3A_1154 : i32 to index
        %get3A_1156 = arith.constant 0 : index
        %get3A_1157 = tpu.vector_load %arg10[%get3A_1155, %get3A_1156] {strides = array<i32>} : memref<320x128xf32, #tpu.memory_space<vmem>>, vector<1x16xf32>,
        %get3A_1158 = vector.shape_cast %get3A_1157 : vector<1x16xf32> to vector<16xf32>
        %add3A_1159 = arith.addf %add3A_1079, %get3A_1158 : vector<16xf32>
        %mul3A_1160 = arith.mulf %get3A_1158, %get3A_1158 : vector<16xf32>
        %add3A_1161 = arith.addf %add3A_1081, %mul3A_1160 : vector<16xf32>
        %max3A_1162 = arith.maximumf %max3A_1082, %get3A_1158 : vector<16xf32>
        %min3A_1163 = arith.minimumf %min3A_1083, %get3A_1158 : vector<16xf32>
        %get3A_1164 = arith.index_cast %add3A_1154 : i32 to index
        %get3A_1165 = arith.constant 16 : index
        %get3A_1166 = tpu.vector_load %arg10[%get3A_1164, %get3A_1165] {strides = array<i32>} : memref<320x128xf32, #tpu.memory_space<vmem>>, vector<1x16xf32>,
        %get3A_1167 = vector.shape_cast %get3A_1166 : vector<1x16xf32> to vector<16xf32>
        %add3A_1168 = arith.addf %add3A_1088, %get3A_1167 : vector<16xf32>
        %mul3A_1169 = arith.mulf %get3A_1167, %get3A_1167 : vector<16xf32>
        %add3A_1170 = arith.addf %add3A_1090, %mul3A_1169 : vector<16xf32>
        %max3A_1171 = arith.maximumf %max3A_1091, %get3A_1167 : vector<16xf32>
        %min3A_1172 = arith.minimumf %min3A_1092, %get3A_1167 : vector<16xf32>
        %get3A_1173 = arith.index_cast %add3A_1154 : i32 to index
        %get3A_1174 = arith.constant 32 : index
        %get3A_1175 = tpu.vector_load %arg10[%get3A_1173, %get3A_1174] {strides = array<i32>} : memref<320x128xf32, #tpu.memory_space<vmem>>, vector<1x16xf32>,
        %get3A_1176 = vector.shape_cast %get3A_1175 : vector<1x16xf32> to vector<16xf32>
        %add3A_1177 = arith.addf %add3A_1097, %get3A_1176 : vector<16xf32>
        %mul3A_1178 = arith.mulf %get3A_1176, %get3A_1176 : vector<16xf32>
        %add3A_1179 = arith.addf %add3A_1099, %mul3A_1178 : vector<16xf32>
        %max3A_1180 = arith.maximumf %max3A_1100, %get3A_1176 : vector<16xf32>
        %min3A_1181 = arith.minimumf %min3A_1101, %get3A_1176 : vector<16xf32>
        %get3A_1182 = arith.index_cast %add3A_1154 : i32 to index
        %get3A_1183 = arith.constant 48 : index
        %get3A_1184 = tpu.vector_load %arg10[%get3A_1182, %get3A_1183] {strides = array<i32>} : memref<320x128xf32, #tpu.memory_space<vmem>>, vector<1x16xf32>,
        %get3A_1185 = vector.shape_cast %get3A_1184 : vector<1x16xf32> to vector<16xf32>
        %add3A_1186 = arith.addf %add3A_1106, %get3A_1185 : vector<16xf32>
        %mul3A_1187 = arith.mulf %get3A_1185, %get3A_1185 : vector<16xf32>
        %add3A_1188 = arith.addf %add3A_1108, %mul3A_1187 : vector<16xf32>
        %max3A_1189 = arith.maximumf %max3A_1109, %get3A_1185 : vector<16xf32>
        %min3A_1190 = arith.minimumf %min3A_1110, %get3A_1185 : vector<16xf32>
        %mul3A_1191 = arith.constant 20 : i32
        %mul3A_1192 = arith.muli %add3A_273, %mul3A_1191 : i32
        %add3A_1193 = arith.constant 11 : i32
        %add3A_1194 = arith.addi %mul3A_1192, %add3A_1193 : i32
        %get3A_1195 = arith.index_cast %add3A_1194 : i32 to index
        %get3A_1196 = arith.constant 0 : index
        %get3A_1197 = tpu.vector_load %arg10[%get3A_1195, %get3A_1196] {strides = array<i32>} : memref<320x128xf32, #tpu.memory_space<vmem>>, vector<1x16xf32>,
        %get3A_1198 = vector.shape_cast %get3A_1197 : vector<1x16xf32> to vector<16xf32>
        %add3A_1199 = arith.addf %add3A_1119, %get3A_1198 : vector<16xf32>
        %mul3A_1200 = arith.mulf %get3A_1198, %get3A_1198 : vector<16xf32>
        %add3A_1201 = arith.addf %add3A_1121, %mul3A_1200 : vector<16xf32>
        %max3A_1202 = arith.maximumf %max3A_1122, %get3A_1198 : vector<16xf32>
        %min3A_1203 = arith.minimumf %min3A_1123, %get3A_1198 : vector<16xf32>
        %get3A_1204 = arith.index_cast %add3A_1194 : i32 to index
        %get3A_1205 = arith.constant 16 : index
        %get3A_1206 = tpu.vector_load %arg10[%get3A_1204, %get3A_1205] {strides = array<i32>} : memref<320x128xf32, #tpu.memory_space<vmem>>, vector<1x16xf32>,
        %get3A_1207 = vector.shape_cast %get3A_1206 : vector<1x16xf32> to vector<16xf32>
        %add3A_1208 = arith.addf %add3A_1128, %get3A_1207 : vector<16xf32>
        %mul3A_1209 = arith.mulf %get3A_1207, %get3A_1207 : vector<16xf32>
        %add3A_1210 = arith.addf %add3A_1130, %mul3A_1209 : vector<16xf32>
        %max3A_1211 = arith.maximumf %max3A_1131, %get3A_1207 : vector<16xf32>
        %min3A_1212 = arith.minimumf %min3A_1132, %get3A_1207 : vector<16xf32>
        %get3A_1213 = arith.index_cast %add3A_1194 : i32 to index
        %get3A_1214 = arith.constant 32 : index
        %get3A_1215 = tpu.vector_load %arg10[%get3A_1213, %get3A_1214] {strides = array<i32>} : memref<320x128xf32, #tpu.memory_space<vmem>>, vector<1x16xf32>,
        %get3A_1216 = vector.shape_cast %get3A_1215 : vector<1x16xf32> to vector<16xf32>
        %add3A_1217 = arith.addf %add3A_1137, %get3A_1216 : vector<16xf32>
        %mul3A_1218 = arith.mulf %get3A_1216, %get3A_1216 : vector<16xf32>
        %add3A_1219 = arith.addf %add3A_1139, %mul3A_1218 : vector<16xf32>
        %max3A_1220 = arith.maximumf %max3A_1140, %get3A_1216 : vector<16xf32>
        %min3A_1221 = arith.minimumf %min3A_1141, %get3A_1216 : vector<16xf32>
        %get3A_1222 = arith.index_cast %add3A_1194 : i32 to index
        %get3A_1223 = arith.constant 48 : index
        %get3A_1224 = tpu.vector_load %arg10[%get3A_1222, %get3A_1223] {strides = array<i32>} : memref<320x128xf32, #tpu.memory_space<vmem>>, vector<1x16xf32>,
        %get3A_1225 = vector.shape_cast %get3A_1224 : vector<1x16xf32> to vector<16xf32>
        %add3A_1226 = arith.addf %add3A_1146, %get3A_1225 : vector<16xf32>
        %mul3A_1227 = arith.mulf %get3A_1225, %get3A_1225 : vector<16xf32>
        %add3A_1228 = arith.addf %add3A_1148, %mul3A_1227 : vector<16xf32>
        %max3A_1229 = arith.maximumf %max3A_1149, %get3A_1225 : vector<16xf32>
        %min3A_1230 = arith.minimumf %min3A_1150, %get3A_1225 : vector<16xf32>
        %mul3A_1231 = arith.constant 20 : i32
        %mul3A_1232 = arith.muli %mul3A_269, %mul3A_1231 : i32
        %add3A_1233 = arith.constant 12 : i32
        %add3A_1234 = arith.addi %mul3A_1232, %add3A_1233 : i32
        %get3A_1235 = arith.index_cast %add3A_1234 : i32 to index
        %get3A_1236 = arith.constant 0 : index
        %get3A_1237 = tpu.vector_load %arg10[%get3A_1235, %get3A_1236] {strides = array<i32>} : memref<320x128xf32, #tpu.memory_space<vmem>>, vector<1x16xf32>,
        %get3A_1238 = vector.shape_cast %get3A_1237 : vector<1x16xf32> to vector<16xf32>
        %add3A_1239 = arith.addf %add3A_1159, %get3A_1238 : vector<16xf32>
        %mul3A_1240 = arith.mulf %get3A_1238, %get3A_1238 : vector<16xf32>
        %add3A_1241 = arith.addf %add3A_1161, %mul3A_1240 : vector<16xf32>
        %max3A_1242 = arith.maximumf %max3A_1162, %get3A_1238 : vector<16xf32>
        %min3A_1243 = arith.minimumf %min3A_1163, %get3A_1238 : vector<16xf32>
        %get3A_1244 = arith.index_cast %add3A_1234 : i32 to index
        %get3A_1245 = arith.constant 16 : index
        %get3A_1246 = tpu.vector_load %arg10[%get3A_1244, %get3A_1245] {strides = array<i32>} : memref<320x128xf32, #tpu.memory_space<vmem>>, vector<1x16xf32>,
        %get3A_1247 = vector.shape_cast %get3A_1246 : vector<1x16xf32> to vector<16xf32>
        %add3A_1248 = arith.addf %add3A_1168, %get3A_1247 : vector<16xf32>
        %mul3A_1249 = arith.mulf %get3A_1247, %get3A_1247 : vector<16xf32>
        %add3A_1250 = arith.addf %add3A_1170, %mul3A_1249 : vector<16xf32>
        %max3A_1251 = arith.maximumf %max3A_1171, %get3A_1247 : vector<16xf32>
        %min3A_1252 = arith.minimumf %min3A_1172, %get3A_1247 : vector<16xf32>
        %get3A_1253 = arith.index_cast %add3A_1234 : i32 to index
        %get3A_1254 = arith.constant 32 : index
        %get3A_1255 = tpu.vector_load %arg10[%get3A_1253, %get3A_1254] {strides = array<i32>} : memref<320x128xf32, #tpu.memory_space<vmem>>, vector<1x16xf32>,
        %get3A_1256 = vector.shape_cast %get3A_1255 : vector<1x16xf32> to vector<16xf32>
        %add3A_1257 = arith.addf %add3A_1177, %get3A_1256 : vector<16xf32>
        %mul3A_1258 = arith.mulf %get3A_1256, %get3A_1256 : vector<16xf32>
        %add3A_1259 = arith.addf %add3A_1179, %mul3A_1258 : vector<16xf32>
        %max3A_1260 = arith.maximumf %max3A_1180, %get3A_1256 : vector<16xf32>
        %min3A_1261 = arith.minimumf %min3A_1181, %get3A_1256 : vector<16xf32>
        %get3A_1262 = arith.index_cast %add3A_1234 : i32 to index
        %get3A_1263 = arith.constant 48 : index
        %get3A_1264 = tpu.vector_load %arg10[%get3A_1262, %get3A_1263] {strides = array<i32>} : memref<320x128xf32, #tpu.memory_space<vmem>>, vector<1x16xf32>,
        %get3A_1265 = vector.shape_cast %get3A_1264 : vector<1x16xf32> to vector<16xf32>
        %add3A_1266 = arith.addf %add3A_1186, %get3A_1265 : vector<16xf32>
        %mul3A_1267 = arith.mulf %get3A_1265, %get3A_1265 : vector<16xf32>
        %add3A_1268 = arith.addf %add3A_1188, %mul3A_1267 : vector<16xf32>
        %max3A_1269 = arith.maximumf %max3A_1189, %get3A_1265 : vector<16xf32>
        %min3A_1270 = arith.minimumf %min3A_1190, %get3A_1265 : vector<16xf32>
        %mul3A_1271 = arith.constant 20 : i32
        %mul3A_1272 = arith.muli %add3A_273, %mul3A_1271 : i32
        %add3A_1273 = arith.constant 12 : i32
        %add3A_1274 = arith.addi %mul3A_1272, %add3A_1273 : i32
        %get3A_1275 = arith.index_cast %add3A_1274 : i32 to index
        %get3A_1276 = arith.constant 0 : index
        %get3A_1277 = tpu.vector_load %arg10[%get3A_1275, %get3A_1276] {strides = array<i32>} : memref<320x128xf32, #tpu.memory_space<vmem>>, vector<1x16xf32>,
        %get3A_1278 = vector.shape_cast %get3A_1277 : vector<1x16xf32> to vector<16xf32>
        %add3A_1279 = arith.addf %add3A_1199, %get3A_1278 : vector<16xf32>
        %mul3A_1280 = arith.mulf %get3A_1278, %get3A_1278 : vector<16xf32>
        %add3A_1281 = arith.addf %add3A_1201, %mul3A_1280 : vector<16xf32>
        %max3A_1282 = arith.maximumf %max3A_1202, %get3A_1278 : vector<16xf32>
        %min3A_1283 = arith.minimumf %min3A_1203, %get3A_1278 : vector<16xf32>
        %get3A_1284 = arith.index_cast %add3A_1274 : i32 to index
        %get3A_1285 = arith.constant 16 : index
        %get3A_1286 = tpu.vector_load %arg10[%get3A_1284, %get3A_1285] {strides = array<i32>} : memref<320x128xf32, #tpu.memory_space<vmem>>, vector<1x16xf32>,
        %get3A_1287 = vector.shape_cast %get3A_1286 : vector<1x16xf32> to vector<16xf32>
        %add3A_1288 = arith.addf %add3A_1208, %get3A_1287 : vector<16xf32>
        %mul3A_1289 = arith.mulf %get3A_1287, %get3A_1287 : vector<16xf32>
        %add3A_1290 = arith.addf %add3A_1210, %mul3A_1289 : vector<16xf32>
        %max3A_1291 = arith.maximumf %max3A_1211, %get3A_1287 : vector<16xf32>
        %min3A_1292 = arith.minimumf %min3A_1212, %get3A_1287 : vector<16xf32>
        %get3A_1293 = arith.index_cast %add3A_1274 : i32 to index
        %get3A_1294 = arith.constant 32 : index
        %get3A_1295 = tpu.vector_load %arg10[%get3A_1293, %get3A_1294] {strides = array<i32>} : memref<320x128xf32, #tpu.memory_space<vmem>>, vector<1x16xf32>,
        %get3A_1296 = vector.shape_cast %get3A_1295 : vector<1x16xf32> to vector<16xf32>
        %add3A_1297 = arith.addf %add3A_1217, %get3A_1296 : vector<16xf32>
        %mul3A_1298 = arith.mulf %get3A_1296, %get3A_1296 : vector<16xf32>
        %add3A_1299 = arith.addf %add3A_1219, %mul3A_1298 : vector<16xf32>
        %max3A_1300 = arith.maximumf %max3A_1220, %get3A_1296 : vector<16xf32>
        %min3A_1301 = arith.minimumf %min3A_1221, %get3A_1296 : vector<16xf32>
        %get3A_1302 = arith.index_cast %add3A_1274 : i32 to index
        %get3A_1303 = arith.constant 48 : index
        %get3A_1304 = tpu.vector_load %arg10[%get3A_1302, %get3A_1303] {strides = array<i32>} : memref<320x128xf32, #tpu.memory_space<vmem>>, vector<1x16xf32>,
        %get3A_1305 = vector.shape_cast %get3A_1304 : vector<1x16xf32> to vector<16xf32>
        %add3A_1306 = arith.addf %add3A_1226, %get3A_1305 : vector<16xf32>
        %mul3A_1307 = arith.mulf %get3A_1305, %get3A_1305 : vector<16xf32>
        %add3A_1308 = arith.addf %add3A_1228, %mul3A_1307 : vector<16xf32>
        %max3A_1309 = arith.maximumf %max3A_1229, %get3A_1305 : vector<16xf32>
        %min3A_1310 = arith.minimumf %min3A_1230, %get3A_1305 : vector<16xf32>
        %mul3A_1311 = arith.constant 20 : i32
        %mul3A_1312 = arith.muli %mul3A_269, %mul3A_1311 : i32
        %add3A_1313 = arith.constant 13 : i32
        %add3A_1314 = arith.addi %mul3A_1312, %add3A_1313 : i32
        %get3A_1315 = arith.index_cast %add3A_1314 : i32 to index
        %get3A_1316 = arith.constant 0 : index
        %get3A_1317 = tpu.vector_load %arg10[%get3A_1315, %get3A_1316] {strides = array<i32>} : memref<320x128xf32, #tpu.memory_space<vmem>>, vector<1x16xf32>,
        %get3A_1318 = vector.shape_cast %get3A_1317 : vector<1x16xf32> to vector<16xf32>
        %add3A_1319 = arith.addf %add3A_1239, %get3A_1318 : vector<16xf32>
        %mul3A_1320 = arith.mulf %get3A_1318, %get3A_1318 : vector<16xf32>
        %add3A_1321 = arith.addf %add3A_1241, %mul3A_1320 : vector<16xf32>
        %max3A_1322 = arith.maximumf %max3A_1242, %get3A_1318 : vector<16xf32>
        %min3A_1323 = arith.minimumf %min3A_1243, %get3A_1318 : vector<16xf32>
        %get3A_1324 = arith.index_cast %add3A_1314 : i32 to index
        %get3A_1325 = arith.constant 16 : index
        %get3A_1326 = tpu.vector_load %arg10[%get3A_1324, %get3A_1325] {strides = array<i32>} : memref<320x128xf32, #tpu.memory_space<vmem>>, vector<1x16xf32>,
        %get3A_1327 = vector.shape_cast %get3A_1326 : vector<1x16xf32> to vector<16xf32>
        %add3A_1328 = arith.addf %add3A_1248, %get3A_1327 : vector<16xf32>
        %mul3A_1329 = arith.mulf %get3A_1327, %get3A_1327 : vector<16xf32>
        %add3A_1330 = arith.addf %add3A_1250, %mul3A_1329 : vector<16xf32>
        %max3A_1331 = arith.maximumf %max3A_1251, %get3A_1327 : vector<16xf32>
        %min3A_1332 = arith.minimumf %min3A_1252, %get3A_1327 : vector<16xf32>
        %get3A_1333 = arith.index_cast %add3A_1314 : i32 to index
        %get3A_1334 = arith.constant 32 : index
        %get3A_1335 = tpu.vector_load %arg10[%get3A_1333, %get3A_1334] {strides = array<i32>} : memref<320x128xf32, #tpu.memory_space<vmem>>, vector<1x16xf32>,
        %get3A_1336 = vector.shape_cast %get3A_1335 : vector<1x16xf32> to vector<16xf32>
        %add3A_1337 = arith.addf %add3A_1257, %get3A_1336 : vector<16xf32>
        %mul3A_1338 = arith.mulf %get3A_1336, %get3A_1336 : vector<16xf32>
        %add3A_1339 = arith.addf %add3A_1259, %mul3A_1338 : vector<16xf32>
        %max3A_1340 = arith.maximumf %max3A_1260, %get3A_1336 : vector<16xf32>
        %min3A_1341 = arith.minimumf %min3A_1261, %get3A_1336 : vector<16xf32>
        %get3A_1342 = arith.index_cast %add3A_1314 : i32 to index
        %get3A_1343 = arith.constant 48 : index
        %get3A_1344 = tpu.vector_load %arg10[%get3A_1342, %get3A_1343] {strides = array<i32>} : memref<320x128xf32, #tpu.memory_space<vmem>>, vector<1x16xf32>,
        %get3A_1345 = vector.shape_cast %get3A_1344 : vector<1x16xf32> to vector<16xf32>
        %add3A_1346 = arith.addf %add3A_1266, %get3A_1345 : vector<16xf32>
        %mul3A_1347 = arith.mulf %get3A_1345, %get3A_1345 : vector<16xf32>
        %add3A_1348 = arith.addf %add3A_1268, %mul3A_1347 : vector<16xf32>
        %max3A_1349 = arith.maximumf %max3A_1269, %get3A_1345 : vector<16xf32>
        %min3A_1350 = arith.minimumf %min3A_1270, %get3A_1345 : vector<16xf32>
        %mul3A_1351 = arith.constant 20 : i32
        %mul3A_1352 = arith.muli %add3A_273, %mul3A_1351 : i32
        %add3A_1353 = arith.constant 13 : i32
        %add3A_1354 = arith.addi %mul3A_1352, %add3A_1353 : i32
        %get3A_1355 = arith.index_cast %add3A_1354 : i32 to index
        %get3A_1356 = arith.constant 0 : index
        %get3A_1357 = tpu.vector_load %arg10[%get3A_1355, %get3A_1356] {strides = array<i32>} : memref<320x128xf32, #tpu.memory_space<vmem>>, vector<1x16xf32>,
        %get3A_1358 = vector.shape_cast %get3A_1357 : vector<1x16xf32> to vector<16xf32>
        %add3A_1359 = arith.addf %add3A_1279, %get3A_1358 : vector<16xf32>
        %mul3A_1360 = arith.mulf %get3A_1358, %get3A_1358 : vector<16xf32>
        %add3A_1361 = arith.addf %add3A_1281, %mul3A_1360 : vector<16xf32>
        %max3A_1362 = arith.maximumf %max3A_1282, %get3A_1358 : vector<16xf32>
        %min3A_1363 = arith.minimumf %min3A_1283, %get3A_1358 : vector<16xf32>
        %get3A_1364 = arith.index_cast %add3A_1354 : i32 to index
        %get3A_1365 = arith.constant 16 : index
        %get3A_1366 = tpu.vector_load %arg10[%get3A_1364, %get3A_1365] {strides = array<i32>} : memref<320x128xf32, #tpu.memory_space<vmem>>, vector<1x16xf32>,
        %get3A_1367 = vector.shape_cast %get3A_1366 : vector<1x16xf32> to vector<16xf32>
        %add3A_1368 = arith.addf %add3A_1288, %get3A_1367 : vector<16xf32>
        %mul3A_1369 = arith.mulf %get3A_1367, %get3A_1367 : vector<16xf32>
        %add3A_1370 = arith.addf %add3A_1290, %mul3A_1369 : vector<16xf32>
        %max3A_1371 = arith.maximumf %max3A_1291, %get3A_1367 : vector<16xf32>
        %min3A_1372 = arith.minimumf %min3A_1292, %get3A_1367 : vector<16xf32>
        %get3A_1373 = arith.index_cast %add3A_1354 : i32 to index
        %get3A_1374 = arith.constant 32 : index
        %get3A_1375 = tpu.vector_load %arg10[%get3A_1373, %get3A_1374] {strides = array<i32>} : memref<320x128xf32, #tpu.memory_space<vmem>>, vector<1x16xf32>,
        %get3A_1376 = vector.shape_cast %get3A_1375 : vector<1x16xf32> to vector<16xf32>
        %add3A_1377 = arith.addf %add3A_1297, %get3A_1376 : vector<16xf32>
        %mul3A_1378 = arith.mulf %get3A_1376, %get3A_1376 : vector<16xf32>
        %add3A_1379 = arith.addf %add3A_1299, %mul3A_1378 : vector<16xf32>
        %max3A_1380 = arith.maximumf %max3A_1300, %get3A_1376 : vector<16xf32>
        %min3A_1381 = arith.minimumf %min3A_1301, %get3A_1376 : vector<16xf32>
        %get3A_1382 = arith.index_cast %add3A_1354 : i32 to index
        %get3A_1383 = arith.constant 48 : index
        %get3A_1384 = tpu.vector_load %arg10[%get3A_1382, %get3A_1383] {strides = array<i32>} : memref<320x128xf32, #tpu.memory_space<vmem>>, vector<1x16xf32>,
        %get3A_1385 = vector.shape_cast %get3A_1384 : vector<1x16xf32> to vector<16xf32>
        %add3A_1386 = arith.addf %add3A_1306, %get3A_1385 : vector<16xf32>
        %mul3A_1387 = arith.mulf %get3A_1385, %get3A_1385 : vector<16xf32>
        %add3A_1388 = arith.addf %add3A_1308, %mul3A_1387 : vector<16xf32>
        %max3A_1389 = arith.maximumf %max3A_1309, %get3A_1385 : vector<16xf32>
        %min3A_1390 = arith.minimumf %min3A_1310, %get3A_1385 : vector<16xf32>
        %mul3A_1391 = arith.constant 20 : i32
        %mul3A_1392 = arith.muli %mul3A_269, %mul3A_1391 : i32
        %add3A_1393 = arith.constant 14 : i32
        %add3A_1394 = arith.addi %mul3A_1392, %add3A_1393 : i32
        %get3A_1395 = arith.index_cast %add3A_1394 : i32 to index
        %get3A_1396 = arith.constant 0 : index
        %get3A_1397 = tpu.vector_load %arg10[%get3A_1395, %get3A_1396] {strides = array<i32>} : memref<320x128xf32, #tpu.memory_space<vmem>>, vector<1x16xf32>,
        %get3A_1398 = vector.shape_cast %get3A_1397 : vector<1x16xf32> to vector<16xf32>
        %add3A_1399 = arith.addf %add3A_1319, %get3A_1398 : vector<16xf32>
        %mul3A_1400 = arith.mulf %get3A_1398, %get3A_1398 : vector<16xf32>
        %add3A_1401 = arith.addf %add3A_1321, %mul3A_1400 : vector<16xf32>
        %max3A_1402 = arith.maximumf %max3A_1322, %get3A_1398 : vector<16xf32>
        %min3A_1403 = arith.minimumf %min3A_1323, %get3A_1398 : vector<16xf32>
        %get3A_1404 = arith.index_cast %add3A_1394 : i32 to index
        %get3A_1405 = arith.constant 16 : index
        %get3A_1406 = tpu.vector_load %arg10[%get3A_1404, %get3A_1405] {strides = array<i32>} : memref<320x128xf32, #tpu.memory_space<vmem>>, vector<1x16xf32>,
        %get3A_1407 = vector.shape_cast %get3A_1406 : vector<1x16xf32> to vector<16xf32>
        %add3A_1408 = arith.addf %add3A_1328, %get3A_1407 : vector<16xf32>
        %mul3A_1409 = arith.mulf %get3A_1407, %get3A_1407 : vector<16xf32>
        %add3A_1410 = arith.addf %add3A_1330, %mul3A_1409 : vector<16xf32>
        %max3A_1411 = arith.maximumf %max3A_1331, %get3A_1407 : vector<16xf32>
        %min3A_1412 = arith.minimumf %min3A_1332, %get3A_1407 : vector<16xf32>
        %get3A_1413 = arith.index_cast %add3A_1394 : i32 to index
        %get3A_1414 = arith.constant 32 : index
        %get3A_1415 = tpu.vector_load %arg10[%get3A_1413, %get3A_1414] {strides = array<i32>} : memref<320x128xf32, #tpu.memory_space<vmem>>, vector<1x16xf32>,
        %get3A_1416 = vector.shape_cast %get3A_1415 : vector<1x16xf32> to vector<16xf32>
        %add3A_1417 = arith.addf %add3A_1337, %get3A_1416 : vector<16xf32>
        %mul3A_1418 = arith.mulf %get3A_1416, %get3A_1416 : vector<16xf32>
        %add3A_1419 = arith.addf %add3A_1339, %mul3A_1418 : vector<16xf32>
        %max3A_1420 = arith.maximumf %max3A_1340, %get3A_1416 : vector<16xf32>
        %min3A_1421 = arith.minimumf %min3A_1341, %get3A_1416 : vector<16xf32>
        %get3A_1422 = arith.index_cast %add3A_1394 : i32 to index
        %get3A_1423 = arith.constant 48 : index
        %get3A_1424 = tpu.vector_load %arg10[%get3A_1422, %get3A_1423] {strides = array<i32>} : memref<320x128xf32, #tpu.memory_space<vmem>>, vector<1x16xf32>,
        %get3A_1425 = vector.shape_cast %get3A_1424 : vector<1x16xf32> to vector<16xf32>
        %add3A_1426 = arith.addf %add3A_1346, %get3A_1425 : vector<16xf32>
        %mul3A_1427 = arith.mulf %get3A_1425, %get3A_1425 : vector<16xf32>
        %add3A_1428 = arith.addf %add3A_1348, %mul3A_1427 : vector<16xf32>
        %max3A_1429 = arith.maximumf %max3A_1349, %get3A_1425 : vector<16xf32>
        %min3A_1430 = arith.minimumf %min3A_1350, %get3A_1425 : vector<16xf32>
        %mul3A_1431 = arith.constant 20 : i32
        %mul3A_1432 = arith.muli %add3A_273, %mul3A_1431 : i32
        %add3A_1433 = arith.constant 14 : i32
        %add3A_1434 = arith.addi %mul3A_1432, %add3A_1433 : i32
        %get3A_1435 = arith.index_cast %add3A_1434 : i32 to index
        %get3A_1436 = arith.constant 0 : index
        %get3A_1437 = tpu.vector_load %arg10[%get3A_1435, %get3A_1436] {strides = array<i32>} : memref<320x128xf32, #tpu.memory_space<vmem>>, vector<1x16xf32>,
        %get3A_1438 = vector.shape_cast %get3A_1437 : vector<1x16xf32> to vector<16xf32>
        %add3A_1439 = arith.addf %add3A_1359, %get3A_1438 : vector<16xf32>
        %mul3A_1440 = arith.mulf %get3A_1438, %get3A_1438 : vector<16xf32>
        %add3A_1441 = arith.addf %add3A_1361, %mul3A_1440 : vector<16xf32>
        %max3A_1442 = arith.maximumf %max3A_1362, %get3A_1438 : vector<16xf32>
        %min3A_1443 = arith.minimumf %min3A_1363, %get3A_1438 : vector<16xf32>
        %get3A_1444 = arith.index_cast %add3A_1434 : i32 to index
        %get3A_1445 = arith.constant 16 : index
        %get3A_1446 = tpu.vector_load %arg10[%get3A_1444, %get3A_1445] {strides = array<i32>} : memref<320x128xf32, #tpu.memory_space<vmem>>, vector<1x16xf32>,
        %get3A_1447 = vector.shape_cast %get3A_1446 : vector<1x16xf32> to vector<16xf32>
        %add3A_1448 = arith.addf %add3A_1368, %get3A_1447 : vector<16xf32>
        %mul3A_1449 = arith.mulf %get3A_1447, %get3A_1447 : vector<16xf32>
        %add3A_1450 = arith.addf %add3A_1370, %mul3A_1449 : vector<16xf32>
        %max3A_1451 = arith.maximumf %max3A_1371, %get3A_1447 : vector<16xf32>
        %min3A_1452 = arith.minimumf %min3A_1372, %get3A_1447 : vector<16xf32>
        %get3A_1453 = arith.index_cast %add3A_1434 : i32 to index
        %get3A_1454 = arith.constant 32 : index
        %get3A_1455 = tpu.vector_load %arg10[%get3A_1453, %get3A_1454] {strides = array<i32>} : memref<320x128xf32, #tpu.memory_space<vmem>>, vector<1x16xf32>,
        %get3A_1456 = vector.shape_cast %get3A_1455 : vector<1x16xf32> to vector<16xf32>
        %add3A_1457 = arith.addf %add3A_1377, %get3A_1456 : vector<16xf32>
        %mul3A_1458 = arith.mulf %get3A_1456, %get3A_1456 : vector<16xf32>
        %add3A_1459 = arith.addf %add3A_1379, %mul3A_1458 : vector<16xf32>
        %max3A_1460 = arith.maximumf %max3A_1380, %get3A_1456 : vector<16xf32>
        %min3A_1461 = arith.minimumf %min3A_1381, %get3A_1456 : vector<16xf32>
        %get3A_1462 = arith.index_cast %add3A_1434 : i32 to index
        %get3A_1463 = arith.constant 48 : index
        %get3A_1464 = tpu.vector_load %arg10[%get3A_1462, %get3A_1463] {strides = array<i32>} : memref<320x128xf32, #tpu.memory_space<vmem>>, vector<1x16xf32>,
        %get3A_1465 = vector.shape_cast %get3A_1464 : vector<1x16xf32> to vector<16xf32>
        %add3A_1466 = arith.addf %add3A_1386, %get3A_1465 : vector<16xf32>
        %mul3A_1467 = arith.mulf %get3A_1465, %get3A_1465 : vector<16xf32>
        %add3A_1468 = arith.addf %add3A_1388, %mul3A_1467 : vector<16xf32>
        %max3A_1469 = arith.maximumf %max3A_1389, %get3A_1465 : vector<16xf32>
        %min3A_1470 = arith.minimumf %min3A_1390, %get3A_1465 : vector<16xf32>
        %mul3A_1471 = arith.constant 20 : i32
        %mul3A_1472 = arith.muli %mul3A_269, %mul3A_1471 : i32
        %add3A_1473 = arith.constant 15 : i32
        %add3A_1474 = arith.addi %mul3A_1472, %add3A_1473 : i32
        %get3A_1475 = arith.index_cast %add3A_1474 : i32 to index
        %get3A_1476 = arith.constant 0 : index
        %get3A_1477 = tpu.vector_load %arg10[%get3A_1475, %get3A_1476] {strides = array<i32>} : memref<320x128xf32, #tpu.memory_space<vmem>>, vector<1x16xf32>,
        %get3A_1478 = vector.shape_cast %get3A_1477 : vector<1x16xf32> to vector<16xf32>
        %add3A_1479 = arith.addf %add3A_1399, %get3A_1478 : vector<16xf32>
        %mul3A_1480 = arith.mulf %get3A_1478, %get3A_1478 : vector<16xf32>
        %add3A_1481 = arith.addf %add3A_1401, %mul3A_1480 : vector<16xf32>
        %max3A_1482 = arith.maximumf %max3A_1402, %get3A_1478 : vector<16xf32>
        %min3A_1483 = arith.minimumf %min3A_1403, %get3A_1478 : vector<16xf32>
        %get3A_1484 = arith.index_cast %add3A_1474 : i32 to index
        %get3A_1485 = arith.constant 16 : index
        %get3A_1486 = tpu.vector_load %arg10[%get3A_1484, %get3A_1485] {strides = array<i32>} : memref<320x128xf32, #tpu.memory_space<vmem>>, vector<1x16xf32>,
        %get3A_1487 = vector.shape_cast %get3A_1486 : vector<1x16xf32> to vector<16xf32>
        %add3A_1488 = arith.addf %add3A_1408, %get3A_1487 : vector<16xf32>
        %mul3A_1489 = arith.mulf %get3A_1487, %get3A_1487 : vector<16xf32>
        %add3A_1490 = arith.addf %add3A_1410, %mul3A_1489 : vector<16xf32>
        %max3A_1491 = arith.maximumf %max3A_1411, %get3A_1487 : vector<16xf32>
        %min3A_1492 = arith.minimumf %min3A_1412, %get3A_1487 : vector<16xf32>
        %get3A_1493 = arith.index_cast %add3A_1474 : i32 to index
        %get3A_1494 = arith.constant 32 : index
        %get3A_1495 = tpu.vector_load %arg10[%get3A_1493, %get3A_1494] {strides = array<i32>} : memref<320x128xf32, #tpu.memory_space<vmem>>, vector<1x16xf32>,
        %get3A_1496 = vector.shape_cast %get3A_1495 : vector<1x16xf32> to vector<16xf32>
        %add3A_1497 = arith.addf %add3A_1417, %get3A_1496 : vector<16xf32>
        %mul3A_1498 = arith.mulf %get3A_1496, %get3A_1496 : vector<16xf32>
        %add3A_1499 = arith.addf %add3A_1419, %mul3A_1498 : vector<16xf32>
        %max3A_1500 = arith.maximumf %max3A_1420, %get3A_1496 : vector<16xf32>
        %min3A_1501 = arith.minimumf %min3A_1421, %get3A_1496 : vector<16xf32>
        %get3A_1502 = arith.index_cast %add3A_1474 : i32 to index
        %get3A_1503 = arith.constant 48 : index
        %get3A_1504 = tpu.vector_load %arg10[%get3A_1502, %get3A_1503] {strides = array<i32>} : memref<320x128xf32, #tpu.memory_space<vmem>>, vector<1x16xf32>,
        %get3A_1505 = vector.shape_cast %get3A_1504 : vector<1x16xf32> to vector<16xf32>
        %add3A_1506 = arith.addf %add3A_1426, %get3A_1505 : vector<16xf32>
        %mul3A_1507 = arith.mulf %get3A_1505, %get3A_1505 : vector<16xf32>
        %add3A_1508 = arith.addf %add3A_1428, %mul3A_1507 : vector<16xf32>
        %max3A_1509 = arith.maximumf %max3A_1429, %get3A_1505 : vector<16xf32>
        %min3A_1510 = arith.minimumf %min3A_1430, %get3A_1505 : vector<16xf32>
        %mul3A_1511 = arith.constant 20 : i32
        %mul3A_1512 = arith.muli %add3A_273, %mul3A_1511 : i32
        %add3A_1513 = arith.constant 15 : i32
        %add3A_1514 = arith.addi %mul3A_1512, %add3A_1513 : i32
        %get3A_1515 = arith.index_cast %add3A_1514 : i32 to index
        %get3A_1516 = arith.constant 0 : index
        %get3A_1517 = tpu.vector_load %arg10[%get3A_1515, %get3A_1516] {strides = array<i32>} : memref<320x128xf32, #tpu.memory_space<vmem>>, vector<1x16xf32>,
        %get3A_1518 = vector.shape_cast %get3A_1517 : vector<1x16xf32> to vector<16xf32>
        %add3A_1519 = arith.addf %add3A_1439, %get3A_1518 : vector<16xf32>
        %mul3A_1520 = arith.mulf %get3A_1518, %get3A_1518 : vector<16xf32>
        %add3A_1521 = arith.addf %add3A_1441, %mul3A_1520 : vector<16xf32>
        %max3A_1522 = arith.maximumf %max3A_1442, %get3A_1518 : vector<16xf32>
        %min3A_1523 = arith.minimumf %min3A_1443, %get3A_1518 : vector<16xf32>
        %get3A_1524 = arith.index_cast %add3A_1514 : i32 to index
        %get3A_1525 = arith.constant 16 : index
        %get3A_1526 = tpu.vector_load %arg10[%get3A_1524, %get3A_1525] {strides = array<i32>} : memref<320x128xf32, #tpu.memory_space<vmem>>, vector<1x16xf32>,
        %get3A_1527 = vector.shape_cast %get3A_1526 : vector<1x16xf32> to vector<16xf32>
        %add3A_1528 = arith.addf %add3A_1448, %get3A_1527 : vector<16xf32>
        %mul3A_1529 = arith.mulf %get3A_1527, %get3A_1527 : vector<16xf32>
        %add3A_1530 = arith.addf %add3A_1450, %mul3A_1529 : vector<16xf32>
        %max3A_1531 = arith.maximumf %max3A_1451, %get3A_1527 : vector<16xf32>
        %min3A_1532 = arith.minimumf %min3A_1452, %get3A_1527 : vector<16xf32>
        %get3A_1533 = arith.index_cast %add3A_1514 : i32 to index
        %get3A_1534 = arith.constant 32 : index
        %get3A_1535 = tpu.vector_load %arg10[%get3A_1533, %get3A_1534] {strides = array<i32>} : memref<320x128xf32, #tpu.memory_space<vmem>>, vector<1x16xf32>,
        %get3A_1536 = vector.shape_cast %get3A_1535 : vector<1x16xf32> to vector<16xf32>
        %add3A_1537 = arith.addf %add3A_1457, %get3A_1536 : vector<16xf32>
        %mul3A_1538 = arith.mulf %get3A_1536, %get3A_1536 : vector<16xf32>
        %add3A_1539 = arith.addf %add3A_1459, %mul3A_1538 : vector<16xf32>
        %max3A_1540 = arith.maximumf %max3A_1460, %get3A_1536 : vector<16xf32>
        %min3A_1541 = arith.minimumf %min3A_1461, %get3A_1536 : vector<16xf32>
        %get3A_1542 = arith.index_cast %add3A_1514 : i32 to index
        %get3A_1543 = arith.constant 48 : index
        %get3A_1544 = tpu.vector_load %arg10[%get3A_1542, %get3A_1543] {strides = array<i32>} : memref<320x128xf32, #tpu.memory_space<vmem>>, vector<1x16xf32>,
        %get3A_1545 = vector.shape_cast %get3A_1544 : vector<1x16xf32> to vector<16xf32>
        %add3A_1546 = arith.addf %add3A_1466, %get3A_1545 : vector<16xf32>
        %mul3A_1547 = arith.mulf %get3A_1545, %get3A_1545 : vector<16xf32>
        %add3A_1548 = arith.addf %add3A_1468, %mul3A_1547 : vector<16xf32>
        %max3A_1549 = arith.maximumf %max3A_1469, %get3A_1545 : vector<16xf32>
        %min3A_1550 = arith.minimumf %min3A_1470, %get3A_1545 : vector<16xf32>
        %mul3A_1551 = arith.constant 20 : i32
        %mul3A_1552 = arith.muli %mul3A_269, %mul3A_1551 : i32
        %add3A_1553 = arith.constant 16 : i32
        %add3A_1554 = arith.addi %mul3A_1552, %add3A_1553 : i32
        %get3A_1555 = arith.index_cast %add3A_1554 : i32 to index
        %get3A_1556 = arith.constant 0 : index
        %get3A_1557 = tpu.vector_load %arg10[%get3A_1555, %get3A_1556] {strides = array<i32>} : memref<320x128xf32, #tpu.memory_space<vmem>>, vector<1x16xf32>,
        %get3A_1558 = vector.shape_cast %get3A_1557 : vector<1x16xf32> to vector<16xf32>
        %add3A_1559 = arith.addf %add3A_1479, %get3A_1558 : vector<16xf32>
        %mul3A_1560 = arith.mulf %get3A_1558, %get3A_1558 : vector<16xf32>
        %add3A_1561 = arith.addf %add3A_1481, %mul3A_1560 : vector<16xf32>
        %max3A_1562 = arith.maximumf %max3A_1482, %get3A_1558 : vector<16xf32>
        %min3A_1563 = arith.minimumf %min3A_1483, %get3A_1558 : vector<16xf32>
        %get3A_1564 = arith.index_cast %add3A_1554 : i32 to index
        %get3A_1565 = arith.constant 16 : index
        %get3A_1566 = tpu.vector_load %arg10[%get3A_1564, %get3A_1565] {strides = array<i32>} : memref<320x128xf32, #tpu.memory_space<vmem>>, vector<1x16xf32>,
        %get3A_1567 = vector.shape_cast %get3A_1566 : vector<1x16xf32> to vector<16xf32>
        %add3A_1568 = arith.addf %add3A_1488, %get3A_1567 : vector<16xf32>
        %mul3A_1569 = arith.mulf %get3A_1567, %get3A_1567 : vector<16xf32>
        %add3A_1570 = arith.addf %add3A_1490, %mul3A_1569 : vector<16xf32>
        %max3A_1571 = arith.maximumf %max3A_1491, %get3A_1567 : vector<16xf32>
        %min3A_1572 = arith.minimumf %min3A_1492, %get3A_1567 : vector<16xf32>
        %get3A_1573 = arith.index_cast %add3A_1554 : i32 to index
        %get3A_1574 = arith.constant 32 : index
        %get3A_1575 = tpu.vector_load %arg10[%get3A_1573, %get3A_1574] {strides = array<i32>} : memref<320x128xf32, #tpu.memory_space<vmem>>, vector<1x16xf32>,
        %get3A_1576 = vector.shape_cast %get3A_1575 : vector<1x16xf32> to vector<16xf32>
        %add3A_1577 = arith.addf %add3A_1497, %get3A_1576 : vector<16xf32>
        %mul3A_1578 = arith.mulf %get3A_1576, %get3A_1576 : vector<16xf32>
        %add3A_1579 = arith.addf %add3A_1499, %mul3A_1578 : vector<16xf32>
        %max3A_1580 = arith.maximumf %max3A_1500, %get3A_1576 : vector<16xf32>
        %min3A_1581 = arith.minimumf %min3A_1501, %get3A_1576 : vector<16xf32>
        %get3A_1582 = arith.index_cast %add3A_1554 : i32 to index
        %get3A_1583 = arith.constant 48 : index
        %get3A_1584 = tpu.vector_load %arg10[%get3A_1582, %get3A_1583] {strides = array<i32>} : memref<320x128xf32, #tpu.memory_space<vmem>>, vector<1x16xf32>,
        %get3A_1585 = vector.shape_cast %get3A_1584 : vector<1x16xf32> to vector<16xf32>
        %add3A_1586 = arith.addf %add3A_1506, %get3A_1585 : vector<16xf32>
        %mul3A_1587 = arith.mulf %get3A_1585, %get3A_1585 : vector<16xf32>
        %add3A_1588 = arith.addf %add3A_1508, %mul3A_1587 : vector<16xf32>
        %max3A_1589 = arith.maximumf %max3A_1509, %get3A_1585 : vector<16xf32>
        %min3A_1590 = arith.minimumf %min3A_1510, %get3A_1585 : vector<16xf32>
        %mul3A_1591 = arith.constant 20 : i32
        %mul3A_1592 = arith.muli %add3A_273, %mul3A_1591 : i32
        %add3A_1593 = arith.constant 16 : i32
        %add3A_1594 = arith.addi %mul3A_1592, %add3A_1593 : i32
        %get3A_1595 = arith.index_cast %add3A_1594 : i32 to index
        %get3A_1596 = arith.constant 0 : index
        %get3A_1597 = tpu.vector_load %arg10[%get3A_1595, %get3A_1596] {strides = array<i32>} : memref<320x128xf32, #tpu.memory_space<vmem>>, vector<1x16xf32>,
        %get3A_1598 = vector.shape_cast %get3A_1597 : vector<1x16xf32> to vector<16xf32>
        %add3A_1599 = arith.addf %add3A_1519, %get3A_1598 : vector<16xf32>
        %mul3A_1600 = arith.mulf %get3A_1598, %get3A_1598 : vector<16xf32>
        %add3A_1601 = arith.addf %add3A_1521, %mul3A_1600 : vector<16xf32>
        %max3A_1602 = arith.maximumf %max3A_1522, %get3A_1598 : vector<16xf32>
        %min3A_1603 = arith.minimumf %min3A_1523, %get3A_1598 : vector<16xf32>
        %get3A_1604 = arith.index_cast %add3A_1594 : i32 to index
        %get3A_1605 = arith.constant 16 : index
        %get3A_1606 = tpu.vector_load %arg10[%get3A_1604, %get3A_1605] {strides = array<i32>} : memref<320x128xf32, #tpu.memory_space<vmem>>, vector<1x16xf32>,
        %get3A_1607 = vector.shape_cast %get3A_1606 : vector<1x16xf32> to vector<16xf32>
        %add3A_1608 = arith.addf %add3A_1528, %get3A_1607 : vector<16xf32>
        %mul3A_1609 = arith.mulf %get3A_1607, %get3A_1607 : vector<16xf32>
        %add3A_1610 = arith.addf %add3A_1530, %mul3A_1609 : vector<16xf32>
        %max3A_1611 = arith.maximumf %max3A_1531, %get3A_1607 : vector<16xf32>
        %min3A_1612 = arith.minimumf %min3A_1532, %get3A_1607 : vector<16xf32>
        %get3A_1613 = arith.index_cast %add3A_1594 : i32 to index
        %get3A_1614 = arith.constant 32 : index
        %get3A_1615 = tpu.vector_load %arg10[%get3A_1613, %get3A_1614] {strides = array<i32>} : memref<320x128xf32, #tpu.memory_space<vmem>>, vector<1x16xf32>,
        %get3A_1616 = vector.shape_cast %get3A_1615 : vector<1x16xf32> to vector<16xf32>
        %add3A_1617 = arith.addf %add3A_1537, %get3A_1616 : vector<16xf32>
        %mul3A_1618 = arith.mulf %get3A_1616, %get3A_1616 : vector<16xf32>
        %add3A_1619 = arith.addf %add3A_1539, %mul3A_1618 : vector<16xf32>
        %max3A_1620 = arith.maximumf %max3A_1540, %get3A_1616 : vector<16xf32>
        %min3A_1621 = arith.minimumf %min3A_1541, %get3A_1616 : vector<16xf32>
        %get3A_1622 = arith.index_cast %add3A_1594 : i32 to index
        %get3A_1623 = arith.constant 48 : index
        %get3A_1624 = tpu.vector_load %arg10[%get3A_1622, %get3A_1623] {strides = array<i32>} : memref<320x128xf32, #tpu.memory_space<vmem>>, vector<1x16xf32>,
        %get3A_1625 = vector.shape_cast %get3A_1624 : vector<1x16xf32> to vector<16xf32>
        %add3A_1626 = arith.addf %add3A_1546, %get3A_1625 : vector<16xf32>
        %mul3A_1627 = arith.mulf %get3A_1625, %get3A_1625 : vector<16xf32>
        %add3A_1628 = arith.addf %add3A_1548, %mul3A_1627 : vector<16xf32>
        %max3A_1629 = arith.maximumf %max3A_1549, %get3A_1625 : vector<16xf32>
        %min3A_1630 = arith.minimumf %min3A_1550, %get3A_1625 : vector<16xf32>
        %mul3A_1631 = arith.constant 20 : i32
        %mul3A_1632 = arith.muli %mul3A_269, %mul3A_1631 : i32
        %add3A_1633 = arith.constant 17 : i32
        %add3A_1634 = arith.addi %mul3A_1632, %add3A_1633 : i32
        %get3A_1635 = arith.index_cast %add3A_1634 : i32 to index
        %get3A_1636 = arith.constant 0 : index
        %get3A_1637 = tpu.vector_load %arg10[%get3A_1635, %get3A_1636] {strides = array<i32>} : memref<320x128xf32, #tpu.memory_space<vmem>>, vector<1x16xf32>,
        %get3A_1638 = vector.shape_cast %get3A_1637 : vector<1x16xf32> to vector<16xf32>
        %add3A_1639 = arith.addf %add3A_1559, %get3A_1638 : vector<16xf32>
        %mul3A_1640 = arith.mulf %get3A_1638, %get3A_1638 : vector<16xf32>
        %add3A_1641 = arith.addf %add3A_1561, %mul3A_1640 : vector<16xf32>
        %max3A_1642 = arith.maximumf %max3A_1562, %get3A_1638 : vector<16xf32>
        %min3A_1643 = arith.minimumf %min3A_1563, %get3A_1638 : vector<16xf32>
        %get3A_1644 = arith.index_cast %add3A_1634 : i32 to index
        %get3A_1645 = arith.constant 16 : index
        %get3A_1646 = tpu.vector_load %arg10[%get3A_1644, %get3A_1645] {strides = array<i32>} : memref<320x128xf32, #tpu.memory_space<vmem>>, vector<1x16xf32>,
        %get3A_1647 = vector.shape_cast %get3A_1646 : vector<1x16xf32> to vector<16xf32>
        %add3A_1648 = arith.addf %add3A_1568, %get3A_1647 : vector<16xf32>
        %mul3A_1649 = arith.mulf %get3A_1647, %get3A_1647 : vector<16xf32>
        %add3A_1650 = arith.addf %add3A_1570, %mul3A_1649 : vector<16xf32>
        %max3A_1651 = arith.maximumf %max3A_1571, %get3A_1647 : vector<16xf32>
        %min3A_1652 = arith.minimumf %min3A_1572, %get3A_1647 : vector<16xf32>
        %get3A_1653 = arith.index_cast %add3A_1634 : i32 to index
        %get3A_1654 = arith.constant 32 : index
        %get3A_1655 = tpu.vector_load %arg10[%get3A_1653, %get3A_1654] {strides = array<i32>} : memref<320x128xf32, #tpu.memory_space<vmem>>, vector<1x16xf32>,
        %get3A_1656 = vector.shape_cast %get3A_1655 : vector<1x16xf32> to vector<16xf32>
        %add3A_1657 = arith.addf %add3A_1577, %get3A_1656 : vector<16xf32>
        %mul3A_1658 = arith.mulf %get3A_1656, %get3A_1656 : vector<16xf32>
        %add3A_1659 = arith.addf %add3A_1579, %mul3A_1658 : vector<16xf32>
        %max3A_1660 = arith.maximumf %max3A_1580, %get3A_1656 : vector<16xf32>
        %min3A_1661 = arith.minimumf %min3A_1581, %get3A_1656 : vector<16xf32>
        %get3A_1662 = arith.index_cast %add3A_1634 : i32 to index
        %get3A_1663 = arith.constant 48 : index
        %get3A_1664 = tpu.vector_load %arg10[%get3A_1662, %get3A_1663] {strides = array<i32>} : memref<320x128xf32, #tpu.memory_space<vmem>>, vector<1x16xf32>,
        %get3A_1665 = vector.shape_cast %get3A_1664 : vector<1x16xf32> to vector<16xf32>
        %add3A_1666 = arith.addf %add3A_1586, %get3A_1665 : vector<16xf32>
        %mul3A_1667 = arith.mulf %get3A_1665, %get3A_1665 : vector<16xf32>
        %add3A_1668 = arith.addf %add3A_1588, %mul3A_1667 : vector<16xf32>
        %max3A_1669 = arith.maximumf %max3A_1589, %get3A_1665 : vector<16xf32>
        %min3A_1670 = arith.minimumf %min3A_1590, %get3A_1665 : vector<16xf32>
        %mul3A_1671 = arith.constant 20 : i32
        %mul3A_1672 = arith.muli %add3A_273, %mul3A_1671 : i32
        %add3A_1673 = arith.constant 17 : i32
        %add3A_1674 = arith.addi %mul3A_1672, %add3A_1673 : i32
        %get3A_1675 = arith.index_cast %add3A_1674 : i32 to index
        %get3A_1676 = arith.constant 0 : index
        %get3A_1677 = tpu.vector_load %arg10[%get3A_1675, %get3A_1676] {strides = array<i32>} : memref<320x128xf32, #tpu.memory_space<vmem>>, vector<1x16xf32>,
        %get3A_1678 = vector.shape_cast %get3A_1677 : vector<1x16xf32> to vector<16xf32>
        %add3A_1679 = arith.addf %add3A_1599, %get3A_1678 : vector<16xf32>
        %mul3A_1680 = arith.mulf %get3A_1678, %get3A_1678 : vector<16xf32>
        %add3A_1681 = arith.addf %add3A_1601, %mul3A_1680 : vector<16xf32>
        %max3A_1682 = arith.maximumf %max3A_1602, %get3A_1678 : vector<16xf32>
        %min3A_1683 = arith.minimumf %min3A_1603, %get3A_1678 : vector<16xf32>
        %get3A_1684 = arith.index_cast %add3A_1674 : i32 to index
        %get3A_1685 = arith.constant 16 : index
        %get3A_1686 = tpu.vector_load %arg10[%get3A_1684, %get3A_1685] {strides = array<i32>} : memref<320x128xf32, #tpu.memory_space<vmem>>, vector<1x16xf32>,
        %get3A_1687 = vector.shape_cast %get3A_1686 : vector<1x16xf32> to vector<16xf32>
        %add3A_1688 = arith.addf %add3A_1608, %get3A_1687 : vector<16xf32>
        %mul3A_1689 = arith.mulf %get3A_1687, %get3A_1687 : vector<16xf32>
        %add3A_1690 = arith.addf %add3A_1610, %mul3A_1689 : vector<16xf32>
        %max3A_1691 = arith.maximumf %max3A_1611, %get3A_1687 : vector<16xf32>
        %min3A_1692 = arith.minimumf %min3A_1612, %get3A_1687 : vector<16xf32>
        %get3A_1693 = arith.index_cast %add3A_1674 : i32 to index
        %get3A_1694 = arith.constant 32 : index
        %get3A_1695 = tpu.vector_load %arg10[%get3A_1693, %get3A_1694] {strides = array<i32>} : memref<320x128xf32, #tpu.memory_space<vmem>>, vector<1x16xf32>,
        %get3A_1696 = vector.shape_cast %get3A_1695 : vector<1x16xf32> to vector<16xf32>
        %add3A_1697 = arith.addf %add3A_1617, %get3A_1696 : vector<16xf32>
        %mul3A_1698 = arith.mulf %get3A_1696, %get3A_1696 : vector<16xf32>
        %add3A_1699 = arith.addf %add3A_1619, %mul3A_1698 : vector<16xf32>
        %max3A_1700 = arith.maximumf %max3A_1620, %get3A_1696 : vector<16xf32>
        %min3A_1701 = arith.minimumf %min3A_1621, %get3A_1696 : vector<16xf32>
        %get3A_1702 = arith.index_cast %add3A_1674 : i32 to index
        %get3A_1703 = arith.constant 48 : index
        %get3A_1704 = tpu.vector_load %arg10[%get3A_1702, %get3A_1703] {strides = array<i32>} : memref<320x128xf32, #tpu.memory_space<vmem>>, vector<1x16xf32>,
        %get3A_1705 = vector.shape_cast %get3A_1704 : vector<1x16xf32> to vector<16xf32>
        %add3A_1706 = arith.addf %add3A_1626, %get3A_1705 : vector<16xf32>
        %mul3A_1707 = arith.mulf %get3A_1705, %get3A_1705 : vector<16xf32>
        %add3A_1708 = arith.addf %add3A_1628, %mul3A_1707 : vector<16xf32>
        %max3A_1709 = arith.maximumf %max3A_1629, %get3A_1705 : vector<16xf32>
        %min3A_1710 = arith.minimumf %min3A_1630, %get3A_1705 : vector<16xf32>
        %mul3A_1711 = arith.constant 20 : i32
        %mul3A_1712 = arith.muli %mul3A_269, %mul3A_1711 : i32
        %add3A_1713 = arith.constant 18 : i32
        %add3A_1714 = arith.addi %mul3A_1712, %add3A_1713 : i32
        %get3A_1715 = arith.index_cast %add3A_1714 : i32 to index
        %get3A_1716 = arith.constant 0 : index
        %get3A_1717 = tpu.vector_load %arg10[%get3A_1715, %get3A_1716] {strides = array<i32>} : memref<320x128xf32, #tpu.memory_space<vmem>>, vector<1x16xf32>,
        %get3A_1718 = vector.shape_cast %get3A_1717 : vector<1x16xf32> to vector<16xf32>
        %add3A_1719 = arith.addf %add3A_1639, %get3A_1718 : vector<16xf32>
        %mul3A_1720 = arith.mulf %get3A_1718, %get3A_1718 : vector<16xf32>
        %add3A_1721 = arith.addf %add3A_1641, %mul3A_1720 : vector<16xf32>
        %max3A_1722 = arith.maximumf %max3A_1642, %get3A_1718 : vector<16xf32>
        %min3A_1723 = arith.minimumf %min3A_1643, %get3A_1718 : vector<16xf32>
        %get3A_1724 = arith.index_cast %add3A_1714 : i32 to index
        %get3A_1725 = arith.constant 16 : index
        %get3A_1726 = tpu.vector_load %arg10[%get3A_1724, %get3A_1725] {strides = array<i32>} : memref<320x128xf32, #tpu.memory_space<vmem>>, vector<1x16xf32>,
        %get3A_1727 = vector.shape_cast %get3A_1726 : vector<1x16xf32> to vector<16xf32>
        %add3A_1728 = arith.addf %add3A_1648, %get3A_1727 : vector<16xf32>
        %mul3A_1729 = arith.mulf %get3A_1727, %get3A_1727 : vector<16xf32>
        %add3A_1730 = arith.addf %add3A_1650, %mul3A_1729 : vector<16xf32>
        %max3A_1731 = arith.maximumf %max3A_1651, %get3A_1727 : vector<16xf32>
        %min3A_1732 = arith.minimumf %min3A_1652, %get3A_1727 : vector<16xf32>
        %get3A_1733 = arith.index_cast %add3A_1714 : i32 to index
        %get3A_1734 = arith.constant 32 : index
        %get3A_1735 = tpu.vector_load %arg10[%get3A_1733, %get3A_1734] {strides = array<i32>} : memref<320x128xf32, #tpu.memory_space<vmem>>, vector<1x16xf32>,
        %get3A_1736 = vector.shape_cast %get3A_1735 : vector<1x16xf32> to vector<16xf32>
        %add3A_1737 = arith.addf %add3A_1657, %get3A_1736 : vector<16xf32>
        %mul3A_1738 = arith.mulf %get3A_1736, %get3A_1736 : vector<16xf32>
        %add3A_1739 = arith.addf %add3A_1659, %mul3A_1738 : vector<16xf32>
        %max3A_1740 = arith.maximumf %max3A_1660, %get3A_1736 : vector<16xf32>
        %min3A_1741 = arith.minimumf %min3A_1661, %get3A_1736 : vector<16xf32>
        %get3A_1742 = arith.index_cast %add3A_1714 : i32 to index
        %get3A_1743 = arith.constant 48 : index
        %get3A_1744 = tpu.vector_load %arg10[%get3A_1742, %get3A_1743] {strides = array<i32>} : memref<320x128xf32, #tpu.memory_space<vmem>>, vector<1x16xf32>,
        %get3A_1745 = vector.shape_cast %get3A_1744 : vector<1x16xf32> to vector<16xf32>
        %add3A_1746 = arith.addf %add3A_1666, %get3A_1745 : vector<16xf32>
        %mul3A_1747 = arith.mulf %get3A_1745, %get3A_1745 : vector<16xf32>
        %add3A_1748 = arith.addf %add3A_1668, %mul3A_1747 : vector<16xf32>
        %max3A_1749 = arith.maximumf %max3A_1669, %get3A_1745 : vector<16xf32>
        %min3A_1750 = arith.minimumf %min3A_1670, %get3A_1745 : vector<16xf32>
        %mul3A_1751 = arith.constant 20 : i32
        %mul3A_1752 = arith.muli %add3A_273, %mul3A_1751 : i32
        %add3A_1753 = arith.constant 18 : i32
        %add3A_1754 = arith.addi %mul3A_1752, %add3A_1753 : i32
        %get3A_1755 = arith.index_cast %add3A_1754 : i32 to index
        %get3A_1756 = arith.constant 0 : index
        %get3A_1757 = tpu.vector_load %arg10[%get3A_1755, %get3A_1756] {strides = array<i32>} : memref<320x128xf32, #tpu.memory_space<vmem>>, vector<1x16xf32>,
        %get3A_1758 = vector.shape_cast %get3A_1757 : vector<1x16xf32> to vector<16xf32>
        %add3A_1759 = arith.addf %add3A_1679, %get3A_1758 : vector<16xf32>
        %mul3A_1760 = arith.mulf %get3A_1758, %get3A_1758 : vector<16xf32>
        %add3A_1761 = arith.addf %add3A_1681, %mul3A_1760 : vector<16xf32>
        %max3A_1762 = arith.maximumf %max3A_1682, %get3A_1758 : vector<16xf32>
        %min3A_1763 = arith.minimumf %min3A_1683, %get3A_1758 : vector<16xf32>
        %get3A_1764 = arith.index_cast %add3A_1754 : i32 to index
        %get3A_1765 = arith.constant 16 : index
        %get3A_1766 = tpu.vector_load %arg10[%get3A_1764, %get3A_1765] {strides = array<i32>} : memref<320x128xf32, #tpu.memory_space<vmem>>, vector<1x16xf32>,
        %get3A_1767 = vector.shape_cast %get3A_1766 : vector<1x16xf32> to vector<16xf32>
        %add3A_1768 = arith.addf %add3A_1688, %get3A_1767 : vector<16xf32>
        %mul3A_1769 = arith.mulf %get3A_1767, %get3A_1767 : vector<16xf32>
        %add3A_1770 = arith.addf %add3A_1690, %mul3A_1769 : vector<16xf32>
        %max3A_1771 = arith.maximumf %max3A_1691, %get3A_1767 : vector<16xf32>
        %min3A_1772 = arith.minimumf %min3A_1692, %get3A_1767 : vector<16xf32>
        %get3A_1773 = arith.index_cast %add3A_1754 : i32 to index
        %get3A_1774 = arith.constant 32 : index
        %get3A_1775 = tpu.vector_load %arg10[%get3A_1773, %get3A_1774] {strides = array<i32>} : memref<320x128xf32, #tpu.memory_space<vmem>>, vector<1x16xf32>,
        %get3A_1776 = vector.shape_cast %get3A_1775 : vector<1x16xf32> to vector<16xf32>
        %add3A_1777 = arith.addf %add3A_1697, %get3A_1776 : vector<16xf32>
        %mul3A_1778 = arith.mulf %get3A_1776, %get3A_1776 : vector<16xf32>
        %add3A_1779 = arith.addf %add3A_1699, %mul3A_1778 : vector<16xf32>
        %max3A_1780 = arith.maximumf %max3A_1700, %get3A_1776 : vector<16xf32>
        %min3A_1781 = arith.minimumf %min3A_1701, %get3A_1776 : vector<16xf32>
        %get3A_1782 = arith.index_cast %add3A_1754 : i32 to index
        %get3A_1783 = arith.constant 48 : index
        %get3A_1784 = tpu.vector_load %arg10[%get3A_1782, %get3A_1783] {strides = array<i32>} : memref<320x128xf32, #tpu.memory_space<vmem>>, vector<1x16xf32>,
        %get3A_1785 = vector.shape_cast %get3A_1784 : vector<1x16xf32> to vector<16xf32>
        %add3A_1786 = arith.addf %add3A_1706, %get3A_1785 : vector<16xf32>
        %mul3A_1787 = arith.mulf %get3A_1785, %get3A_1785 : vector<16xf32>
        %add3A_1788 = arith.addf %add3A_1708, %mul3A_1787 : vector<16xf32>
        %max3A_1789 = arith.maximumf %max3A_1709, %get3A_1785 : vector<16xf32>
        %min3A_1790 = arith.minimumf %min3A_1710, %get3A_1785 : vector<16xf32>
        %mul3A_1791 = arith.constant 20 : i32
        %mul3A_1792 = arith.muli %mul3A_269, %mul3A_1791 : i32
        %add3A_1793 = arith.constant 19 : i32
        %add3A_1794 = arith.addi %mul3A_1792, %add3A_1793 : i32
        %get3A_1795 = arith.index_cast %add3A_1794 : i32 to index
        %get3A_1796 = arith.constant 0 : index
        %get3A_1797 = tpu.vector_load %arg10[%get3A_1795, %get3A_1796] {strides = array<i32>} : memref<320x128xf32, #tpu.memory_space<vmem>>, vector<1x16xf32>,
        %get3A_1798 = vector.shape_cast %get3A_1797 : vector<1x16xf32> to vector<16xf32>
        %add3A_1799 = arith.addf %add3A_1719, %get3A_1798 : vector<16xf32>
        %mul3A_1800 = arith.mulf %get3A_1798, %get3A_1798 : vector<16xf32>
        %add3A_1801 = arith.addf %add3A_1721, %mul3A_1800 : vector<16xf32>
        %max3A_1802 = arith.maximumf %max3A_1722, %get3A_1798 : vector<16xf32>
        %min3A_1803 = arith.minimumf %min3A_1723, %get3A_1798 : vector<16xf32>
        %get3A_1804 = arith.index_cast %add3A_1794 : i32 to index
        %get3A_1805 = arith.constant 16 : index
        %get3A_1806 = tpu.vector_load %arg10[%get3A_1804, %get3A_1805] {strides = array<i32>} : memref<320x128xf32, #tpu.memory_space<vmem>>, vector<1x16xf32>,
        %get3A_1807 = vector.shape_cast %get3A_1806 : vector<1x16xf32> to vector<16xf32>
        %add3A_1808 = arith.addf %add3A_1728, %get3A_1807 : vector<16xf32>
        %mul3A_1809 = arith.mulf %get3A_1807, %get3A_1807 : vector<16xf32>
        %add3A_1810 = arith.addf %add3A_1730, %mul3A_1809 : vector<16xf32>
        %max3A_1811 = arith.maximumf %max3A_1731, %get3A_1807 : vector<16xf32>
        %min3A_1812 = arith.minimumf %min3A_1732, %get3A_1807 : vector<16xf32>
        %get3A_1813 = arith.index_cast %add3A_1794 : i32 to index
        %get3A_1814 = arith.constant 32 : index
        %get3A_1815 = tpu.vector_load %arg10[%get3A_1813, %get3A_1814] {strides = array<i32>} : memref<320x128xf32, #tpu.memory_space<vmem>>, vector<1x16xf32>,
        %get3A_1816 = vector.shape_cast %get3A_1815 : vector<1x16xf32> to vector<16xf32>
        %add3A_1817 = arith.addf %add3A_1737, %get3A_1816 : vector<16xf32>
        %mul3A_1818 = arith.mulf %get3A_1816, %get3A_1816 : vector<16xf32>
        %add3A_1819 = arith.addf %add3A_1739, %mul3A_1818 : vector<16xf32>
        %max3A_1820 = arith.maximumf %max3A_1740, %get3A_1816 : vector<16xf32>
        %min3A_1821 = arith.minimumf %min3A_1741, %get3A_1816 : vector<16xf32>
        %get3A_1822 = arith.index_cast %add3A_1794 : i32 to index
        %get3A_1823 = arith.constant 48 : index
        %get3A_1824 = tpu.vector_load %arg10[%get3A_1822, %get3A_1823] {strides = array<i32>} : memref<320x128xf32, #tpu.memory_space<vmem>>, vector<1x16xf32>,
        %get3A_1825 = vector.shape_cast %get3A_1824 : vector<1x16xf32> to vector<16xf32>
        %add3A_1826 = arith.addf %add3A_1746, %get3A_1825 : vector<16xf32>
        %mul3A_1827 = arith.mulf %get3A_1825, %get3A_1825 : vector<16xf32>
        %add3A_1828 = arith.addf %add3A_1748, %mul3A_1827 : vector<16xf32>
        %max3A_1829 = arith.maximumf %max3A_1749, %get3A_1825 : vector<16xf32>
        %min3A_1830 = arith.minimumf %min3A_1750, %get3A_1825 : vector<16xf32>
        %mul3A_1831 = arith.constant 20 : i32
        %mul3A_1832 = arith.muli %add3A_273, %mul3A_1831 : i32
        %add3A_1833 = arith.constant 19 : i32
        %add3A_1834 = arith.addi %mul3A_1832, %add3A_1833 : i32
        %get3A_1835 = arith.index_cast %add3A_1834 : i32 to index
        %get3A_1836 = arith.constant 0 : index
        %get3A_1837 = tpu.vector_load %arg10[%get3A_1835, %get3A_1836] {strides = array<i32>} : memref<320x128xf32, #tpu.memory_space<vmem>>, vector<1x16xf32>,
        %get3A_1838 = vector.shape_cast %get3A_1837 : vector<1x16xf32> to vector<16xf32>
        %add3A_1839 = arith.addf %add3A_1759, %get3A_1838 : vector<16xf32>
        %mul3A_1840 = arith.mulf %get3A_1838, %get3A_1838 : vector<16xf32>
        %add3A_1841 = arith.addf %add3A_1761, %mul3A_1840 : vector<16xf32>
        %max3A_1842 = arith.maximumf %max3A_1762, %get3A_1838 : vector<16xf32>
        %min3A_1843 = arith.minimumf %min3A_1763, %get3A_1838 : vector<16xf32>
        %get3A_1844 = arith.index_cast %add3A_1834 : i32 to index
        %get3A_1845 = arith.constant 16 : index
        %get3A_1846 = tpu.vector_load %arg10[%get3A_1844, %get3A_1845] {strides = array<i32>} : memref<320x128xf32, #tpu.memory_space<vmem>>, vector<1x16xf32>,
        %get3A_1847 = vector.shape_cast %get3A_1846 : vector<1x16xf32> to vector<16xf32>
        %add3A_1848 = arith.addf %add3A_1768, %get3A_1847 : vector<16xf32>
        %mul3A_1849 = arith.mulf %get3A_1847, %get3A_1847 : vector<16xf32>
        %add3A_1850 = arith.addf %add3A_1770, %mul3A_1849 : vector<16xf32>
        %max3A_1851 = arith.maximumf %max3A_1771, %get3A_1847 : vector<16xf32>
        %min3A_1852 = arith.minimumf %min3A_1772, %get3A_1847 : vector<16xf32>
        %get3A_1853 = arith.index_cast %add3A_1834 : i32 to index
        %get3A_1854 = arith.constant 32 : index
        %get3A_1855 = tpu.vector_load %arg10[%get3A_1853, %get3A_1854] {strides = array<i32>} : memref<320x128xf32, #tpu.memory_space<vmem>>, vector<1x16xf32>,
        %get3A_1856 = vector.shape_cast %get3A_1855 : vector<1x16xf32> to vector<16xf32>
        %add3A_1857 = arith.addf %add3A_1777, %get3A_1856 : vector<16xf32>
        %mul3A_1858 = arith.mulf %get3A_1856, %get3A_1856 : vector<16xf32>
        %add3A_1859 = arith.addf %add3A_1779, %mul3A_1858 : vector<16xf32>
        %max3A_1860 = arith.maximumf %max3A_1780, %get3A_1856 : vector<16xf32>
        %min3A_1861 = arith.minimumf %min3A_1781, %get3A_1856 : vector<16xf32>
        %get3A_1862 = arith.index_cast %add3A_1834 : i32 to index
        %get3A_1863 = arith.constant 48 : index
        %get3A_1864 = tpu.vector_load %arg10[%get3A_1862, %get3A_1863] {strides = array<i32>} : memref<320x128xf32, #tpu.memory_space<vmem>>, vector<1x16xf32>,
        %get3A_1865 = vector.shape_cast %get3A_1864 : vector<1x16xf32> to vector<16xf32>
        %add3A_1866 = arith.addf %add3A_1786, %get3A_1865 : vector<16xf32>
        %mul3A_1867 = arith.mulf %get3A_1865, %get3A_1865 : vector<16xf32>
        %add3A_1868 = arith.addf %add3A_1788, %mul3A_1867 : vector<16xf32>
        %max3A_1869 = arith.maximumf %max3A_1789, %get3A_1865 : vector<16xf32>
        %min3A_1870 = arith.minimumf %min3A_1790, %get3A_1865 : vector<16xf32>
        %swap3A_1871 = arith.index_cast %mul3A_269 : i32 to index
        %swap3A_1872 = arith.constant 0 : index
        %swap3A_1873 = tpu.vector_load %arg14[%swap3A_1871, %swap3A_1872] {strides = array<i32>} : memref<16x64xf32, #tpu.memory_space<vmem>>, vector<1x16xf32>,
        %swap3A_1874 = vector.shape_cast %swap3A_1873 : vector<1x16xf32> to vector<16xf32>
        %swap3A_1875 = vector.shape_cast %max3A_1802 : vector<16xf32> to vector<1x16xf32>
        tpu.vector_store %arg14[%swap3A_1871, %swap3A_1872], %swap3A_1875 {strides = array<i32>} : memref<16x64xf32, #tpu.memory_space<vmem>>, vector<1x16xf32>,
        %swap3A_1876 = arith.index_cast %mul3A_269 : i32 to index
        %swap3A_1877 = arith.constant 0 : index
        %swap3A_1878 = tpu.vector_load %arg15[%swap3A_1876, %swap3A_1877] {strides = array<i32>} : memref<16x64xf32, #tpu.memory_space<vmem>>, vector<1x16xf32>,
        %swap3A_1879 = vector.shape_cast %swap3A_1878 : vector<1x16xf32> to vector<16xf32>
        %swap3A_1880 = vector.shape_cast %min3A_1803 : vector<16xf32> to vector<1x16xf32>
        tpu.vector_store %arg15[%swap3A_1876, %swap3A_1877], %swap3A_1880 {strides = array<i32>} : memref<16x64xf32, #tpu.memory_space<vmem>>, vector<1x16xf32>,
        %get3A_1881 = arith.index_cast %mul3A_269 : i32 to index
        %get3A_1882 = arith.constant 0 : index
        %get3A_1883 = tpu.vector_load %arg12[%get3A_1881, %get3A_1882] {strides = array<i32>} : memref<16x64xf32, #tpu.memory_space<vmem>>, vector<1x16xf32>,
        %get3A_1884 = vector.shape_cast %get3A_1883 : vector<1x16xf32> to vector<16xf32>
        %mul3A_1885 = vector.broadcast %scan3A : f32 to vector<16xf32>
        %mul3A_1886 = arith.mulf %mul3A_1885, %get3A_1884 : vector<16xf32>
        %add3A_1887 = arith.addf %scan3A_260, %mul3A_1886 : vector<16xf32>
        %add3A_1888 = arith.addf %add3A_1887, %add3A_1799 : vector<16xf32>
        %mul3A_1889 = vector.broadcast %scan3A : f32 to vector<16xf32>
        %mul3A_1890 = arith.mulf %mul3A_1889, %get3A_1884 : vector<16xf32>
        %mul3A_1891 = arith.mulf %mul3A_1890, %get3A_1884 : vector<16xf32>
        %add3A_1892 = arith.addf %scan3A_264, %mul3A_1891 : vector<16xf32>
        %mul3A_1893 = arith.constant 2.000000e+00 : f32
        %mul3A_1894 = vector.broadcast %mul3A_1893 : f32 to vector<16xf32>
        %mul3A_1895 = arith.mulf %mul3A_1894, %get3A_1884 : vector<16xf32>
        %mul3A_1896 = arith.mulf %mul3A_1895, %add3A_1799 : vector<16xf32>
        %add3A_1897 = arith.addf %add3A_1892, %mul3A_1896 : vector<16xf32>
        %add3A_1898 = arith.addf %add3A_1897, %add3A_1801 : vector<16xf32>
        %swap3A_1899 = arith.index_cast %mul3A_269 : i32 to index
        %swap3A_1900 = arith.constant 16 : index
        %swap3A_1901 = tpu.vector_load %arg14[%swap3A_1899, %swap3A_1900] {strides = array<i32>} : memref<16x64xf32, #tpu.memory_space<vmem>>, vector<1x16xf32>,
        %swap3A_1902 = vector.shape_cast %swap3A_1901 : vector<1x16xf32> to vector<16xf32>
        %swap3A_1903 = vector.shape_cast %max3A_1811 : vector<16xf32> to vector<1x16xf32>
        tpu.vector_store %arg14[%swap3A_1899, %swap3A_1900], %swap3A_1903 {strides = array<i32>} : memref<16x64xf32, #tpu.memory_space<vmem>>, vector<1x16xf32>,
        %swap3A_1904 = arith.index_cast %mul3A_269 : i32 to index
        %swap3A_1905 = arith.constant 16 : index
        %swap3A_1906 = tpu.vector_load %arg15[%swap3A_1904, %swap3A_1905] {strides = array<i32>} : memref<16x64xf32, #tpu.memory_space<vmem>>, vector<1x16xf32>,
        %swap3A_1907 = vector.shape_cast %swap3A_1906 : vector<1x16xf32> to vector<16xf32>
        %swap3A_1908 = vector.shape_cast %min3A_1812 : vector<16xf32> to vector<1x16xf32>
        tpu.vector_store %arg15[%swap3A_1904, %swap3A_1905], %swap3A_1908 {strides = array<i32>} : memref<16x64xf32, #tpu.memory_space<vmem>>, vector<1x16xf32>,
        %get3A_1909 = arith.index_cast %mul3A_269 : i32 to index
        %get3A_1910 = arith.constant 16 : index
        %get3A_1911 = tpu.vector_load %arg12[%get3A_1909, %get3A_1910] {strides = array<i32>} : memref<16x64xf32, #tpu.memory_space<vmem>>, vector<1x16xf32>,
        %get3A_1912 = vector.shape_cast %get3A_1911 : vector<1x16xf32> to vector<16xf32>
        %mul3A_1913 = vector.broadcast %scan3A : f32 to vector<16xf32>
        %mul3A_1914 = arith.mulf %mul3A_1913, %get3A_1912 : vector<16xf32>
        %add3A_1915 = arith.addf %scan3A_261, %mul3A_1914 : vector<16xf32>
        %add3A_1916 = arith.addf %add3A_1915, %add3A_1808 : vector<16xf32>
        %mul3A_1917 = vector.broadcast %scan3A : f32 to vector<16xf32>
        %mul3A_1918 = arith.mulf %mul3A_1917, %get3A_1912 : vector<16xf32>
        %mul3A_1919 = arith.mulf %mul3A_1918, %get3A_1912 : vector<16xf32>
        %add3A_1920 = arith.addf %scan3A_265, %mul3A_1919 : vector<16xf32>
        %mul3A_1921 = arith.constant 2.000000e+00 : f32
        %mul3A_1922 = vector.broadcast %mul3A_1921 : f32 to vector<16xf32>
        %mul3A_1923 = arith.mulf %mul3A_1922, %get3A_1912 : vector<16xf32>
        %mul3A_1924 = arith.mulf %mul3A_1923, %add3A_1808 : vector<16xf32>
        %add3A_1925 = arith.addf %add3A_1920, %mul3A_1924 : vector<16xf32>
        %add3A_1926 = arith.addf %add3A_1925, %add3A_1810 : vector<16xf32>
        %swap3A_1927 = arith.index_cast %mul3A_269 : i32 to index
        %swap3A_1928 = arith.constant 32 : index
        %swap3A_1929 = tpu.vector_load %arg14[%swap3A_1927, %swap3A_1928] {strides = array<i32>} : memref<16x64xf32, #tpu.memory_space<vmem>>, vector<1x16xf32>,
        %swap3A_1930 = vector.shape_cast %swap3A_1929 : vector<1x16xf32> to vector<16xf32>
        %swap3A_1931 = vector.shape_cast %max3A_1820 : vector<16xf32> to vector<1x16xf32>
        tpu.vector_store %arg14[%swap3A_1927, %swap3A_1928], %swap3A_1931 {strides = array<i32>} : memref<16x64xf32, #tpu.memory_space<vmem>>, vector<1x16xf32>,
        %swap3A_1932 = arith.index_cast %mul3A_269 : i32 to index
        %swap3A_1933 = arith.constant 32 : index
        %swap3A_1934 = tpu.vector_load %arg15[%swap3A_1932, %swap3A_1933] {strides = array<i32>} : memref<16x64xf32, #tpu.memory_space<vmem>>, vector<1x16xf32>,
        %swap3A_1935 = vector.shape_cast %swap3A_1934 : vector<1x16xf32> to vector<16xf32>
        %swap3A_1936 = vector.shape_cast %min3A_1821 : vector<16xf32> to vector<1x16xf32>
        tpu.vector_store %arg15[%swap3A_1932, %swap3A_1933], %swap3A_1936 {strides = array<i32>} : memref<16x64xf32, #tpu.memory_space<vmem>>, vector<1x16xf32>,
        %get3A_1937 = arith.index_cast %mul3A_269 : i32 to index
        %get3A_1938 = arith.constant 32 : index
        %get3A_1939 = tpu.vector_load %arg12[%get3A_1937, %get3A_1938] {strides = array<i32>} : memref<16x64xf32, #tpu.memory_space<vmem>>, vector<1x16xf32>,
        %get3A_1940 = vector.shape_cast %get3A_1939 : vector<1x16xf32> to vector<16xf32>
        %mul3A_1941 = vector.broadcast %scan3A : f32 to vector<16xf32>
        %mul3A_1942 = arith.mulf %mul3A_1941, %get3A_1940 : vector<16xf32>
        %add3A_1943 = arith.addf %scan3A_262, %mul3A_1942 : vector<16xf32>
        %add3A_1944 = arith.addf %add3A_1943, %add3A_1817 : vector<16xf32>
        %mul3A_1945 = vector.broadcast %scan3A : f32 to vector<16xf32>
        %mul3A_1946 = arith.mulf %mul3A_1945, %get3A_1940 : vector<16xf32>
        %mul3A_1947 = arith.mulf %mul3A_1946, %get3A_1940 : vector<16xf32>
        %add3A_1948 = arith.addf %scan3A_266, %mul3A_1947 : vector<16xf32>
        %mul3A_1949 = arith.constant 2.000000e+00 : f32
        %mul3A_1950 = vector.broadcast %mul3A_1949 : f32 to vector<16xf32>
        %mul3A_1951 = arith.mulf %mul3A_1950, %get3A_1940 : vector<16xf32>
        %mul3A_1952 = arith.mulf %mul3A_1951, %add3A_1817 : vector<16xf32>
        %add3A_1953 = arith.addf %add3A_1948, %mul3A_1952 : vector<16xf32>
        %add3A_1954 = arith.addf %add3A_1953, %add3A_1819 : vector<16xf32>
        %swap3A_1955 = arith.index_cast %mul3A_269 : i32 to index
        %swap3A_1956 = arith.constant 48 : index
        %swap3A_1957 = tpu.vector_load %arg14[%swap3A_1955, %swap3A_1956] {strides = array<i32>} : memref<16x64xf32, #tpu.memory_space<vmem>>, vector<1x16xf32>,
        %swap3A_1958 = vector.shape_cast %swap3A_1957 : vector<1x16xf32> to vector<16xf32>
        %swap3A_1959 = vector.shape_cast %max3A_1829 : vector<16xf32> to vector<1x16xf32>
        tpu.vector_store %arg14[%swap3A_1955, %swap3A_1956], %swap3A_1959 {strides = array<i32>} : memref<16x64xf32, #tpu.memory_space<vmem>>, vector<1x16xf32>,
        %swap3A_1960 = arith.index_cast %mul3A_269 : i32 to index
        %swap3A_1961 = arith.constant 48 : index
        %swap3A_1962 = tpu.vector_load %arg15[%swap3A_1960, %swap3A_1961] {strides = array<i32>} : memref<16x64xf32, #tpu.memory_space<vmem>>, vector<1x16xf32>,
        %swap3A_1963 = vector.shape_cast %swap3A_1962 : vector<1x16xf32> to vector<16xf32>
        %swap3A_1964 = vector.shape_cast %min3A_1830 : vector<16xf32> to vector<1x16xf32>
        tpu.vector_store %arg15[%swap3A_1960, %swap3A_1961], %swap3A_1964 {strides = array<i32>} : memref<16x64xf32, #tpu.memory_space<vmem>>, vector<1x16xf32>,
        %get3A_1965 = arith.index_cast %mul3A_269 : i32 to index
        %get3A_1966 = arith.constant 48 : index
        %get3A_1967 = tpu.vector_load %arg12[%get3A_1965, %get3A_1966] {strides = array<i32>} : memref<16x64xf32, #tpu.memory_space<vmem>>, vector<1x16xf32>,
        %get3A_1968 = vector.shape_cast %get3A_1967 : vector<1x16xf32> to vector<16xf32>
        %mul3A_1969 = vector.broadcast %scan3A : f32 to vector<16xf32>
        %mul3A_1970 = arith.mulf %mul3A_1969, %get3A_1968 : vector<16xf32>
        %add3A_1971 = arith.addf %scan3A_263, %mul3A_1970 : vector<16xf32>
        %add3A_1972 = arith.addf %add3A_1971, %add3A_1826 : vector<16xf32>
        %mul3A_1973 = vector.broadcast %scan3A : f32 to vector<16xf32>
        %mul3A_1974 = arith.mulf %mul3A_1973, %get3A_1968 : vector<16xf32>
        %mul3A_1975 = arith.mulf %mul3A_1974, %get3A_1968 : vector<16xf32>
        %add3A_1976 = arith.addf %scan3A_267, %mul3A_1975 : vector<16xf32>
        %mul3A_1977 = arith.constant 2.000000e+00 : f32
        %mul3A_1978 = vector.broadcast %mul3A_1977 : f32 to vector<16xf32>
        %mul3A_1979 = arith.mulf %mul3A_1978, %get3A_1968 : vector<16xf32>
        %mul3A_1980 = arith.mulf %mul3A_1979, %add3A_1826 : vector<16xf32>
        %add3A_1981 = arith.addf %add3A_1976, %mul3A_1980 : vector<16xf32>
        %add3A_1982 = arith.addf %add3A_1981, %add3A_1828 : vector<16xf32>
        %swap3A_1983 = arith.index_cast %add3A_273 : i32 to index
        %swap3A_1984 = arith.constant 0 : index
        %swap3A_1985 = tpu.vector_load %arg14[%swap3A_1983, %swap3A_1984] {strides = array<i32>} : memref<16x64xf32, #tpu.memory_space<vmem>>, vector<1x16xf32>,
        %swap3A_1986 = vector.shape_cast %swap3A_1985 : vector<1x16xf32> to vector<16xf32>
        %swap3A_1987 = vector.shape_cast %max3A_1842 : vector<16xf32> to vector<1x16xf32>
        tpu.vector_store %arg14[%swap3A_1983, %swap3A_1984], %swap3A_1987 {strides = array<i32>} : memref<16x64xf32, #tpu.memory_space<vmem>>, vector<1x16xf32>,
        %swap3A_1988 = arith.index_cast %add3A_273 : i32 to index
        %swap3A_1989 = arith.constant 0 : index
        %swap3A_1990 = tpu.vector_load %arg15[%swap3A_1988, %swap3A_1989] {strides = array<i32>} : memref<16x64xf32, #tpu.memory_space<vmem>>, vector<1x16xf32>,
        %swap3A_1991 = vector.shape_cast %swap3A_1990 : vector<1x16xf32> to vector<16xf32>
        %swap3A_1992 = vector.shape_cast %min3A_1843 : vector<16xf32> to vector<1x16xf32>
        tpu.vector_store %arg15[%swap3A_1988, %swap3A_1989], %swap3A_1992 {strides = array<i32>} : memref<16x64xf32, #tpu.memory_space<vmem>>, vector<1x16xf32>,
        %get3A_1993 = arith.index_cast %add3A_273 : i32 to index
        %get3A_1994 = arith.constant 0 : index
        %get3A_1995 = tpu.vector_load %arg12[%get3A_1993, %get3A_1994] {strides = array<i32>} : memref<16x64xf32, #tpu.memory_space<vmem>>, vector<1x16xf32>,
        %get3A_1996 = vector.shape_cast %get3A_1995 : vector<1x16xf32> to vector<16xf32>
        %mul3A_1997 = vector.broadcast %scan3A : f32 to vector<16xf32>
        %mul3A_1998 = arith.mulf %mul3A_1997, %get3A_1996 : vector<16xf32>
        %add3A_1999 = arith.addf %add3A_1888, %mul3A_1998 : vector<16xf32>
        %add3A_2000 = arith.addf %add3A_1999, %add3A_1839 : vector<16xf32>
        %mul3A_2001 = vector.broadcast %scan3A : f32 to vector<16xf32>
        %mul3A_2002 = arith.mulf %mul3A_2001, %get3A_1996 : vector<16xf32>
        %mul3A_2003 = arith.mulf %mul3A_2002, %get3A_1996 : vector<16xf32>
        %add3A_2004 = arith.addf %add3A_1898, %mul3A_2003 : vector<16xf32>
        %mul3A_2005 = arith.constant 2.000000e+00 : f32
        %mul3A_2006 = vector.broadcast %mul3A_2005 : f32 to vector<16xf32>
        %mul3A_2007 = arith.mulf %mul3A_2006, %get3A_1996 : vector<16xf32>
        %mul3A_2008 = arith.mulf %mul3A_2007, %add3A_1839 : vector<16xf32>
        %add3A_2009 = arith.addf %add3A_2004, %mul3A_2008 : vector<16xf32>
        %add3A_2010 = arith.addf %add3A_2009, %add3A_1841 : vector<16xf32>
        %swap3A_2011 = arith.index_cast %add3A_273 : i32 to index
        %swap3A_2012 = arith.constant 16 : index
        %swap3A_2013 = tpu.vector_load %arg14[%swap3A_2011, %swap3A_2012] {strides = array<i32>} : memref<16x64xf32, #tpu.memory_space<vmem>>, vector<1x16xf32>,
        %swap3A_2014 = vector.shape_cast %swap3A_2013 : vector<1x16xf32> to vector<16xf32>
        %swap3A_2015 = vector.shape_cast %max3A_1851 : vector<16xf32> to vector<1x16xf32>
        tpu.vector_store %arg14[%swap3A_2011, %swap3A_2012], %swap3A_2015 {strides = array<i32>} : memref<16x64xf32, #tpu.memory_space<vmem>>, vector<1x16xf32>,
        %swap3A_2016 = arith.index_cast %add3A_273 : i32 to index
        %swap3A_2017 = arith.constant 16 : index
        %swap3A_2018 = tpu.vector_load %arg15[%swap3A_2016, %swap3A_2017] {strides = array<i32>} : memref<16x64xf32, #tpu.memory_space<vmem>>, vector<1x16xf32>,
        %swap3A_2019 = vector.shape_cast %swap3A_2018 : vector<1x16xf32> to vector<16xf32>
        %swap3A_2020 = vector.shape_cast %min3A_1852 : vector<16xf32> to vector<1x16xf32>
        tpu.vector_store %arg15[%swap3A_2016, %swap3A_2017], %swap3A_2020 {strides = array<i32>} : memref<16x64xf32, #tpu.memory_space<vmem>>, vector<1x16xf32>,
        %get3A_2021 = arith.index_cast %add3A_273 : i32 to index
        %get3A_2022 = arith.constant 16 : index
        %get3A_2023 = tpu.vector_load %arg12[%get3A_2021, %get3A_2022] {strides = array<i32>} : memref<16x64xf32, #tpu.memory_space<vmem>>, vector<1x16xf32>,
        %get3A_2024 = vector.shape_cast %get3A_2023 : vector<1x16xf32> to vector<16xf32>
        %mul3A_2025 = vector.broadcast %scan3A : f32 to vector<16xf32>
        %mul3A_2026 = arith.mulf %mul3A_2025, %get3A_2024 : vector<16xf32>
        %add3A_2027 = arith.addf %add3A_1916, %mul3A_2026 : vector<16xf32>
        %add3A_2028 = arith.addf %add3A_2027, %add3A_1848 : vector<16xf32>
        %mul3A_2029 = vector.broadcast %scan3A : f32 to vector<16xf32>
        %mul3A_2030 = arith.mulf %mul3A_2029, %get3A_2024 : vector<16xf32>
        %mul3A_2031 = arith.mulf %mul3A_2030, %get3A_2024 : vector<16xf32>
        %add3A_2032 = arith.addf %add3A_1926, %mul3A_2031 : vector<16xf32>
        %mul3A_2033 = arith.constant 2.000000e+00 : f32
        %mul3A_2034 = vector.broadcast %mul3A_2033 : f32 to vector<16xf32>
        %mul3A_2035 = arith.mulf %mul3A_2034, %get3A_2024 : vector<16xf32>
        %mul3A_2036 = arith.mulf %mul3A_2035, %add3A_1848 : vector<16xf32>
        %add3A_2037 = arith.addf %add3A_2032, %mul3A_2036 : vector<16xf32>
        %add3A_2038 = arith.addf %add3A_2037, %add3A_1850 : vector<16xf32>
        %swap3A_2039 = arith.index_cast %add3A_273 : i32 to index
        %swap3A_2040 = arith.constant 32 : index
        %swap3A_2041 = tpu.vector_load %arg14[%swap3A_2039, %swap3A_2040] {strides = array<i32>} : memref<16x64xf32, #tpu.memory_space<vmem>>, vector<1x16xf32>,
        %swap3A_2042 = vector.shape_cast %swap3A_2041 : vector<1x16xf32> to vector<16xf32>
        %swap3A_2043 = vector.shape_cast %max3A_1860 : vector<16xf32> to vector<1x16xf32>
        tpu.vector_store %arg14[%swap3A_2039, %swap3A_2040], %swap3A_2043 {strides = array<i32>} : memref<16x64xf32, #tpu.memory_space<vmem>>, vector<1x16xf32>,
        %swap3A_2044 = arith.index_cast %add3A_273 : i32 to index
        %swap3A_2045 = arith.constant 32 : index
        %swap3A_2046 = tpu.vector_load %arg15[%swap3A_2044, %swap3A_2045] {strides = array<i32>} : memref<16x64xf32, #tpu.memory_space<vmem>>, vector<1x16xf32>,
        %swap3A_2047 = vector.shape_cast %swap3A_2046 : vector<1x16xf32> to vector<16xf32>
        %swap3A_2048 = vector.shape_cast %min3A_1861 : vector<16xf32> to vector<1x16xf32>
        tpu.vector_store %arg15[%swap3A_2044, %swap3A_2045], %swap3A_2048 {strides = array<i32>} : memref<16x64xf32, #tpu.memory_space<vmem>>, vector<1x16xf32>,
        %get3A_2049 = arith.index_cast %add3A_273 : i32 to index
        %get3A_2050 = arith.constant 32 : index
        %get3A_2051 = tpu.vector_load %arg12[%get3A_2049, %get3A_2050] {strides = array<i32>} : memref<16x64xf32, #tpu.memory_space<vmem>>, vector<1x16xf32>,
        %get3A_2052 = vector.shape_cast %get3A_2051 : vector<1x16xf32> to vector<16xf32>
        %mul3A_2053 = vector.broadcast %scan3A : f32 to vector<16xf32>
        %mul3A_2054 = arith.mulf %mul3A_2053, %get3A_2052 : vector<16xf32>
        %add3A_2055 = arith.addf %add3A_1944, %mul3A_2054 : vector<16xf32>
        %add3A_2056 = arith.addf %add3A_2055, %add3A_1857 : vector<16xf32>
        %mul3A_2057 = vector.broadcast %scan3A : f32 to vector<16xf32>
        %mul3A_2058 = arith.mulf %mul3A_2057, %get3A_2052 : vector<16xf32>
        %mul3A_2059 = arith.mulf %mul3A_2058, %get3A_2052 : vector<16xf32>
        %add3A_2060 = arith.addf %add3A_1954, %mul3A_2059 : vector<16xf32>
        %mul3A_2061 = arith.constant 2.000000e+00 : f32
        %mul3A_2062 = vector.broadcast %mul3A_2061 : f32 to vector<16xf32>
        %mul3A_2063 = arith.mulf %mul3A_2062, %get3A_2052 : vector<16xf32>
        %mul3A_2064 = arith.mulf %mul3A_2063, %add3A_1857 : vector<16xf32>
        %add3A_2065 = arith.addf %add3A_2060, %mul3A_2064 : vector<16xf32>
        %add3A_2066 = arith.addf %add3A_2065, %add3A_1859 : vector<16xf32>
        %swap3A_2067 = arith.index_cast %add3A_273 : i32 to index
        %swap3A_2068 = arith.constant 48 : index
        %swap3A_2069 = tpu.vector_load %arg14[%swap3A_2067, %swap3A_2068] {strides = array<i32>} : memref<16x64xf32, #tpu.memory_space<vmem>>, vector<1x16xf32>,
        %swap3A_2070 = vector.shape_cast %swap3A_2069 : vector<1x16xf32> to vector<16xf32>
        %swap3A_2071 = vector.shape_cast %max3A_1869 : vector<16xf32> to vector<1x16xf32>
        tpu.vector_store %arg14[%swap3A_2067, %swap3A_2068], %swap3A_2071 {strides = array<i32>} : memref<16x64xf32, #tpu.memory_space<vmem>>, vector<1x16xf32>,
        %swap3A_2072 = arith.index_cast %add3A_273 : i32 to index
        %swap3A_2073 = arith.constant 48 : index
        %swap3A_2074 = tpu.vector_load %arg15[%swap3A_2072, %swap3A_2073] {strides = array<i32>} : memref<16x64xf32, #tpu.memory_space<vmem>>, vector<1x16xf32>,
        %swap3A_2075 = vector.shape_cast %swap3A_2074 : vector<1x16xf32> to vector<16xf32>
        %swap3A_2076 = vector.shape_cast %min3A_1870 : vector<16xf32> to vector<1x16xf32>
        tpu.vector_store %arg15[%swap3A_2072, %swap3A_2073], %swap3A_2076 {strides = array<i32>} : memref<16x64xf32, #tpu.memory_space<vmem>>, vector<1x16xf32>,
        %get3A_2077 = arith.index_cast %add3A_273 : i32 to index
        %get3A_2078 = arith.constant 48 : index
        %get3A_2079 = tpu.vector_load %arg12[%get3A_2077, %get3A_2078] {strides = array<i32>} : memref<16x64xf32, #tpu.memory_space<vmem>>, vector<1x16xf32>,
        %get3A_2080 = vector.shape_cast %get3A_2079 : vector<1x16xf32> to vector<16xf32>
        %mul3A_2081 = vector.broadcast %scan3A : f32 to vector<16xf32>
        %mul3A_2082 = arith.mulf %mul3A_2081, %get3A_2080 : vector<16xf32>
        %add3A_2083 = arith.addf %add3A_1972, %mul3A_2082 : vector<16xf32>
        %add3A_2084 = arith.addf %add3A_2083, %add3A_1866 : vector<16xf32>
        %mul3A_2085 = vector.broadcast %scan3A : f32 to vector<16xf32>
        %mul3A_2086 = arith.mulf %mul3A_2085, %get3A_2080 : vector<16xf32>
        %mul3A_2087 = arith.mulf %mul3A_2086, %get3A_2080 : vector<16xf32>
        %add3A_2088 = arith.addf %add3A_1982, %mul3A_2087 : vector<16xf32>
        %mul3A_2089 = arith.constant 2.000000e+00 : f32
        %mul3A_2090 = vector.broadcast %mul3A_2089 : f32 to vector<16xf32>
        %mul3A_2091 = arith.mulf %mul3A_2090, %get3A_2080 : vector<16xf32>
        %mul3A_2092 = arith.mulf %mul3A_2091, %add3A_1866 : vector<16xf32>
        %add3A_2093 = arith.addf %add3A_2088, %mul3A_2092 : vector<16xf32>
        %add3A_2094 = arith.addf %add3A_2093, %add3A_1868 : vector<16xf32>
        scf.yield %add3A_2000, %add3A_2028, %add3A_2056, %add3A_2084, %add3A_2010, %add3A_2038, %add3A_2066, %add3A_2094 : vector<16xf32>, vector<16xf32>, vector<16xf32>, vector<16xf32>, vector<16xf32>, vector<16xf32>, vector<16xf32>, vector<16xf32>
      }
      %scan3A_239 = arith.constant 8 : i32
      %mul3A_240 = arith.constant 16 : i32
      %mul3A_241 = arith.muli %mul3A_221, %mul3A_240 : i32
      %add3A_242 = arith.addi %mul3A_2, %mul3A_241 : i32
      "tpu.region"() ({
        %run_scoped3A = tpu.sem_alloc : memref<!tpu.dma_semaphore, #tpu.memory_space<semaphore_mem>>
        %dma_start3A_259 = arith.constant 0 : i32
        %dma_start3A_260 = tpu.memref_slice %arg5[%add3A_242, %dma_start3A_259] : memref<16384x64xf32, #tpu.memory_space<hbm>> -> memref<16x64xf32, #tpu.memory_space<hbm>>
        %dma_start3A_261 = arith.constant 0 : i32
        %dma_start3A_262 = tpu.memref_slice %arg5[%add3A_242, %dma_start3A_261] : memref<16384x64xf32, #tpu.memory_space<hbm>> -> memref<16x64xf32, #tpu.memory_space<hbm>>
        tpu.enqueue_dma source(%arg14 : memref<16x64xf32, #tpu.memory_space<vmem>>) target(%dma_start3A_262 : memref<16x64xf32, #tpu.memory_space<hbm>>) target_semaphore(%run_scoped3A : memref<!tpu.dma_semaphore, #tpu.memory_space<semaphore_mem>>)
        %dma_wait3A_263 = arith.constant 0 : i32
        %dma_wait3A_264 = tpu.memref_slice %arg5[%add3A_242, %dma_wait3A_263] : memref<16384x64xf32, #tpu.memory_space<hbm>> -> memref<16x64xf32, #tpu.memory_space<hbm>>
        %dma_wait3A_265 = arith.constant 0 : i32
        %dma_wait3A_266 = tpu.memref_slice %arg5[%add3A_242, %dma_wait3A_265] : memref<16384x64xf32, #tpu.memory_space<hbm>> -> memref<16x64xf32, #tpu.memory_space<hbm>>
        tpu.wait_dma2 semaphore(%run_scoped3A : memref<!tpu.dma_semaphore, #tpu.memory_space<semaphore_mem>>) src(%arg14 : memref<16x64xf32, #tpu.memory_space<vmem>>) dst(%dma_wait3A_266 : memref<16x64xf32, #tpu.memory_space<hbm>>)
        tpu.yield
      }) : () -> ()
      "tpu.region"() ({
        %run_scoped3A = tpu.sem_alloc : memref<!tpu.dma_semaphore, #tpu.memory_space<semaphore_mem>>
        %dma_start3A_259 = arith.constant 0 : i32
        %dma_start3A_260 = tpu.memref_slice %arg6[%add3A_242, %dma_start3A_259] : memref<16384x64xf32, #tpu.memory_space<hbm>> -> memref<16x64xf32, #tpu.memory_space<hbm>>
        %dma_start3A_261 = arith.constant 0 : i32
        %dma_start3A_262 = tpu.memref_slice %arg6[%add3A_242, %dma_start3A_261] : memref<16384x64xf32, #tpu.memory_space<hbm>> -> memref<16x64xf32, #tpu.memory_space<hbm>>
        tpu.enqueue_dma source(%arg15 : memref<16x64xf32, #tpu.memory_space<vmem>>) target(%dma_start3A_262 : memref<16x64xf32, #tpu.memory_space<hbm>>) target_semaphore(%run_scoped3A : memref<!tpu.dma_semaphore, #tpu.memory_space<semaphore_mem>>)
        %dma_wait3A_263 = arith.constant 0 : i32
        %dma_wait3A_264 = tpu.memref_slice %arg6[%add3A_242, %dma_wait3A_263] : memref<16384x64xf32, #tpu.memory_space<hbm>> -> memref<16x64xf32, #tpu.memory_space<hbm>>
        %dma_wait3A_265 = arith.constant 0 : i32
        %dma_wait3A_266 = tpu.memref_slice %arg6[%add3A_242, %dma_wait3A_265] : memref<16384x64xf32, #tpu.memory_space<hbm>> -> memref<16x64xf32, #tpu.memory_space<hbm>>
        tpu.wait_dma2 semaphore(%run_scoped3A : memref<!tpu.dma_semaphore, #tpu.memory_space<semaphore_mem>>) src(%arg15 : memref<16x64xf32, #tpu.memory_space<vmem>>) dst(%dma_wait3A_266 : memref<16x64xf32, #tpu.memory_space<hbm>>)
        tpu.yield
      }) : () -> ()
      %lt3A = arith.constant 15 : i32
      %lt3A_243 = arith.cmpi slt, %scan3A_211, %lt3A : i32
      %convert_element_type3A = arith.extui %lt3A_243 : i1 to i32
      %cond3A = arith.constant 0 : i32
      %cond3A_244 = arith.cmpi ne, %convert_element_type3A, %cond3A : i32
      scf.if %cond3A_244 {
        %add3A_259 = arith.constant 2 : i32
        %add3A_260 = arith.addi %mul3A_221, %add3A_259 : i32
        %mul3A_261 = arith.constant 16 : i32
        %mul3A_262 = arith.muli %add3A_260, %mul3A_261 : i32
        %add3A_263 = arith.addi %mul3A_2, %mul3A_262 : i32
        %mul3A_264 = arith.constant 20 : i32
        %mul3A_265 = arith.muli %add3A_263, %mul3A_264 : i32
        "tpu.region"() ({
          %run_scoped3A = tpu.sem_alloc : memref<!tpu.dma_semaphore, #tpu.memory_space<semaphore_mem>>
          %dma_start3A_269 = tpu.memref_slice %arg3[%mul3A_265] : memref<327680xi32, #tpu.memory_space<hbm>> -> memref<320xi32, #tpu.memory_space<hbm>>
          %dma_start3A_270 = tpu.memref_slice %arg3[%mul3A_265] : memref<327680xi32, #tpu.memory_space<hbm>> -> memref<320xi32, #tpu.memory_space<hbm>>
          tpu.enqueue_dma source(%dma_start3A_270 : memref<320xi32, #tpu.memory_space<hbm>>) target(%arg8 : memref<320xi32, #tpu.memory_space<vmem>>) target_semaphore(%run_scoped3A : memref<!tpu.dma_semaphore, #tpu.memory_space<semaphore_mem>>)
          %dma_wait3A_271 = tpu.memref_slice %arg3[%mul3A_265] : memref<327680xi32, #tpu.memory_space<hbm>> -> memref<320xi32, #tpu.memory_space<hbm>>
          %dma_wait3A_272 = tpu.memref_slice %arg3[%mul3A_265] : memref<327680xi32, #tpu.memory_space<hbm>> -> memref<320xi32, #tpu.memory_space<hbm>>
          tpu.wait_dma2 semaphore(%run_scoped3A : memref<!tpu.dma_semaphore, #tpu.memory_space<semaphore_mem>>) src(%dma_wait3A_272 : memref<320xi32, #tpu.memory_space<hbm>>) dst(%arg8 : memref<320xi32, #tpu.memory_space<vmem>>)
          tpu.yield
        }) : () -> ()
        "tpu.region"() ({
          %run_scoped3A = tpu.sem_alloc : memref<!tpu.dma_semaphore, #tpu.memory_space<semaphore_mem>>
          %dma_start3A_269 = arith.constant 0 : i32
          %dma_start3A_270 = tpu.memref_slice %arg4[%add3A_263, %dma_start3A_269] : memref<16384x64xf32, #tpu.memory_space<hbm>> -> memref<16x64xf32, #tpu.memory_space<hbm>>
          %dma_start3A_271 = arith.constant 0 : i32
          %dma_start3A_272 = tpu.memref_slice %arg4[%add3A_263, %dma_start3A_271] : memref<16384x64xf32, #tpu.memory_space<hbm>> -> memref<16x64xf32, #tpu.memory_space<hbm>>
          tpu.enqueue_dma source(%dma_start3A_272 : memref<16x64xf32, #tpu.memory_space<hbm>>) target(%arg12 : memref<16x64xf32, #tpu.memory_space<vmem>>) target_semaphore(%run_scoped3A : memref<!tpu.dma_semaphore, #tpu.memory_space<semaphore_mem>>)
          %dma_wait3A_273 = arith.constant 0 : i32
          %dma_wait3A_274 = tpu.memref_slice %arg4[%add3A_263, %dma_wait3A_273] : memref<16384x64xf32, #tpu.memory_space<hbm>> -> memref<16x64xf32, #tpu.memory_space<hbm>>
          %dma_wait3A_275 = arith.constant 0 : i32
          %dma_wait3A_276 = tpu.memref_slice %arg4[%add3A_263, %dma_wait3A_275] : memref<16384x64xf32, #tpu.memory_space<hbm>> -> memref<16x64xf32, #tpu.memory_space<hbm>>
          tpu.wait_dma2 semaphore(%run_scoped3A : memref<!tpu.dma_semaphore, #tpu.memory_space<semaphore_mem>>) src(%dma_wait3A_276 : memref<16x64xf32, #tpu.memory_space<hbm>>) dst(%arg12 : memref<16x64xf32, #tpu.memory_space<vmem>>)
          tpu.yield
        }) : () -> ()
        %dma_start3A_266 = arith.constant 0 : i32
        %dma_start3A_267 = arith.constant 0 : i32
        %dma_start3A_268 = tpu.memref_slice %arg2[%dma_start3A_266, %dma_start3A_267] : memref<16384x128xf32, #tpu.memory_space<hbm>> -> memref<16384x128xf32, #tpu.memory_space<hbm>>
        tpu.enqueue_indirect_dma source(%dma_start3A_268 : memref<16384x128xf32, #tpu.memory_space<hbm>>) target(%arg10 : memref<320x128xf32, #tpu.memory_space<vmem>>) offsets(%arg8 : memref<320xi32, #tpu.memory_space<vmem>>) semaphore(%arg17 : memref<!tpu.dma_semaphore, #tpu.memory_space<semaphore_mem>>)
      } else {
      }
      %dma_wait3A_245 = arith.constant 0 : i32
      %dma_wait3A_246 = arith.constant 0 : i32
      %dma_wait3A_247 = tpu.memref_slice %arg2[%dma_wait3A_245, %dma_wait3A_246] : memref<16384x128xf32, #tpu.memory_space<hbm>> -> memref<16384x128xf32, #tpu.memory_space<hbm>>
      tpu.wait_indirect_dma semaphore(%arg18 : memref<!tpu.dma_semaphore, #tpu.memory_space<semaphore_mem>>) src(%dma_wait3A_247 : memref<16384x128xf32, #tpu.memory_space<hbm>>) dst(%arg11 : memref<320x128xf32, #tpu.memory_space<vmem>>)
      %add3A_248 = arith.constant 1 : i32
      %add3A_249 = arith.addi %mul3A_221, %add3A_248 : i32
      %scan3A_250 = arith.constant 0 : i32
      %scan3A_251 = arith.constant 8 : i32
      %scan3A_252 = arith.addi %scan3A_250, %scan3A_251 : i32
      %scan3A_253 = arith.constant 1 : i32
      %scan3A_254:8 = scf.for %scan3A_259 = %scan3A_250 to %scan3A_252 step %scan3A_253 iter_args(%scan3A_260 = %scan3A_238#0, %scan3A_261 = %scan3A_238#1, %scan3A_262 = %scan3A_238#2, %scan3A_263 = %scan3A_238#3, %scan3A_264 = %scan3A_238#4, %scan3A_265 = %scan3A_238#5, %scan3A_266 = %scan3A_238#6, %scan3A_267 = %scan3A_238#7) -> (vector<16xf32>, vector<16xf32>, vector<16xf32>, vector<16xf32>, vector<16xf32>, vector<16xf32>, vector<16xf32>, vector<16xf32>)  : i32 {
        %mul3A_268 = arith.constant 2 : i32
        %mul3A_269 = arith.muli %mul3A_268, %scan3A_259 : i32
        %mul3A_270 = arith.constant 2 : i32
        %mul3A_271 = arith.muli %mul3A_270, %scan3A_259 : i32
        %add3A_272 = arith.constant 1 : i32
        %add3A_273 = arith.addi %mul3A_271, %add3A_272 : i32
        %mul3A_274 = arith.constant 20 : i32
        %mul3A_275 = arith.muli %mul3A_269, %mul3A_274 : i32
        %add3A_276 = arith.constant 0 : i32
        %add3A_277 = arith.addi %mul3A_275, %add3A_276 : i32
        %get3A = arith.index_cast %add3A_277 : i32 to index
        %get3A_278 = arith.constant 0 : index
        %get3A_279 = tpu.vector_load %arg11[%get3A, %get3A_278] {strides = array<i32>} : memref<320x128xf32, #tpu.memory_space<vmem>>, vector<1x16xf32>,
        %get3A_280 = vector.shape_cast %get3A_279 : vector<1x16xf32> to vector<16xf32>
        %add3A_281 = arith.addf %broadcast_in_dim3A_3, %get3A_280 : vector<16xf32>
        %mul3A_282 = arith.mulf %get3A_280, %get3A_280 : vector<16xf32>
        %add3A_283 = arith.addf %broadcast_in_dim3A_3, %mul3A_282 : vector<16xf32>
        %max3A = arith.maximumf %broadcast_in_dim3A_5, %get3A_280 : vector<16xf32>
        %min3A = arith.minimumf %broadcast_in_dim3A_7, %get3A_280 : vector<16xf32>
        %get3A_284 = arith.index_cast %add3A_277 : i32 to index
        %get3A_285 = arith.constant 16 : index
        %get3A_286 = tpu.vector_load %arg11[%get3A_284, %get3A_285] {strides = array<i32>} : memref<320x128xf32, #tpu.memory_space<vmem>>, vector<1x16xf32>,
        %get3A_287 = vector.shape_cast %get3A_286 : vector<1x16xf32> to vector<16xf32>
        %add3A_288 = arith.addf %broadcast_in_dim3A_3, %get3A_287 : vector<16xf32>
        %mul3A_289 = arith.mulf %get3A_287, %get3A_287 : vector<16xf32>
        %add3A_290 = arith.addf %broadcast_in_dim3A_3, %mul3A_289 : vector<16xf32>
        %max3A_291 = arith.maximumf %broadcast_in_dim3A_5, %get3A_287 : vector<16xf32>
        %min3A_292 = arith.minimumf %broadcast_in_dim3A_7, %get3A_287 : vector<16xf32>
        %get3A_293 = arith.index_cast %add3A_277 : i32 to index
        %get3A_294 = arith.constant 32 : index
        %get3A_295 = tpu.vector_load %arg11[%get3A_293, %get3A_294] {strides = array<i32>} : memref<320x128xf32, #tpu.memory_space<vmem>>, vector<1x16xf32>,
        %get3A_296 = vector.shape_cast %get3A_295 : vector<1x16xf32> to vector<16xf32>
        %add3A_297 = arith.addf %broadcast_in_dim3A_3, %get3A_296 : vector<16xf32>
        %mul3A_298 = arith.mulf %get3A_296, %get3A_296 : vector<16xf32>
        %add3A_299 = arith.addf %broadcast_in_dim3A_3, %mul3A_298 : vector<16xf32>
        %max3A_300 = arith.maximumf %broadcast_in_dim3A_5, %get3A_296 : vector<16xf32>
        %min3A_301 = arith.minimumf %broadcast_in_dim3A_7, %get3A_296 : vector<16xf32>
        %get3A_302 = arith.index_cast %add3A_277 : i32 to index
        %get3A_303 = arith.constant 48 : index
        %get3A_304 = tpu.vector_load %arg11[%get3A_302, %get3A_303] {strides = array<i32>} : memref<320x128xf32, #tpu.memory_space<vmem>>, vector<1x16xf32>,
        %get3A_305 = vector.shape_cast %get3A_304 : vector<1x16xf32> to vector<16xf32>
        %add3A_306 = arith.addf %broadcast_in_dim3A_3, %get3A_305 : vector<16xf32>
        %mul3A_307 = arith.mulf %get3A_305, %get3A_305 : vector<16xf32>
        %add3A_308 = arith.addf %broadcast_in_dim3A_3, %mul3A_307 : vector<16xf32>
        %max3A_309 = arith.maximumf %broadcast_in_dim3A_5, %get3A_305 : vector<16xf32>
        %min3A_310 = arith.minimumf %broadcast_in_dim3A_7, %get3A_305 : vector<16xf32>
        %mul3A_311 = arith.constant 20 : i32
        %mul3A_312 = arith.muli %add3A_273, %mul3A_311 : i32
        %add3A_313 = arith.constant 0 : i32
        %add3A_314 = arith.addi %mul3A_312, %add3A_313 : i32
        %get3A_315 = arith.index_cast %add3A_314 : i32 to index
        %get3A_316 = arith.constant 0 : index
        %get3A_317 = tpu.vector_load %arg11[%get3A_315, %get3A_316] {strides = array<i32>} : memref<320x128xf32, #tpu.memory_space<vmem>>, vector<1x16xf32>,
        %get3A_318 = vector.shape_cast %get3A_317 : vector<1x16xf32> to vector<16xf32>
        %add3A_319 = arith.addf %broadcast_in_dim3A_3, %get3A_318 : vector<16xf32>
        %mul3A_320 = arith.mulf %get3A_318, %get3A_318 : vector<16xf32>
        %add3A_321 = arith.addf %broadcast_in_dim3A_3, %mul3A_320 : vector<16xf32>
        %max3A_322 = arith.maximumf %broadcast_in_dim3A_5, %get3A_318 : vector<16xf32>
        %min3A_323 = arith.minimumf %broadcast_in_dim3A_7, %get3A_318 : vector<16xf32>
        %get3A_324 = arith.index_cast %add3A_314 : i32 to index
        %get3A_325 = arith.constant 16 : index
        %get3A_326 = tpu.vector_load %arg11[%get3A_324, %get3A_325] {strides = array<i32>} : memref<320x128xf32, #tpu.memory_space<vmem>>, vector<1x16xf32>,
        %get3A_327 = vector.shape_cast %get3A_326 : vector<1x16xf32> to vector<16xf32>
        %add3A_328 = arith.addf %broadcast_in_dim3A_3, %get3A_327 : vector<16xf32>
        %mul3A_329 = arith.mulf %get3A_327, %get3A_327 : vector<16xf32>
        %add3A_330 = arith.addf %broadcast_in_dim3A_3, %mul3A_329 : vector<16xf32>
        %max3A_331 = arith.maximumf %broadcast_in_dim3A_5, %get3A_327 : vector<16xf32>
        %min3A_332 = arith.minimumf %broadcast_in_dim3A_7, %get3A_327 : vector<16xf32>
        %get3A_333 = arith.index_cast %add3A_314 : i32 to index
        %get3A_334 = arith.constant 32 : index
        %get3A_335 = tpu.vector_load %arg11[%get3A_333, %get3A_334] {strides = array<i32>} : memref<320x128xf32, #tpu.memory_space<vmem>>, vector<1x16xf32>,
        %get3A_336 = vector.shape_cast %get3A_335 : vector<1x16xf32> to vector<16xf32>
        %add3A_337 = arith.addf %broadcast_in_dim3A_3, %get3A_336 : vector<16xf32>
        %mul3A_338 = arith.mulf %get3A_336, %get3A_336 : vector<16xf32>
        %add3A_339 = arith.addf %broadcast_in_dim3A_3, %mul3A_338 : vector<16xf32>
        %max3A_340 = arith.maximumf %broadcast_in_dim3A_5, %get3A_336 : vector<16xf32>
        %min3A_341 = arith.minimumf %broadcast_in_dim3A_7, %get3A_336 : vector<16xf32>
        %get3A_342 = arith.index_cast %add3A_314 : i32 to index
        %get3A_343 = arith.constant 48 : index
        %get3A_344 = tpu.vector_load %arg11[%get3A_342, %get3A_343] {strides = array<i32>} : memref<320x128xf32, #tpu.memory_space<vmem>>, vector<1x16xf32>,
        %get3A_345 = vector.shape_cast %get3A_344 : vector<1x16xf32> to vector<16xf32>
        %add3A_346 = arith.addf %broadcast_in_dim3A_3, %get3A_345 : vector<16xf32>
        %mul3A_347 = arith.mulf %get3A_345, %get3A_345 : vector<16xf32>
        %add3A_348 = arith.addf %broadcast_in_dim3A_3, %mul3A_347 : vector<16xf32>
        %max3A_349 = arith.maximumf %broadcast_in_dim3A_5, %get3A_345 : vector<16xf32>
        %min3A_350 = arith.minimumf %broadcast_in_dim3A_7, %get3A_345 : vector<16xf32>
        %mul3A_351 = arith.constant 20 : i32
        %mul3A_352 = arith.muli %mul3A_269, %mul3A_351 : i32
        %add3A_353 = arith.constant 1 : i32
        %add3A_354 = arith.addi %mul3A_352, %add3A_353 : i32
        %get3A_355 = arith.index_cast %add3A_354 : i32 to index
        %get3A_356 = arith.constant 0 : index
        %get3A_357 = tpu.vector_load %arg11[%get3A_355, %get3A_356] {strides = array<i32>} : memref<320x128xf32, #tpu.memory_space<vmem>>, vector<1x16xf32>,
        %get3A_358 = vector.shape_cast %get3A_357 : vector<1x16xf32> to vector<16xf32>
        %add3A_359 = arith.addf %add3A_281, %get3A_358 : vector<16xf32>
        %mul3A_360 = arith.mulf %get3A_358, %get3A_358 : vector<16xf32>
        %add3A_361 = arith.addf %add3A_283, %mul3A_360 : vector<16xf32>
        %max3A_362 = arith.maximumf %max3A, %get3A_358 : vector<16xf32>
        %min3A_363 = arith.minimumf %min3A, %get3A_358 : vector<16xf32>
        %get3A_364 = arith.index_cast %add3A_354 : i32 to index
        %get3A_365 = arith.constant 16 : index
        %get3A_366 = tpu.vector_load %arg11[%get3A_364, %get3A_365] {strides = array<i32>} : memref<320x128xf32, #tpu.memory_space<vmem>>, vector<1x16xf32>,
        %get3A_367 = vector.shape_cast %get3A_366 : vector<1x16xf32> to vector<16xf32>
        %add3A_368 = arith.addf %add3A_288, %get3A_367 : vector<16xf32>
        %mul3A_369 = arith.mulf %get3A_367, %get3A_367 : vector<16xf32>
        %add3A_370 = arith.addf %add3A_290, %mul3A_369 : vector<16xf32>
        %max3A_371 = arith.maximumf %max3A_291, %get3A_367 : vector<16xf32>
        %min3A_372 = arith.minimumf %min3A_292, %get3A_367 : vector<16xf32>
        %get3A_373 = arith.index_cast %add3A_354 : i32 to index
        %get3A_374 = arith.constant 32 : index
        %get3A_375 = tpu.vector_load %arg11[%get3A_373, %get3A_374] {strides = array<i32>} : memref<320x128xf32, #tpu.memory_space<vmem>>, vector<1x16xf32>,
        %get3A_376 = vector.shape_cast %get3A_375 : vector<1x16xf32> to vector<16xf32>
        %add3A_377 = arith.addf %add3A_297, %get3A_376 : vector<16xf32>
        %mul3A_378 = arith.mulf %get3A_376, %get3A_376 : vector<16xf32>
        %add3A_379 = arith.addf %add3A_299, %mul3A_378 : vector<16xf32>
        %max3A_380 = arith.maximumf %max3A_300, %get3A_376 : vector<16xf32>
        %min3A_381 = arith.minimumf %min3A_301, %get3A_376 : vector<16xf32>
        %get3A_382 = arith.index_cast %add3A_354 : i32 to index
        %get3A_383 = arith.constant 48 : index
        %get3A_384 = tpu.vector_load %arg11[%get3A_382, %get3A_383] {strides = array<i32>} : memref<320x128xf32, #tpu.memory_space<vmem>>, vector<1x16xf32>,
        %get3A_385 = vector.shape_cast %get3A_384 : vector<1x16xf32> to vector<16xf32>
        %add3A_386 = arith.addf %add3A_306, %get3A_385 : vector<16xf32>
        %mul3A_387 = arith.mulf %get3A_385, %get3A_385 : vector<16xf32>
        %add3A_388 = arith.addf %add3A_308, %mul3A_387 : vector<16xf32>
        %max3A_389 = arith.maximumf %max3A_309, %get3A_385 : vector<16xf32>
        %min3A_390 = arith.minimumf %min3A_310, %get3A_385 : vector<16xf32>
        %mul3A_391 = arith.constant 20 : i32
        %mul3A_392 = arith.muli %add3A_273, %mul3A_391 : i32
        %add3A_393 = arith.constant 1 : i32
        %add3A_394 = arith.addi %mul3A_392, %add3A_393 : i32
        %get3A_395 = arith.index_cast %add3A_394 : i32 to index
        %get3A_396 = arith.constant 0 : index
        %get3A_397 = tpu.vector_load %arg11[%get3A_395, %get3A_396] {strides = array<i32>} : memref<320x128xf32, #tpu.memory_space<vmem>>, vector<1x16xf32>,
        %get3A_398 = vector.shape_cast %get3A_397 : vector<1x16xf32> to vector<16xf32>
        %add3A_399 = arith.addf %add3A_319, %get3A_398 : vector<16xf32>
        %mul3A_400 = arith.mulf %get3A_398, %get3A_398 : vector<16xf32>
        %add3A_401 = arith.addf %add3A_321, %mul3A_400 : vector<16xf32>
        %max3A_402 = arith.maximumf %max3A_322, %get3A_398 : vector<16xf32>
        %min3A_403 = arith.minimumf %min3A_323, %get3A_398 : vector<16xf32>
        %get3A_404 = arith.index_cast %add3A_394 : i32 to index
        %get3A_405 = arith.constant 16 : index
        %get3A_406 = tpu.vector_load %arg11[%get3A_404, %get3A_405] {strides = array<i32>} : memref<320x128xf32, #tpu.memory_space<vmem>>, vector<1x16xf32>,
        %get3A_407 = vector.shape_cast %get3A_406 : vector<1x16xf32> to vector<16xf32>
        %add3A_408 = arith.addf %add3A_328, %get3A_407 : vector<16xf32>
        %mul3A_409 = arith.mulf %get3A_407, %get3A_407 : vector<16xf32>
        %add3A_410 = arith.addf %add3A_330, %mul3A_409 : vector<16xf32>
        %max3A_411 = arith.maximumf %max3A_331, %get3A_407 : vector<16xf32>
        %min3A_412 = arith.minimumf %min3A_332, %get3A_407 : vector<16xf32>
        %get3A_413 = arith.index_cast %add3A_394 : i32 to index
        %get3A_414 = arith.constant 32 : index
        %get3A_415 = tpu.vector_load %arg11[%get3A_413, %get3A_414] {strides = array<i32>} : memref<320x128xf32, #tpu.memory_space<vmem>>, vector<1x16xf32>,
        %get3A_416 = vector.shape_cast %get3A_415 : vector<1x16xf32> to vector<16xf32>
        %add3A_417 = arith.addf %add3A_337, %get3A_416 : vector<16xf32>
        %mul3A_418 = arith.mulf %get3A_416, %get3A_416 : vector<16xf32>
        %add3A_419 = arith.addf %add3A_339, %mul3A_418 : vector<16xf32>
        %max3A_420 = arith.maximumf %max3A_340, %get3A_416 : vector<16xf32>
        %min3A_421 = arith.minimumf %min3A_341, %get3A_416 : vector<16xf32>
        %get3A_422 = arith.index_cast %add3A_394 : i32 to index
        %get3A_423 = arith.constant 48 : index
        %get3A_424 = tpu.vector_load %arg11[%get3A_422, %get3A_423] {strides = array<i32>} : memref<320x128xf32, #tpu.memory_space<vmem>>, vector<1x16xf32>,
        %get3A_425 = vector.shape_cast %get3A_424 : vector<1x16xf32> to vector<16xf32>
        %add3A_426 = arith.addf %add3A_346, %get3A_425 : vector<16xf32>
        %mul3A_427 = arith.mulf %get3A_425, %get3A_425 : vector<16xf32>
        %add3A_428 = arith.addf %add3A_348, %mul3A_427 : vector<16xf32>
        %max3A_429 = arith.maximumf %max3A_349, %get3A_425 : vector<16xf32>
        %min3A_430 = arith.minimumf %min3A_350, %get3A_425 : vector<16xf32>
        %mul3A_431 = arith.constant 20 : i32
        %mul3A_432 = arith.muli %mul3A_269, %mul3A_431 : i32
        %add3A_433 = arith.constant 2 : i32
        %add3A_434 = arith.addi %mul3A_432, %add3A_433 : i32
        %get3A_435 = arith.index_cast %add3A_434 : i32 to index
        %get3A_436 = arith.constant 0 : index
        %get3A_437 = tpu.vector_load %arg11[%get3A_435, %get3A_436] {strides = array<i32>} : memref<320x128xf32, #tpu.memory_space<vmem>>, vector<1x16xf32>,
        %get3A_438 = vector.shape_cast %get3A_437 : vector<1x16xf32> to vector<16xf32>
        %add3A_439 = arith.addf %add3A_359, %get3A_438 : vector<16xf32>
        %mul3A_440 = arith.mulf %get3A_438, %get3A_438 : vector<16xf32>
        %add3A_441 = arith.addf %add3A_361, %mul3A_440 : vector<16xf32>
        %max3A_442 = arith.maximumf %max3A_362, %get3A_438 : vector<16xf32>
        %min3A_443 = arith.minimumf %min3A_363, %get3A_438 : vector<16xf32>
        %get3A_444 = arith.index_cast %add3A_434 : i32 to index
        %get3A_445 = arith.constant 16 : index
        %get3A_446 = tpu.vector_load %arg11[%get3A_444, %get3A_445] {strides = array<i32>} : memref<320x128xf32, #tpu.memory_space<vmem>>, vector<1x16xf32>,
        %get3A_447 = vector.shape_cast %get3A_446 : vector<1x16xf32> to vector<16xf32>
        %add3A_448 = arith.addf %add3A_368, %get3A_447 : vector<16xf32>
        %mul3A_449 = arith.mulf %get3A_447, %get3A_447 : vector<16xf32>
        %add3A_450 = arith.addf %add3A_370, %mul3A_449 : vector<16xf32>
        %max3A_451 = arith.maximumf %max3A_371, %get3A_447 : vector<16xf32>
        %min3A_452 = arith.minimumf %min3A_372, %get3A_447 : vector<16xf32>
        %get3A_453 = arith.index_cast %add3A_434 : i32 to index
        %get3A_454 = arith.constant 32 : index
        %get3A_455 = tpu.vector_load %arg11[%get3A_453, %get3A_454] {strides = array<i32>} : memref<320x128xf32, #tpu.memory_space<vmem>>, vector<1x16xf32>,
        %get3A_456 = vector.shape_cast %get3A_455 : vector<1x16xf32> to vector<16xf32>
        %add3A_457 = arith.addf %add3A_377, %get3A_456 : vector<16xf32>
        %mul3A_458 = arith.mulf %get3A_456, %get3A_456 : vector<16xf32>
        %add3A_459 = arith.addf %add3A_379, %mul3A_458 : vector<16xf32>
        %max3A_460 = arith.maximumf %max3A_380, %get3A_456 : vector<16xf32>
        %min3A_461 = arith.minimumf %min3A_381, %get3A_456 : vector<16xf32>
        %get3A_462 = arith.index_cast %add3A_434 : i32 to index
        %get3A_463 = arith.constant 48 : index
        %get3A_464 = tpu.vector_load %arg11[%get3A_462, %get3A_463] {strides = array<i32>} : memref<320x128xf32, #tpu.memory_space<vmem>>, vector<1x16xf32>,
        %get3A_465 = vector.shape_cast %get3A_464 : vector<1x16xf32> to vector<16xf32>
        %add3A_466 = arith.addf %add3A_386, %get3A_465 : vector<16xf32>
        %mul3A_467 = arith.mulf %get3A_465, %get3A_465 : vector<16xf32>
        %add3A_468 = arith.addf %add3A_388, %mul3A_467 : vector<16xf32>
        %max3A_469 = arith.maximumf %max3A_389, %get3A_465 : vector<16xf32>
        %min3A_470 = arith.minimumf %min3A_390, %get3A_465 : vector<16xf32>
        %mul3A_471 = arith.constant 20 : i32
        %mul3A_472 = arith.muli %add3A_273, %mul3A_471 : i32
        %add3A_473 = arith.constant 2 : i32
        %add3A_474 = arith.addi %mul3A_472, %add3A_473 : i32
        %get3A_475 = arith.index_cast %add3A_474 : i32 to index
        %get3A_476 = arith.constant 0 : index
        %get3A_477 = tpu.vector_load %arg11[%get3A_475, %get3A_476] {strides = array<i32>} : memref<320x128xf32, #tpu.memory_space<vmem>>, vector<1x16xf32>,
        %get3A_478 = vector.shape_cast %get3A_477 : vector<1x16xf32> to vector<16xf32>
        %add3A_479 = arith.addf %add3A_399, %get3A_478 : vector<16xf32>
        %mul3A_480 = arith.mulf %get3A_478, %get3A_478 : vector<16xf32>
        %add3A_481 = arith.addf %add3A_401, %mul3A_480 : vector<16xf32>
        %max3A_482 = arith.maximumf %max3A_402, %get3A_478 : vector<16xf32>
        %min3A_483 = arith.minimumf %min3A_403, %get3A_478 : vector<16xf32>
        %get3A_484 = arith.index_cast %add3A_474 : i32 to index
        %get3A_485 = arith.constant 16 : index
        %get3A_486 = tpu.vector_load %arg11[%get3A_484, %get3A_485] {strides = array<i32>} : memref<320x128xf32, #tpu.memory_space<vmem>>, vector<1x16xf32>,
        %get3A_487 = vector.shape_cast %get3A_486 : vector<1x16xf32> to vector<16xf32>
        %add3A_488 = arith.addf %add3A_408, %get3A_487 : vector<16xf32>
        %mul3A_489 = arith.mulf %get3A_487, %get3A_487 : vector<16xf32>
        %add3A_490 = arith.addf %add3A_410, %mul3A_489 : vector<16xf32>
        %max3A_491 = arith.maximumf %max3A_411, %get3A_487 : vector<16xf32>
        %min3A_492 = arith.minimumf %min3A_412, %get3A_487 : vector<16xf32>
        %get3A_493 = arith.index_cast %add3A_474 : i32 to index
        %get3A_494 = arith.constant 32 : index
        %get3A_495 = tpu.vector_load %arg11[%get3A_493, %get3A_494] {strides = array<i32>} : memref<320x128xf32, #tpu.memory_space<vmem>>, vector<1x16xf32>,
        %get3A_496 = vector.shape_cast %get3A_495 : vector<1x16xf32> to vector<16xf32>
        %add3A_497 = arith.addf %add3A_417, %get3A_496 : vector<16xf32>
        %mul3A_498 = arith.mulf %get3A_496, %get3A_496 : vector<16xf32>
        %add3A_499 = arith.addf %add3A_419, %mul3A_498 : vector<16xf32>
        %max3A_500 = arith.maximumf %max3A_420, %get3A_496 : vector<16xf32>
        %min3A_501 = arith.minimumf %min3A_421, %get3A_496 : vector<16xf32>
        %get3A_502 = arith.index_cast %add3A_474 : i32 to index
        %get3A_503 = arith.constant 48 : index
        %get3A_504 = tpu.vector_load %arg11[%get3A_502, %get3A_503] {strides = array<i32>} : memref<320x128xf32, #tpu.memory_space<vmem>>, vector<1x16xf32>,
        %get3A_505 = vector.shape_cast %get3A_504 : vector<1x16xf32> to vector<16xf32>
        %add3A_506 = arith.addf %add3A_426, %get3A_505 : vector<16xf32>
        %mul3A_507 = arith.mulf %get3A_505, %get3A_505 : vector<16xf32>
        %add3A_508 = arith.addf %add3A_428, %mul3A_507 : vector<16xf32>
        %max3A_509 = arith.maximumf %max3A_429, %get3A_505 : vector<16xf32>
        %min3A_510 = arith.minimumf %min3A_430, %get3A_505 : vector<16xf32>
        %mul3A_511 = arith.constant 20 : i32
        %mul3A_512 = arith.muli %mul3A_269, %mul3A_511 : i32
        %add3A_513 = arith.constant 3 : i32
        %add3A_514 = arith.addi %mul3A_512, %add3A_513 : i32
        %get3A_515 = arith.index_cast %add3A_514 : i32 to index
        %get3A_516 = arith.constant 0 : index
        %get3A_517 = tpu.vector_load %arg11[%get3A_515, %get3A_516] {strides = array<i32>} : memref<320x128xf32, #tpu.memory_space<vmem>>, vector<1x16xf32>,
        %get3A_518 = vector.shape_cast %get3A_517 : vector<1x16xf32> to vector<16xf32>
        %add3A_519 = arith.addf %add3A_439, %get3A_518 : vector<16xf32>
        %mul3A_520 = arith.mulf %get3A_518, %get3A_518 : vector<16xf32>
        %add3A_521 = arith.addf %add3A_441, %mul3A_520 : vector<16xf32>
        %max3A_522 = arith.maximumf %max3A_442, %get3A_518 : vector<16xf32>
        %min3A_523 = arith.minimumf %min3A_443, %get3A_518 : vector<16xf32>
        %get3A_524 = arith.index_cast %add3A_514 : i32 to index
        %get3A_525 = arith.constant 16 : index
        %get3A_526 = tpu.vector_load %arg11[%get3A_524, %get3A_525] {strides = array<i32>} : memref<320x128xf32, #tpu.memory_space<vmem>>, vector<1x16xf32>,
        %get3A_527 = vector.shape_cast %get3A_526 : vector<1x16xf32> to vector<16xf32>
        %add3A_528 = arith.addf %add3A_448, %get3A_527 : vector<16xf32>
        %mul3A_529 = arith.mulf %get3A_527, %get3A_527 : vector<16xf32>
        %add3A_530 = arith.addf %add3A_450, %mul3A_529 : vector<16xf32>
        %max3A_531 = arith.maximumf %max3A_451, %get3A_527 : vector<16xf32>
        %min3A_532 = arith.minimumf %min3A_452, %get3A_527 : vector<16xf32>
        %get3A_533 = arith.index_cast %add3A_514 : i32 to index
        %get3A_534 = arith.constant 32 : index
        %get3A_535 = tpu.vector_load %arg11[%get3A_533, %get3A_534] {strides = array<i32>} : memref<320x128xf32, #tpu.memory_space<vmem>>, vector<1x16xf32>,
        %get3A_536 = vector.shape_cast %get3A_535 : vector<1x16xf32> to vector<16xf32>
        %add3A_537 = arith.addf %add3A_457, %get3A_536 : vector<16xf32>
        %mul3A_538 = arith.mulf %get3A_536, %get3A_536 : vector<16xf32>
        %add3A_539 = arith.addf %add3A_459, %mul3A_538 : vector<16xf32>
        %max3A_540 = arith.maximumf %max3A_460, %get3A_536 : vector<16xf32>
        %min3A_541 = arith.minimumf %min3A_461, %get3A_536 : vector<16xf32>
        %get3A_542 = arith.index_cast %add3A_514 : i32 to index
        %get3A_543 = arith.constant 48 : index
        %get3A_544 = tpu.vector_load %arg11[%get3A_542, %get3A_543] {strides = array<i32>} : memref<320x128xf32, #tpu.memory_space<vmem>>, vector<1x16xf32>,
        %get3A_545 = vector.shape_cast %get3A_544 : vector<1x16xf32> to vector<16xf32>
        %add3A_546 = arith.addf %add3A_466, %get3A_545 : vector<16xf32>
        %mul3A_547 = arith.mulf %get3A_545, %get3A_545 : vector<16xf32>
        %add3A_548 = arith.addf %add3A_468, %mul3A_547 : vector<16xf32>
        %max3A_549 = arith.maximumf %max3A_469, %get3A_545 : vector<16xf32>
        %min3A_550 = arith.minimumf %min3A_470, %get3A_545 : vector<16xf32>
        %mul3A_551 = arith.constant 20 : i32
        %mul3A_552 = arith.muli %add3A_273, %mul3A_551 : i32
        %add3A_553 = arith.constant 3 : i32
        %add3A_554 = arith.addi %mul3A_552, %add3A_553 : i32
        %get3A_555 = arith.index_cast %add3A_554 : i32 to index
        %get3A_556 = arith.constant 0 : index
        %get3A_557 = tpu.vector_load %arg11[%get3A_555, %get3A_556] {strides = array<i32>} : memref<320x128xf32, #tpu.memory_space<vmem>>, vector<1x16xf32>,
        %get3A_558 = vector.shape_cast %get3A_557 : vector<1x16xf32> to vector<16xf32>
        %add3A_559 = arith.addf %add3A_479, %get3A_558 : vector<16xf32>
        %mul3A_560 = arith.mulf %get3A_558, %get3A_558 : vector<16xf32>
        %add3A_561 = arith.addf %add3A_481, %mul3A_560 : vector<16xf32>
        %max3A_562 = arith.maximumf %max3A_482, %get3A_558 : vector<16xf32>
        %min3A_563 = arith.minimumf %min3A_483, %get3A_558 : vector<16xf32>
        %get3A_564 = arith.index_cast %add3A_554 : i32 to index
        %get3A_565 = arith.constant 16 : index
        %get3A_566 = tpu.vector_load %arg11[%get3A_564, %get3A_565] {strides = array<i32>} : memref<320x128xf32, #tpu.memory_space<vmem>>, vector<1x16xf32>,
        %get3A_567 = vector.shape_cast %get3A_566 : vector<1x16xf32> to vector<16xf32>
        %add3A_568 = arith.addf %add3A_488, %get3A_567 : vector<16xf32>
        %mul3A_569 = arith.mulf %get3A_567, %get3A_567 : vector<16xf32>
        %add3A_570 = arith.addf %add3A_490, %mul3A_569 : vector<16xf32>
        %max3A_571 = arith.maximumf %max3A_491, %get3A_567 : vector<16xf32>
        %min3A_572 = arith.minimumf %min3A_492, %get3A_567 : vector<16xf32>
        %get3A_573 = arith.index_cast %add3A_554 : i32 to index
        %get3A_574 = arith.constant 32 : index
        %get3A_575 = tpu.vector_load %arg11[%get3A_573, %get3A_574] {strides = array<i32>} : memref<320x128xf32, #tpu.memory_space<vmem>>, vector<1x16xf32>,
        %get3A_576 = vector.shape_cast %get3A_575 : vector<1x16xf32> to vector<16xf32>
        %add3A_577 = arith.addf %add3A_497, %get3A_576 : vector<16xf32>
        %mul3A_578 = arith.mulf %get3A_576, %get3A_576 : vector<16xf32>
        %add3A_579 = arith.addf %add3A_499, %mul3A_578 : vector<16xf32>
        %max3A_580 = arith.maximumf %max3A_500, %get3A_576 : vector<16xf32>
        %min3A_581 = arith.minimumf %min3A_501, %get3A_576 : vector<16xf32>
        %get3A_582 = arith.index_cast %add3A_554 : i32 to index
        %get3A_583 = arith.constant 48 : index
        %get3A_584 = tpu.vector_load %arg11[%get3A_582, %get3A_583] {strides = array<i32>} : memref<320x128xf32, #tpu.memory_space<vmem>>, vector<1x16xf32>,
        %get3A_585 = vector.shape_cast %get3A_584 : vector<1x16xf32> to vector<16xf32>
        %add3A_586 = arith.addf %add3A_506, %get3A_585 : vector<16xf32>
        %mul3A_587 = arith.mulf %get3A_585, %get3A_585 : vector<16xf32>
        %add3A_588 = arith.addf %add3A_508, %mul3A_587 : vector<16xf32>
        %max3A_589 = arith.maximumf %max3A_509, %get3A_585 : vector<16xf32>
        %min3A_590 = arith.minimumf %min3A_510, %get3A_585 : vector<16xf32>
        %mul3A_591 = arith.constant 20 : i32
        %mul3A_592 = arith.muli %mul3A_269, %mul3A_591 : i32
        %add3A_593 = arith.constant 4 : i32
        %add3A_594 = arith.addi %mul3A_592, %add3A_593 : i32
        %get3A_595 = arith.index_cast %add3A_594 : i32 to index
        %get3A_596 = arith.constant 0 : index
        %get3A_597 = tpu.vector_load %arg11[%get3A_595, %get3A_596] {strides = array<i32>} : memref<320x128xf32, #tpu.memory_space<vmem>>, vector<1x16xf32>,
        %get3A_598 = vector.shape_cast %get3A_597 : vector<1x16xf32> to vector<16xf32>
        %add3A_599 = arith.addf %add3A_519, %get3A_598 : vector<16xf32>
        %mul3A_600 = arith.mulf %get3A_598, %get3A_598 : vector<16xf32>
        %add3A_601 = arith.addf %add3A_521, %mul3A_600 : vector<16xf32>
        %max3A_602 = arith.maximumf %max3A_522, %get3A_598 : vector<16xf32>
        %min3A_603 = arith.minimumf %min3A_523, %get3A_598 : vector<16xf32>
        %get3A_604 = arith.index_cast %add3A_594 : i32 to index
        %get3A_605 = arith.constant 16 : index
        %get3A_606 = tpu.vector_load %arg11[%get3A_604, %get3A_605] {strides = array<i32>} : memref<320x128xf32, #tpu.memory_space<vmem>>, vector<1x16xf32>,
        %get3A_607 = vector.shape_cast %get3A_606 : vector<1x16xf32> to vector<16xf32>
        %add3A_608 = arith.addf %add3A_528, %get3A_607 : vector<16xf32>
        %mul3A_609 = arith.mulf %get3A_607, %get3A_607 : vector<16xf32>
        %add3A_610 = arith.addf %add3A_530, %mul3A_609 : vector<16xf32>
        %max3A_611 = arith.maximumf %max3A_531, %get3A_607 : vector<16xf32>
        %min3A_612 = arith.minimumf %min3A_532, %get3A_607 : vector<16xf32>
        %get3A_613 = arith.index_cast %add3A_594 : i32 to index
        %get3A_614 = arith.constant 32 : index
        %get3A_615 = tpu.vector_load %arg11[%get3A_613, %get3A_614] {strides = array<i32>} : memref<320x128xf32, #tpu.memory_space<vmem>>, vector<1x16xf32>,
        %get3A_616 = vector.shape_cast %get3A_615 : vector<1x16xf32> to vector<16xf32>
        %add3A_617 = arith.addf %add3A_537, %get3A_616 : vector<16xf32>
        %mul3A_618 = arith.mulf %get3A_616, %get3A_616 : vector<16xf32>
        %add3A_619 = arith.addf %add3A_539, %mul3A_618 : vector<16xf32>
        %max3A_620 = arith.maximumf %max3A_540, %get3A_616 : vector<16xf32>
        %min3A_621 = arith.minimumf %min3A_541, %get3A_616 : vector<16xf32>
        %get3A_622 = arith.index_cast %add3A_594 : i32 to index
        %get3A_623 = arith.constant 48 : index
        %get3A_624 = tpu.vector_load %arg11[%get3A_622, %get3A_623] {strides = array<i32>} : memref<320x128xf32, #tpu.memory_space<vmem>>, vector<1x16xf32>,
        %get3A_625 = vector.shape_cast %get3A_624 : vector<1x16xf32> to vector<16xf32>
        %add3A_626 = arith.addf %add3A_546, %get3A_625 : vector<16xf32>
        %mul3A_627 = arith.mulf %get3A_625, %get3A_625 : vector<16xf32>
        %add3A_628 = arith.addf %add3A_548, %mul3A_627 : vector<16xf32>
        %max3A_629 = arith.maximumf %max3A_549, %get3A_625 : vector<16xf32>
        %min3A_630 = arith.minimumf %min3A_550, %get3A_625 : vector<16xf32>
        %mul3A_631 = arith.constant 20 : i32
        %mul3A_632 = arith.muli %add3A_273, %mul3A_631 : i32
        %add3A_633 = arith.constant 4 : i32
        %add3A_634 = arith.addi %mul3A_632, %add3A_633 : i32
        %get3A_635 = arith.index_cast %add3A_634 : i32 to index
        %get3A_636 = arith.constant 0 : index
        %get3A_637 = tpu.vector_load %arg11[%get3A_635, %get3A_636] {strides = array<i32>} : memref<320x128xf32, #tpu.memory_space<vmem>>, vector<1x16xf32>,
        %get3A_638 = vector.shape_cast %get3A_637 : vector<1x16xf32> to vector<16xf32>
        %add3A_639 = arith.addf %add3A_559, %get3A_638 : vector<16xf32>
        %mul3A_640 = arith.mulf %get3A_638, %get3A_638 : vector<16xf32>
        %add3A_641 = arith.addf %add3A_561, %mul3A_640 : vector<16xf32>
        %max3A_642 = arith.maximumf %max3A_562, %get3A_638 : vector<16xf32>
        %min3A_643 = arith.minimumf %min3A_563, %get3A_638 : vector<16xf32>
        %get3A_644 = arith.index_cast %add3A_634 : i32 to index
        %get3A_645 = arith.constant 16 : index
        %get3A_646 = tpu.vector_load %arg11[%get3A_644, %get3A_645] {strides = array<i32>} : memref<320x128xf32, #tpu.memory_space<vmem>>, vector<1x16xf32>,
        %get3A_647 = vector.shape_cast %get3A_646 : vector<1x16xf32> to vector<16xf32>
        %add3A_648 = arith.addf %add3A_568, %get3A_647 : vector<16xf32>
        %mul3A_649 = arith.mulf %get3A_647, %get3A_647 : vector<16xf32>
        %add3A_650 = arith.addf %add3A_570, %mul3A_649 : vector<16xf32>
        %max3A_651 = arith.maximumf %max3A_571, %get3A_647 : vector<16xf32>
        %min3A_652 = arith.minimumf %min3A_572, %get3A_647 : vector<16xf32>
        %get3A_653 = arith.index_cast %add3A_634 : i32 to index
        %get3A_654 = arith.constant 32 : index
        %get3A_655 = tpu.vector_load %arg11[%get3A_653, %get3A_654] {strides = array<i32>} : memref<320x128xf32, #tpu.memory_space<vmem>>, vector<1x16xf32>,
        %get3A_656 = vector.shape_cast %get3A_655 : vector<1x16xf32> to vector<16xf32>
        %add3A_657 = arith.addf %add3A_577, %get3A_656 : vector<16xf32>
        %mul3A_658 = arith.mulf %get3A_656, %get3A_656 : vector<16xf32>
        %add3A_659 = arith.addf %add3A_579, %mul3A_658 : vector<16xf32>
        %max3A_660 = arith.maximumf %max3A_580, %get3A_656 : vector<16xf32>
        %min3A_661 = arith.minimumf %min3A_581, %get3A_656 : vector<16xf32>
        %get3A_662 = arith.index_cast %add3A_634 : i32 to index
        %get3A_663 = arith.constant 48 : index
        %get3A_664 = tpu.vector_load %arg11[%get3A_662, %get3A_663] {strides = array<i32>} : memref<320x128xf32, #tpu.memory_space<vmem>>, vector<1x16xf32>,
        %get3A_665 = vector.shape_cast %get3A_664 : vector<1x16xf32> to vector<16xf32>
        %add3A_666 = arith.addf %add3A_586, %get3A_665 : vector<16xf32>
        %mul3A_667 = arith.mulf %get3A_665, %get3A_665 : vector<16xf32>
        %add3A_668 = arith.addf %add3A_588, %mul3A_667 : vector<16xf32>
        %max3A_669 = arith.maximumf %max3A_589, %get3A_665 : vector<16xf32>
        %min3A_670 = arith.minimumf %min3A_590, %get3A_665 : vector<16xf32>
        %mul3A_671 = arith.constant 20 : i32
        %mul3A_672 = arith.muli %mul3A_269, %mul3A_671 : i32
        %add3A_673 = arith.constant 5 : i32
        %add3A_674 = arith.addi %mul3A_672, %add3A_673 : i32
        %get3A_675 = arith.index_cast %add3A_674 : i32 to index
        %get3A_676 = arith.constant 0 : index
        %get3A_677 = tpu.vector_load %arg11[%get3A_675, %get3A_676] {strides = array<i32>} : memref<320x128xf32, #tpu.memory_space<vmem>>, vector<1x16xf32>,
        %get3A_678 = vector.shape_cast %get3A_677 : vector<1x16xf32> to vector<16xf32>
        %add3A_679 = arith.addf %add3A_599, %get3A_678 : vector<16xf32>
        %mul3A_680 = arith.mulf %get3A_678, %get3A_678 : vector<16xf32>
        %add3A_681 = arith.addf %add3A_601, %mul3A_680 : vector<16xf32>
        %max3A_682 = arith.maximumf %max3A_602, %get3A_678 : vector<16xf32>
        %min3A_683 = arith.minimumf %min3A_603, %get3A_678 : vector<16xf32>
        %get3A_684 = arith.index_cast %add3A_674 : i32 to index
        %get3A_685 = arith.constant 16 : index
        %get3A_686 = tpu.vector_load %arg11[%get3A_684, %get3A_685] {strides = array<i32>} : memref<320x128xf32, #tpu.memory_space<vmem>>, vector<1x16xf32>,
        %get3A_687 = vector.shape_cast %get3A_686 : vector<1x16xf32> to vector<16xf32>
        %add3A_688 = arith.addf %add3A_608, %get3A_687 : vector<16xf32>
        %mul3A_689 = arith.mulf %get3A_687, %get3A_687 : vector<16xf32>
        %add3A_690 = arith.addf %add3A_610, %mul3A_689 : vector<16xf32>
        %max3A_691 = arith.maximumf %max3A_611, %get3A_687 : vector<16xf32>
        %min3A_692 = arith.minimumf %min3A_612, %get3A_687 : vector<16xf32>
        %get3A_693 = arith.index_cast %add3A_674 : i32 to index
        %get3A_694 = arith.constant 32 : index
        %get3A_695 = tpu.vector_load %arg11[%get3A_693, %get3A_694] {strides = array<i32>} : memref<320x128xf32, #tpu.memory_space<vmem>>, vector<1x16xf32>,
        %get3A_696 = vector.shape_cast %get3A_695 : vector<1x16xf32> to vector<16xf32>
        %add3A_697 = arith.addf %add3A_617, %get3A_696 : vector<16xf32>
        %mul3A_698 = arith.mulf %get3A_696, %get3A_696 : vector<16xf32>
        %add3A_699 = arith.addf %add3A_619, %mul3A_698 : vector<16xf32>
        %max3A_700 = arith.maximumf %max3A_620, %get3A_696 : vector<16xf32>
        %min3A_701 = arith.minimumf %min3A_621, %get3A_696 : vector<16xf32>
        %get3A_702 = arith.index_cast %add3A_674 : i32 to index
        %get3A_703 = arith.constant 48 : index
        %get3A_704 = tpu.vector_load %arg11[%get3A_702, %get3A_703] {strides = array<i32>} : memref<320x128xf32, #tpu.memory_space<vmem>>, vector<1x16xf32>,
        %get3A_705 = vector.shape_cast %get3A_704 : vector<1x16xf32> to vector<16xf32>
        %add3A_706 = arith.addf %add3A_626, %get3A_705 : vector<16xf32>
        %mul3A_707 = arith.mulf %get3A_705, %get3A_705 : vector<16xf32>
        %add3A_708 = arith.addf %add3A_628, %mul3A_707 : vector<16xf32>
        %max3A_709 = arith.maximumf %max3A_629, %get3A_705 : vector<16xf32>
        %min3A_710 = arith.minimumf %min3A_630, %get3A_705 : vector<16xf32>
        %mul3A_711 = arith.constant 20 : i32
        %mul3A_712 = arith.muli %add3A_273, %mul3A_711 : i32
        %add3A_713 = arith.constant 5 : i32
        %add3A_714 = arith.addi %mul3A_712, %add3A_713 : i32
        %get3A_715 = arith.index_cast %add3A_714 : i32 to index
        %get3A_716 = arith.constant 0 : index
        %get3A_717 = tpu.vector_load %arg11[%get3A_715, %get3A_716] {strides = array<i32>} : memref<320x128xf32, #tpu.memory_space<vmem>>, vector<1x16xf32>,
        %get3A_718 = vector.shape_cast %get3A_717 : vector<1x16xf32> to vector<16xf32>
        %add3A_719 = arith.addf %add3A_639, %get3A_718 : vector<16xf32>
        %mul3A_720 = arith.mulf %get3A_718, %get3A_718 : vector<16xf32>
        %add3A_721 = arith.addf %add3A_641, %mul3A_720 : vector<16xf32>
        %max3A_722 = arith.maximumf %max3A_642, %get3A_718 : vector<16xf32>
        %min3A_723 = arith.minimumf %min3A_643, %get3A_718 : vector<16xf32>
        %get3A_724 = arith.index_cast %add3A_714 : i32 to index
        %get3A_725 = arith.constant 16 : index
        %get3A_726 = tpu.vector_load %arg11[%get3A_724, %get3A_725] {strides = array<i32>} : memref<320x128xf32, #tpu.memory_space<vmem>>, vector<1x16xf32>,
        %get3A_727 = vector.shape_cast %get3A_726 : vector<1x16xf32> to vector<16xf32>
        %add3A_728 = arith.addf %add3A_648, %get3A_727 : vector<16xf32>
        %mul3A_729 = arith.mulf %get3A_727, %get3A_727 : vector<16xf32>
        %add3A_730 = arith.addf %add3A_650, %mul3A_729 : vector<16xf32>
        %max3A_731 = arith.maximumf %max3A_651, %get3A_727 : vector<16xf32>
        %min3A_732 = arith.minimumf %min3A_652, %get3A_727 : vector<16xf32>
        %get3A_733 = arith.index_cast %add3A_714 : i32 to index
        %get3A_734 = arith.constant 32 : index
        %get3A_735 = tpu.vector_load %arg11[%get3A_733, %get3A_734] {strides = array<i32>} : memref<320x128xf32, #tpu.memory_space<vmem>>, vector<1x16xf32>,
        %get3A_736 = vector.shape_cast %get3A_735 : vector<1x16xf32> to vector<16xf32>
        %add3A_737 = arith.addf %add3A_657, %get3A_736 : vector<16xf32>
        %mul3A_738 = arith.mulf %get3A_736, %get3A_736 : vector<16xf32>
        %add3A_739 = arith.addf %add3A_659, %mul3A_738 : vector<16xf32>
        %max3A_740 = arith.maximumf %max3A_660, %get3A_736 : vector<16xf32>
        %min3A_741 = arith.minimumf %min3A_661, %get3A_736 : vector<16xf32>
        %get3A_742 = arith.index_cast %add3A_714 : i32 to index
        %get3A_743 = arith.constant 48 : index
        %get3A_744 = tpu.vector_load %arg11[%get3A_742, %get3A_743] {strides = array<i32>} : memref<320x128xf32, #tpu.memory_space<vmem>>, vector<1x16xf32>,
        %get3A_745 = vector.shape_cast %get3A_744 : vector<1x16xf32> to vector<16xf32>
        %add3A_746 = arith.addf %add3A_666, %get3A_745 : vector<16xf32>
        %mul3A_747 = arith.mulf %get3A_745, %get3A_745 : vector<16xf32>
        %add3A_748 = arith.addf %add3A_668, %mul3A_747 : vector<16xf32>
        %max3A_749 = arith.maximumf %max3A_669, %get3A_745 : vector<16xf32>
        %min3A_750 = arith.minimumf %min3A_670, %get3A_745 : vector<16xf32>
        %mul3A_751 = arith.constant 20 : i32
        %mul3A_752 = arith.muli %mul3A_269, %mul3A_751 : i32
        %add3A_753 = arith.constant 6 : i32
        %add3A_754 = arith.addi %mul3A_752, %add3A_753 : i32
        %get3A_755 = arith.index_cast %add3A_754 : i32 to index
        %get3A_756 = arith.constant 0 : index
        %get3A_757 = tpu.vector_load %arg11[%get3A_755, %get3A_756] {strides = array<i32>} : memref<320x128xf32, #tpu.memory_space<vmem>>, vector<1x16xf32>,
        %get3A_758 = vector.shape_cast %get3A_757 : vector<1x16xf32> to vector<16xf32>
        %add3A_759 = arith.addf %add3A_679, %get3A_758 : vector<16xf32>
        %mul3A_760 = arith.mulf %get3A_758, %get3A_758 : vector<16xf32>
        %add3A_761 = arith.addf %add3A_681, %mul3A_760 : vector<16xf32>
        %max3A_762 = arith.maximumf %max3A_682, %get3A_758 : vector<16xf32>
        %min3A_763 = arith.minimumf %min3A_683, %get3A_758 : vector<16xf32>
        %get3A_764 = arith.index_cast %add3A_754 : i32 to index
        %get3A_765 = arith.constant 16 : index
        %get3A_766 = tpu.vector_load %arg11[%get3A_764, %get3A_765] {strides = array<i32>} : memref<320x128xf32, #tpu.memory_space<vmem>>, vector<1x16xf32>,
        %get3A_767 = vector.shape_cast %get3A_766 : vector<1x16xf32> to vector<16xf32>
        %add3A_768 = arith.addf %add3A_688, %get3A_767 : vector<16xf32>
        %mul3A_769 = arith.mulf %get3A_767, %get3A_767 : vector<16xf32>
        %add3A_770 = arith.addf %add3A_690, %mul3A_769 : vector<16xf32>
        %max3A_771 = arith.maximumf %max3A_691, %get3A_767 : vector<16xf32>
        %min3A_772 = arith.minimumf %min3A_692, %get3A_767 : vector<16xf32>
        %get3A_773 = arith.index_cast %add3A_754 : i32 to index
        %get3A_774 = arith.constant 32 : index
        %get3A_775 = tpu.vector_load %arg11[%get3A_773, %get3A_774] {strides = array<i32>} : memref<320x128xf32, #tpu.memory_space<vmem>>, vector<1x16xf32>,
        %get3A_776 = vector.shape_cast %get3A_775 : vector<1x16xf32> to vector<16xf32>
        %add3A_777 = arith.addf %add3A_697, %get3A_776 : vector<16xf32>
        %mul3A_778 = arith.mulf %get3A_776, %get3A_776 : vector<16xf32>
        %add3A_779 = arith.addf %add3A_699, %mul3A_778 : vector<16xf32>
        %max3A_780 = arith.maximumf %max3A_700, %get3A_776 : vector<16xf32>
        %min3A_781 = arith.minimumf %min3A_701, %get3A_776 : vector<16xf32>
        %get3A_782 = arith.index_cast %add3A_754 : i32 to index
        %get3A_783 = arith.constant 48 : index
        %get3A_784 = tpu.vector_load %arg11[%get3A_782, %get3A_783] {strides = array<i32>} : memref<320x128xf32, #tpu.memory_space<vmem>>, vector<1x16xf32>,
        %get3A_785 = vector.shape_cast %get3A_784 : vector<1x16xf32> to vector<16xf32>
        %add3A_786 = arith.addf %add3A_706, %get3A_785 : vector<16xf32>
        %mul3A_787 = arith.mulf %get3A_785, %get3A_785 : vector<16xf32>
        %add3A_788 = arith.addf %add3A_708, %mul3A_787 : vector<16xf32>
        %max3A_789 = arith.maximumf %max3A_709, %get3A_785 : vector<16xf32>
        %min3A_790 = arith.minimumf %min3A_710, %get3A_785 : vector<16xf32>
        %mul3A_791 = arith.constant 20 : i32
        %mul3A_792 = arith.muli %add3A_273, %mul3A_791 : i32
        %add3A_793 = arith.constant 6 : i32
        %add3A_794 = arith.addi %mul3A_792, %add3A_793 : i32
        %get3A_795 = arith.index_cast %add3A_794 : i32 to index
        %get3A_796 = arith.constant 0 : index
        %get3A_797 = tpu.vector_load %arg11[%get3A_795, %get3A_796] {strides = array<i32>} : memref<320x128xf32, #tpu.memory_space<vmem>>, vector<1x16xf32>,
        %get3A_798 = vector.shape_cast %get3A_797 : vector<1x16xf32> to vector<16xf32>
        %add3A_799 = arith.addf %add3A_719, %get3A_798 : vector<16xf32>
        %mul3A_800 = arith.mulf %get3A_798, %get3A_798 : vector<16xf32>
        %add3A_801 = arith.addf %add3A_721, %mul3A_800 : vector<16xf32>
        %max3A_802 = arith.maximumf %max3A_722, %get3A_798 : vector<16xf32>
        %min3A_803 = arith.minimumf %min3A_723, %get3A_798 : vector<16xf32>
        %get3A_804 = arith.index_cast %add3A_794 : i32 to index
        %get3A_805 = arith.constant 16 : index
        %get3A_806 = tpu.vector_load %arg11[%get3A_804, %get3A_805] {strides = array<i32>} : memref<320x128xf32, #tpu.memory_space<vmem>>, vector<1x16xf32>,
        %get3A_807 = vector.shape_cast %get3A_806 : vector<1x16xf32> to vector<16xf32>
        %add3A_808 = arith.addf %add3A_728, %get3A_807 : vector<16xf32>
        %mul3A_809 = arith.mulf %get3A_807, %get3A_807 : vector<16xf32>
        %add3A_810 = arith.addf %add3A_730, %mul3A_809 : vector<16xf32>
        %max3A_811 = arith.maximumf %max3A_731, %get3A_807 : vector<16xf32>
        %min3A_812 = arith.minimumf %min3A_732, %get3A_807 : vector<16xf32>
        %get3A_813 = arith.index_cast %add3A_794 : i32 to index
        %get3A_814 = arith.constant 32 : index
        %get3A_815 = tpu.vector_load %arg11[%get3A_813, %get3A_814] {strides = array<i32>} : memref<320x128xf32, #tpu.memory_space<vmem>>, vector<1x16xf32>,
        %get3A_816 = vector.shape_cast %get3A_815 : vector<1x16xf32> to vector<16xf32>
        %add3A_817 = arith.addf %add3A_737, %get3A_816 : vector<16xf32>
        %mul3A_818 = arith.mulf %get3A_816, %get3A_816 : vector<16xf32>
        %add3A_819 = arith.addf %add3A_739, %mul3A_818 : vector<16xf32>
        %max3A_820 = arith.maximumf %max3A_740, %get3A_816 : vector<16xf32>
        %min3A_821 = arith.minimumf %min3A_741, %get3A_816 : vector<16xf32>
        %get3A_822 = arith.index_cast %add3A_794 : i32 to index
        %get3A_823 = arith.constant 48 : index
        %get3A_824 = tpu.vector_load %arg11[%get3A_822, %get3A_823] {strides = array<i32>} : memref<320x128xf32, #tpu.memory_space<vmem>>, vector<1x16xf32>,
        %get3A_825 = vector.shape_cast %get3A_824 : vector<1x16xf32> to vector<16xf32>
        %add3A_826 = arith.addf %add3A_746, %get3A_825 : vector<16xf32>
        %mul3A_827 = arith.mulf %get3A_825, %get3A_825 : vector<16xf32>
        %add3A_828 = arith.addf %add3A_748, %mul3A_827 : vector<16xf32>
        %max3A_829 = arith.maximumf %max3A_749, %get3A_825 : vector<16xf32>
        %min3A_830 = arith.minimumf %min3A_750, %get3A_825 : vector<16xf32>
        %mul3A_831 = arith.constant 20 : i32
        %mul3A_832 = arith.muli %mul3A_269, %mul3A_831 : i32
        %add3A_833 = arith.constant 7 : i32
        %add3A_834 = arith.addi %mul3A_832, %add3A_833 : i32
        %get3A_835 = arith.index_cast %add3A_834 : i32 to index
        %get3A_836 = arith.constant 0 : index
        %get3A_837 = tpu.vector_load %arg11[%get3A_835, %get3A_836] {strides = array<i32>} : memref<320x128xf32, #tpu.memory_space<vmem>>, vector<1x16xf32>,
        %get3A_838 = vector.shape_cast %get3A_837 : vector<1x16xf32> to vector<16xf32>
        %add3A_839 = arith.addf %add3A_759, %get3A_838 : vector<16xf32>
        %mul3A_840 = arith.mulf %get3A_838, %get3A_838 : vector<16xf32>
        %add3A_841 = arith.addf %add3A_761, %mul3A_840 : vector<16xf32>
        %max3A_842 = arith.maximumf %max3A_762, %get3A_838 : vector<16xf32>
        %min3A_843 = arith.minimumf %min3A_763, %get3A_838 : vector<16xf32>
        %get3A_844 = arith.index_cast %add3A_834 : i32 to index
        %get3A_845 = arith.constant 16 : index
        %get3A_846 = tpu.vector_load %arg11[%get3A_844, %get3A_845] {strides = array<i32>} : memref<320x128xf32, #tpu.memory_space<vmem>>, vector<1x16xf32>,
        %get3A_847 = vector.shape_cast %get3A_846 : vector<1x16xf32> to vector<16xf32>
        %add3A_848 = arith.addf %add3A_768, %get3A_847 : vector<16xf32>
        %mul3A_849 = arith.mulf %get3A_847, %get3A_847 : vector<16xf32>
        %add3A_850 = arith.addf %add3A_770, %mul3A_849 : vector<16xf32>
        %max3A_851 = arith.maximumf %max3A_771, %get3A_847 : vector<16xf32>
        %min3A_852 = arith.minimumf %min3A_772, %get3A_847 : vector<16xf32>
        %get3A_853 = arith.index_cast %add3A_834 : i32 to index
        %get3A_854 = arith.constant 32 : index
        %get3A_855 = tpu.vector_load %arg11[%get3A_853, %get3A_854] {strides = array<i32>} : memref<320x128xf32, #tpu.memory_space<vmem>>, vector<1x16xf32>,
        %get3A_856 = vector.shape_cast %get3A_855 : vector<1x16xf32> to vector<16xf32>
        %add3A_857 = arith.addf %add3A_777, %get3A_856 : vector<16xf32>
        %mul3A_858 = arith.mulf %get3A_856, %get3A_856 : vector<16xf32>
        %add3A_859 = arith.addf %add3A_779, %mul3A_858 : vector<16xf32>
        %max3A_860 = arith.maximumf %max3A_780, %get3A_856 : vector<16xf32>
        %min3A_861 = arith.minimumf %min3A_781, %get3A_856 : vector<16xf32>
        %get3A_862 = arith.index_cast %add3A_834 : i32 to index
        %get3A_863 = arith.constant 48 : index
        %get3A_864 = tpu.vector_load %arg11[%get3A_862, %get3A_863] {strides = array<i32>} : memref<320x128xf32, #tpu.memory_space<vmem>>, vector<1x16xf32>,
        %get3A_865 = vector.shape_cast %get3A_864 : vector<1x16xf32> to vector<16xf32>
        %add3A_866 = arith.addf %add3A_786, %get3A_865 : vector<16xf32>
        %mul3A_867 = arith.mulf %get3A_865, %get3A_865 : vector<16xf32>
        %add3A_868 = arith.addf %add3A_788, %mul3A_867 : vector<16xf32>
        %max3A_869 = arith.maximumf %max3A_789, %get3A_865 : vector<16xf32>
        %min3A_870 = arith.minimumf %min3A_790, %get3A_865 : vector<16xf32>
        %mul3A_871 = arith.constant 20 : i32
        %mul3A_872 = arith.muli %add3A_273, %mul3A_871 : i32
        %add3A_873 = arith.constant 7 : i32
        %add3A_874 = arith.addi %mul3A_872, %add3A_873 : i32
        %get3A_875 = arith.index_cast %add3A_874 : i32 to index
        %get3A_876 = arith.constant 0 : index
        %get3A_877 = tpu.vector_load %arg11[%get3A_875, %get3A_876] {strides = array<i32>} : memref<320x128xf32, #tpu.memory_space<vmem>>, vector<1x16xf32>,
        %get3A_878 = vector.shape_cast %get3A_877 : vector<1x16xf32> to vector<16xf32>
        %add3A_879 = arith.addf %add3A_799, %get3A_878 : vector<16xf32>
        %mul3A_880 = arith.mulf %get3A_878, %get3A_878 : vector<16xf32>
        %add3A_881 = arith.addf %add3A_801, %mul3A_880 : vector<16xf32>
        %max3A_882 = arith.maximumf %max3A_802, %get3A_878 : vector<16xf32>
        %min3A_883 = arith.minimumf %min3A_803, %get3A_878 : vector<16xf32>
        %get3A_884 = arith.index_cast %add3A_874 : i32 to index
        %get3A_885 = arith.constant 16 : index
        %get3A_886 = tpu.vector_load %arg11[%get3A_884, %get3A_885] {strides = array<i32>} : memref<320x128xf32, #tpu.memory_space<vmem>>, vector<1x16xf32>,
        %get3A_887 = vector.shape_cast %get3A_886 : vector<1x16xf32> to vector<16xf32>
        %add3A_888 = arith.addf %add3A_808, %get3A_887 : vector<16xf32>
        %mul3A_889 = arith.mulf %get3A_887, %get3A_887 : vector<16xf32>
        %add3A_890 = arith.addf %add3A_810, %mul3A_889 : vector<16xf32>
        %max3A_891 = arith.maximumf %max3A_811, %get3A_887 : vector<16xf32>
        %min3A_892 = arith.minimumf %min3A_812, %get3A_887 : vector<16xf32>
        %get3A_893 = arith.index_cast %add3A_874 : i32 to index
        %get3A_894 = arith.constant 32 : index
        %get3A_895 = tpu.vector_load %arg11[%get3A_893, %get3A_894] {strides = array<i32>} : memref<320x128xf32, #tpu.memory_space<vmem>>, vector<1x16xf32>,
        %get3A_896 = vector.shape_cast %get3A_895 : vector<1x16xf32> to vector<16xf32>
        %add3A_897 = arith.addf %add3A_817, %get3A_896 : vector<16xf32>
        %mul3A_898 = arith.mulf %get3A_896, %get3A_896 : vector<16xf32>
        %add3A_899 = arith.addf %add3A_819, %mul3A_898 : vector<16xf32>
        %max3A_900 = arith.maximumf %max3A_820, %get3A_896 : vector<16xf32>
        %min3A_901 = arith.minimumf %min3A_821, %get3A_896 : vector<16xf32>
        %get3A_902 = arith.index_cast %add3A_874 : i32 to index
        %get3A_903 = arith.constant 48 : index
        %get3A_904 = tpu.vector_load %arg11[%get3A_902, %get3A_903] {strides = array<i32>} : memref<320x128xf32, #tpu.memory_space<vmem>>, vector<1x16xf32>,
        %get3A_905 = vector.shape_cast %get3A_904 : vector<1x16xf32> to vector<16xf32>
        %add3A_906 = arith.addf %add3A_826, %get3A_905 : vector<16xf32>
        %mul3A_907 = arith.mulf %get3A_905, %get3A_905 : vector<16xf32>
        %add3A_908 = arith.addf %add3A_828, %mul3A_907 : vector<16xf32>
        %max3A_909 = arith.maximumf %max3A_829, %get3A_905 : vector<16xf32>
        %min3A_910 = arith.minimumf %min3A_830, %get3A_905 : vector<16xf32>
        %mul3A_911 = arith.constant 20 : i32
        %mul3A_912 = arith.muli %mul3A_269, %mul3A_911 : i32
        %add3A_913 = arith.constant 8 : i32
        %add3A_914 = arith.addi %mul3A_912, %add3A_913 : i32
        %get3A_915 = arith.index_cast %add3A_914 : i32 to index
        %get3A_916 = arith.constant 0 : index
        %get3A_917 = tpu.vector_load %arg11[%get3A_915, %get3A_916] {strides = array<i32>} : memref<320x128xf32, #tpu.memory_space<vmem>>, vector<1x16xf32>,
        %get3A_918 = vector.shape_cast %get3A_917 : vector<1x16xf32> to vector<16xf32>
        %add3A_919 = arith.addf %add3A_839, %get3A_918 : vector<16xf32>
        %mul3A_920 = arith.mulf %get3A_918, %get3A_918 : vector<16xf32>
        %add3A_921 = arith.addf %add3A_841, %mul3A_920 : vector<16xf32>
        %max3A_922 = arith.maximumf %max3A_842, %get3A_918 : vector<16xf32>
        %min3A_923 = arith.minimumf %min3A_843, %get3A_918 : vector<16xf32>
        %get3A_924 = arith.index_cast %add3A_914 : i32 to index
        %get3A_925 = arith.constant 16 : index
        %get3A_926 = tpu.vector_load %arg11[%get3A_924, %get3A_925] {strides = array<i32>} : memref<320x128xf32, #tpu.memory_space<vmem>>, vector<1x16xf32>,
        %get3A_927 = vector.shape_cast %get3A_926 : vector<1x16xf32> to vector<16xf32>
        %add3A_928 = arith.addf %add3A_848, %get3A_927 : vector<16xf32>
        %mul3A_929 = arith.mulf %get3A_927, %get3A_927 : vector<16xf32>
        %add3A_930 = arith.addf %add3A_850, %mul3A_929 : vector<16xf32>
        %max3A_931 = arith.maximumf %max3A_851, %get3A_927 : vector<16xf32>
        %min3A_932 = arith.minimumf %min3A_852, %get3A_927 : vector<16xf32>
        %get3A_933 = arith.index_cast %add3A_914 : i32 to index
        %get3A_934 = arith.constant 32 : index
        %get3A_935 = tpu.vector_load %arg11[%get3A_933, %get3A_934] {strides = array<i32>} : memref<320x128xf32, #tpu.memory_space<vmem>>, vector<1x16xf32>,
        %get3A_936 = vector.shape_cast %get3A_935 : vector<1x16xf32> to vector<16xf32>
        %add3A_937 = arith.addf %add3A_857, %get3A_936 : vector<16xf32>
        %mul3A_938 = arith.mulf %get3A_936, %get3A_936 : vector<16xf32>
        %add3A_939 = arith.addf %add3A_859, %mul3A_938 : vector<16xf32>
        %max3A_940 = arith.maximumf %max3A_860, %get3A_936 : vector<16xf32>
        %min3A_941 = arith.minimumf %min3A_861, %get3A_936 : vector<16xf32>
        %get3A_942 = arith.index_cast %add3A_914 : i32 to index
        %get3A_943 = arith.constant 48 : index
        %get3A_944 = tpu.vector_load %arg11[%get3A_942, %get3A_943] {strides = array<i32>} : memref<320x128xf32, #tpu.memory_space<vmem>>, vector<1x16xf32>,
        %get3A_945 = vector.shape_cast %get3A_944 : vector<1x16xf32> to vector<16xf32>
        %add3A_946 = arith.addf %add3A_866, %get3A_945 : vector<16xf32>
        %mul3A_947 = arith.mulf %get3A_945, %get3A_945 : vector<16xf32>
        %add3A_948 = arith.addf %add3A_868, %mul3A_947 : vector<16xf32>
        %max3A_949 = arith.maximumf %max3A_869, %get3A_945 : vector<16xf32>
        %min3A_950 = arith.minimumf %min3A_870, %get3A_945 : vector<16xf32>
        %mul3A_951 = arith.constant 20 : i32
        %mul3A_952 = arith.muli %add3A_273, %mul3A_951 : i32
        %add3A_953 = arith.constant 8 : i32
        %add3A_954 = arith.addi %mul3A_952, %add3A_953 : i32
        %get3A_955 = arith.index_cast %add3A_954 : i32 to index
        %get3A_956 = arith.constant 0 : index
        %get3A_957 = tpu.vector_load %arg11[%get3A_955, %get3A_956] {strides = array<i32>} : memref<320x128xf32, #tpu.memory_space<vmem>>, vector<1x16xf32>,
        %get3A_958 = vector.shape_cast %get3A_957 : vector<1x16xf32> to vector<16xf32>
        %add3A_959 = arith.addf %add3A_879, %get3A_958 : vector<16xf32>
        %mul3A_960 = arith.mulf %get3A_958, %get3A_958 : vector<16xf32>
        %add3A_961 = arith.addf %add3A_881, %mul3A_960 : vector<16xf32>
        %max3A_962 = arith.maximumf %max3A_882, %get3A_958 : vector<16xf32>
        %min3A_963 = arith.minimumf %min3A_883, %get3A_958 : vector<16xf32>
        %get3A_964 = arith.index_cast %add3A_954 : i32 to index
        %get3A_965 = arith.constant 16 : index
        %get3A_966 = tpu.vector_load %arg11[%get3A_964, %get3A_965] {strides = array<i32>} : memref<320x128xf32, #tpu.memory_space<vmem>>, vector<1x16xf32>,
        %get3A_967 = vector.shape_cast %get3A_966 : vector<1x16xf32> to vector<16xf32>
        %add3A_968 = arith.addf %add3A_888, %get3A_967 : vector<16xf32>
        %mul3A_969 = arith.mulf %get3A_967, %get3A_967 : vector<16xf32>
        %add3A_970 = arith.addf %add3A_890, %mul3A_969 : vector<16xf32>
        %max3A_971 = arith.maximumf %max3A_891, %get3A_967 : vector<16xf32>
        %min3A_972 = arith.minimumf %min3A_892, %get3A_967 : vector<16xf32>
        %get3A_973 = arith.index_cast %add3A_954 : i32 to index
        %get3A_974 = arith.constant 32 : index
        %get3A_975 = tpu.vector_load %arg11[%get3A_973, %get3A_974] {strides = array<i32>} : memref<320x128xf32, #tpu.memory_space<vmem>>, vector<1x16xf32>,
        %get3A_976 = vector.shape_cast %get3A_975 : vector<1x16xf32> to vector<16xf32>
        %add3A_977 = arith.addf %add3A_897, %get3A_976 : vector<16xf32>
        %mul3A_978 = arith.mulf %get3A_976, %get3A_976 : vector<16xf32>
        %add3A_979 = arith.addf %add3A_899, %mul3A_978 : vector<16xf32>
        %max3A_980 = arith.maximumf %max3A_900, %get3A_976 : vector<16xf32>
        %min3A_981 = arith.minimumf %min3A_901, %get3A_976 : vector<16xf32>
        %get3A_982 = arith.index_cast %add3A_954 : i32 to index
        %get3A_983 = arith.constant 48 : index
        %get3A_984 = tpu.vector_load %arg11[%get3A_982, %get3A_983] {strides = array<i32>} : memref<320x128xf32, #tpu.memory_space<vmem>>, vector<1x16xf32>,
        %get3A_985 = vector.shape_cast %get3A_984 : vector<1x16xf32> to vector<16xf32>
        %add3A_986 = arith.addf %add3A_906, %get3A_985 : vector<16xf32>
        %mul3A_987 = arith.mulf %get3A_985, %get3A_985 : vector<16xf32>
        %add3A_988 = arith.addf %add3A_908, %mul3A_987 : vector<16xf32>
        %max3A_989 = arith.maximumf %max3A_909, %get3A_985 : vector<16xf32>
        %min3A_990 = arith.minimumf %min3A_910, %get3A_985 : vector<16xf32>
        %mul3A_991 = arith.constant 20 : i32
        %mul3A_992 = arith.muli %mul3A_269, %mul3A_991 : i32
        %add3A_993 = arith.constant 9 : i32
        %add3A_994 = arith.addi %mul3A_992, %add3A_993 : i32
        %get3A_995 = arith.index_cast %add3A_994 : i32 to index
        %get3A_996 = arith.constant 0 : index
        %get3A_997 = tpu.vector_load %arg11[%get3A_995, %get3A_996] {strides = array<i32>} : memref<320x128xf32, #tpu.memory_space<vmem>>, vector<1x16xf32>,
        %get3A_998 = vector.shape_cast %get3A_997 : vector<1x16xf32> to vector<16xf32>
        %add3A_999 = arith.addf %add3A_919, %get3A_998 : vector<16xf32>
        %mul3A_1000 = arith.mulf %get3A_998, %get3A_998 : vector<16xf32>
        %add3A_1001 = arith.addf %add3A_921, %mul3A_1000 : vector<16xf32>
        %max3A_1002 = arith.maximumf %max3A_922, %get3A_998 : vector<16xf32>
        %min3A_1003 = arith.minimumf %min3A_923, %get3A_998 : vector<16xf32>
        %get3A_1004 = arith.index_cast %add3A_994 : i32 to index
        %get3A_1005 = arith.constant 16 : index
        %get3A_1006 = tpu.vector_load %arg11[%get3A_1004, %get3A_1005] {strides = array<i32>} : memref<320x128xf32, #tpu.memory_space<vmem>>, vector<1x16xf32>,
        %get3A_1007 = vector.shape_cast %get3A_1006 : vector<1x16xf32> to vector<16xf32>
        %add3A_1008 = arith.addf %add3A_928, %get3A_1007 : vector<16xf32>
        %mul3A_1009 = arith.mulf %get3A_1007, %get3A_1007 : vector<16xf32>
        %add3A_1010 = arith.addf %add3A_930, %mul3A_1009 : vector<16xf32>
        %max3A_1011 = arith.maximumf %max3A_931, %get3A_1007 : vector<16xf32>
        %min3A_1012 = arith.minimumf %min3A_932, %get3A_1007 : vector<16xf32>
        %get3A_1013 = arith.index_cast %add3A_994 : i32 to index
        %get3A_1014 = arith.constant 32 : index
        %get3A_1015 = tpu.vector_load %arg11[%get3A_1013, %get3A_1014] {strides = array<i32>} : memref<320x128xf32, #tpu.memory_space<vmem>>, vector<1x16xf32>,
        %get3A_1016 = vector.shape_cast %get3A_1015 : vector<1x16xf32> to vector<16xf32>
        %add3A_1017 = arith.addf %add3A_937, %get3A_1016 : vector<16xf32>
        %mul3A_1018 = arith.mulf %get3A_1016, %get3A_1016 : vector<16xf32>
        %add3A_1019 = arith.addf %add3A_939, %mul3A_1018 : vector<16xf32>
        %max3A_1020 = arith.maximumf %max3A_940, %get3A_1016 : vector<16xf32>
        %min3A_1021 = arith.minimumf %min3A_941, %get3A_1016 : vector<16xf32>
        %get3A_1022 = arith.index_cast %add3A_994 : i32 to index
        %get3A_1023 = arith.constant 48 : index
        %get3A_1024 = tpu.vector_load %arg11[%get3A_1022, %get3A_1023] {strides = array<i32>} : memref<320x128xf32, #tpu.memory_space<vmem>>, vector<1x16xf32>,
        %get3A_1025 = vector.shape_cast %get3A_1024 : vector<1x16xf32> to vector<16xf32>
        %add3A_1026 = arith.addf %add3A_946, %get3A_1025 : vector<16xf32>
        %mul3A_1027 = arith.mulf %get3A_1025, %get3A_1025 : vector<16xf32>
        %add3A_1028 = arith.addf %add3A_948, %mul3A_1027 : vector<16xf32>
        %max3A_1029 = arith.maximumf %max3A_949, %get3A_1025 : vector<16xf32>
        %min3A_1030 = arith.minimumf %min3A_950, %get3A_1025 : vector<16xf32>
        %mul3A_1031 = arith.constant 20 : i32
        %mul3A_1032 = arith.muli %add3A_273, %mul3A_1031 : i32
        %add3A_1033 = arith.constant 9 : i32
        %add3A_1034 = arith.addi %mul3A_1032, %add3A_1033 : i32
        %get3A_1035 = arith.index_cast %add3A_1034 : i32 to index
        %get3A_1036 = arith.constant 0 : index
        %get3A_1037 = tpu.vector_load %arg11[%get3A_1035, %get3A_1036] {strides = array<i32>} : memref<320x128xf32, #tpu.memory_space<vmem>>, vector<1x16xf32>,
        %get3A_1038 = vector.shape_cast %get3A_1037 : vector<1x16xf32> to vector<16xf32>
        %add3A_1039 = arith.addf %add3A_959, %get3A_1038 : vector<16xf32>
        %mul3A_1040 = arith.mulf %get3A_1038, %get3A_1038 : vector<16xf32>
        %add3A_1041 = arith.addf %add3A_961, %mul3A_1040 : vector<16xf32>
        %max3A_1042 = arith.maximumf %max3A_962, %get3A_1038 : vector<16xf32>
        %min3A_1043 = arith.minimumf %min3A_963, %get3A_1038 : vector<16xf32>
        %get3A_1044 = arith.index_cast %add3A_1034 : i32 to index
        %get3A_1045 = arith.constant 16 : index
        %get3A_1046 = tpu.vector_load %arg11[%get3A_1044, %get3A_1045] {strides = array<i32>} : memref<320x128xf32, #tpu.memory_space<vmem>>, vector<1x16xf32>,
        %get3A_1047 = vector.shape_cast %get3A_1046 : vector<1x16xf32> to vector<16xf32>
        %add3A_1048 = arith.addf %add3A_968, %get3A_1047 : vector<16xf32>
        %mul3A_1049 = arith.mulf %get3A_1047, %get3A_1047 : vector<16xf32>
        %add3A_1050 = arith.addf %add3A_970, %mul3A_1049 : vector<16xf32>
        %max3A_1051 = arith.maximumf %max3A_971, %get3A_1047 : vector<16xf32>
        %min3A_1052 = arith.minimumf %min3A_972, %get3A_1047 : vector<16xf32>
        %get3A_1053 = arith.index_cast %add3A_1034 : i32 to index
        %get3A_1054 = arith.constant 32 : index
        %get3A_1055 = tpu.vector_load %arg11[%get3A_1053, %get3A_1054] {strides = array<i32>} : memref<320x128xf32, #tpu.memory_space<vmem>>, vector<1x16xf32>,
        %get3A_1056 = vector.shape_cast %get3A_1055 : vector<1x16xf32> to vector<16xf32>
        %add3A_1057 = arith.addf %add3A_977, %get3A_1056 : vector<16xf32>
        %mul3A_1058 = arith.mulf %get3A_1056, %get3A_1056 : vector<16xf32>
        %add3A_1059 = arith.addf %add3A_979, %mul3A_1058 : vector<16xf32>
        %max3A_1060 = arith.maximumf %max3A_980, %get3A_1056 : vector<16xf32>
        %min3A_1061 = arith.minimumf %min3A_981, %get3A_1056 : vector<16xf32>
        %get3A_1062 = arith.index_cast %add3A_1034 : i32 to index
        %get3A_1063 = arith.constant 48 : index
        %get3A_1064 = tpu.vector_load %arg11[%get3A_1062, %get3A_1063] {strides = array<i32>} : memref<320x128xf32, #tpu.memory_space<vmem>>, vector<1x16xf32>,
        %get3A_1065 = vector.shape_cast %get3A_1064 : vector<1x16xf32> to vector<16xf32>
        %add3A_1066 = arith.addf %add3A_986, %get3A_1065 : vector<16xf32>
        %mul3A_1067 = arith.mulf %get3A_1065, %get3A_1065 : vector<16xf32>
        %add3A_1068 = arith.addf %add3A_988, %mul3A_1067 : vector<16xf32>
        %max3A_1069 = arith.maximumf %max3A_989, %get3A_1065 : vector<16xf32>
        %min3A_1070 = arith.minimumf %min3A_990, %get3A_1065 : vector<16xf32>
        %mul3A_1071 = arith.constant 20 : i32
        %mul3A_1072 = arith.muli %mul3A_269, %mul3A_1071 : i32
        %add3A_1073 = arith.constant 10 : i32
        %add3A_1074 = arith.addi %mul3A_1072, %add3A_1073 : i32
        %get3A_1075 = arith.index_cast %add3A_1074 : i32 to index
        %get3A_1076 = arith.constant 0 : index
        %get3A_1077 = tpu.vector_load %arg11[%get3A_1075, %get3A_1076] {strides = array<i32>} : memref<320x128xf32, #tpu.memory_space<vmem>>, vector<1x16xf32>,
        %get3A_1078 = vector.shape_cast %get3A_1077 : vector<1x16xf32> to vector<16xf32>
        %add3A_1079 = arith.addf %add3A_999, %get3A_1078 : vector<16xf32>
        %mul3A_1080 = arith.mulf %get3A_1078, %get3A_1078 : vector<16xf32>
        %add3A_1081 = arith.addf %add3A_1001, %mul3A_1080 : vector<16xf32>
        %max3A_1082 = arith.maximumf %max3A_1002, %get3A_1078 : vector<16xf32>
        %min3A_1083 = arith.minimumf %min3A_1003, %get3A_1078 : vector<16xf32>
        %get3A_1084 = arith.index_cast %add3A_1074 : i32 to index
        %get3A_1085 = arith.constant 16 : index
        %get3A_1086 = tpu.vector_load %arg11[%get3A_1084, %get3A_1085] {strides = array<i32>} : memref<320x128xf32, #tpu.memory_space<vmem>>, vector<1x16xf32>,
        %get3A_1087 = vector.shape_cast %get3A_1086 : vector<1x16xf32> to vector<16xf32>
        %add3A_1088 = arith.addf %add3A_1008, %get3A_1087 : vector<16xf32>
        %mul3A_1089 = arith.mulf %get3A_1087, %get3A_1087 : vector<16xf32>
        %add3A_1090 = arith.addf %add3A_1010, %mul3A_1089 : vector<16xf32>
        %max3A_1091 = arith.maximumf %max3A_1011, %get3A_1087 : vector<16xf32>
        %min3A_1092 = arith.minimumf %min3A_1012, %get3A_1087 : vector<16xf32>
        %get3A_1093 = arith.index_cast %add3A_1074 : i32 to index
        %get3A_1094 = arith.constant 32 : index
        %get3A_1095 = tpu.vector_load %arg11[%get3A_1093, %get3A_1094] {strides = array<i32>} : memref<320x128xf32, #tpu.memory_space<vmem>>, vector<1x16xf32>,
        %get3A_1096 = vector.shape_cast %get3A_1095 : vector<1x16xf32> to vector<16xf32>
        %add3A_1097 = arith.addf %add3A_1017, %get3A_1096 : vector<16xf32>
        %mul3A_1098 = arith.mulf %get3A_1096, %get3A_1096 : vector<16xf32>
        %add3A_1099 = arith.addf %add3A_1019, %mul3A_1098 : vector<16xf32>
        %max3A_1100 = arith.maximumf %max3A_1020, %get3A_1096 : vector<16xf32>
        %min3A_1101 = arith.minimumf %min3A_1021, %get3A_1096 : vector<16xf32>
        %get3A_1102 = arith.index_cast %add3A_1074 : i32 to index
        %get3A_1103 = arith.constant 48 : index
        %get3A_1104 = tpu.vector_load %arg11[%get3A_1102, %get3A_1103] {strides = array<i32>} : memref<320x128xf32, #tpu.memory_space<vmem>>, vector<1x16xf32>,
        %get3A_1105 = vector.shape_cast %get3A_1104 : vector<1x16xf32> to vector<16xf32>
        %add3A_1106 = arith.addf %add3A_1026, %get3A_1105 : vector<16xf32>
        %mul3A_1107 = arith.mulf %get3A_1105, %get3A_1105 : vector<16xf32>
        %add3A_1108 = arith.addf %add3A_1028, %mul3A_1107 : vector<16xf32>
        %max3A_1109 = arith.maximumf %max3A_1029, %get3A_1105 : vector<16xf32>
        %min3A_1110 = arith.minimumf %min3A_1030, %get3A_1105 : vector<16xf32>
        %mul3A_1111 = arith.constant 20 : i32
        %mul3A_1112 = arith.muli %add3A_273, %mul3A_1111 : i32
        %add3A_1113 = arith.constant 10 : i32
        %add3A_1114 = arith.addi %mul3A_1112, %add3A_1113 : i32
        %get3A_1115 = arith.index_cast %add3A_1114 : i32 to index
        %get3A_1116 = arith.constant 0 : index
        %get3A_1117 = tpu.vector_load %arg11[%get3A_1115, %get3A_1116] {strides = array<i32>} : memref<320x128xf32, #tpu.memory_space<vmem>>, vector<1x16xf32>,
        %get3A_1118 = vector.shape_cast %get3A_1117 : vector<1x16xf32> to vector<16xf32>
        %add3A_1119 = arith.addf %add3A_1039, %get3A_1118 : vector<16xf32>
        %mul3A_1120 = arith.mulf %get3A_1118, %get3A_1118 : vector<16xf32>
        %add3A_1121 = arith.addf %add3A_1041, %mul3A_1120 : vector<16xf32>
        %max3A_1122 = arith.maximumf %max3A_1042, %get3A_1118 : vector<16xf32>
        %min3A_1123 = arith.minimumf %min3A_1043, %get3A_1118 : vector<16xf32>
        %get3A_1124 = arith.index_cast %add3A_1114 : i32 to index
        %get3A_1125 = arith.constant 16 : index
        %get3A_1126 = tpu.vector_load %arg11[%get3A_1124, %get3A_1125] {strides = array<i32>} : memref<320x128xf32, #tpu.memory_space<vmem>>, vector<1x16xf32>,
        %get3A_1127 = vector.shape_cast %get3A_1126 : vector<1x16xf32> to vector<16xf32>
        %add3A_1128 = arith.addf %add3A_1048, %get3A_1127 : vector<16xf32>
        %mul3A_1129 = arith.mulf %get3A_1127, %get3A_1127 : vector<16xf32>
        %add3A_1130 = arith.addf %add3A_1050, %mul3A_1129 : vector<16xf32>
        %max3A_1131 = arith.maximumf %max3A_1051, %get3A_1127 : vector<16xf32>
        %min3A_1132 = arith.minimumf %min3A_1052, %get3A_1127 : vector<16xf32>
        %get3A_1133 = arith.index_cast %add3A_1114 : i32 to index
        %get3A_1134 = arith.constant 32 : index
        %get3A_1135 = tpu.vector_load %arg11[%get3A_1133, %get3A_1134] {strides = array<i32>} : memref<320x128xf32, #tpu.memory_space<vmem>>, vector<1x16xf32>,
        %get3A_1136 = vector.shape_cast %get3A_1135 : vector<1x16xf32> to vector<16xf32>
        %add3A_1137 = arith.addf %add3A_1057, %get3A_1136 : vector<16xf32>
        %mul3A_1138 = arith.mulf %get3A_1136, %get3A_1136 : vector<16xf32>
        %add3A_1139 = arith.addf %add3A_1059, %mul3A_1138 : vector<16xf32>
        %max3A_1140 = arith.maximumf %max3A_1060, %get3A_1136 : vector<16xf32>
        %min3A_1141 = arith.minimumf %min3A_1061, %get3A_1136 : vector<16xf32>
        %get3A_1142 = arith.index_cast %add3A_1114 : i32 to index
        %get3A_1143 = arith.constant 48 : index
        %get3A_1144 = tpu.vector_load %arg11[%get3A_1142, %get3A_1143] {strides = array<i32>} : memref<320x128xf32, #tpu.memory_space<vmem>>, vector<1x16xf32>,
        %get3A_1145 = vector.shape_cast %get3A_1144 : vector<1x16xf32> to vector<16xf32>
        %add3A_1146 = arith.addf %add3A_1066, %get3A_1145 : vector<16xf32>
        %mul3A_1147 = arith.mulf %get3A_1145, %get3A_1145 : vector<16xf32>
        %add3A_1148 = arith.addf %add3A_1068, %mul3A_1147 : vector<16xf32>
        %max3A_1149 = arith.maximumf %max3A_1069, %get3A_1145 : vector<16xf32>
        %min3A_1150 = arith.minimumf %min3A_1070, %get3A_1145 : vector<16xf32>
        %mul3A_1151 = arith.constant 20 : i32
        %mul3A_1152 = arith.muli %mul3A_269, %mul3A_1151 : i32
        %add3A_1153 = arith.constant 11 : i32
        %add3A_1154 = arith.addi %mul3A_1152, %add3A_1153 : i32
        %get3A_1155 = arith.index_cast %add3A_1154 : i32 to index
        %get3A_1156 = arith.constant 0 : index
        %get3A_1157 = tpu.vector_load %arg11[%get3A_1155, %get3A_1156] {strides = array<i32>} : memref<320x128xf32, #tpu.memory_space<vmem>>, vector<1x16xf32>,
        %get3A_1158 = vector.shape_cast %get3A_1157 : vector<1x16xf32> to vector<16xf32>
        %add3A_1159 = arith.addf %add3A_1079, %get3A_1158 : vector<16xf32>
        %mul3A_1160 = arith.mulf %get3A_1158, %get3A_1158 : vector<16xf32>
        %add3A_1161 = arith.addf %add3A_1081, %mul3A_1160 : vector<16xf32>
        %max3A_1162 = arith.maximumf %max3A_1082, %get3A_1158 : vector<16xf32>
        %min3A_1163 = arith.minimumf %min3A_1083, %get3A_1158 : vector<16xf32>
        %get3A_1164 = arith.index_cast %add3A_1154 : i32 to index
        %get3A_1165 = arith.constant 16 : index
        %get3A_1166 = tpu.vector_load %arg11[%get3A_1164, %get3A_1165] {strides = array<i32>} : memref<320x128xf32, #tpu.memory_space<vmem>>, vector<1x16xf32>,
        %get3A_1167 = vector.shape_cast %get3A_1166 : vector<1x16xf32> to vector<16xf32>
        %add3A_1168 = arith.addf %add3A_1088, %get3A_1167 : vector<16xf32>
        %mul3A_1169 = arith.mulf %get3A_1167, %get3A_1167 : vector<16xf32>
        %add3A_1170 = arith.addf %add3A_1090, %mul3A_1169 : vector<16xf32>
        %max3A_1171 = arith.maximumf %max3A_1091, %get3A_1167 : vector<16xf32>
        %min3A_1172 = arith.minimumf %min3A_1092, %get3A_1167 : vector<16xf32>
        %get3A_1173 = arith.index_cast %add3A_1154 : i32 to index
        %get3A_1174 = arith.constant 32 : index
        %get3A_1175 = tpu.vector_load %arg11[%get3A_1173, %get3A_1174] {strides = array<i32>} : memref<320x128xf32, #tpu.memory_space<vmem>>, vector<1x16xf32>,
        %get3A_1176 = vector.shape_cast %get3A_1175 : vector<1x16xf32> to vector<16xf32>
        %add3A_1177 = arith.addf %add3A_1097, %get3A_1176 : vector<16xf32>
        %mul3A_1178 = arith.mulf %get3A_1176, %get3A_1176 : vector<16xf32>
        %add3A_1179 = arith.addf %add3A_1099, %mul3A_1178 : vector<16xf32>
        %max3A_1180 = arith.maximumf %max3A_1100, %get3A_1176 : vector<16xf32>
        %min3A_1181 = arith.minimumf %min3A_1101, %get3A_1176 : vector<16xf32>
        %get3A_1182 = arith.index_cast %add3A_1154 : i32 to index
        %get3A_1183 = arith.constant 48 : index
        %get3A_1184 = tpu.vector_load %arg11[%get3A_1182, %get3A_1183] {strides = array<i32>} : memref<320x128xf32, #tpu.memory_space<vmem>>, vector<1x16xf32>,
        %get3A_1185 = vector.shape_cast %get3A_1184 : vector<1x16xf32> to vector<16xf32>
        %add3A_1186 = arith.addf %add3A_1106, %get3A_1185 : vector<16xf32>
        %mul3A_1187 = arith.mulf %get3A_1185, %get3A_1185 : vector<16xf32>
        %add3A_1188 = arith.addf %add3A_1108, %mul3A_1187 : vector<16xf32>
        %max3A_1189 = arith.maximumf %max3A_1109, %get3A_1185 : vector<16xf32>
        %min3A_1190 = arith.minimumf %min3A_1110, %get3A_1185 : vector<16xf32>
        %mul3A_1191 = arith.constant 20 : i32
        %mul3A_1192 = arith.muli %add3A_273, %mul3A_1191 : i32
        %add3A_1193 = arith.constant 11 : i32
        %add3A_1194 = arith.addi %mul3A_1192, %add3A_1193 : i32
        %get3A_1195 = arith.index_cast %add3A_1194 : i32 to index
        %get3A_1196 = arith.constant 0 : index
        %get3A_1197 = tpu.vector_load %arg11[%get3A_1195, %get3A_1196] {strides = array<i32>} : memref<320x128xf32, #tpu.memory_space<vmem>>, vector<1x16xf32>,
        %get3A_1198 = vector.shape_cast %get3A_1197 : vector<1x16xf32> to vector<16xf32>
        %add3A_1199 = arith.addf %add3A_1119, %get3A_1198 : vector<16xf32>
        %mul3A_1200 = arith.mulf %get3A_1198, %get3A_1198 : vector<16xf32>
        %add3A_1201 = arith.addf %add3A_1121, %mul3A_1200 : vector<16xf32>
        %max3A_1202 = arith.maximumf %max3A_1122, %get3A_1198 : vector<16xf32>
        %min3A_1203 = arith.minimumf %min3A_1123, %get3A_1198 : vector<16xf32>
        %get3A_1204 = arith.index_cast %add3A_1194 : i32 to index
        %get3A_1205 = arith.constant 16 : index
        %get3A_1206 = tpu.vector_load %arg11[%get3A_1204, %get3A_1205] {strides = array<i32>} : memref<320x128xf32, #tpu.memory_space<vmem>>, vector<1x16xf32>,
        %get3A_1207 = vector.shape_cast %get3A_1206 : vector<1x16xf32> to vector<16xf32>
        %add3A_1208 = arith.addf %add3A_1128, %get3A_1207 : vector<16xf32>
        %mul3A_1209 = arith.mulf %get3A_1207, %get3A_1207 : vector<16xf32>
        %add3A_1210 = arith.addf %add3A_1130, %mul3A_1209 : vector<16xf32>
        %max3A_1211 = arith.maximumf %max3A_1131, %get3A_1207 : vector<16xf32>
        %min3A_1212 = arith.minimumf %min3A_1132, %get3A_1207 : vector<16xf32>
        %get3A_1213 = arith.index_cast %add3A_1194 : i32 to index
        %get3A_1214 = arith.constant 32 : index
        %get3A_1215 = tpu.vector_load %arg11[%get3A_1213, %get3A_1214] {strides = array<i32>} : memref<320x128xf32, #tpu.memory_space<vmem>>, vector<1x16xf32>,
        %get3A_1216 = vector.shape_cast %get3A_1215 : vector<1x16xf32> to vector<16xf32>
        %add3A_1217 = arith.addf %add3A_1137, %get3A_1216 : vector<16xf32>
        %mul3A_1218 = arith.mulf %get3A_1216, %get3A_1216 : vector<16xf32>
        %add3A_1219 = arith.addf %add3A_1139, %mul3A_1218 : vector<16xf32>
        %max3A_1220 = arith.maximumf %max3A_1140, %get3A_1216 : vector<16xf32>
        %min3A_1221 = arith.minimumf %min3A_1141, %get3A_1216 : vector<16xf32>
        %get3A_1222 = arith.index_cast %add3A_1194 : i32 to index
        %get3A_1223 = arith.constant 48 : index
        %get3A_1224 = tpu.vector_load %arg11[%get3A_1222, %get3A_1223] {strides = array<i32>} : memref<320x128xf32, #tpu.memory_space<vmem>>, vector<1x16xf32>,
        %get3A_1225 = vector.shape_cast %get3A_1224 : vector<1x16xf32> to vector<16xf32>
        %add3A_1226 = arith.addf %add3A_1146, %get3A_1225 : vector<16xf32>
        %mul3A_1227 = arith.mulf %get3A_1225, %get3A_1225 : vector<16xf32>
        %add3A_1228 = arith.addf %add3A_1148, %mul3A_1227 : vector<16xf32>
        %max3A_1229 = arith.maximumf %max3A_1149, %get3A_1225 : vector<16xf32>
        %min3A_1230 = arith.minimumf %min3A_1150, %get3A_1225 : vector<16xf32>
        %mul3A_1231 = arith.constant 20 : i32
        %mul3A_1232 = arith.muli %mul3A_269, %mul3A_1231 : i32
        %add3A_1233 = arith.constant 12 : i32
        %add3A_1234 = arith.addi %mul3A_1232, %add3A_1233 : i32
        %get3A_1235 = arith.index_cast %add3A_1234 : i32 to index
        %get3A_1236 = arith.constant 0 : index
        %get3A_1237 = tpu.vector_load %arg11[%get3A_1235, %get3A_1236] {strides = array<i32>} : memref<320x128xf32, #tpu.memory_space<vmem>>, vector<1x16xf32>,
        %get3A_1238 = vector.shape_cast %get3A_1237 : vector<1x16xf32> to vector<16xf32>
        %add3A_1239 = arith.addf %add3A_1159, %get3A_1238 : vector<16xf32>
        %mul3A_1240 = arith.mulf %get3A_1238, %get3A_1238 : vector<16xf32>
        %add3A_1241 = arith.addf %add3A_1161, %mul3A_1240 : vector<16xf32>
        %max3A_1242 = arith.maximumf %max3A_1162, %get3A_1238 : vector<16xf32>
        %min3A_1243 = arith.minimumf %min3A_1163, %get3A_1238 : vector<16xf32>
        %get3A_1244 = arith.index_cast %add3A_1234 : i32 to index
        %get3A_1245 = arith.constant 16 : index
        %get3A_1246 = tpu.vector_load %arg11[%get3A_1244, %get3A_1245] {strides = array<i32>} : memref<320x128xf32, #tpu.memory_space<vmem>>, vector<1x16xf32>,
        %get3A_1247 = vector.shape_cast %get3A_1246 : vector<1x16xf32> to vector<16xf32>
        %add3A_1248 = arith.addf %add3A_1168, %get3A_1247 : vector<16xf32>
        %mul3A_1249 = arith.mulf %get3A_1247, %get3A_1247 : vector<16xf32>
        %add3A_1250 = arith.addf %add3A_1170, %mul3A_1249 : vector<16xf32>
        %max3A_1251 = arith.maximumf %max3A_1171, %get3A_1247 : vector<16xf32>
        %min3A_1252 = arith.minimumf %min3A_1172, %get3A_1247 : vector<16xf32>
        %get3A_1253 = arith.index_cast %add3A_1234 : i32 to index
        %get3A_1254 = arith.constant 32 : index
        %get3A_1255 = tpu.vector_load %arg11[%get3A_1253, %get3A_1254] {strides = array<i32>} : memref<320x128xf32, #tpu.memory_space<vmem>>, vector<1x16xf32>,
        %get3A_1256 = vector.shape_cast %get3A_1255 : vector<1x16xf32> to vector<16xf32>
        %add3A_1257 = arith.addf %add3A_1177, %get3A_1256 : vector<16xf32>
        %mul3A_1258 = arith.mulf %get3A_1256, %get3A_1256 : vector<16xf32>
        %add3A_1259 = arith.addf %add3A_1179, %mul3A_1258 : vector<16xf32>
        %max3A_1260 = arith.maximumf %max3A_1180, %get3A_1256 : vector<16xf32>
        %min3A_1261 = arith.minimumf %min3A_1181, %get3A_1256 : vector<16xf32>
        %get3A_1262 = arith.index_cast %add3A_1234 : i32 to index
        %get3A_1263 = arith.constant 48 : index
        %get3A_1264 = tpu.vector_load %arg11[%get3A_1262, %get3A_1263] {strides = array<i32>} : memref<320x128xf32, #tpu.memory_space<vmem>>, vector<1x16xf32>,
        %get3A_1265 = vector.shape_cast %get3A_1264 : vector<1x16xf32> to vector<16xf32>
        %add3A_1266 = arith.addf %add3A_1186, %get3A_1265 : vector<16xf32>
        %mul3A_1267 = arith.mulf %get3A_1265, %get3A_1265 : vector<16xf32>
        %add3A_1268 = arith.addf %add3A_1188, %mul3A_1267 : vector<16xf32>
        %max3A_1269 = arith.maximumf %max3A_1189, %get3A_1265 : vector<16xf32>
        %min3A_1270 = arith.minimumf %min3A_1190, %get3A_1265 : vector<16xf32>
        %mul3A_1271 = arith.constant 20 : i32
        %mul3A_1272 = arith.muli %add3A_273, %mul3A_1271 : i32
        %add3A_1273 = arith.constant 12 : i32
        %add3A_1274 = arith.addi %mul3A_1272, %add3A_1273 : i32
        %get3A_1275 = arith.index_cast %add3A_1274 : i32 to index
        %get3A_1276 = arith.constant 0 : index
        %get3A_1277 = tpu.vector_load %arg11[%get3A_1275, %get3A_1276] {strides = array<i32>} : memref<320x128xf32, #tpu.memory_space<vmem>>, vector<1x16xf32>,
        %get3A_1278 = vector.shape_cast %get3A_1277 : vector<1x16xf32> to vector<16xf32>
        %add3A_1279 = arith.addf %add3A_1199, %get3A_1278 : vector<16xf32>
        %mul3A_1280 = arith.mulf %get3A_1278, %get3A_1278 : vector<16xf32>
        %add3A_1281 = arith.addf %add3A_1201, %mul3A_1280 : vector<16xf32>
        %max3A_1282 = arith.maximumf %max3A_1202, %get3A_1278 : vector<16xf32>
        %min3A_1283 = arith.minimumf %min3A_1203, %get3A_1278 : vector<16xf32>
        %get3A_1284 = arith.index_cast %add3A_1274 : i32 to index
        %get3A_1285 = arith.constant 16 : index
        %get3A_1286 = tpu.vector_load %arg11[%get3A_1284, %get3A_1285] {strides = array<i32>} : memref<320x128xf32, #tpu.memory_space<vmem>>, vector<1x16xf32>,
        %get3A_1287 = vector.shape_cast %get3A_1286 : vector<1x16xf32> to vector<16xf32>
        %add3A_1288 = arith.addf %add3A_1208, %get3A_1287 : vector<16xf32>
        %mul3A_1289 = arith.mulf %get3A_1287, %get3A_1287 : vector<16xf32>
        %add3A_1290 = arith.addf %add3A_1210, %mul3A_1289 : vector<16xf32>
        %max3A_1291 = arith.maximumf %max3A_1211, %get3A_1287 : vector<16xf32>
        %min3A_1292 = arith.minimumf %min3A_1212, %get3A_1287 : vector<16xf32>
        %get3A_1293 = arith.index_cast %add3A_1274 : i32 to index
        %get3A_1294 = arith.constant 32 : index
        %get3A_1295 = tpu.vector_load %arg11[%get3A_1293, %get3A_1294] {strides = array<i32>} : memref<320x128xf32, #tpu.memory_space<vmem>>, vector<1x16xf32>,
        %get3A_1296 = vector.shape_cast %get3A_1295 : vector<1x16xf32> to vector<16xf32>
        %add3A_1297 = arith.addf %add3A_1217, %get3A_1296 : vector<16xf32>
        %mul3A_1298 = arith.mulf %get3A_1296, %get3A_1296 : vector<16xf32>
        %add3A_1299 = arith.addf %add3A_1219, %mul3A_1298 : vector<16xf32>
        %max3A_1300 = arith.maximumf %max3A_1220, %get3A_1296 : vector<16xf32>
        %min3A_1301 = arith.minimumf %min3A_1221, %get3A_1296 : vector<16xf32>
        %get3A_1302 = arith.index_cast %add3A_1274 : i32 to index
        %get3A_1303 = arith.constant 48 : index
        %get3A_1304 = tpu.vector_load %arg11[%get3A_1302, %get3A_1303] {strides = array<i32>} : memref<320x128xf32, #tpu.memory_space<vmem>>, vector<1x16xf32>,
        %get3A_1305 = vector.shape_cast %get3A_1304 : vector<1x16xf32> to vector<16xf32>
        %add3A_1306 = arith.addf %add3A_1226, %get3A_1305 : vector<16xf32>
        %mul3A_1307 = arith.mulf %get3A_1305, %get3A_1305 : vector<16xf32>
        %add3A_1308 = arith.addf %add3A_1228, %mul3A_1307 : vector<16xf32>
        %max3A_1309 = arith.maximumf %max3A_1229, %get3A_1305 : vector<16xf32>
        %min3A_1310 = arith.minimumf %min3A_1230, %get3A_1305 : vector<16xf32>
        %mul3A_1311 = arith.constant 20 : i32
        %mul3A_1312 = arith.muli %mul3A_269, %mul3A_1311 : i32
        %add3A_1313 = arith.constant 13 : i32
        %add3A_1314 = arith.addi %mul3A_1312, %add3A_1313 : i32
        %get3A_1315 = arith.index_cast %add3A_1314 : i32 to index
        %get3A_1316 = arith.constant 0 : index
        %get3A_1317 = tpu.vector_load %arg11[%get3A_1315, %get3A_1316] {strides = array<i32>} : memref<320x128xf32, #tpu.memory_space<vmem>>, vector<1x16xf32>,
        %get3A_1318 = vector.shape_cast %get3A_1317 : vector<1x16xf32> to vector<16xf32>
        %add3A_1319 = arith.addf %add3A_1239, %get3A_1318 : vector<16xf32>
        %mul3A_1320 = arith.mulf %get3A_1318, %get3A_1318 : vector<16xf32>
        %add3A_1321 = arith.addf %add3A_1241, %mul3A_1320 : vector<16xf32>
        %max3A_1322 = arith.maximumf %max3A_1242, %get3A_1318 : vector<16xf32>
        %min3A_1323 = arith.minimumf %min3A_1243, %get3A_1318 : vector<16xf32>
        %get3A_1324 = arith.index_cast %add3A_1314 : i32 to index
        %get3A_1325 = arith.constant 16 : index
        %get3A_1326 = tpu.vector_load %arg11[%get3A_1324, %get3A_1325] {strides = array<i32>} : memref<320x128xf32, #tpu.memory_space<vmem>>, vector<1x16xf32>,
        %get3A_1327 = vector.shape_cast %get3A_1326 : vector<1x16xf32> to vector<16xf32>
        %add3A_1328 = arith.addf %add3A_1248, %get3A_1327 : vector<16xf32>
        %mul3A_1329 = arith.mulf %get3A_1327, %get3A_1327 : vector<16xf32>
        %add3A_1330 = arith.addf %add3A_1250, %mul3A_1329 : vector<16xf32>
        %max3A_1331 = arith.maximumf %max3A_1251, %get3A_1327 : vector<16xf32>
        %min3A_1332 = arith.minimumf %min3A_1252, %get3A_1327 : vector<16xf32>
        %get3A_1333 = arith.index_cast %add3A_1314 : i32 to index
        %get3A_1334 = arith.constant 32 : index
        %get3A_1335 = tpu.vector_load %arg11[%get3A_1333, %get3A_1334] {strides = array<i32>} : memref<320x128xf32, #tpu.memory_space<vmem>>, vector<1x16xf32>,
        %get3A_1336 = vector.shape_cast %get3A_1335 : vector<1x16xf32> to vector<16xf32>
        %add3A_1337 = arith.addf %add3A_1257, %get3A_1336 : vector<16xf32>
        %mul3A_1338 = arith.mulf %get3A_1336, %get3A_1336 : vector<16xf32>
        %add3A_1339 = arith.addf %add3A_1259, %mul3A_1338 : vector<16xf32>
        %max3A_1340 = arith.maximumf %max3A_1260, %get3A_1336 : vector<16xf32>
        %min3A_1341 = arith.minimumf %min3A_1261, %get3A_1336 : vector<16xf32>
        %get3A_1342 = arith.index_cast %add3A_1314 : i32 to index
        %get3A_1343 = arith.constant 48 : index
        %get3A_1344 = tpu.vector_load %arg11[%get3A_1342, %get3A_1343] {strides = array<i32>} : memref<320x128xf32, #tpu.memory_space<vmem>>, vector<1x16xf32>,
        %get3A_1345 = vector.shape_cast %get3A_1344 : vector<1x16xf32> to vector<16xf32>
        %add3A_1346 = arith.addf %add3A_1266, %get3A_1345 : vector<16xf32>
        %mul3A_1347 = arith.mulf %get3A_1345, %get3A_1345 : vector<16xf32>
        %add3A_1348 = arith.addf %add3A_1268, %mul3A_1347 : vector<16xf32>
        %max3A_1349 = arith.maximumf %max3A_1269, %get3A_1345 : vector<16xf32>
        %min3A_1350 = arith.minimumf %min3A_1270, %get3A_1345 : vector<16xf32>
        %mul3A_1351 = arith.constant 20 : i32
        %mul3A_1352 = arith.muli %add3A_273, %mul3A_1351 : i32
        %add3A_1353 = arith.constant 13 : i32
        %add3A_1354 = arith.addi %mul3A_1352, %add3A_1353 : i32
        %get3A_1355 = arith.index_cast %add3A_1354 : i32 to index
        %get3A_1356 = arith.constant 0 : index
        %get3A_1357 = tpu.vector_load %arg11[%get3A_1355, %get3A_1356] {strides = array<i32>} : memref<320x128xf32, #tpu.memory_space<vmem>>, vector<1x16xf32>,
        %get3A_1358 = vector.shape_cast %get3A_1357 : vector<1x16xf32> to vector<16xf32>
        %add3A_1359 = arith.addf %add3A_1279, %get3A_1358 : vector<16xf32>
        %mul3A_1360 = arith.mulf %get3A_1358, %get3A_1358 : vector<16xf32>
        %add3A_1361 = arith.addf %add3A_1281, %mul3A_1360 : vector<16xf32>
        %max3A_1362 = arith.maximumf %max3A_1282, %get3A_1358 : vector<16xf32>
        %min3A_1363 = arith.minimumf %min3A_1283, %get3A_1358 : vector<16xf32>
        %get3A_1364 = arith.index_cast %add3A_1354 : i32 to index
        %get3A_1365 = arith.constant 16 : index
        %get3A_1366 = tpu.vector_load %arg11[%get3A_1364, %get3A_1365] {strides = array<i32>} : memref<320x128xf32, #tpu.memory_space<vmem>>, vector<1x16xf32>,
        %get3A_1367 = vector.shape_cast %get3A_1366 : vector<1x16xf32> to vector<16xf32>
        %add3A_1368 = arith.addf %add3A_1288, %get3A_1367 : vector<16xf32>
        %mul3A_1369 = arith.mulf %get3A_1367, %get3A_1367 : vector<16xf32>
        %add3A_1370 = arith.addf %add3A_1290, %mul3A_1369 : vector<16xf32>
        %max3A_1371 = arith.maximumf %max3A_1291, %get3A_1367 : vector<16xf32>
        %min3A_1372 = arith.minimumf %min3A_1292, %get3A_1367 : vector<16xf32>
        %get3A_1373 = arith.index_cast %add3A_1354 : i32 to index
        %get3A_1374 = arith.constant 32 : index
        %get3A_1375 = tpu.vector_load %arg11[%get3A_1373, %get3A_1374] {strides = array<i32>} : memref<320x128xf32, #tpu.memory_space<vmem>>, vector<1x16xf32>,
        %get3A_1376 = vector.shape_cast %get3A_1375 : vector<1x16xf32> to vector<16xf32>
        %add3A_1377 = arith.addf %add3A_1297, %get3A_1376 : vector<16xf32>
        %mul3A_1378 = arith.mulf %get3A_1376, %get3A_1376 : vector<16xf32>
        %add3A_1379 = arith.addf %add3A_1299, %mul3A_1378 : vector<16xf32>
        %max3A_1380 = arith.maximumf %max3A_1300, %get3A_1376 : vector<16xf32>
        %min3A_1381 = arith.minimumf %min3A_1301, %get3A_1376 : vector<16xf32>
        %get3A_1382 = arith.index_cast %add3A_1354 : i32 to index
        %get3A_1383 = arith.constant 48 : index
        %get3A_1384 = tpu.vector_load %arg11[%get3A_1382, %get3A_1383] {strides = array<i32>} : memref<320x128xf32, #tpu.memory_space<vmem>>, vector<1x16xf32>,
        %get3A_1385 = vector.shape_cast %get3A_1384 : vector<1x16xf32> to vector<16xf32>
        %add3A_1386 = arith.addf %add3A_1306, %get3A_1385 : vector<16xf32>
        %mul3A_1387 = arith.mulf %get3A_1385, %get3A_1385 : vector<16xf32>
        %add3A_1388 = arith.addf %add3A_1308, %mul3A_1387 : vector<16xf32>
        %max3A_1389 = arith.maximumf %max3A_1309, %get3A_1385 : vector<16xf32>
        %min3A_1390 = arith.minimumf %min3A_1310, %get3A_1385 : vector<16xf32>
        %mul3A_1391 = arith.constant 20 : i32
        %mul3A_1392 = arith.muli %mul3A_269, %mul3A_1391 : i32
        %add3A_1393 = arith.constant 14 : i32
        %add3A_1394 = arith.addi %mul3A_1392, %add3A_1393 : i32
        %get3A_1395 = arith.index_cast %add3A_1394 : i32 to index
        %get3A_1396 = arith.constant 0 : index
        %get3A_1397 = tpu.vector_load %arg11[%get3A_1395, %get3A_1396] {strides = array<i32>} : memref<320x128xf32, #tpu.memory_space<vmem>>, vector<1x16xf32>,
        %get3A_1398 = vector.shape_cast %get3A_1397 : vector<1x16xf32> to vector<16xf32>
        %add3A_1399 = arith.addf %add3A_1319, %get3A_1398 : vector<16xf32>
        %mul3A_1400 = arith.mulf %get3A_1398, %get3A_1398 : vector<16xf32>
        %add3A_1401 = arith.addf %add3A_1321, %mul3A_1400 : vector<16xf32>
        %max3A_1402 = arith.maximumf %max3A_1322, %get3A_1398 : vector<16xf32>
        %min3A_1403 = arith.minimumf %min3A_1323, %get3A_1398 : vector<16xf32>
        %get3A_1404 = arith.index_cast %add3A_1394 : i32 to index
        %get3A_1405 = arith.constant 16 : index
        %get3A_1406 = tpu.vector_load %arg11[%get3A_1404, %get3A_1405] {strides = array<i32>} : memref<320x128xf32, #tpu.memory_space<vmem>>, vector<1x16xf32>,
        %get3A_1407 = vector.shape_cast %get3A_1406 : vector<1x16xf32> to vector<16xf32>
        %add3A_1408 = arith.addf %add3A_1328, %get3A_1407 : vector<16xf32>
        %mul3A_1409 = arith.mulf %get3A_1407, %get3A_1407 : vector<16xf32>
        %add3A_1410 = arith.addf %add3A_1330, %mul3A_1409 : vector<16xf32>
        %max3A_1411 = arith.maximumf %max3A_1331, %get3A_1407 : vector<16xf32>
        %min3A_1412 = arith.minimumf %min3A_1332, %get3A_1407 : vector<16xf32>
        %get3A_1413 = arith.index_cast %add3A_1394 : i32 to index
        %get3A_1414 = arith.constant 32 : index
        %get3A_1415 = tpu.vector_load %arg11[%get3A_1413, %get3A_1414] {strides = array<i32>} : memref<320x128xf32, #tpu.memory_space<vmem>>, vector<1x16xf32>,
        %get3A_1416 = vector.shape_cast %get3A_1415 : vector<1x16xf32> to vector<16xf32>
        %add3A_1417 = arith.addf %add3A_1337, %get3A_1416 : vector<16xf32>
        %mul3A_1418 = arith.mulf %get3A_1416, %get3A_1416 : vector<16xf32>
        %add3A_1419 = arith.addf %add3A_1339, %mul3A_1418 : vector<16xf32>
        %max3A_1420 = arith.maximumf %max3A_1340, %get3A_1416 : vector<16xf32>
        %min3A_1421 = arith.minimumf %min3A_1341, %get3A_1416 : vector<16xf32>
        %get3A_1422 = arith.index_cast %add3A_1394 : i32 to index
        %get3A_1423 = arith.constant 48 : index
        %get3A_1424 = tpu.vector_load %arg11[%get3A_1422, %get3A_1423] {strides = array<i32>} : memref<320x128xf32, #tpu.memory_space<vmem>>, vector<1x16xf32>,
        %get3A_1425 = vector.shape_cast %get3A_1424 : vector<1x16xf32> to vector<16xf32>
        %add3A_1426 = arith.addf %add3A_1346, %get3A_1425 : vector<16xf32>
        %mul3A_1427 = arith.mulf %get3A_1425, %get3A_1425 : vector<16xf32>
        %add3A_1428 = arith.addf %add3A_1348, %mul3A_1427 : vector<16xf32>
        %max3A_1429 = arith.maximumf %max3A_1349, %get3A_1425 : vector<16xf32>
        %min3A_1430 = arith.minimumf %min3A_1350, %get3A_1425 : vector<16xf32>
        %mul3A_1431 = arith.constant 20 : i32
        %mul3A_1432 = arith.muli %add3A_273, %mul3A_1431 : i32
        %add3A_1433 = arith.constant 14 : i32
        %add3A_1434 = arith.addi %mul3A_1432, %add3A_1433 : i32
        %get3A_1435 = arith.index_cast %add3A_1434 : i32 to index
        %get3A_1436 = arith.constant 0 : index
        %get3A_1437 = tpu.vector_load %arg11[%get3A_1435, %get3A_1436] {strides = array<i32>} : memref<320x128xf32, #tpu.memory_space<vmem>>, vector<1x16xf32>,
        %get3A_1438 = vector.shape_cast %get3A_1437 : vector<1x16xf32> to vector<16xf32>
        %add3A_1439 = arith.addf %add3A_1359, %get3A_1438 : vector<16xf32>
        %mul3A_1440 = arith.mulf %get3A_1438, %get3A_1438 : vector<16xf32>
        %add3A_1441 = arith.addf %add3A_1361, %mul3A_1440 : vector<16xf32>
        %max3A_1442 = arith.maximumf %max3A_1362, %get3A_1438 : vector<16xf32>
        %min3A_1443 = arith.minimumf %min3A_1363, %get3A_1438 : vector<16xf32>
        %get3A_1444 = arith.index_cast %add3A_1434 : i32 to index
        %get3A_1445 = arith.constant 16 : index
        %get3A_1446 = tpu.vector_load %arg11[%get3A_1444, %get3A_1445] {strides = array<i32>} : memref<320x128xf32, #tpu.memory_space<vmem>>, vector<1x16xf32>,
        %get3A_1447 = vector.shape_cast %get3A_1446 : vector<1x16xf32> to vector<16xf32>
        %add3A_1448 = arith.addf %add3A_1368, %get3A_1447 : vector<16xf32>
        %mul3A_1449 = arith.mulf %get3A_1447, %get3A_1447 : vector<16xf32>
        %add3A_1450 = arith.addf %add3A_1370, %mul3A_1449 : vector<16xf32>
        %max3A_1451 = arith.maximumf %max3A_1371, %get3A_1447 : vector<16xf32>
        %min3A_1452 = arith.minimumf %min3A_1372, %get3A_1447 : vector<16xf32>
        %get3A_1453 = arith.index_cast %add3A_1434 : i32 to index
        %get3A_1454 = arith.constant 32 : index
        %get3A_1455 = tpu.vector_load %arg11[%get3A_1453, %get3A_1454] {strides = array<i32>} : memref<320x128xf32, #tpu.memory_space<vmem>>, vector<1x16xf32>,
        %get3A_1456 = vector.shape_cast %get3A_1455 : vector<1x16xf32> to vector<16xf32>
        %add3A_1457 = arith.addf %add3A_1377, %get3A_1456 : vector<16xf32>
        %mul3A_1458 = arith.mulf %get3A_1456, %get3A_1456 : vector<16xf32>
        %add3A_1459 = arith.addf %add3A_1379, %mul3A_1458 : vector<16xf32>
        %max3A_1460 = arith.maximumf %max3A_1380, %get3A_1456 : vector<16xf32>
        %min3A_1461 = arith.minimumf %min3A_1381, %get3A_1456 : vector<16xf32>
        %get3A_1462 = arith.index_cast %add3A_1434 : i32 to index
        %get3A_1463 = arith.constant 48 : index
        %get3A_1464 = tpu.vector_load %arg11[%get3A_1462, %get3A_1463] {strides = array<i32>} : memref<320x128xf32, #tpu.memory_space<vmem>>, vector<1x16xf32>,
        %get3A_1465 = vector.shape_cast %get3A_1464 : vector<1x16xf32> to vector<16xf32>
        %add3A_1466 = arith.addf %add3A_1386, %get3A_1465 : vector<16xf32>
        %mul3A_1467 = arith.mulf %get3A_1465, %get3A_1465 : vector<16xf32>
        %add3A_1468 = arith.addf %add3A_1388, %mul3A_1467 : vector<16xf32>
        %max3A_1469 = arith.maximumf %max3A_1389, %get3A_1465 : vector<16xf32>
        %min3A_1470 = arith.minimumf %min3A_1390, %get3A_1465 : vector<16xf32>
        %mul3A_1471 = arith.constant 20 : i32
        %mul3A_1472 = arith.muli %mul3A_269, %mul3A_1471 : i32
        %add3A_1473 = arith.constant 15 : i32
        %add3A_1474 = arith.addi %mul3A_1472, %add3A_1473 : i32
        %get3A_1475 = arith.index_cast %add3A_1474 : i32 to index
        %get3A_1476 = arith.constant 0 : index
        %get3A_1477 = tpu.vector_load %arg11[%get3A_1475, %get3A_1476] {strides = array<i32>} : memref<320x128xf32, #tpu.memory_space<vmem>>, vector<1x16xf32>,
        %get3A_1478 = vector.shape_cast %get3A_1477 : vector<1x16xf32> to vector<16xf32>
        %add3A_1479 = arith.addf %add3A_1399, %get3A_1478 : vector<16xf32>
        %mul3A_1480 = arith.mulf %get3A_1478, %get3A_1478 : vector<16xf32>
        %add3A_1481 = arith.addf %add3A_1401, %mul3A_1480 : vector<16xf32>
        %max3A_1482 = arith.maximumf %max3A_1402, %get3A_1478 : vector<16xf32>
        %min3A_1483 = arith.minimumf %min3A_1403, %get3A_1478 : vector<16xf32>
        %get3A_1484 = arith.index_cast %add3A_1474 : i32 to index
        %get3A_1485 = arith.constant 16 : index
        %get3A_1486 = tpu.vector_load %arg11[%get3A_1484, %get3A_1485] {strides = array<i32>} : memref<320x128xf32, #tpu.memory_space<vmem>>, vector<1x16xf32>,
        %get3A_1487 = vector.shape_cast %get3A_1486 : vector<1x16xf32> to vector<16xf32>
        %add3A_1488 = arith.addf %add3A_1408, %get3A_1487 : vector<16xf32>
        %mul3A_1489 = arith.mulf %get3A_1487, %get3A_1487 : vector<16xf32>
        %add3A_1490 = arith.addf %add3A_1410, %mul3A_1489 : vector<16xf32>
        %max3A_1491 = arith.maximumf %max3A_1411, %get3A_1487 : vector<16xf32>
        %min3A_1492 = arith.minimumf %min3A_1412, %get3A_1487 : vector<16xf32>
        %get3A_1493 = arith.index_cast %add3A_1474 : i32 to index
        %get3A_1494 = arith.constant 32 : index
        %get3A_1495 = tpu.vector_load %arg11[%get3A_1493, %get3A_1494] {strides = array<i32>} : memref<320x128xf32, #tpu.memory_space<vmem>>, vector<1x16xf32>,
        %get3A_1496 = vector.shape_cast %get3A_1495 : vector<1x16xf32> to vector<16xf32>
        %add3A_1497 = arith.addf %add3A_1417, %get3A_1496 : vector<16xf32>
        %mul3A_1498 = arith.mulf %get3A_1496, %get3A_1496 : vector<16xf32>
        %add3A_1499 = arith.addf %add3A_1419, %mul3A_1498 : vector<16xf32>
        %max3A_1500 = arith.maximumf %max3A_1420, %get3A_1496 : vector<16xf32>
        %min3A_1501 = arith.minimumf %min3A_1421, %get3A_1496 : vector<16xf32>
        %get3A_1502 = arith.index_cast %add3A_1474 : i32 to index
        %get3A_1503 = arith.constant 48 : index
        %get3A_1504 = tpu.vector_load %arg11[%get3A_1502, %get3A_1503] {strides = array<i32>} : memref<320x128xf32, #tpu.memory_space<vmem>>, vector<1x16xf32>,
        %get3A_1505 = vector.shape_cast %get3A_1504 : vector<1x16xf32> to vector<16xf32>
        %add3A_1506 = arith.addf %add3A_1426, %get3A_1505 : vector<16xf32>
        %mul3A_1507 = arith.mulf %get3A_1505, %get3A_1505 : vector<16xf32>
        %add3A_1508 = arith.addf %add3A_1428, %mul3A_1507 : vector<16xf32>
        %max3A_1509 = arith.maximumf %max3A_1429, %get3A_1505 : vector<16xf32>
        %min3A_1510 = arith.minimumf %min3A_1430, %get3A_1505 : vector<16xf32>
        %mul3A_1511 = arith.constant 20 : i32
        %mul3A_1512 = arith.muli %add3A_273, %mul3A_1511 : i32
        %add3A_1513 = arith.constant 15 : i32
        %add3A_1514 = arith.addi %mul3A_1512, %add3A_1513 : i32
        %get3A_1515 = arith.index_cast %add3A_1514 : i32 to index
        %get3A_1516 = arith.constant 0 : index
        %get3A_1517 = tpu.vector_load %arg11[%get3A_1515, %get3A_1516] {strides = array<i32>} : memref<320x128xf32, #tpu.memory_space<vmem>>, vector<1x16xf32>,
        %get3A_1518 = vector.shape_cast %get3A_1517 : vector<1x16xf32> to vector<16xf32>
        %add3A_1519 = arith.addf %add3A_1439, %get3A_1518 : vector<16xf32>
        %mul3A_1520 = arith.mulf %get3A_1518, %get3A_1518 : vector<16xf32>
        %add3A_1521 = arith.addf %add3A_1441, %mul3A_1520 : vector<16xf32>
        %max3A_1522 = arith.maximumf %max3A_1442, %get3A_1518 : vector<16xf32>
        %min3A_1523 = arith.minimumf %min3A_1443, %get3A_1518 : vector<16xf32>
        %get3A_1524 = arith.index_cast %add3A_1514 : i32 to index
        %get3A_1525 = arith.constant 16 : index
        %get3A_1526 = tpu.vector_load %arg11[%get3A_1524, %get3A_1525] {strides = array<i32>} : memref<320x128xf32, #tpu.memory_space<vmem>>, vector<1x16xf32>,
        %get3A_1527 = vector.shape_cast %get3A_1526 : vector<1x16xf32> to vector<16xf32>
        %add3A_1528 = arith.addf %add3A_1448, %get3A_1527 : vector<16xf32>
        %mul3A_1529 = arith.mulf %get3A_1527, %get3A_1527 : vector<16xf32>
        %add3A_1530 = arith.addf %add3A_1450, %mul3A_1529 : vector<16xf32>
        %max3A_1531 = arith.maximumf %max3A_1451, %get3A_1527 : vector<16xf32>
        %min3A_1532 = arith.minimumf %min3A_1452, %get3A_1527 : vector<16xf32>
        %get3A_1533 = arith.index_cast %add3A_1514 : i32 to index
        %get3A_1534 = arith.constant 32 : index
        %get3A_1535 = tpu.vector_load %arg11[%get3A_1533, %get3A_1534] {strides = array<i32>} : memref<320x128xf32, #tpu.memory_space<vmem>>, vector<1x16xf32>,
        %get3A_1536 = vector.shape_cast %get3A_1535 : vector<1x16xf32> to vector<16xf32>
        %add3A_1537 = arith.addf %add3A_1457, %get3A_1536 : vector<16xf32>
        %mul3A_1538 = arith.mulf %get3A_1536, %get3A_1536 : vector<16xf32>
        %add3A_1539 = arith.addf %add3A_1459, %mul3A_1538 : vector<16xf32>
        %max3A_1540 = arith.maximumf %max3A_1460, %get3A_1536 : vector<16xf32>
        %min3A_1541 = arith.minimumf %min3A_1461, %get3A_1536 : vector<16xf32>
        %get3A_1542 = arith.index_cast %add3A_1514 : i32 to index
        %get3A_1543 = arith.constant 48 : index
        %get3A_1544 = tpu.vector_load %arg11[%get3A_1542, %get3A_1543] {strides = array<i32>} : memref<320x128xf32, #tpu.memory_space<vmem>>, vector<1x16xf32>,
        %get3A_1545 = vector.shape_cast %get3A_1544 : vector<1x16xf32> to vector<16xf32>
        %add3A_1546 = arith.addf %add3A_1466, %get3A_1545 : vector<16xf32>
        %mul3A_1547 = arith.mulf %get3A_1545, %get3A_1545 : vector<16xf32>
        %add3A_1548 = arith.addf %add3A_1468, %mul3A_1547 : vector<16xf32>
        %max3A_1549 = arith.maximumf %max3A_1469, %get3A_1545 : vector<16xf32>
        %min3A_1550 = arith.minimumf %min3A_1470, %get3A_1545 : vector<16xf32>
        %mul3A_1551 = arith.constant 20 : i32
        %mul3A_1552 = arith.muli %mul3A_269, %mul3A_1551 : i32
        %add3A_1553 = arith.constant 16 : i32
        %add3A_1554 = arith.addi %mul3A_1552, %add3A_1553 : i32
        %get3A_1555 = arith.index_cast %add3A_1554 : i32 to index
        %get3A_1556 = arith.constant 0 : index
        %get3A_1557 = tpu.vector_load %arg11[%get3A_1555, %get3A_1556] {strides = array<i32>} : memref<320x128xf32, #tpu.memory_space<vmem>>, vector<1x16xf32>,
        %get3A_1558 = vector.shape_cast %get3A_1557 : vector<1x16xf32> to vector<16xf32>
        %add3A_1559 = arith.addf %add3A_1479, %get3A_1558 : vector<16xf32>
        %mul3A_1560 = arith.mulf %get3A_1558, %get3A_1558 : vector<16xf32>
        %add3A_1561 = arith.addf %add3A_1481, %mul3A_1560 : vector<16xf32>
        %max3A_1562 = arith.maximumf %max3A_1482, %get3A_1558 : vector<16xf32>
        %min3A_1563 = arith.minimumf %min3A_1483, %get3A_1558 : vector<16xf32>
        %get3A_1564 = arith.index_cast %add3A_1554 : i32 to index
        %get3A_1565 = arith.constant 16 : index
        %get3A_1566 = tpu.vector_load %arg11[%get3A_1564, %get3A_1565] {strides = array<i32>} : memref<320x128xf32, #tpu.memory_space<vmem>>, vector<1x16xf32>,
        %get3A_1567 = vector.shape_cast %get3A_1566 : vector<1x16xf32> to vector<16xf32>
        %add3A_1568 = arith.addf %add3A_1488, %get3A_1567 : vector<16xf32>
        %mul3A_1569 = arith.mulf %get3A_1567, %get3A_1567 : vector<16xf32>
        %add3A_1570 = arith.addf %add3A_1490, %mul3A_1569 : vector<16xf32>
        %max3A_1571 = arith.maximumf %max3A_1491, %get3A_1567 : vector<16xf32>
        %min3A_1572 = arith.minimumf %min3A_1492, %get3A_1567 : vector<16xf32>
        %get3A_1573 = arith.index_cast %add3A_1554 : i32 to index
        %get3A_1574 = arith.constant 32 : index
        %get3A_1575 = tpu.vector_load %arg11[%get3A_1573, %get3A_1574] {strides = array<i32>} : memref<320x128xf32, #tpu.memory_space<vmem>>, vector<1x16xf32>,
        %get3A_1576 = vector.shape_cast %get3A_1575 : vector<1x16xf32> to vector<16xf32>
        %add3A_1577 = arith.addf %add3A_1497, %get3A_1576 : vector<16xf32>
        %mul3A_1578 = arith.mulf %get3A_1576, %get3A_1576 : vector<16xf32>
        %add3A_1579 = arith.addf %add3A_1499, %mul3A_1578 : vector<16xf32>
        %max3A_1580 = arith.maximumf %max3A_1500, %get3A_1576 : vector<16xf32>
        %min3A_1581 = arith.minimumf %min3A_1501, %get3A_1576 : vector<16xf32>
        %get3A_1582 = arith.index_cast %add3A_1554 : i32 to index
        %get3A_1583 = arith.constant 48 : index
        %get3A_1584 = tpu.vector_load %arg11[%get3A_1582, %get3A_1583] {strides = array<i32>} : memref<320x128xf32, #tpu.memory_space<vmem>>, vector<1x16xf32>,
        %get3A_1585 = vector.shape_cast %get3A_1584 : vector<1x16xf32> to vector<16xf32>
        %add3A_1586 = arith.addf %add3A_1506, %get3A_1585 : vector<16xf32>
        %mul3A_1587 = arith.mulf %get3A_1585, %get3A_1585 : vector<16xf32>
        %add3A_1588 = arith.addf %add3A_1508, %mul3A_1587 : vector<16xf32>
        %max3A_1589 = arith.maximumf %max3A_1509, %get3A_1585 : vector<16xf32>
        %min3A_1590 = arith.minimumf %min3A_1510, %get3A_1585 : vector<16xf32>
        %mul3A_1591 = arith.constant 20 : i32
        %mul3A_1592 = arith.muli %add3A_273, %mul3A_1591 : i32
        %add3A_1593 = arith.constant 16 : i32
        %add3A_1594 = arith.addi %mul3A_1592, %add3A_1593 : i32
        %get3A_1595 = arith.index_cast %add3A_1594 : i32 to index
        %get3A_1596 = arith.constant 0 : index
        %get3A_1597 = tpu.vector_load %arg11[%get3A_1595, %get3A_1596] {strides = array<i32>} : memref<320x128xf32, #tpu.memory_space<vmem>>, vector<1x16xf32>,
        %get3A_1598 = vector.shape_cast %get3A_1597 : vector<1x16xf32> to vector<16xf32>
        %add3A_1599 = arith.addf %add3A_1519, %get3A_1598 : vector<16xf32>
        %mul3A_1600 = arith.mulf %get3A_1598, %get3A_1598 : vector<16xf32>
        %add3A_1601 = arith.addf %add3A_1521, %mul3A_1600 : vector<16xf32>
        %max3A_1602 = arith.maximumf %max3A_1522, %get3A_1598 : vector<16xf32>
        %min3A_1603 = arith.minimumf %min3A_1523, %get3A_1598 : vector<16xf32>
        %get3A_1604 = arith.index_cast %add3A_1594 : i32 to index
        %get3A_1605 = arith.constant 16 : index
        %get3A_1606 = tpu.vector_load %arg11[%get3A_1604, %get3A_1605] {strides = array<i32>} : memref<320x128xf32, #tpu.memory_space<vmem>>, vector<1x16xf32>,
        %get3A_1607 = vector.shape_cast %get3A_1606 : vector<1x16xf32> to vector<16xf32>
        %add3A_1608 = arith.addf %add3A_1528, %get3A_1607 : vector<16xf32>
        %mul3A_1609 = arith.mulf %get3A_1607, %get3A_1607 : vector<16xf32>
        %add3A_1610 = arith.addf %add3A_1530, %mul3A_1609 : vector<16xf32>
        %max3A_1611 = arith.maximumf %max3A_1531, %get3A_1607 : vector<16xf32>
        %min3A_1612 = arith.minimumf %min3A_1532, %get3A_1607 : vector<16xf32>
        %get3A_1613 = arith.index_cast %add3A_1594 : i32 to index
        %get3A_1614 = arith.constant 32 : index
        %get3A_1615 = tpu.vector_load %arg11[%get3A_1613, %get3A_1614] {strides = array<i32>} : memref<320x128xf32, #tpu.memory_space<vmem>>, vector<1x16xf32>,
        %get3A_1616 = vector.shape_cast %get3A_1615 : vector<1x16xf32> to vector<16xf32>
        %add3A_1617 = arith.addf %add3A_1537, %get3A_1616 : vector<16xf32>
        %mul3A_1618 = arith.mulf %get3A_1616, %get3A_1616 : vector<16xf32>
        %add3A_1619 = arith.addf %add3A_1539, %mul3A_1618 : vector<16xf32>
        %max3A_1620 = arith.maximumf %max3A_1540, %get3A_1616 : vector<16xf32>
        %min3A_1621 = arith.minimumf %min3A_1541, %get3A_1616 : vector<16xf32>
        %get3A_1622 = arith.index_cast %add3A_1594 : i32 to index
        %get3A_1623 = arith.constant 48 : index
        %get3A_1624 = tpu.vector_load %arg11[%get3A_1622, %get3A_1623] {strides = array<i32>} : memref<320x128xf32, #tpu.memory_space<vmem>>, vector<1x16xf32>,
        %get3A_1625 = vector.shape_cast %get3A_1624 : vector<1x16xf32> to vector<16xf32>
        %add3A_1626 = arith.addf %add3A_1546, %get3A_1625 : vector<16xf32>
        %mul3A_1627 = arith.mulf %get3A_1625, %get3A_1625 : vector<16xf32>
        %add3A_1628 = arith.addf %add3A_1548, %mul3A_1627 : vector<16xf32>
        %max3A_1629 = arith.maximumf %max3A_1549, %get3A_1625 : vector<16xf32>
        %min3A_1630 = arith.minimumf %min3A_1550, %get3A_1625 : vector<16xf32>
        %mul3A_1631 = arith.constant 20 : i32
        %mul3A_1632 = arith.muli %mul3A_269, %mul3A_1631 : i32
        %add3A_1633 = arith.constant 17 : i32
        %add3A_1634 = arith.addi %mul3A_1632, %add3A_1633 : i32
        %get3A_1635 = arith.index_cast %add3A_1634 : i32 to index
        %get3A_1636 = arith.constant 0 : index
        %get3A_1637 = tpu.vector_load %arg11[%get3A_1635, %get3A_1636] {strides = array<i32>} : memref<320x128xf32, #tpu.memory_space<vmem>>, vector<1x16xf32>,
        %get3A_1638 = vector.shape_cast %get3A_1637 : vector<1x16xf32> to vector<16xf32>
        %add3A_1639 = arith.addf %add3A_1559, %get3A_1638 : vector<16xf32>
        %mul3A_1640 = arith.mulf %get3A_1638, %get3A_1638 : vector<16xf32>
        %add3A_1641 = arith.addf %add3A_1561, %mul3A_1640 : vector<16xf32>
        %max3A_1642 = arith.maximumf %max3A_1562, %get3A_1638 : vector<16xf32>
        %min3A_1643 = arith.minimumf %min3A_1563, %get3A_1638 : vector<16xf32>
        %get3A_1644 = arith.index_cast %add3A_1634 : i32 to index
        %get3A_1645 = arith.constant 16 : index
        %get3A_1646 = tpu.vector_load %arg11[%get3A_1644, %get3A_1645] {strides = array<i32>} : memref<320x128xf32, #tpu.memory_space<vmem>>, vector<1x16xf32>,
        %get3A_1647 = vector.shape_cast %get3A_1646 : vector<1x16xf32> to vector<16xf32>
        %add3A_1648 = arith.addf %add3A_1568, %get3A_1647 : vector<16xf32>
        %mul3A_1649 = arith.mulf %get3A_1647, %get3A_1647 : vector<16xf32>
        %add3A_1650 = arith.addf %add3A_1570, %mul3A_1649 : vector<16xf32>
        %max3A_1651 = arith.maximumf %max3A_1571, %get3A_1647 : vector<16xf32>
        %min3A_1652 = arith.minimumf %min3A_1572, %get3A_1647 : vector<16xf32>
        %get3A_1653 = arith.index_cast %add3A_1634 : i32 to index
        %get3A_1654 = arith.constant 32 : index
        %get3A_1655 = tpu.vector_load %arg11[%get3A_1653, %get3A_1654] {strides = array<i32>} : memref<320x128xf32, #tpu.memory_space<vmem>>, vector<1x16xf32>,
        %get3A_1656 = vector.shape_cast %get3A_1655 : vector<1x16xf32> to vector<16xf32>
        %add3A_1657 = arith.addf %add3A_1577, %get3A_1656 : vector<16xf32>
        %mul3A_1658 = arith.mulf %get3A_1656, %get3A_1656 : vector<16xf32>
        %add3A_1659 = arith.addf %add3A_1579, %mul3A_1658 : vector<16xf32>
        %max3A_1660 = arith.maximumf %max3A_1580, %get3A_1656 : vector<16xf32>
        %min3A_1661 = arith.minimumf %min3A_1581, %get3A_1656 : vector<16xf32>
        %get3A_1662 = arith.index_cast %add3A_1634 : i32 to index
        %get3A_1663 = arith.constant 48 : index
        %get3A_1664 = tpu.vector_load %arg11[%get3A_1662, %get3A_1663] {strides = array<i32>} : memref<320x128xf32, #tpu.memory_space<vmem>>, vector<1x16xf32>,
        %get3A_1665 = vector.shape_cast %get3A_1664 : vector<1x16xf32> to vector<16xf32>
        %add3A_1666 = arith.addf %add3A_1586, %get3A_1665 : vector<16xf32>
        %mul3A_1667 = arith.mulf %get3A_1665, %get3A_1665 : vector<16xf32>
        %add3A_1668 = arith.addf %add3A_1588, %mul3A_1667 : vector<16xf32>
        %max3A_1669 = arith.maximumf %max3A_1589, %get3A_1665 : vector<16xf32>
        %min3A_1670 = arith.minimumf %min3A_1590, %get3A_1665 : vector<16xf32>
        %mul3A_1671 = arith.constant 20 : i32
        %mul3A_1672 = arith.muli %add3A_273, %mul3A_1671 : i32
        %add3A_1673 = arith.constant 17 : i32
        %add3A_1674 = arith.addi %mul3A_1672, %add3A_1673 : i32
        %get3A_1675 = arith.index_cast %add3A_1674 : i32 to index
        %get3A_1676 = arith.constant 0 : index
        %get3A_1677 = tpu.vector_load %arg11[%get3A_1675, %get3A_1676] {strides = array<i32>} : memref<320x128xf32, #tpu.memory_space<vmem>>, vector<1x16xf32>,
        %get3A_1678 = vector.shape_cast %get3A_1677 : vector<1x16xf32> to vector<16xf32>
        %add3A_1679 = arith.addf %add3A_1599, %get3A_1678 : vector<16xf32>
        %mul3A_1680 = arith.mulf %get3A_1678, %get3A_1678 : vector<16xf32>
        %add3A_1681 = arith.addf %add3A_1601, %mul3A_1680 : vector<16xf32>
        %max3A_1682 = arith.maximumf %max3A_1602, %get3A_1678 : vector<16xf32>
        %min3A_1683 = arith.minimumf %min3A_1603, %get3A_1678 : vector<16xf32>
        %get3A_1684 = arith.index_cast %add3A_1674 : i32 to index
        %get3A_1685 = arith.constant 16 : index
        %get3A_1686 = tpu.vector_load %arg11[%get3A_1684, %get3A_1685] {strides = array<i32>} : memref<320x128xf32, #tpu.memory_space<vmem>>, vector<1x16xf32>,
        %get3A_1687 = vector.shape_cast %get3A_1686 : vector<1x16xf32> to vector<16xf32>
        %add3A_1688 = arith.addf %add3A_1608, %get3A_1687 : vector<16xf32>
        %mul3A_1689 = arith.mulf %get3A_1687, %get3A_1687 : vector<16xf32>
        %add3A_1690 = arith.addf %add3A_1610, %mul3A_1689 : vector<16xf32>
        %max3A_1691 = arith.maximumf %max3A_1611, %get3A_1687 : vector<16xf32>
        %min3A_1692 = arith.minimumf %min3A_1612, %get3A_1687 : vector<16xf32>
        %get3A_1693 = arith.index_cast %add3A_1674 : i32 to index
        %get3A_1694 = arith.constant 32 : index
        %get3A_1695 = tpu.vector_load %arg11[%get3A_1693, %get3A_1694] {strides = array<i32>} : memref<320x128xf32, #tpu.memory_space<vmem>>, vector<1x16xf32>,
        %get3A_1696 = vector.shape_cast %get3A_1695 : vector<1x16xf32> to vector<16xf32>
        %add3A_1697 = arith.addf %add3A_1617, %get3A_1696 : vector<16xf32>
        %mul3A_1698 = arith.mulf %get3A_1696, %get3A_1696 : vector<16xf32>
        %add3A_1699 = arith.addf %add3A_1619, %mul3A_1698 : vector<16xf32>
        %max3A_1700 = arith.maximumf %max3A_1620, %get3A_1696 : vector<16xf32>
        %min3A_1701 = arith.minimumf %min3A_1621, %get3A_1696 : vector<16xf32>
        %get3A_1702 = arith.index_cast %add3A_1674 : i32 to index
        %get3A_1703 = arith.constant 48 : index
        %get3A_1704 = tpu.vector_load %arg11[%get3A_1702, %get3A_1703] {strides = array<i32>} : memref<320x128xf32, #tpu.memory_space<vmem>>, vector<1x16xf32>,
        %get3A_1705 = vector.shape_cast %get3A_1704 : vector<1x16xf32> to vector<16xf32>
        %add3A_1706 = arith.addf %add3A_1626, %get3A_1705 : vector<16xf32>
        %mul3A_1707 = arith.mulf %get3A_1705, %get3A_1705 : vector<16xf32>
        %add3A_1708 = arith.addf %add3A_1628, %mul3A_1707 : vector<16xf32>
        %max3A_1709 = arith.maximumf %max3A_1629, %get3A_1705 : vector<16xf32>
        %min3A_1710 = arith.minimumf %min3A_1630, %get3A_1705 : vector<16xf32>
        %mul3A_1711 = arith.constant 20 : i32
        %mul3A_1712 = arith.muli %mul3A_269, %mul3A_1711 : i32
        %add3A_1713 = arith.constant 18 : i32
        %add3A_1714 = arith.addi %mul3A_1712, %add3A_1713 : i32
        %get3A_1715 = arith.index_cast %add3A_1714 : i32 to index
        %get3A_1716 = arith.constant 0 : index
        %get3A_1717 = tpu.vector_load %arg11[%get3A_1715, %get3A_1716] {strides = array<i32>} : memref<320x128xf32, #tpu.memory_space<vmem>>, vector<1x16xf32>,
        %get3A_1718 = vector.shape_cast %get3A_1717 : vector<1x16xf32> to vector<16xf32>
        %add3A_1719 = arith.addf %add3A_1639, %get3A_1718 : vector<16xf32>
        %mul3A_1720 = arith.mulf %get3A_1718, %get3A_1718 : vector<16xf32>
        %add3A_1721 = arith.addf %add3A_1641, %mul3A_1720 : vector<16xf32>
        %max3A_1722 = arith.maximumf %max3A_1642, %get3A_1718 : vector<16xf32>
        %min3A_1723 = arith.minimumf %min3A_1643, %get3A_1718 : vector<16xf32>
        %get3A_1724 = arith.index_cast %add3A_1714 : i32 to index
        %get3A_1725 = arith.constant 16 : index
        %get3A_1726 = tpu.vector_load %arg11[%get3A_1724, %get3A_1725] {strides = array<i32>} : memref<320x128xf32, #tpu.memory_space<vmem>>, vector<1x16xf32>,
        %get3A_1727 = vector.shape_cast %get3A_1726 : vector<1x16xf32> to vector<16xf32>
        %add3A_1728 = arith.addf %add3A_1648, %get3A_1727 : vector<16xf32>
        %mul3A_1729 = arith.mulf %get3A_1727, %get3A_1727 : vector<16xf32>
        %add3A_1730 = arith.addf %add3A_1650, %mul3A_1729 : vector<16xf32>
        %max3A_1731 = arith.maximumf %max3A_1651, %get3A_1727 : vector<16xf32>
        %min3A_1732 = arith.minimumf %min3A_1652, %get3A_1727 : vector<16xf32>
        %get3A_1733 = arith.index_cast %add3A_1714 : i32 to index
        %get3A_1734 = arith.constant 32 : index
        %get3A_1735 = tpu.vector_load %arg11[%get3A_1733, %get3A_1734] {strides = array<i32>} : memref<320x128xf32, #tpu.memory_space<vmem>>, vector<1x16xf32>,
        %get3A_1736 = vector.shape_cast %get3A_1735 : vector<1x16xf32> to vector<16xf32>
        %add3A_1737 = arith.addf %add3A_1657, %get3A_1736 : vector<16xf32>
        %mul3A_1738 = arith.mulf %get3A_1736, %get3A_1736 : vector<16xf32>
        %add3A_1739 = arith.addf %add3A_1659, %mul3A_1738 : vector<16xf32>
        %max3A_1740 = arith.maximumf %max3A_1660, %get3A_1736 : vector<16xf32>
        %min3A_1741 = arith.minimumf %min3A_1661, %get3A_1736 : vector<16xf32>
        %get3A_1742 = arith.index_cast %add3A_1714 : i32 to index
        %get3A_1743 = arith.constant 48 : index
        %get3A_1744 = tpu.vector_load %arg11[%get3A_1742, %get3A_1743] {strides = array<i32>} : memref<320x128xf32, #tpu.memory_space<vmem>>, vector<1x16xf32>,
        %get3A_1745 = vector.shape_cast %get3A_1744 : vector<1x16xf32> to vector<16xf32>
        %add3A_1746 = arith.addf %add3A_1666, %get3A_1745 : vector<16xf32>
        %mul3A_1747 = arith.mulf %get3A_1745, %get3A_1745 : vector<16xf32>
        %add3A_1748 = arith.addf %add3A_1668, %mul3A_1747 : vector<16xf32>
        %max3A_1749 = arith.maximumf %max3A_1669, %get3A_1745 : vector<16xf32>
        %min3A_1750 = arith.minimumf %min3A_1670, %get3A_1745 : vector<16xf32>
        %mul3A_1751 = arith.constant 20 : i32
        %mul3A_1752 = arith.muli %add3A_273, %mul3A_1751 : i32
        %add3A_1753 = arith.constant 18 : i32
        %add3A_1754 = arith.addi %mul3A_1752, %add3A_1753 : i32
        %get3A_1755 = arith.index_cast %add3A_1754 : i32 to index
        %get3A_1756 = arith.constant 0 : index
        %get3A_1757 = tpu.vector_load %arg11[%get3A_1755, %get3A_1756] {strides = array<i32>} : memref<320x128xf32, #tpu.memory_space<vmem>>, vector<1x16xf32>,
        %get3A_1758 = vector.shape_cast %get3A_1757 : vector<1x16xf32> to vector<16xf32>
        %add3A_1759 = arith.addf %add3A_1679, %get3A_1758 : vector<16xf32>
        %mul3A_1760 = arith.mulf %get3A_1758, %get3A_1758 : vector<16xf32>
        %add3A_1761 = arith.addf %add3A_1681, %mul3A_1760 : vector<16xf32>
        %max3A_1762 = arith.maximumf %max3A_1682, %get3A_1758 : vector<16xf32>
        %min3A_1763 = arith.minimumf %min3A_1683, %get3A_1758 : vector<16xf32>
        %get3A_1764 = arith.index_cast %add3A_1754 : i32 to index
        %get3A_1765 = arith.constant 16 : index
        %get3A_1766 = tpu.vector_load %arg11[%get3A_1764, %get3A_1765] {strides = array<i32>} : memref<320x128xf32, #tpu.memory_space<vmem>>, vector<1x16xf32>,
        %get3A_1767 = vector.shape_cast %get3A_1766 : vector<1x16xf32> to vector<16xf32>
        %add3A_1768 = arith.addf %add3A_1688, %get3A_1767 : vector<16xf32>
        %mul3A_1769 = arith.mulf %get3A_1767, %get3A_1767 : vector<16xf32>
        %add3A_1770 = arith.addf %add3A_1690, %mul3A_1769 : vector<16xf32>
        %max3A_1771 = arith.maximumf %max3A_1691, %get3A_1767 : vector<16xf32>
        %min3A_1772 = arith.minimumf %min3A_1692, %get3A_1767 : vector<16xf32>
        %get3A_1773 = arith.index_cast %add3A_1754 : i32 to index
        %get3A_1774 = arith.constant 32 : index
        %get3A_1775 = tpu.vector_load %arg11[%get3A_1773, %get3A_1774] {strides = array<i32>} : memref<320x128xf32, #tpu.memory_space<vmem>>, vector<1x16xf32>,
        %get3A_1776 = vector.shape_cast %get3A_1775 : vector<1x16xf32> to vector<16xf32>
        %add3A_1777 = arith.addf %add3A_1697, %get3A_1776 : vector<16xf32>
        %mul3A_1778 = arith.mulf %get3A_1776, %get3A_1776 : vector<16xf32>
        %add3A_1779 = arith.addf %add3A_1699, %mul3A_1778 : vector<16xf32>
        %max3A_1780 = arith.maximumf %max3A_1700, %get3A_1776 : vector<16xf32>
        %min3A_1781 = arith.minimumf %min3A_1701, %get3A_1776 : vector<16xf32>
        %get3A_1782 = arith.index_cast %add3A_1754 : i32 to index
        %get3A_1783 = arith.constant 48 : index
        %get3A_1784 = tpu.vector_load %arg11[%get3A_1782, %get3A_1783] {strides = array<i32>} : memref<320x128xf32, #tpu.memory_space<vmem>>, vector<1x16xf32>,
        %get3A_1785 = vector.shape_cast %get3A_1784 : vector<1x16xf32> to vector<16xf32>
        %add3A_1786 = arith.addf %add3A_1706, %get3A_1785 : vector<16xf32>
        %mul3A_1787 = arith.mulf %get3A_1785, %get3A_1785 : vector<16xf32>
        %add3A_1788 = arith.addf %add3A_1708, %mul3A_1787 : vector<16xf32>
        %max3A_1789 = arith.maximumf %max3A_1709, %get3A_1785 : vector<16xf32>
        %min3A_1790 = arith.minimumf %min3A_1710, %get3A_1785 : vector<16xf32>
        %mul3A_1791 = arith.constant 20 : i32
        %mul3A_1792 = arith.muli %mul3A_269, %mul3A_1791 : i32
        %add3A_1793 = arith.constant 19 : i32
        %add3A_1794 = arith.addi %mul3A_1792, %add3A_1793 : i32
        %get3A_1795 = arith.index_cast %add3A_1794 : i32 to index
        %get3A_1796 = arith.constant 0 : index
        %get3A_1797 = tpu.vector_load %arg11[%get3A_1795, %get3A_1796] {strides = array<i32>} : memref<320x128xf32, #tpu.memory_space<vmem>>, vector<1x16xf32>,
        %get3A_1798 = vector.shape_cast %get3A_1797 : vector<1x16xf32> to vector<16xf32>
        %add3A_1799 = arith.addf %add3A_1719, %get3A_1798 : vector<16xf32>
        %mul3A_1800 = arith.mulf %get3A_1798, %get3A_1798 : vector<16xf32>
        %add3A_1801 = arith.addf %add3A_1721, %mul3A_1800 : vector<16xf32>
        %max3A_1802 = arith.maximumf %max3A_1722, %get3A_1798 : vector<16xf32>
        %min3A_1803 = arith.minimumf %min3A_1723, %get3A_1798 : vector<16xf32>
        %get3A_1804 = arith.index_cast %add3A_1794 : i32 to index
        %get3A_1805 = arith.constant 16 : index
        %get3A_1806 = tpu.vector_load %arg11[%get3A_1804, %get3A_1805] {strides = array<i32>} : memref<320x128xf32, #tpu.memory_space<vmem>>, vector<1x16xf32>,
        %get3A_1807 = vector.shape_cast %get3A_1806 : vector<1x16xf32> to vector<16xf32>
        %add3A_1808 = arith.addf %add3A_1728, %get3A_1807 : vector<16xf32>
        %mul3A_1809 = arith.mulf %get3A_1807, %get3A_1807 : vector<16xf32>
        %add3A_1810 = arith.addf %add3A_1730, %mul3A_1809 : vector<16xf32>
        %max3A_1811 = arith.maximumf %max3A_1731, %get3A_1807 : vector<16xf32>
        %min3A_1812 = arith.minimumf %min3A_1732, %get3A_1807 : vector<16xf32>
        %get3A_1813 = arith.index_cast %add3A_1794 : i32 to index
        %get3A_1814 = arith.constant 32 : index
        %get3A_1815 = tpu.vector_load %arg11[%get3A_1813, %get3A_1814] {strides = array<i32>} : memref<320x128xf32, #tpu.memory_space<vmem>>, vector<1x16xf32>,
        %get3A_1816 = vector.shape_cast %get3A_1815 : vector<1x16xf32> to vector<16xf32>
        %add3A_1817 = arith.addf %add3A_1737, %get3A_1816 : vector<16xf32>
        %mul3A_1818 = arith.mulf %get3A_1816, %get3A_1816 : vector<16xf32>
        %add3A_1819 = arith.addf %add3A_1739, %mul3A_1818 : vector<16xf32>
        %max3A_1820 = arith.maximumf %max3A_1740, %get3A_1816 : vector<16xf32>
        %min3A_1821 = arith.minimumf %min3A_1741, %get3A_1816 : vector<16xf32>
        %get3A_1822 = arith.index_cast %add3A_1794 : i32 to index
        %get3A_1823 = arith.constant 48 : index
        %get3A_1824 = tpu.vector_load %arg11[%get3A_1822, %get3A_1823] {strides = array<i32>} : memref<320x128xf32, #tpu.memory_space<vmem>>, vector<1x16xf32>,
        %get3A_1825 = vector.shape_cast %get3A_1824 : vector<1x16xf32> to vector<16xf32>
        %add3A_1826 = arith.addf %add3A_1746, %get3A_1825 : vector<16xf32>
        %mul3A_1827 = arith.mulf %get3A_1825, %get3A_1825 : vector<16xf32>
        %add3A_1828 = arith.addf %add3A_1748, %mul3A_1827 : vector<16xf32>
        %max3A_1829 = arith.maximumf %max3A_1749, %get3A_1825 : vector<16xf32>
        %min3A_1830 = arith.minimumf %min3A_1750, %get3A_1825 : vector<16xf32>
        %mul3A_1831 = arith.constant 20 : i32
        %mul3A_1832 = arith.muli %add3A_273, %mul3A_1831 : i32
        %add3A_1833 = arith.constant 19 : i32
        %add3A_1834 = arith.addi %mul3A_1832, %add3A_1833 : i32
        %get3A_1835 = arith.index_cast %add3A_1834 : i32 to index
        %get3A_1836 = arith.constant 0 : index
        %get3A_1837 = tpu.vector_load %arg11[%get3A_1835, %get3A_1836] {strides = array<i32>} : memref<320x128xf32, #tpu.memory_space<vmem>>, vector<1x16xf32>,
        %get3A_1838 = vector.shape_cast %get3A_1837 : vector<1x16xf32> to vector<16xf32>
        %add3A_1839 = arith.addf %add3A_1759, %get3A_1838 : vector<16xf32>
        %mul3A_1840 = arith.mulf %get3A_1838, %get3A_1838 : vector<16xf32>
        %add3A_1841 = arith.addf %add3A_1761, %mul3A_1840 : vector<16xf32>
        %max3A_1842 = arith.maximumf %max3A_1762, %get3A_1838 : vector<16xf32>
        %min3A_1843 = arith.minimumf %min3A_1763, %get3A_1838 : vector<16xf32>
        %get3A_1844 = arith.index_cast %add3A_1834 : i32 to index
        %get3A_1845 = arith.constant 16 : index
        %get3A_1846 = tpu.vector_load %arg11[%get3A_1844, %get3A_1845] {strides = array<i32>} : memref<320x128xf32, #tpu.memory_space<vmem>>, vector<1x16xf32>,
        %get3A_1847 = vector.shape_cast %get3A_1846 : vector<1x16xf32> to vector<16xf32>
        %add3A_1848 = arith.addf %add3A_1768, %get3A_1847 : vector<16xf32>
        %mul3A_1849 = arith.mulf %get3A_1847, %get3A_1847 : vector<16xf32>
        %add3A_1850 = arith.addf %add3A_1770, %mul3A_1849 : vector<16xf32>
        %max3A_1851 = arith.maximumf %max3A_1771, %get3A_1847 : vector<16xf32>
        %min3A_1852 = arith.minimumf %min3A_1772, %get3A_1847 : vector<16xf32>
        %get3A_1853 = arith.index_cast %add3A_1834 : i32 to index
        %get3A_1854 = arith.constant 32 : index
        %get3A_1855 = tpu.vector_load %arg11[%get3A_1853, %get3A_1854] {strides = array<i32>} : memref<320x128xf32, #tpu.memory_space<vmem>>, vector<1x16xf32>,
        %get3A_1856 = vector.shape_cast %get3A_1855 : vector<1x16xf32> to vector<16xf32>
        %add3A_1857 = arith.addf %add3A_1777, %get3A_1856 : vector<16xf32>
        %mul3A_1858 = arith.mulf %get3A_1856, %get3A_1856 : vector<16xf32>
        %add3A_1859 = arith.addf %add3A_1779, %mul3A_1858 : vector<16xf32>
        %max3A_1860 = arith.maximumf %max3A_1780, %get3A_1856 : vector<16xf32>
        %min3A_1861 = arith.minimumf %min3A_1781, %get3A_1856 : vector<16xf32>
        %get3A_1862 = arith.index_cast %add3A_1834 : i32 to index
        %get3A_1863 = arith.constant 48 : index
        %get3A_1864 = tpu.vector_load %arg11[%get3A_1862, %get3A_1863] {strides = array<i32>} : memref<320x128xf32, #tpu.memory_space<vmem>>, vector<1x16xf32>,
        %get3A_1865 = vector.shape_cast %get3A_1864 : vector<1x16xf32> to vector<16xf32>
        %add3A_1866 = arith.addf %add3A_1786, %get3A_1865 : vector<16xf32>
        %mul3A_1867 = arith.mulf %get3A_1865, %get3A_1865 : vector<16xf32>
        %add3A_1868 = arith.addf %add3A_1788, %mul3A_1867 : vector<16xf32>
        %max3A_1869 = arith.maximumf %max3A_1789, %get3A_1865 : vector<16xf32>
        %min3A_1870 = arith.minimumf %min3A_1790, %get3A_1865 : vector<16xf32>
        %swap3A_1871 = arith.index_cast %mul3A_269 : i32 to index
        %swap3A_1872 = arith.constant 0 : index
        %swap3A_1873 = tpu.vector_load %arg14[%swap3A_1871, %swap3A_1872] {strides = array<i32>} : memref<16x64xf32, #tpu.memory_space<vmem>>, vector<1x16xf32>,
        %swap3A_1874 = vector.shape_cast %swap3A_1873 : vector<1x16xf32> to vector<16xf32>
        %swap3A_1875 = vector.shape_cast %max3A_1802 : vector<16xf32> to vector<1x16xf32>
        tpu.vector_store %arg14[%swap3A_1871, %swap3A_1872], %swap3A_1875 {strides = array<i32>} : memref<16x64xf32, #tpu.memory_space<vmem>>, vector<1x16xf32>,
        %swap3A_1876 = arith.index_cast %mul3A_269 : i32 to index
        %swap3A_1877 = arith.constant 0 : index
        %swap3A_1878 = tpu.vector_load %arg15[%swap3A_1876, %swap3A_1877] {strides = array<i32>} : memref<16x64xf32, #tpu.memory_space<vmem>>, vector<1x16xf32>,
        %swap3A_1879 = vector.shape_cast %swap3A_1878 : vector<1x16xf32> to vector<16xf32>
        %swap3A_1880 = vector.shape_cast %min3A_1803 : vector<16xf32> to vector<1x16xf32>
        tpu.vector_store %arg15[%swap3A_1876, %swap3A_1877], %swap3A_1880 {strides = array<i32>} : memref<16x64xf32, #tpu.memory_space<vmem>>, vector<1x16xf32>,
        %get3A_1881 = arith.index_cast %mul3A_269 : i32 to index
        %get3A_1882 = arith.constant 0 : index
        %get3A_1883 = tpu.vector_load %arg13[%get3A_1881, %get3A_1882] {strides = array<i32>} : memref<16x64xf32, #tpu.memory_space<vmem>>, vector<1x16xf32>,
        %get3A_1884 = vector.shape_cast %get3A_1883 : vector<1x16xf32> to vector<16xf32>
        %mul3A_1885 = vector.broadcast %scan3A : f32 to vector<16xf32>
        %mul3A_1886 = arith.mulf %mul3A_1885, %get3A_1884 : vector<16xf32>
        %add3A_1887 = arith.addf %scan3A_260, %mul3A_1886 : vector<16xf32>
        %add3A_1888 = arith.addf %add3A_1887, %add3A_1799 : vector<16xf32>
        %mul3A_1889 = vector.broadcast %scan3A : f32 to vector<16xf32>
        %mul3A_1890 = arith.mulf %mul3A_1889, %get3A_1884 : vector<16xf32>
        %mul3A_1891 = arith.mulf %mul3A_1890, %get3A_1884 : vector<16xf32>
        %add3A_1892 = arith.addf %scan3A_264, %mul3A_1891 : vector<16xf32>
        %mul3A_1893 = arith.constant 2.000000e+00 : f32
        %mul3A_1894 = vector.broadcast %mul3A_1893 : f32 to vector<16xf32>
        %mul3A_1895 = arith.mulf %mul3A_1894, %get3A_1884 : vector<16xf32>
        %mul3A_1896 = arith.mulf %mul3A_1895, %add3A_1799 : vector<16xf32>
        %add3A_1897 = arith.addf %add3A_1892, %mul3A_1896 : vector<16xf32>
        %add3A_1898 = arith.addf %add3A_1897, %add3A_1801 : vector<16xf32>
        %swap3A_1899 = arith.index_cast %mul3A_269 : i32 to index
        %swap3A_1900 = arith.constant 16 : index
        %swap3A_1901 = tpu.vector_load %arg14[%swap3A_1899, %swap3A_1900] {strides = array<i32>} : memref<16x64xf32, #tpu.memory_space<vmem>>, vector<1x16xf32>,
        %swap3A_1902 = vector.shape_cast %swap3A_1901 : vector<1x16xf32> to vector<16xf32>
        %swap3A_1903 = vector.shape_cast %max3A_1811 : vector<16xf32> to vector<1x16xf32>
        tpu.vector_store %arg14[%swap3A_1899, %swap3A_1900], %swap3A_1903 {strides = array<i32>} : memref<16x64xf32, #tpu.memory_space<vmem>>, vector<1x16xf32>,
        %swap3A_1904 = arith.index_cast %mul3A_269 : i32 to index
        %swap3A_1905 = arith.constant 16 : index
        %swap3A_1906 = tpu.vector_load %arg15[%swap3A_1904, %swap3A_1905] {strides = array<i32>} : memref<16x64xf32, #tpu.memory_space<vmem>>, vector<1x16xf32>,
        %swap3A_1907 = vector.shape_cast %swap3A_1906 : vector<1x16xf32> to vector<16xf32>
        %swap3A_1908 = vector.shape_cast %min3A_1812 : vector<16xf32> to vector<1x16xf32>
        tpu.vector_store %arg15[%swap3A_1904, %swap3A_1905], %swap3A_1908 {strides = array<i32>} : memref<16x64xf32, #tpu.memory_space<vmem>>, vector<1x16xf32>,
        %get3A_1909 = arith.index_cast %mul3A_269 : i32 to index
        %get3A_1910 = arith.constant 16 : index
        %get3A_1911 = tpu.vector_load %arg13[%get3A_1909, %get3A_1910] {strides = array<i32>} : memref<16x64xf32, #tpu.memory_space<vmem>>, vector<1x16xf32>,
        %get3A_1912 = vector.shape_cast %get3A_1911 : vector<1x16xf32> to vector<16xf32>
        %mul3A_1913 = vector.broadcast %scan3A : f32 to vector<16xf32>
        %mul3A_1914 = arith.mulf %mul3A_1913, %get3A_1912 : vector<16xf32>
        %add3A_1915 = arith.addf %scan3A_261, %mul3A_1914 : vector<16xf32>
        %add3A_1916 = arith.addf %add3A_1915, %add3A_1808 : vector<16xf32>
        %mul3A_1917 = vector.broadcast %scan3A : f32 to vector<16xf32>
        %mul3A_1918 = arith.mulf %mul3A_1917, %get3A_1912 : vector<16xf32>
        %mul3A_1919 = arith.mulf %mul3A_1918, %get3A_1912 : vector<16xf32>
        %add3A_1920 = arith.addf %scan3A_265, %mul3A_1919 : vector<16xf32>
        %mul3A_1921 = arith.constant 2.000000e+00 : f32
        %mul3A_1922 = vector.broadcast %mul3A_1921 : f32 to vector<16xf32>
        %mul3A_1923 = arith.mulf %mul3A_1922, %get3A_1912 : vector<16xf32>
        %mul3A_1924 = arith.mulf %mul3A_1923, %add3A_1808 : vector<16xf32>
        %add3A_1925 = arith.addf %add3A_1920, %mul3A_1924 : vector<16xf32>
        %add3A_1926 = arith.addf %add3A_1925, %add3A_1810 : vector<16xf32>
        %swap3A_1927 = arith.index_cast %mul3A_269 : i32 to index
        %swap3A_1928 = arith.constant 32 : index
        %swap3A_1929 = tpu.vector_load %arg14[%swap3A_1927, %swap3A_1928] {strides = array<i32>} : memref<16x64xf32, #tpu.memory_space<vmem>>, vector<1x16xf32>,
        %swap3A_1930 = vector.shape_cast %swap3A_1929 : vector<1x16xf32> to vector<16xf32>
        %swap3A_1931 = vector.shape_cast %max3A_1820 : vector<16xf32> to vector<1x16xf32>
        tpu.vector_store %arg14[%swap3A_1927, %swap3A_1928], %swap3A_1931 {strides = array<i32>} : memref<16x64xf32, #tpu.memory_space<vmem>>, vector<1x16xf32>,
        %swap3A_1932 = arith.index_cast %mul3A_269 : i32 to index
        %swap3A_1933 = arith.constant 32 : index
        %swap3A_1934 = tpu.vector_load %arg15[%swap3A_1932, %swap3A_1933] {strides = array<i32>} : memref<16x64xf32, #tpu.memory_space<vmem>>, vector<1x16xf32>,
        %swap3A_1935 = vector.shape_cast %swap3A_1934 : vector<1x16xf32> to vector<16xf32>
        %swap3A_1936 = vector.shape_cast %min3A_1821 : vector<16xf32> to vector<1x16xf32>
        tpu.vector_store %arg15[%swap3A_1932, %swap3A_1933], %swap3A_1936 {strides = array<i32>} : memref<16x64xf32, #tpu.memory_space<vmem>>, vector<1x16xf32>,
        %get3A_1937 = arith.index_cast %mul3A_269 : i32 to index
        %get3A_1938 = arith.constant 32 : index
        %get3A_1939 = tpu.vector_load %arg13[%get3A_1937, %get3A_1938] {strides = array<i32>} : memref<16x64xf32, #tpu.memory_space<vmem>>, vector<1x16xf32>,
        %get3A_1940 = vector.shape_cast %get3A_1939 : vector<1x16xf32> to vector<16xf32>
        %mul3A_1941 = vector.broadcast %scan3A : f32 to vector<16xf32>
        %mul3A_1942 = arith.mulf %mul3A_1941, %get3A_1940 : vector<16xf32>
        %add3A_1943 = arith.addf %scan3A_262, %mul3A_1942 : vector<16xf32>
        %add3A_1944 = arith.addf %add3A_1943, %add3A_1817 : vector<16xf32>
        %mul3A_1945 = vector.broadcast %scan3A : f32 to vector<16xf32>
        %mul3A_1946 = arith.mulf %mul3A_1945, %get3A_1940 : vector<16xf32>
        %mul3A_1947 = arith.mulf %mul3A_1946, %get3A_1940 : vector<16xf32>
        %add3A_1948 = arith.addf %scan3A_266, %mul3A_1947 : vector<16xf32>
        %mul3A_1949 = arith.constant 2.000000e+00 : f32
        %mul3A_1950 = vector.broadcast %mul3A_1949 : f32 to vector<16xf32>
        %mul3A_1951 = arith.mulf %mul3A_1950, %get3A_1940 : vector<16xf32>
        %mul3A_1952 = arith.mulf %mul3A_1951, %add3A_1817 : vector<16xf32>
        %add3A_1953 = arith.addf %add3A_1948, %mul3A_1952 : vector<16xf32>
        %add3A_1954 = arith.addf %add3A_1953, %add3A_1819 : vector<16xf32>
        %swap3A_1955 = arith.index_cast %mul3A_269 : i32 to index
        %swap3A_1956 = arith.constant 48 : index
        %swap3A_1957 = tpu.vector_load %arg14[%swap3A_1955, %swap3A_1956] {strides = array<i32>} : memref<16x64xf32, #tpu.memory_space<vmem>>, vector<1x16xf32>,
        %swap3A_1958 = vector.shape_cast %swap3A_1957 : vector<1x16xf32> to vector<16xf32>
        %swap3A_1959 = vector.shape_cast %max3A_1829 : vector<16xf32> to vector<1x16xf32>
        tpu.vector_store %arg14[%swap3A_1955, %swap3A_1956], %swap3A_1959 {strides = array<i32>} : memref<16x64xf32, #tpu.memory_space<vmem>>, vector<1x16xf32>,
        %swap3A_1960 = arith.index_cast %mul3A_269 : i32 to index
        %swap3A_1961 = arith.constant 48 : index
        %swap3A_1962 = tpu.vector_load %arg15[%swap3A_1960, %swap3A_1961] {strides = array<i32>} : memref<16x64xf32, #tpu.memory_space<vmem>>, vector<1x16xf32>,
        %swap3A_1963 = vector.shape_cast %swap3A_1962 : vector<1x16xf32> to vector<16xf32>
        %swap3A_1964 = vector.shape_cast %min3A_1830 : vector<16xf32> to vector<1x16xf32>
        tpu.vector_store %arg15[%swap3A_1960, %swap3A_1961], %swap3A_1964 {strides = array<i32>} : memref<16x64xf32, #tpu.memory_space<vmem>>, vector<1x16xf32>,
        %get3A_1965 = arith.index_cast %mul3A_269 : i32 to index
        %get3A_1966 = arith.constant 48 : index
        %get3A_1967 = tpu.vector_load %arg13[%get3A_1965, %get3A_1966] {strides = array<i32>} : memref<16x64xf32, #tpu.memory_space<vmem>>, vector<1x16xf32>,
        %get3A_1968 = vector.shape_cast %get3A_1967 : vector<1x16xf32> to vector<16xf32>
        %mul3A_1969 = vector.broadcast %scan3A : f32 to vector<16xf32>
        %mul3A_1970 = arith.mulf %mul3A_1969, %get3A_1968 : vector<16xf32>
        %add3A_1971 = arith.addf %scan3A_263, %mul3A_1970 : vector<16xf32>
        %add3A_1972 = arith.addf %add3A_1971, %add3A_1826 : vector<16xf32>
        %mul3A_1973 = vector.broadcast %scan3A : f32 to vector<16xf32>
        %mul3A_1974 = arith.mulf %mul3A_1973, %get3A_1968 : vector<16xf32>
        %mul3A_1975 = arith.mulf %mul3A_1974, %get3A_1968 : vector<16xf32>
        %add3A_1976 = arith.addf %scan3A_267, %mul3A_1975 : vector<16xf32>
        %mul3A_1977 = arith.constant 2.000000e+00 : f32
        %mul3A_1978 = vector.broadcast %mul3A_1977 : f32 to vector<16xf32>
        %mul3A_1979 = arith.mulf %mul3A_1978, %get3A_1968 : vector<16xf32>
        %mul3A_1980 = arith.mulf %mul3A_1979, %add3A_1826 : vector<16xf32>
        %add3A_1981 = arith.addf %add3A_1976, %mul3A_1980 : vector<16xf32>
        %add3A_1982 = arith.addf %add3A_1981, %add3A_1828 : vector<16xf32>
        %swap3A_1983 = arith.index_cast %add3A_273 : i32 to index
        %swap3A_1984 = arith.constant 0 : index
        %swap3A_1985 = tpu.vector_load %arg14[%swap3A_1983, %swap3A_1984] {strides = array<i32>} : memref<16x64xf32, #tpu.memory_space<vmem>>, vector<1x16xf32>,
        %swap3A_1986 = vector.shape_cast %swap3A_1985 : vector<1x16xf32> to vector<16xf32>
        %swap3A_1987 = vector.shape_cast %max3A_1842 : vector<16xf32> to vector<1x16xf32>
        tpu.vector_store %arg14[%swap3A_1983, %swap3A_1984], %swap3A_1987 {strides = array<i32>} : memref<16x64xf32, #tpu.memory_space<vmem>>, vector<1x16xf32>,
        %swap3A_1988 = arith.index_cast %add3A_273 : i32 to index
        %swap3A_1989 = arith.constant 0 : index
        %swap3A_1990 = tpu.vector_load %arg15[%swap3A_1988, %swap3A_1989] {strides = array<i32>} : memref<16x64xf32, #tpu.memory_space<vmem>>, vector<1x16xf32>,
        %swap3A_1991 = vector.shape_cast %swap3A_1990 : vector<1x16xf32> to vector<16xf32>
        %swap3A_1992 = vector.shape_cast %min3A_1843 : vector<16xf32> to vector<1x16xf32>
        tpu.vector_store %arg15[%swap3A_1988, %swap3A_1989], %swap3A_1992 {strides = array<i32>} : memref<16x64xf32, #tpu.memory_space<vmem>>, vector<1x16xf32>,
        %get3A_1993 = arith.index_cast %add3A_273 : i32 to index
        %get3A_1994 = arith.constant 0 : index
        %get3A_1995 = tpu.vector_load %arg13[%get3A_1993, %get3A_1994] {strides = array<i32>} : memref<16x64xf32, #tpu.memory_space<vmem>>, vector<1x16xf32>,
        %get3A_1996 = vector.shape_cast %get3A_1995 : vector<1x16xf32> to vector<16xf32>
        %mul3A_1997 = vector.broadcast %scan3A : f32 to vector<16xf32>
        %mul3A_1998 = arith.mulf %mul3A_1997, %get3A_1996 : vector<16xf32>
        %add3A_1999 = arith.addf %add3A_1888, %mul3A_1998 : vector<16xf32>
        %add3A_2000 = arith.addf %add3A_1999, %add3A_1839 : vector<16xf32>
        %mul3A_2001 = vector.broadcast %scan3A : f32 to vector<16xf32>
        %mul3A_2002 = arith.mulf %mul3A_2001, %get3A_1996 : vector<16xf32>
        %mul3A_2003 = arith.mulf %mul3A_2002, %get3A_1996 : vector<16xf32>
        %add3A_2004 = arith.addf %add3A_1898, %mul3A_2003 : vector<16xf32>
        %mul3A_2005 = arith.constant 2.000000e+00 : f32
        %mul3A_2006 = vector.broadcast %mul3A_2005 : f32 to vector<16xf32>
        %mul3A_2007 = arith.mulf %mul3A_2006, %get3A_1996 : vector<16xf32>
        %mul3A_2008 = arith.mulf %mul3A_2007, %add3A_1839 : vector<16xf32>
        %add3A_2009 = arith.addf %add3A_2004, %mul3A_2008 : vector<16xf32>
        %add3A_2010 = arith.addf %add3A_2009, %add3A_1841 : vector<16xf32>
        %swap3A_2011 = arith.index_cast %add3A_273 : i32 to index
        %swap3A_2012 = arith.constant 16 : index
        %swap3A_2013 = tpu.vector_load %arg14[%swap3A_2011, %swap3A_2012] {strides = array<i32>} : memref<16x64xf32, #tpu.memory_space<vmem>>, vector<1x16xf32>,
        %swap3A_2014 = vector.shape_cast %swap3A_2013 : vector<1x16xf32> to vector<16xf32>
        %swap3A_2015 = vector.shape_cast %max3A_1851 : vector<16xf32> to vector<1x16xf32>
        tpu.vector_store %arg14[%swap3A_2011, %swap3A_2012], %swap3A_2015 {strides = array<i32>} : memref<16x64xf32, #tpu.memory_space<vmem>>, vector<1x16xf32>,
        %swap3A_2016 = arith.index_cast %add3A_273 : i32 to index
        %swap3A_2017 = arith.constant 16 : index
        %swap3A_2018 = tpu.vector_load %arg15[%swap3A_2016, %swap3A_2017] {strides = array<i32>} : memref<16x64xf32, #tpu.memory_space<vmem>>, vector<1x16xf32>,
        %swap3A_2019 = vector.shape_cast %swap3A_2018 : vector<1x16xf32> to vector<16xf32>
        %swap3A_2020 = vector.shape_cast %min3A_1852 : vector<16xf32> to vector<1x16xf32>
        tpu.vector_store %arg15[%swap3A_2016, %swap3A_2017], %swap3A_2020 {strides = array<i32>} : memref<16x64xf32, #tpu.memory_space<vmem>>, vector<1x16xf32>,
        %get3A_2021 = arith.index_cast %add3A_273 : i32 to index
        %get3A_2022 = arith.constant 16 : index
        %get3A_2023 = tpu.vector_load %arg13[%get3A_2021, %get3A_2022] {strides = array<i32>} : memref<16x64xf32, #tpu.memory_space<vmem>>, vector<1x16xf32>,
        %get3A_2024 = vector.shape_cast %get3A_2023 : vector<1x16xf32> to vector<16xf32>
        %mul3A_2025 = vector.broadcast %scan3A : f32 to vector<16xf32>
        %mul3A_2026 = arith.mulf %mul3A_2025, %get3A_2024 : vector<16xf32>
        %add3A_2027 = arith.addf %add3A_1916, %mul3A_2026 : vector<16xf32>
        %add3A_2028 = arith.addf %add3A_2027, %add3A_1848 : vector<16xf32>
        %mul3A_2029 = vector.broadcast %scan3A : f32 to vector<16xf32>
        %mul3A_2030 = arith.mulf %mul3A_2029, %get3A_2024 : vector<16xf32>
        %mul3A_2031 = arith.mulf %mul3A_2030, %get3A_2024 : vector<16xf32>
        %add3A_2032 = arith.addf %add3A_1926, %mul3A_2031 : vector<16xf32>
        %mul3A_2033 = arith.constant 2.000000e+00 : f32
        %mul3A_2034 = vector.broadcast %mul3A_2033 : f32 to vector<16xf32>
        %mul3A_2035 = arith.mulf %mul3A_2034, %get3A_2024 : vector<16xf32>
        %mul3A_2036 = arith.mulf %mul3A_2035, %add3A_1848 : vector<16xf32>
        %add3A_2037 = arith.addf %add3A_2032, %mul3A_2036 : vector<16xf32>
        %add3A_2038 = arith.addf %add3A_2037, %add3A_1850 : vector<16xf32>
        %swap3A_2039 = arith.index_cast %add3A_273 : i32 to index
        %swap3A_2040 = arith.constant 32 : index
        %swap3A_2041 = tpu.vector_load %arg14[%swap3A_2039, %swap3A_2040] {strides = array<i32>} : memref<16x64xf32, #tpu.memory_space<vmem>>, vector<1x16xf32>,
        %swap3A_2042 = vector.shape_cast %swap3A_2041 : vector<1x16xf32> to vector<16xf32>
        %swap3A_2043 = vector.shape_cast %max3A_1860 : vector<16xf32> to vector<1x16xf32>
        tpu.vector_store %arg14[%swap3A_2039, %swap3A_2040], %swap3A_2043 {strides = array<i32>} : memref<16x64xf32, #tpu.memory_space<vmem>>, vector<1x16xf32>,
        %swap3A_2044 = arith.index_cast %add3A_273 : i32 to index
        %swap3A_2045 = arith.constant 32 : index
        %swap3A_2046 = tpu.vector_load %arg15[%swap3A_2044, %swap3A_2045] {strides = array<i32>} : memref<16x64xf32, #tpu.memory_space<vmem>>, vector<1x16xf32>,
        %swap3A_2047 = vector.shape_cast %swap3A_2046 : vector<1x16xf32> to vector<16xf32>
        %swap3A_2048 = vector.shape_cast %min3A_1861 : vector<16xf32> to vector<1x16xf32>
        tpu.vector_store %arg15[%swap3A_2044, %swap3A_2045], %swap3A_2048 {strides = array<i32>} : memref<16x64xf32, #tpu.memory_space<vmem>>, vector<1x16xf32>,
        %get3A_2049 = arith.index_cast %add3A_273 : i32 to index
        %get3A_2050 = arith.constant 32 : index
        %get3A_2051 = tpu.vector_load %arg13[%get3A_2049, %get3A_2050] {strides = array<i32>} : memref<16x64xf32, #tpu.memory_space<vmem>>, vector<1x16xf32>,
        %get3A_2052 = vector.shape_cast %get3A_2051 : vector<1x16xf32> to vector<16xf32>
        %mul3A_2053 = vector.broadcast %scan3A : f32 to vector<16xf32>
        %mul3A_2054 = arith.mulf %mul3A_2053, %get3A_2052 : vector<16xf32>
        %add3A_2055 = arith.addf %add3A_1944, %mul3A_2054 : vector<16xf32>
        %add3A_2056 = arith.addf %add3A_2055, %add3A_1857 : vector<16xf32>
        %mul3A_2057 = vector.broadcast %scan3A : f32 to vector<16xf32>
        %mul3A_2058 = arith.mulf %mul3A_2057, %get3A_2052 : vector<16xf32>
        %mul3A_2059 = arith.mulf %mul3A_2058, %get3A_2052 : vector<16xf32>
        %add3A_2060 = arith.addf %add3A_1954, %mul3A_2059 : vector<16xf32>
        %mul3A_2061 = arith.constant 2.000000e+00 : f32
        %mul3A_2062 = vector.broadcast %mul3A_2061 : f32 to vector<16xf32>
        %mul3A_2063 = arith.mulf %mul3A_2062, %get3A_2052 : vector<16xf32>
        %mul3A_2064 = arith.mulf %mul3A_2063, %add3A_1857 : vector<16xf32>
        %add3A_2065 = arith.addf %add3A_2060, %mul3A_2064 : vector<16xf32>
        %add3A_2066 = arith.addf %add3A_2065, %add3A_1859 : vector<16xf32>
        %swap3A_2067 = arith.index_cast %add3A_273 : i32 to index
        %swap3A_2068 = arith.constant 48 : index
        %swap3A_2069 = tpu.vector_load %arg14[%swap3A_2067, %swap3A_2068] {strides = array<i32>} : memref<16x64xf32, #tpu.memory_space<vmem>>, vector<1x16xf32>,
        %swap3A_2070 = vector.shape_cast %swap3A_2069 : vector<1x16xf32> to vector<16xf32>
        %swap3A_2071 = vector.shape_cast %max3A_1869 : vector<16xf32> to vector<1x16xf32>
        tpu.vector_store %arg14[%swap3A_2067, %swap3A_2068], %swap3A_2071 {strides = array<i32>} : memref<16x64xf32, #tpu.memory_space<vmem>>, vector<1x16xf32>,
        %swap3A_2072 = arith.index_cast %add3A_273 : i32 to index
        %swap3A_2073 = arith.constant 48 : index
        %swap3A_2074 = tpu.vector_load %arg15[%swap3A_2072, %swap3A_2073] {strides = array<i32>} : memref<16x64xf32, #tpu.memory_space<vmem>>, vector<1x16xf32>,
        %swap3A_2075 = vector.shape_cast %swap3A_2074 : vector<1x16xf32> to vector<16xf32>
        %swap3A_2076 = vector.shape_cast %min3A_1870 : vector<16xf32> to vector<1x16xf32>
        tpu.vector_store %arg15[%swap3A_2072, %swap3A_2073], %swap3A_2076 {strides = array<i32>} : memref<16x64xf32, #tpu.memory_space<vmem>>, vector<1x16xf32>,
        %get3A_2077 = arith.index_cast %add3A_273 : i32 to index
        %get3A_2078 = arith.constant 48 : index
        %get3A_2079 = tpu.vector_load %arg13[%get3A_2077, %get3A_2078] {strides = array<i32>} : memref<16x64xf32, #tpu.memory_space<vmem>>, vector<1x16xf32>,
        %get3A_2080 = vector.shape_cast %get3A_2079 : vector<1x16xf32> to vector<16xf32>
        %mul3A_2081 = vector.broadcast %scan3A : f32 to vector<16xf32>
        %mul3A_2082 = arith.mulf %mul3A_2081, %get3A_2080 : vector<16xf32>
        %add3A_2083 = arith.addf %add3A_1972, %mul3A_2082 : vector<16xf32>
        %add3A_2084 = arith.addf %add3A_2083, %add3A_1866 : vector<16xf32>
        %mul3A_2085 = vector.broadcast %scan3A : f32 to vector<16xf32>
        %mul3A_2086 = arith.mulf %mul3A_2085, %get3A_2080 : vector<16xf32>
        %mul3A_2087 = arith.mulf %mul3A_2086, %get3A_2080 : vector<16xf32>
        %add3A_2088 = arith.addf %add3A_1982, %mul3A_2087 : vector<16xf32>
        %mul3A_2089 = arith.constant 2.000000e+00 : f32
        %mul3A_2090 = vector.broadcast %mul3A_2089 : f32 to vector<16xf32>
        %mul3A_2091 = arith.mulf %mul3A_2090, %get3A_2080 : vector<16xf32>
        %mul3A_2092 = arith.mulf %mul3A_2091, %add3A_1866 : vector<16xf32>
        %add3A_2093 = arith.addf %add3A_2088, %mul3A_2092 : vector<16xf32>
        %add3A_2094 = arith.addf %add3A_2093, %add3A_1868 : vector<16xf32>
        scf.yield %add3A_2000, %add3A_2028, %add3A_2056, %add3A_2084, %add3A_2010, %add3A_2038, %add3A_2066, %add3A_2094 : vector<16xf32>, vector<16xf32>, vector<16xf32>, vector<16xf32>, vector<16xf32>, vector<16xf32>, vector<16xf32>, vector<16xf32>
      }
      %scan3A_255 = arith.constant 8 : i32
      %mul3A_256 = arith.constant 16 : i32
      %mul3A_257 = arith.muli %add3A_249, %mul3A_256 : i32
      %add3A_258 = arith.addi %mul3A_2, %mul3A_257 : i32
      "tpu.region"() ({
        %run_scoped3A = tpu.sem_alloc : memref<!tpu.dma_semaphore, #tpu.memory_space<semaphore_mem>>
        %dma_start3A_259 = arith.constant 0 : i32
        %dma_start3A_260 = tpu.memref_slice %arg5[%add3A_258, %dma_start3A_259] : memref<16384x64xf32, #tpu.memory_space<hbm>> -> memref<16x64xf32, #tpu.memory_space<hbm>>
        %dma_start3A_261 = arith.constant 0 : i32
        %dma_start3A_262 = tpu.memref_slice %arg5[%add3A_258, %dma_start3A_261] : memref<16384x64xf32, #tpu.memory_space<hbm>> -> memref<16x64xf32, #tpu.memory_space<hbm>>
        tpu.enqueue_dma source(%arg14 : memref<16x64xf32, #tpu.memory_space<vmem>>) target(%dma_start3A_262 : memref<16x64xf32, #tpu.memory_space<hbm>>) target_semaphore(%run_scoped3A : memref<!tpu.dma_semaphore, #tpu.memory_space<semaphore_mem>>)
        %dma_wait3A_263 = arith.constant 0 : i32
        %dma_wait3A_264 = tpu.memref_slice %arg5[%add3A_258, %dma_wait3A_263] : memref<16384x64xf32, #tpu.memory_space<hbm>> -> memref<16x64xf32, #tpu.memory_space<hbm>>
        %dma_wait3A_265 = arith.constant 0 : i32
        %dma_wait3A_266 = tpu.memref_slice %arg5[%add3A_258, %dma_wait3A_265] : memref<16384x64xf32, #tpu.memory_space<hbm>> -> memref<16x64xf32, #tpu.memory_space<hbm>>
        tpu.wait_dma2 semaphore(%run_scoped3A : memref<!tpu.dma_semaphore, #tpu.memory_space<semaphore_mem>>) src(%arg14 : memref<16x64xf32, #tpu.memory_space<vmem>>) dst(%dma_wait3A_266 : memref<16x64xf32, #tpu.memory_space<hbm>>)
        tpu.yield
      }) : () -> ()
      "tpu.region"() ({
        %run_scoped3A = tpu.sem_alloc : memref<!tpu.dma_semaphore, #tpu.memory_space<semaphore_mem>>
        %dma_start3A_259 = arith.constant 0 : i32
        %dma_start3A_260 = tpu.memref_slice %arg6[%add3A_258, %dma_start3A_259] : memref<16384x64xf32, #tpu.memory_space<hbm>> -> memref<16x64xf32, #tpu.memory_space<hbm>>
        %dma_start3A_261 = arith.constant 0 : i32
        %dma_start3A_262 = tpu.memref_slice %arg6[%add3A_258, %dma_start3A_261] : memref<16384x64xf32, #tpu.memory_space<hbm>> -> memref<16x64xf32, #tpu.memory_space<hbm>>
        tpu.enqueue_dma source(%arg15 : memref<16x64xf32, #tpu.memory_space<vmem>>) target(%dma_start3A_262 : memref<16x64xf32, #tpu.memory_space<hbm>>) target_semaphore(%run_scoped3A : memref<!tpu.dma_semaphore, #tpu.memory_space<semaphore_mem>>)
        %dma_wait3A_263 = arith.constant 0 : i32
        %dma_wait3A_264 = tpu.memref_slice %arg6[%add3A_258, %dma_wait3A_263] : memref<16384x64xf32, #tpu.memory_space<hbm>> -> memref<16x64xf32, #tpu.memory_space<hbm>>
        %dma_wait3A_265 = arith.constant 0 : i32
        %dma_wait3A_266 = tpu.memref_slice %arg6[%add3A_258, %dma_wait3A_265] : memref<16384x64xf32, #tpu.memory_space<hbm>> -> memref<16x64xf32, #tpu.memory_space<hbm>>
        tpu.wait_dma2 semaphore(%run_scoped3A : memref<!tpu.dma_semaphore, #tpu.memory_space<semaphore_mem>>) src(%arg15 : memref<16x64xf32, #tpu.memory_space<vmem>>) dst(%dma_wait3A_266 : memref<16x64xf32, #tpu.memory_space<hbm>>)
        tpu.yield
      }) : () -> ()
      scf.yield %scan3A_254#0, %scan3A_254#1, %scan3A_254#2, %scan3A_254#3, %scan3A_254#4, %scan3A_254#5, %scan3A_254#6, %scan3A_254#7 : vector<16xf32>, vector<16xf32>, vector<16xf32>, vector<16xf32>, vector<16xf32>, vector<16xf32>, vector<16xf32>, vector<16xf32>
    }
    %scan3A_19 = arith.constant 16 : i32
    %swap3A = arith.constant 2 : i32
    %swap3A_20 = arith.index_cast %swap3A : i32 to index
    %swap3A_21 = arith.constant 0 : index
    %swap3A_22 = tpu.vector_load %arg16[%swap3A_20, %swap3A_21] {strides = array<i32>} : memref<8x64xf32, #tpu.memory_space<vmem>>, vector<1x16xf32>,
    %swap3A_23 = vector.shape_cast %swap3A_22 : vector<1x16xf32> to vector<16xf32>
    %swap3A_24 = vector.shape_cast %broadcast_in_dim3A_3 : vector<16xf32> to vector<1x16xf32>
    tpu.vector_store %arg16[%swap3A_20, %swap3A_21], %swap3A_24 {strides = array<i32>} : memref<8x64xf32, #tpu.memory_space<vmem>>, vector<1x16xf32>,
    %swap3A_25 = arith.constant 2 : i32
    %swap3A_26 = arith.index_cast %swap3A_25 : i32 to index
    %swap3A_27 = arith.constant 16 : index
    %swap3A_28 = tpu.vector_load %arg16[%swap3A_26, %swap3A_27] {strides = array<i32>} : memref<8x64xf32, #tpu.memory_space<vmem>>, vector<1x16xf32>,
    %swap3A_29 = vector.shape_cast %swap3A_28 : vector<1x16xf32> to vector<16xf32>
    %swap3A_30 = vector.shape_cast %broadcast_in_dim3A_3 : vector<16xf32> to vector<1x16xf32>
    tpu.vector_store %arg16[%swap3A_26, %swap3A_27], %swap3A_30 {strides = array<i32>} : memref<8x64xf32, #tpu.memory_space<vmem>>, vector<1x16xf32>,
    %swap3A_31 = arith.constant 2 : i32
    %swap3A_32 = arith.index_cast %swap3A_31 : i32 to index
    %swap3A_33 = arith.constant 32 : index
    %swap3A_34 = tpu.vector_load %arg16[%swap3A_32, %swap3A_33] {strides = array<i32>} : memref<8x64xf32, #tpu.memory_space<vmem>>, vector<1x16xf32>,
    %swap3A_35 = vector.shape_cast %swap3A_34 : vector<1x16xf32> to vector<16xf32>
    %swap3A_36 = vector.shape_cast %broadcast_in_dim3A_3 : vector<16xf32> to vector<1x16xf32>
    tpu.vector_store %arg16[%swap3A_32, %swap3A_33], %swap3A_36 {strides = array<i32>} : memref<8x64xf32, #tpu.memory_space<vmem>>, vector<1x16xf32>,
    %swap3A_37 = arith.constant 2 : i32
    %swap3A_38 = arith.index_cast %swap3A_37 : i32 to index
    %swap3A_39 = arith.constant 48 : index
    %swap3A_40 = tpu.vector_load %arg16[%swap3A_38, %swap3A_39] {strides = array<i32>} : memref<8x64xf32, #tpu.memory_space<vmem>>, vector<1x16xf32>,
    %swap3A_41 = vector.shape_cast %swap3A_40 : vector<1x16xf32> to vector<16xf32>
    %swap3A_42 = vector.shape_cast %broadcast_in_dim3A_3 : vector<16xf32> to vector<1x16xf32>
    tpu.vector_store %arg16[%swap3A_38, %swap3A_39], %swap3A_42 {strides = array<i32>} : memref<8x64xf32, #tpu.memory_space<vmem>>, vector<1x16xf32>,
    %swap3A_43 = arith.constant 3 : i32
    %swap3A_44 = arith.index_cast %swap3A_43 : i32 to index
    %swap3A_45 = arith.constant 0 : index
    %swap3A_46 = tpu.vector_load %arg16[%swap3A_44, %swap3A_45] {strides = array<i32>} : memref<8x64xf32, #tpu.memory_space<vmem>>, vector<1x16xf32>,
    %swap3A_47 = vector.shape_cast %swap3A_46 : vector<1x16xf32> to vector<16xf32>
    %swap3A_48 = vector.shape_cast %broadcast_in_dim3A_3 : vector<16xf32> to vector<1x16xf32>
    tpu.vector_store %arg16[%swap3A_44, %swap3A_45], %swap3A_48 {strides = array<i32>} : memref<8x64xf32, #tpu.memory_space<vmem>>, vector<1x16xf32>,
    %swap3A_49 = arith.constant 3 : i32
    %swap3A_50 = arith.index_cast %swap3A_49 : i32 to index
    %swap3A_51 = arith.constant 16 : index
    %swap3A_52 = tpu.vector_load %arg16[%swap3A_50, %swap3A_51] {strides = array<i32>} : memref<8x64xf32, #tpu.memory_space<vmem>>, vector<1x16xf32>,
    %swap3A_53 = vector.shape_cast %swap3A_52 : vector<1x16xf32> to vector<16xf32>
    %swap3A_54 = vector.shape_cast %broadcast_in_dim3A_3 : vector<16xf32> to vector<1x16xf32>
    tpu.vector_store %arg16[%swap3A_50, %swap3A_51], %swap3A_54 {strides = array<i32>} : memref<8x64xf32, #tpu.memory_space<vmem>>, vector<1x16xf32>,
    %swap3A_55 = arith.constant 3 : i32
    %swap3A_56 = arith.index_cast %swap3A_55 : i32 to index
    %swap3A_57 = arith.constant 32 : index
    %swap3A_58 = tpu.vector_load %arg16[%swap3A_56, %swap3A_57] {strides = array<i32>} : memref<8x64xf32, #tpu.memory_space<vmem>>, vector<1x16xf32>,
    %swap3A_59 = vector.shape_cast %swap3A_58 : vector<1x16xf32> to vector<16xf32>
    %swap3A_60 = vector.shape_cast %broadcast_in_dim3A_3 : vector<16xf32> to vector<1x16xf32>
    tpu.vector_store %arg16[%swap3A_56, %swap3A_57], %swap3A_60 {strides = array<i32>} : memref<8x64xf32, #tpu.memory_space<vmem>>, vector<1x16xf32>,
    %swap3A_61 = arith.constant 3 : i32
    %swap3A_62 = arith.index_cast %swap3A_61 : i32 to index
    %swap3A_63 = arith.constant 48 : index
    %swap3A_64 = tpu.vector_load %arg16[%swap3A_62, %swap3A_63] {strides = array<i32>} : memref<8x64xf32, #tpu.memory_space<vmem>>, vector<1x16xf32>,
    %swap3A_65 = vector.shape_cast %swap3A_64 : vector<1x16xf32> to vector<16xf32>
    %swap3A_66 = vector.shape_cast %broadcast_in_dim3A_3 : vector<16xf32> to vector<1x16xf32>
    tpu.vector_store %arg16[%swap3A_62, %swap3A_63], %swap3A_66 {strides = array<i32>} : memref<8x64xf32, #tpu.memory_space<vmem>>, vector<1x16xf32>,
    %swap3A_67 = arith.constant 4 : i32
    %swap3A_68 = arith.index_cast %swap3A_67 : i32 to index
    %swap3A_69 = arith.constant 0 : index
    %swap3A_70 = tpu.vector_load %arg16[%swap3A_68, %swap3A_69] {strides = array<i32>} : memref<8x64xf32, #tpu.memory_space<vmem>>, vector<1x16xf32>,
    %swap3A_71 = vector.shape_cast %swap3A_70 : vector<1x16xf32> to vector<16xf32>
    %swap3A_72 = vector.shape_cast %broadcast_in_dim3A_3 : vector<16xf32> to vector<1x16xf32>
    tpu.vector_store %arg16[%swap3A_68, %swap3A_69], %swap3A_72 {strides = array<i32>} : memref<8x64xf32, #tpu.memory_space<vmem>>, vector<1x16xf32>,
    %swap3A_73 = arith.constant 4 : i32
    %swap3A_74 = arith.index_cast %swap3A_73 : i32 to index
    %swap3A_75 = arith.constant 16 : index
    %swap3A_76 = tpu.vector_load %arg16[%swap3A_74, %swap3A_75] {strides = array<i32>} : memref<8x64xf32, #tpu.memory_space<vmem>>, vector<1x16xf32>,
    %swap3A_77 = vector.shape_cast %swap3A_76 : vector<1x16xf32> to vector<16xf32>
    %swap3A_78 = vector.shape_cast %broadcast_in_dim3A_3 : vector<16xf32> to vector<1x16xf32>
    tpu.vector_store %arg16[%swap3A_74, %swap3A_75], %swap3A_78 {strides = array<i32>} : memref<8x64xf32, #tpu.memory_space<vmem>>, vector<1x16xf32>,
    %swap3A_79 = arith.constant 4 : i32
    %swap3A_80 = arith.index_cast %swap3A_79 : i32 to index
    %swap3A_81 = arith.constant 32 : index
    %swap3A_82 = tpu.vector_load %arg16[%swap3A_80, %swap3A_81] {strides = array<i32>} : memref<8x64xf32, #tpu.memory_space<vmem>>, vector<1x16xf32>,
    %swap3A_83 = vector.shape_cast %swap3A_82 : vector<1x16xf32> to vector<16xf32>
    %swap3A_84 = vector.shape_cast %broadcast_in_dim3A_3 : vector<16xf32> to vector<1x16xf32>
    tpu.vector_store %arg16[%swap3A_80, %swap3A_81], %swap3A_84 {strides = array<i32>} : memref<8x64xf32, #tpu.memory_space<vmem>>, vector<1x16xf32>,
    %swap3A_85 = arith.constant 4 : i32
    %swap3A_86 = arith.index_cast %swap3A_85 : i32 to index
    %swap3A_87 = arith.constant 48 : index
    %swap3A_88 = tpu.vector_load %arg16[%swap3A_86, %swap3A_87] {strides = array<i32>} : memref<8x64xf32, #tpu.memory_space<vmem>>, vector<1x16xf32>,
    %swap3A_89 = vector.shape_cast %swap3A_88 : vector<1x16xf32> to vector<16xf32>
    %swap3A_90 = vector.shape_cast %broadcast_in_dim3A_3 : vector<16xf32> to vector<1x16xf32>
    tpu.vector_store %arg16[%swap3A_86, %swap3A_87], %swap3A_90 {strides = array<i32>} : memref<8x64xf32, #tpu.memory_space<vmem>>, vector<1x16xf32>,
    %swap3A_91 = arith.constant 5 : i32
    %swap3A_92 = arith.index_cast %swap3A_91 : i32 to index
    %swap3A_93 = arith.constant 0 : index
    %swap3A_94 = tpu.vector_load %arg16[%swap3A_92, %swap3A_93] {strides = array<i32>} : memref<8x64xf32, #tpu.memory_space<vmem>>, vector<1x16xf32>,
    %swap3A_95 = vector.shape_cast %swap3A_94 : vector<1x16xf32> to vector<16xf32>
    %swap3A_96 = vector.shape_cast %broadcast_in_dim3A_3 : vector<16xf32> to vector<1x16xf32>
    tpu.vector_store %arg16[%swap3A_92, %swap3A_93], %swap3A_96 {strides = array<i32>} : memref<8x64xf32, #tpu.memory_space<vmem>>, vector<1x16xf32>,
    %swap3A_97 = arith.constant 5 : i32
    %swap3A_98 = arith.index_cast %swap3A_97 : i32 to index
    %swap3A_99 = arith.constant 16 : index
    %swap3A_100 = tpu.vector_load %arg16[%swap3A_98, %swap3A_99] {strides = array<i32>} : memref<8x64xf32, #tpu.memory_space<vmem>>, vector<1x16xf32>,
    %swap3A_101 = vector.shape_cast %swap3A_100 : vector<1x16xf32> to vector<16xf32>
    %swap3A_102 = vector.shape_cast %broadcast_in_dim3A_3 : vector<16xf32> to vector<1x16xf32>
    tpu.vector_store %arg16[%swap3A_98, %swap3A_99], %swap3A_102 {strides = array<i32>} : memref<8x64xf32, #tpu.memory_space<vmem>>, vector<1x16xf32>,
    %swap3A_103 = arith.constant 5 : i32
    %swap3A_104 = arith.index_cast %swap3A_103 : i32 to index
    %swap3A_105 = arith.constant 32 : index
    %swap3A_106 = tpu.vector_load %arg16[%swap3A_104, %swap3A_105] {strides = array<i32>} : memref<8x64xf32, #tpu.memory_space<vmem>>, vector<1x16xf32>,
    %swap3A_107 = vector.shape_cast %swap3A_106 : vector<1x16xf32> to vector<16xf32>
    %swap3A_108 = vector.shape_cast %broadcast_in_dim3A_3 : vector<16xf32> to vector<1x16xf32>
    tpu.vector_store %arg16[%swap3A_104, %swap3A_105], %swap3A_108 {strides = array<i32>} : memref<8x64xf32, #tpu.memory_space<vmem>>, vector<1x16xf32>,
    %swap3A_109 = arith.constant 5 : i32
    %swap3A_110 = arith.index_cast %swap3A_109 : i32 to index
    %swap3A_111 = arith.constant 48 : index
    %swap3A_112 = tpu.vector_load %arg16[%swap3A_110, %swap3A_111] {strides = array<i32>} : memref<8x64xf32, #tpu.memory_space<vmem>>, vector<1x16xf32>,
    %swap3A_113 = vector.shape_cast %swap3A_112 : vector<1x16xf32> to vector<16xf32>
    %swap3A_114 = vector.shape_cast %broadcast_in_dim3A_3 : vector<16xf32> to vector<1x16xf32>
    tpu.vector_store %arg16[%swap3A_110, %swap3A_111], %swap3A_114 {strides = array<i32>} : memref<8x64xf32, #tpu.memory_space<vmem>>, vector<1x16xf32>,
    %swap3A_115 = arith.constant 6 : i32
    %swap3A_116 = arith.index_cast %swap3A_115 : i32 to index
    %swap3A_117 = arith.constant 0 : index
    %swap3A_118 = tpu.vector_load %arg16[%swap3A_116, %swap3A_117] {strides = array<i32>} : memref<8x64xf32, #tpu.memory_space<vmem>>, vector<1x16xf32>,
    %swap3A_119 = vector.shape_cast %swap3A_118 : vector<1x16xf32> to vector<16xf32>
    %swap3A_120 = vector.shape_cast %broadcast_in_dim3A_3 : vector<16xf32> to vector<1x16xf32>
    tpu.vector_store %arg16[%swap3A_116, %swap3A_117], %swap3A_120 {strides = array<i32>} : memref<8x64xf32, #tpu.memory_space<vmem>>, vector<1x16xf32>,
    %swap3A_121 = arith.constant 6 : i32
    %swap3A_122 = arith.index_cast %swap3A_121 : i32 to index
    %swap3A_123 = arith.constant 16 : index
    %swap3A_124 = tpu.vector_load %arg16[%swap3A_122, %swap3A_123] {strides = array<i32>} : memref<8x64xf32, #tpu.memory_space<vmem>>, vector<1x16xf32>,
    %swap3A_125 = vector.shape_cast %swap3A_124 : vector<1x16xf32> to vector<16xf32>
    %swap3A_126 = vector.shape_cast %broadcast_in_dim3A_3 : vector<16xf32> to vector<1x16xf32>
    tpu.vector_store %arg16[%swap3A_122, %swap3A_123], %swap3A_126 {strides = array<i32>} : memref<8x64xf32, #tpu.memory_space<vmem>>, vector<1x16xf32>,
    %swap3A_127 = arith.constant 6 : i32
    %swap3A_128 = arith.index_cast %swap3A_127 : i32 to index
    %swap3A_129 = arith.constant 32 : index
    %swap3A_130 = tpu.vector_load %arg16[%swap3A_128, %swap3A_129] {strides = array<i32>} : memref<8x64xf32, #tpu.memory_space<vmem>>, vector<1x16xf32>,
    %swap3A_131 = vector.shape_cast %swap3A_130 : vector<1x16xf32> to vector<16xf32>
    %swap3A_132 = vector.shape_cast %broadcast_in_dim3A_3 : vector<16xf32> to vector<1x16xf32>
    tpu.vector_store %arg16[%swap3A_128, %swap3A_129], %swap3A_132 {strides = array<i32>} : memref<8x64xf32, #tpu.memory_space<vmem>>, vector<1x16xf32>,
    %swap3A_133 = arith.constant 6 : i32
    %swap3A_134 = arith.index_cast %swap3A_133 : i32 to index
    %swap3A_135 = arith.constant 48 : index
    %swap3A_136 = tpu.vector_load %arg16[%swap3A_134, %swap3A_135] {strides = array<i32>} : memref<8x64xf32, #tpu.memory_space<vmem>>, vector<1x16xf32>,
    %swap3A_137 = vector.shape_cast %swap3A_136 : vector<1x16xf32> to vector<16xf32>
    %swap3A_138 = vector.shape_cast %broadcast_in_dim3A_3 : vector<16xf32> to vector<1x16xf32>
    tpu.vector_store %arg16[%swap3A_134, %swap3A_135], %swap3A_138 {strides = array<i32>} : memref<8x64xf32, #tpu.memory_space<vmem>>, vector<1x16xf32>,
    %swap3A_139 = arith.constant 7 : i32
    %swap3A_140 = arith.index_cast %swap3A_139 : i32 to index
    %swap3A_141 = arith.constant 0 : index
    %swap3A_142 = tpu.vector_load %arg16[%swap3A_140, %swap3A_141] {strides = array<i32>} : memref<8x64xf32, #tpu.memory_space<vmem>>, vector<1x16xf32>,
    %swap3A_143 = vector.shape_cast %swap3A_142 : vector<1x16xf32> to vector<16xf32>
    %swap3A_144 = vector.shape_cast %broadcast_in_dim3A_3 : vector<16xf32> to vector<1x16xf32>
    tpu.vector_store %arg16[%swap3A_140, %swap3A_141], %swap3A_144 {strides = array<i32>} : memref<8x64xf32, #tpu.memory_space<vmem>>, vector<1x16xf32>,
    %swap3A_145 = arith.constant 7 : i32
    %swap3A_146 = arith.index_cast %swap3A_145 : i32 to index
    %swap3A_147 = arith.constant 16 : index
    %swap3A_148 = tpu.vector_load %arg16[%swap3A_146, %swap3A_147] {strides = array<i32>} : memref<8x64xf32, #tpu.memory_space<vmem>>, vector<1x16xf32>,
    %swap3A_149 = vector.shape_cast %swap3A_148 : vector<1x16xf32> to vector<16xf32>
    %swap3A_150 = vector.shape_cast %broadcast_in_dim3A_3 : vector<16xf32> to vector<1x16xf32>
    tpu.vector_store %arg16[%swap3A_146, %swap3A_147], %swap3A_150 {strides = array<i32>} : memref<8x64xf32, #tpu.memory_space<vmem>>, vector<1x16xf32>,
    %swap3A_151 = arith.constant 7 : i32
    %swap3A_152 = arith.index_cast %swap3A_151 : i32 to index
    %swap3A_153 = arith.constant 32 : index
    %swap3A_154 = tpu.vector_load %arg16[%swap3A_152, %swap3A_153] {strides = array<i32>} : memref<8x64xf32, #tpu.memory_space<vmem>>, vector<1x16xf32>,
    %swap3A_155 = vector.shape_cast %swap3A_154 : vector<1x16xf32> to vector<16xf32>
    %swap3A_156 = vector.shape_cast %broadcast_in_dim3A_3 : vector<16xf32> to vector<1x16xf32>
    tpu.vector_store %arg16[%swap3A_152, %swap3A_153], %swap3A_156 {strides = array<i32>} : memref<8x64xf32, #tpu.memory_space<vmem>>, vector<1x16xf32>,
    %swap3A_157 = arith.constant 7 : i32
    %swap3A_158 = arith.index_cast %swap3A_157 : i32 to index
    %swap3A_159 = arith.constant 48 : index
    %swap3A_160 = tpu.vector_load %arg16[%swap3A_158, %swap3A_159] {strides = array<i32>} : memref<8x64xf32, #tpu.memory_space<vmem>>, vector<1x16xf32>,
    %swap3A_161 = vector.shape_cast %swap3A_160 : vector<1x16xf32> to vector<16xf32>
    %swap3A_162 = vector.shape_cast %broadcast_in_dim3A_3 : vector<16xf32> to vector<1x16xf32>
    tpu.vector_store %arg16[%swap3A_158, %swap3A_159], %swap3A_162 {strides = array<i32>} : memref<8x64xf32, #tpu.memory_space<vmem>>, vector<1x16xf32>,
    %swap3A_163 = arith.constant 0 : i32
    %swap3A_164 = arith.index_cast %swap3A_163 : i32 to index
    %swap3A_165 = arith.constant 0 : index
    %swap3A_166 = tpu.vector_load %arg16[%swap3A_164, %swap3A_165] {strides = array<i32>} : memref<8x64xf32, #tpu.memory_space<vmem>>, vector<1x16xf32>,
    %swap3A_167 = vector.shape_cast %swap3A_166 : vector<1x16xf32> to vector<16xf32>
    %swap3A_168 = vector.shape_cast %scan3A_18#0 : vector<16xf32> to vector<1x16xf32>
    tpu.vector_store %arg16[%swap3A_164, %swap3A_165], %swap3A_168 {strides = array<i32>} : memref<8x64xf32, #tpu.memory_space<vmem>>, vector<1x16xf32>,
    %swap3A_169 = arith.constant 1 : i32
    %swap3A_170 = arith.index_cast %swap3A_169 : i32 to index
    %swap3A_171 = arith.constant 0 : index
    %swap3A_172 = tpu.vector_load %arg16[%swap3A_170, %swap3A_171] {strides = array<i32>} : memref<8x64xf32, #tpu.memory_space<vmem>>, vector<1x16xf32>,
    %swap3A_173 = vector.shape_cast %swap3A_172 : vector<1x16xf32> to vector<16xf32>
    %swap3A_174 = vector.shape_cast %scan3A_18#4 : vector<16xf32> to vector<1x16xf32>
    tpu.vector_store %arg16[%swap3A_170, %swap3A_171], %swap3A_174 {strides = array<i32>} : memref<8x64xf32, #tpu.memory_space<vmem>>, vector<1x16xf32>,
    %swap3A_175 = arith.constant 0 : i32
    %swap3A_176 = arith.index_cast %swap3A_175 : i32 to index
    %swap3A_177 = arith.constant 16 : index
    %swap3A_178 = tpu.vector_load %arg16[%swap3A_176, %swap3A_177] {strides = array<i32>} : memref<8x64xf32, #tpu.memory_space<vmem>>, vector<1x16xf32>,
    %swap3A_179 = vector.shape_cast %swap3A_178 : vector<1x16xf32> to vector<16xf32>
    %swap3A_180 = vector.shape_cast %scan3A_18#1 : vector<16xf32> to vector<1x16xf32>
    tpu.vector_store %arg16[%swap3A_176, %swap3A_177], %swap3A_180 {strides = array<i32>} : memref<8x64xf32, #tpu.memory_space<vmem>>, vector<1x16xf32>,
    %swap3A_181 = arith.constant 1 : i32
    %swap3A_182 = arith.index_cast %swap3A_181 : i32 to index
    %swap3A_183 = arith.constant 16 : index
    %swap3A_184 = tpu.vector_load %arg16[%swap3A_182, %swap3A_183] {strides = array<i32>} : memref<8x64xf32, #tpu.memory_space<vmem>>, vector<1x16xf32>,
    %swap3A_185 = vector.shape_cast %swap3A_184 : vector<1x16xf32> to vector<16xf32>
    %swap3A_186 = vector.shape_cast %scan3A_18#5 : vector<16xf32> to vector<1x16xf32>
    tpu.vector_store %arg16[%swap3A_182, %swap3A_183], %swap3A_186 {strides = array<i32>} : memref<8x64xf32, #tpu.memory_space<vmem>>, vector<1x16xf32>,
    %swap3A_187 = arith.constant 0 : i32
    %swap3A_188 = arith.index_cast %swap3A_187 : i32 to index
    %swap3A_189 = arith.constant 32 : index
    %swap3A_190 = tpu.vector_load %arg16[%swap3A_188, %swap3A_189] {strides = array<i32>} : memref<8x64xf32, #tpu.memory_space<vmem>>, vector<1x16xf32>,
    %swap3A_191 = vector.shape_cast %swap3A_190 : vector<1x16xf32> to vector<16xf32>
    %swap3A_192 = vector.shape_cast %scan3A_18#2 : vector<16xf32> to vector<1x16xf32>
    tpu.vector_store %arg16[%swap3A_188, %swap3A_189], %swap3A_192 {strides = array<i32>} : memref<8x64xf32, #tpu.memory_space<vmem>>, vector<1x16xf32>,
    %swap3A_193 = arith.constant 1 : i32
    %swap3A_194 = arith.index_cast %swap3A_193 : i32 to index
    %swap3A_195 = arith.constant 32 : index
    %swap3A_196 = tpu.vector_load %arg16[%swap3A_194, %swap3A_195] {strides = array<i32>} : memref<8x64xf32, #tpu.memory_space<vmem>>, vector<1x16xf32>,
    %swap3A_197 = vector.shape_cast %swap3A_196 : vector<1x16xf32> to vector<16xf32>
    %swap3A_198 = vector.shape_cast %scan3A_18#6 : vector<16xf32> to vector<1x16xf32>
    tpu.vector_store %arg16[%swap3A_194, %swap3A_195], %swap3A_198 {strides = array<i32>} : memref<8x64xf32, #tpu.memory_space<vmem>>, vector<1x16xf32>,
    %swap3A_199 = arith.constant 0 : i32
    %swap3A_200 = arith.index_cast %swap3A_199 : i32 to index
    %swap3A_201 = arith.constant 48 : index
    %swap3A_202 = tpu.vector_load %arg16[%swap3A_200, %swap3A_201] {strides = array<i32>} : memref<8x64xf32, #tpu.memory_space<vmem>>, vector<1x16xf32>,
    %swap3A_203 = vector.shape_cast %swap3A_202 : vector<1x16xf32> to vector<16xf32>
    %swap3A_204 = vector.shape_cast %scan3A_18#3 : vector<16xf32> to vector<1x16xf32>
    tpu.vector_store %arg16[%swap3A_200, %swap3A_201], %swap3A_204 {strides = array<i32>} : memref<8x64xf32, #tpu.memory_space<vmem>>, vector<1x16xf32>,
    %swap3A_205 = arith.constant 1 : i32
    %swap3A_206 = arith.index_cast %swap3A_205 : i32 to index
    %swap3A_207 = arith.constant 48 : index
    %swap3A_208 = tpu.vector_load %arg16[%swap3A_206, %swap3A_207] {strides = array<i32>} : memref<8x64xf32, #tpu.memory_space<vmem>>, vector<1x16xf32>,
    %swap3A_209 = vector.shape_cast %swap3A_208 : vector<1x16xf32> to vector<16xf32>
    %swap3A_210 = vector.shape_cast %scan3A_18#7 : vector<16xf32> to vector<1x16xf32>
    tpu.vector_store %arg16[%swap3A_206, %swap3A_207], %swap3A_210 {strides = array<i32>} : memref<8x64xf32, #tpu.memory_space<vmem>>, vector<1x16xf32>,
    "tpu.region"() ({
      %run_scoped3A = tpu.sem_alloc : memref<!tpu.dma_semaphore, #tpu.memory_space<semaphore_mem>>
      %dma_start3A_211 = arith.constant 0 : i32
      %dma_start3A_212 = arith.constant 0 : i32
      %dma_start3A_213 = tpu.memref_slice %arg7[%add3A, %dma_start3A_211, %dma_start3A_212] : memref<32x8x64xf32, #tpu.memory_space<hbm>> -> memref<1x8x64xf32, #tpu.memory_space<hbm>>
      %dma_start3A_214 = tpu.memref_squeeze %dma_start3A_213 : memref<1x8x64xf32, #tpu.memory_space<hbm>> -> memref<8x64xf32, #tpu.memory_space<hbm>>
      %dma_start3A_215 = arith.constant 0 : i32
      %dma_start3A_216 = arith.constant 0 : i32
      %dma_start3A_217 = tpu.memref_slice %arg7[%add3A, %dma_start3A_215, %dma_start3A_216] : memref<32x8x64xf32, #tpu.memory_space<hbm>> -> memref<1x8x64xf32, #tpu.memory_space<hbm>>
      %dma_start3A_218 = tpu.memref_squeeze %dma_start3A_217 : memref<1x8x64xf32, #tpu.memory_space<hbm>> -> memref<8x64xf32, #tpu.memory_space<hbm>>
      tpu.enqueue_dma source(%arg16 : memref<8x64xf32, #tpu.memory_space<vmem>>) target(%dma_start3A_218 : memref<8x64xf32, #tpu.memory_space<hbm>>) target_semaphore(%run_scoped3A : memref<!tpu.dma_semaphore, #tpu.memory_space<semaphore_mem>>)
      %dma_wait3A = arith.constant 0 : i32
      %dma_wait3A_219 = arith.constant 0 : i32
      %dma_wait3A_220 = tpu.memref_slice %arg7[%add3A, %dma_wait3A, %dma_wait3A_219] : memref<32x8x64xf32, #tpu.memory_space<hbm>> -> memref<1x8x64xf32, #tpu.memory_space<hbm>>
      %dma_wait3A_221 = tpu.memref_squeeze %dma_wait3A_220 : memref<1x8x64xf32, #tpu.memory_space<hbm>> -> memref<8x64xf32, #tpu.memory_space<hbm>>
      %dma_wait3A_222 = arith.constant 0 : i32
      %dma_wait3A_223 = arith.constant 0 : i32
      %dma_wait3A_224 = tpu.memref_slice %arg7[%add3A, %dma_wait3A_222, %dma_wait3A_223] : memref<32x8x64xf32, #tpu.memory_space<hbm>> -> memref<1x8x64xf32, #tpu.memory_space<hbm>>
      %dma_wait3A_225 = tpu.memref_squeeze %dma_wait3A_224 : memref<1x8x64xf32, #tpu.memory_space<hbm>> -> memref<8x64xf32, #tpu.memory_space<hbm>>
      tpu.wait_dma2 semaphore(%run_scoped3A : memref<!tpu.dma_semaphore, #tpu.memory_space<semaphore_mem>>) src(%arg16 : memref<8x64xf32, #tpu.memory_space<vmem>>) dst(%dma_wait3A_225 : memref<8x64xf32, #tpu.memory_space<hbm>>)
      tpu.yield
    }) : () -> ()
    return
  }
}

module attributes {stable_mosaic.version = 14 : i64} {
  func.func @_stage2_kernel(%arg0: i32, %arg1: i32, %arg2: memref<1x1024x64xf32, #tpu.memory_space<vmem>>, %arg3: memref<1x1024x64xf32, #tpu.memory_space<vmem>>, %arg4: memref<1x1024x64xf32, #tpu.memory_space<vmem>>, %arg5: memref<32x8x64xf32, #tpu.memory_space<vmem>>, %arg6: memref<1x64xf32, #tpu.memory_space<vmem>>, %arg7: memref<1x64xf32, #tpu.memory_space<vmem>>, %arg8: memref<1x1024x64xf32, #tpu.memory_space<vmem>>) attributes {dimension_semantics = [#tpu.dimension_semantics<arbitrary>, #tpu.dimension_semantics<arbitrary>], iteration_bounds = array<i64: 4, 4>, scalar_prefetch = 0 : i64, scratch_operands = 0 : i64, tpu.core_type = #tpu.core_type<tc>, window_params = [{transform_indices = @transform_0, window_bounds = array<i64: 1, 1024, 64>}, {transform_indices = @transform_1, window_bounds = array<i64: 1, 1024, 64>}, {transform_indices = @transform_2, window_bounds = array<i64: 1, 1024, 64>}, {pipeline_mode = #tpu.pipeline_mode<synchronous>, transform_indices = @transform_3, window_bounds = array<i64: 32, 8, 64>}, {pipeline_mode = #tpu.pipeline_mode<synchronous>, transform_indices = @transform_4, window_bounds = array<i64: 1, 64>}, {pipeline_mode = #tpu.pipeline_mode<synchronous>, transform_indices = @transform_5, window_bounds = array<i64: 1, 64>}, {transform_indices = @transform_6, window_bounds = array<i64: 1, 1024, 64>}]} {
    %get3A = arith.constant 0 : index
    %get3A_0 = arith.constant 0 : index
    %get3A_1 = arith.constant 0 : index
    %get3A_2 = vector.load %arg2[%get3A, %get3A_0, %get3A_1] : memref<1x1024x64xf32, #tpu.memory_space<vmem>>, vector<1x1024x64xf32>
    %get3A_3 = vector.shape_cast %get3A_2 : vector<1x1024x64xf32> to vector<1024x64xf32>
    %get3A_4 = arith.constant 0 : index
    %get3A_5 = arith.constant 0 : index
    %get3A_6 = arith.constant 0 : index
    %get3A_7 = vector.load %arg3[%get3A_4, %get3A_5, %get3A_6] : memref<1x1024x64xf32, #tpu.memory_space<vmem>>, vector<1x1024x64xf32>
    %get3A_8 = vector.shape_cast %get3A_7 : vector<1x1024x64xf32> to vector<1024x64xf32>
    %get3A_9 = arith.constant 0 : index
    %get3A_10 = arith.constant 0 : index
    %get3A_11 = arith.constant 0 : index
    %get3A_12 = vector.load %arg4[%get3A_9, %get3A_10, %get3A_11] : memref<1x1024x64xf32, #tpu.memory_space<vmem>>, vector<1x1024x64xf32>
    %get3A_13 = vector.shape_cast %get3A_12 : vector<1x1024x64xf32> to vector<1024x64xf32>
    %get3A_14 = arith.constant 0 : index
    %get3A_15 = arith.constant 0 : index
    %get3A_16 = arith.constant 0 : index
    %get3A_17 = vector.load %arg5[%get3A_14, %get3A_15, %get3A_16] : memref<32x8x64xf32, #tpu.memory_space<vmem>>, vector<32x8x64xf32>
    %reduce_sum3A = arith.constant dense<0.000000e+00> : vector<8x64xf32>
    %reduce_sum3A_18 = vector.multi_reduction <add>, %get3A_17, %reduce_sum3A [0] : vector<32x8x64xf32> to vector<8x64xf32>
    %slice3A = vector.extract_strided_slice %reduce_sum3A_18 {offsets = [0, 0], sizes = [1, 64], strides = [1, 1]} : vector<8x64xf32> to vector<1x64xf32>
    %squeeze3A = vector.shape_cast %slice3A : vector<1x64xf32> to vector<64xf32>
    %div3A = arith.constant 3.276800e+05 : f32
    %div3A_19 = vector.broadcast %div3A : f32 to vector<64xf32>
    %div3A_20 = arith.divf %squeeze3A, %div3A_19 : vector<64xf32>
    %slice3A_21 = vector.extract_strided_slice %reduce_sum3A_18 {offsets = [1, 0], sizes = [1, 64], strides = [1, 1]} : vector<8x64xf32> to vector<1x64xf32>
    %squeeze3A_22 = vector.shape_cast %slice3A_21 : vector<1x64xf32> to vector<64xf32>
    %div3A_23 = arith.constant 3.276800e+05 : f32
    %div3A_24 = vector.broadcast %div3A_23 : f32 to vector<64xf32>
    %div3A_25 = arith.divf %squeeze3A_22, %div3A_24 : vector<64xf32>
    %mul3A = arith.mulf %div3A_20, %div3A_20 : vector<64xf32>
    %sub3A = arith.subf %div3A_25, %mul3A : vector<64xf32>
    %add3A = arith.constant 9.99999974E-6 : f32
    %add3A_26 = vector.broadcast %add3A : f32 to vector<64xf32>
    %add3A_27 = arith.addf %sub3A, %add3A_26 : vector<64xf32>
    %rsqrt3A = math.rsqrt %add3A_27 : vector<64xf32>
    %get3A_28 = arith.constant 0 : index
    %get3A_29 = arith.constant 0 : index
    %get3A_30 = vector.load %arg6[%get3A_28, %get3A_29] : memref<1x64xf32, #tpu.memory_space<vmem>>, vector<1x64xf32>
    %get3A_31 = vector.shape_cast %get3A_30 : vector<1x64xf32> to vector<64xf32>
    %get3A_32 = arith.constant 0 : index
    %get3A_33 = arith.constant 0 : index
    %get3A_34 = vector.load %arg7[%get3A_32, %get3A_33] : memref<1x64xf32, #tpu.memory_space<vmem>>, vector<1x64xf32>
    %get3A_35 = vector.shape_cast %get3A_34 : vector<1x64xf32> to vector<64xf32>
    %mul3A_36 = arith.mulf %get3A_31, %rsqrt3A : vector<64xf32>
    %mul3A_37 = arith.mulf %mul3A_36, %div3A_20 : vector<64xf32>
    %sub3A_38 = arith.subf %get3A_35, %mul3A_37 : vector<64xf32>
    %ge3A = arith.constant 0.000000e+00 : f32
    %ge3A_39 = vector.broadcast %ge3A : f32 to vector<64xf32>
    %ge3A_40 = arith.cmpf oge, %get3A_31, %ge3A_39 : vector<64xf32>
    %broadcast_in_dim3A = vector.shape_cast %ge3A_40 : vector<64xi1> to vector<1x64xi1>
    %broadcast_in_dim3A_41 = vector.shape_cast %broadcast_in_dim3A : vector<1x64xi1> to vector<1x64xi1>
    %broadcast_in_dim3A_42 = vector.broadcast %broadcast_in_dim3A_41 : vector<1x64xi1> to vector<1024x64xi1>
    %select_n3A = arith.select %broadcast_in_dim3A_42, %get3A_8, %get3A_13 : vector<1024x64xi1>, vector<1024x64xf32>
    %broadcast_in_dim3A_43 = vector.shape_cast %mul3A_36 : vector<64xf32> to vector<1x64xf32>
    %add3A_44 = arith.addf %get3A_3, %select_n3A : vector<1024x64xf32>
    %mul3A_45 = vector.broadcast %broadcast_in_dim3A_43 : vector<1x64xf32> to vector<1024x64xf32>
    %mul3A_46 = arith.mulf %mul3A_45, %add3A_44 : vector<1024x64xf32>
    %broadcast_in_dim3A_47 = vector.shape_cast %sub3A_38 : vector<64xf32> to vector<1x64xf32>
    %add3A_48 = vector.broadcast %broadcast_in_dim3A_47 : vector<1x64xf32> to vector<1024x64xf32>
    %add3A_49 = arith.addf %mul3A_46, %add3A_48 : vector<1024x64xf32>
    %max3A = arith.constant 0.000000e+00 : f32
    %max3A_50 = vector.broadcast %max3A : f32 to vector<1024x64xf32>
    %max3A_51 = arith.maximumf %add3A_49, %max3A_50 : vector<1024x64xf32>
    %swap3A = arith.constant 0 : index
    %swap3A_52 = arith.constant 0 : index
    %swap3A_53 = arith.constant 0 : index
    %swap3A_54 = vector.load %arg8[%swap3A, %swap3A_52, %swap3A_53] : memref<1x1024x64xf32, #tpu.memory_space<vmem>>, vector<1x1024x64xf32>
    %swap3A_55 = vector.shape_cast %swap3A_54 : vector<1x1024x64xf32> to vector<1024x64xf32>
    %swap3A_56 = vector.shape_cast %max3A_51 : vector<1024x64xf32> to vector<1x1024x64xf32>
    tpu.vector_store %arg8[%swap3A, %swap3A_52, %swap3A_53], %swap3A_56 {strides = array<i32>} : memref<1x1024x64xf32, #tpu.memory_space<vmem>>, vector<1x1024x64xf32>,
    return
  }
  func.func @transform_0(%arg0: i32, %arg1: i32) -> (i32, i32, i32) {
    %c0_i32 = arith.constant 0 : i32
    %c0_i32_0 = arith.constant 0 : i32
    return %arg0, %arg1, %c0_i32 : i32, i32, i32
  }
  func.func @transform_1(%arg0: i32, %arg1: i32) -> (i32, i32, i32) {
    %c0_i32 = arith.constant 0 : i32
    %c0_i32_0 = arith.constant 0 : i32
    return %arg0, %arg1, %c0_i32 : i32, i32, i32
  }
  func.func @transform_2(%arg0: i32, %arg1: i32) -> (i32, i32, i32) {
    %c0_i32 = arith.constant 0 : i32
    %c0_i32_0 = arith.constant 0 : i32
    return %arg0, %arg1, %c0_i32 : i32, i32, i32
  }
  func.func @transform_3(%arg0: i32, %arg1: i32) -> (i32, i32, i32) {
    %c0_i32 = arith.constant 0 : i32
    %c0_i32_0 = arith.constant 0 : i32
    %c0_i32_1 = arith.constant 0 : i32
    %c0_i32_2 = arith.constant 0 : i32
    return %c0_i32, %c0_i32_0, %c0_i32_1 : i32, i32, i32
  }
  func.func @transform_4(%arg0: i32, %arg1: i32) -> (i32, i32) {
    %c0_i32 = arith.constant 0 : i32
    %c0_i32_0 = arith.constant 0 : i32
    %c0_i32_1 = arith.constant 0 : i32
    return %c0_i32, %c0_i32_0 : i32, i32
  }
  func.func @transform_5(%arg0: i32, %arg1: i32) -> (i32, i32) {
    %c0_i32 = arith.constant 0 : i32
    %c0_i32_0 = arith.constant 0 : i32
    %c0_i32_1 = arith.constant 0 : i32
    return %c0_i32, %c0_i32_0 : i32, i32
  }
  func.func @transform_6(%arg0: i32, %arg1: i32) -> (i32, i32, i32) {
    %c0_i32 = arith.constant 0 : i32
    %c0_i32_0 = arith.constant 0 : i32
    return %arg0, %arg1, %c0_i32 : i32, i32, i32
  }
}

module attributes {stable_mosaic.version = 14 : i64} {
  func.func @_stage1_kernel(%arg0: i32, %arg1: i32, %arg2: memref<1x64x4096xf32, #tpu.memory_space<vmem>>, %arg3: memref<1x64x1024xf32, #tpu.memory_space<vmem>>, %arg4: memref<64x128xf32, #tpu.memory_space<vmem>>, %arg5: memref<1x64xf32, #tpu.memory_space<vmem>>, %arg6: memref<1x1024x64xf32, #tpu.memory_space<vmem>>, %arg7: memref<1x1024x128xf32, #tpu.memory_space<vmem>>, %arg8: memref<1x1024x20xi32, #tpu.memory_space<vmem>>) attributes {dimension_semantics = [#tpu.dimension_semantics<arbitrary>, #tpu.dimension_semantics<arbitrary>], iteration_bounds = array<i64: 4, 4>, scalar_prefetch = 0 : i64, scratch_operands = 0 : i64, tpu.core_type = #tpu.core_type<tc>, window_params = [{transform_indices = @transform_0, window_bounds = array<i64: 1, 64, 4096>}, {transform_indices = @transform_1, window_bounds = array<i64: 1, 64, 1024>}, {pipeline_mode = #tpu.pipeline_mode<synchronous>, transform_indices = @transform_2, window_bounds = array<i64: 64, 128>}, {pipeline_mode = #tpu.pipeline_mode<synchronous>, transform_indices = @transform_3, window_bounds = array<i64: 1, 64>}, {transform_indices = @transform_4, window_bounds = array<i64: 1, 1024, 64>}, {transform_indices = @transform_5, window_bounds = array<i64: 1, 1024, 128>}, {transform_indices = @transform_6, window_bounds = array<i64: 1, 1024, 20>}]} {
    %get3A = arith.constant 0 : index
    %get3A_0 = arith.constant 0 : index
    %get3A_1 = arith.constant 0 : index
    %get3A_2 = vector.load %arg2[%get3A, %get3A_0, %get3A_1] : memref<1x64x4096xf32, #tpu.memory_space<vmem>>, vector<1x64x4096xf32>
    %get3A_3 = vector.shape_cast %get3A_2 : vector<1x64x4096xf32> to vector<64x4096xf32>
    %get3A_4 = arith.constant 0 : index
    %get3A_5 = arith.constant 0 : index
    %get3A_6 = arith.constant 0 : index
    %get3A_7 = vector.load %arg3[%get3A_4, %get3A_5, %get3A_6] : memref<1x64x1024xf32, #tpu.memory_space<vmem>>, vector<1x64x1024xf32>
    %get3A_8 = vector.shape_cast %get3A_7 : vector<1x64x1024xf32> to vector<64x1024xf32>
    %get3A_9 = arith.constant 0 : index
    %get3A_10 = arith.constant 0 : index
    %get3A_11 = vector.load %arg4[%get3A_9, %get3A_10] : memref<64x128xf32, #tpu.memory_space<vmem>>, vector<64x128xf32>
    %slice3A = vector.extract_strided_slice %get3A_11 {offsets = [0, 0], sizes = [64, 64], strides = [1, 1]} : vector<64x128xf32> to vector<64x64xf32>
    %slice3A_12 = vector.extract_strided_slice %get3A_11 {offsets = [0, 64], sizes = [64, 64], strides = [1, 1]} : vector<64x128xf32> to vector<64x64xf32>
    %dot_general3A = arith.constant dense<0.000000e+00> : vector<1024x64xf32>
    %dot_general3A_13 = tpu.matmul %get3A_8, %slice3A_12, %dot_general3A {dimension_numbers = #tpu.dot_dimension_numbers<[0], [1], [1], [0], [0, 1, 1, 0], [], []>, transpose_lhs_hint = false} : vector<64x1024xf32>, vector<64x64xf32>, vector<1024x64xf32> -> vector<1024x64xf32>
    %mul3A = arith.mulf %dot_general3A_13, %dot_general3A_13 : vector<1024x64xf32>
    %concatenate3A = tpu.concatenate %dot_general3A_13, %mul3A in 1 : vector<1024x64xf32>, vector<1024x64xf32> -> vector<1024x128xf32>
    %swap3A = arith.constant 0 : index
    %swap3A_14 = arith.constant 0 : index
    %swap3A_15 = arith.constant 0 : index
    %swap3A_16 = vector.load %arg7[%swap3A, %swap3A_14, %swap3A_15] : memref<1x1024x128xf32, #tpu.memory_space<vmem>>, vector<1x1024x128xf32>
    %swap3A_17 = vector.shape_cast %swap3A_16 : vector<1x1024x128xf32> to vector<1024x128xf32>
    %swap3A_18 = vector.shape_cast %concatenate3A : vector<1024x128xf32> to vector<1x1024x128xf32>
    tpu.vector_store %arg7[%swap3A, %swap3A_14, %swap3A_15], %swap3A_18 {strides = array<i32>} : memref<1x1024x128xf32, #tpu.memory_space<vmem>>, vector<1x1024x128xf32>,
    %sub3A = arith.subf %slice3A, %slice3A_12 : vector<64x64xf32>
    %dot_general3A_19 = arith.constant dense<0.000000e+00> : vector<1024x64xf32>
    %dot_general3A_20 = tpu.matmul %get3A_8, %sub3A, %dot_general3A_19 {dimension_numbers = #tpu.dot_dimension_numbers<[0], [1], [1], [0], [0, 1, 1, 0], [], []>, transpose_lhs_hint = false} : vector<64x1024xf32>, vector<64x64xf32>, vector<1024x64xf32> -> vector<1024x64xf32>
    %get3A_21 = arith.constant 0 : index
    %get3A_22 = arith.constant 0 : index
    %get3A_23 = vector.load %arg5[%get3A_21, %get3A_22] : memref<1x64xf32, #tpu.memory_space<vmem>>, vector<1x64xf32>
    %get3A_24 = vector.shape_cast %get3A_23 : vector<1x64xf32> to vector<64xf32>
    %broadcast_in_dim3A = vector.shape_cast %get3A_24 : vector<64xf32> to vector<1x64xf32>
    %add3A = vector.broadcast %broadcast_in_dim3A : vector<1x64xf32> to vector<1024x64xf32>
    %add3A_25 = arith.addf %dot_general3A_20, %add3A : vector<1024x64xf32>
    %swap3A_26 = arith.constant 0 : index
    %swap3A_27 = arith.constant 0 : index
    %swap3A_28 = arith.constant 0 : index
    %swap3A_29 = vector.load %arg6[%swap3A_26, %swap3A_27, %swap3A_28] : memref<1x1024x64xf32, #tpu.memory_space<vmem>>, vector<1x1024x64xf32>
    %swap3A_30 = vector.shape_cast %swap3A_29 : vector<1x1024x64xf32> to vector<1024x64xf32>
    %swap3A_31 = vector.shape_cast %add3A_25 : vector<1024x64xf32> to vector<1x1024x64xf32>
    tpu.vector_store %arg6[%swap3A_26, %swap3A_27, %swap3A_28], %swap3A_31 {strides = array<i32>} : memref<1x1024x64xf32, #tpu.memory_space<vmem>>, vector<1x1024x64xf32>,
    %dot_general3A_32 = arith.constant dense<0.000000e+00> : vector<1024x4096xf32>
    %dot_general3A_33 = tpu.matmul %get3A_8, %get3A_3, %dot_general3A_32 {dimension_numbers = #tpu.dot_dimension_numbers<[0], [0], [1], [1], [0, 1, 1, 1], [], []>, transpose_lhs_hint = false} : vector<64x1024xf32>, vector<64x4096xf32>, vector<1024x4096xf32> -> vector<1024x4096xf32>
    %mul3A_34 = arith.mulf %get3A_3, %get3A_3 : vector<64x4096xf32>
    %reduce_sum3A = arith.constant dense<0.000000e+00> : vector<4096xf32>
    %reduce_sum3A_35 = vector.multi_reduction <add>, %mul3A_34, %reduce_sum3A [0] : vector<64x4096xf32> to vector<4096xf32>
    %broadcast_in_dim3A_36 = vector.shape_cast %reduce_sum3A_35 : vector<4096xf32> to vector<1x4096xf32>
    %mul3A_37 = arith.constant 2.000000e+00 : f32
    %mul3A_38 = vector.broadcast %mul3A_37 : f32 to vector<1024x4096xf32>
    %mul3A_39 = arith.mulf %mul3A_38, %dot_general3A_33 : vector<1024x4096xf32>
    %sub3A_40 = vector.broadcast %broadcast_in_dim3A_36 : vector<1x4096xf32> to vector<1024x4096xf32>
    %sub3A_41 = arith.subf %sub3A_40, %mul3A_39 : vector<1024x4096xf32>
    %iota3A = tpu.iota {dimensions = array<i32: 1>} : vector<4096x128xi32>
    %iota3A_42 = tpu.iota {dimensions = array<i32: 0>} : vector<4096x128xi32>
    %lt3A = arith.constant 64 : i32
    %lt3A_43 = vector.broadcast %lt3A : i32 to vector<4096x128xi32>
    %lt3A_44 = arith.cmpi slt, %iota3A, %lt3A_43 : vector<4096x128xi32>
    %jit3A = arith.constant 64 : i32
    %div3A = vector.broadcast %jit3A : i32 to vector<4096x128xi32>
    %div3A_45 = arith.divsi %iota3A_42, %div3A : vector<4096x128xi32>
    %sign3A = arith.constant 0 : i32
    %sign3A_46 = vector.broadcast %sign3A : i32 to vector<4096x128xi32>
    %sign3A_47 = arith.cmpi sgt, %iota3A_42, %sign3A_46 : vector<4096x128xi32>
    %sign3A_48 = arith.extui %sign3A_47 : vector<4096x128xi1> to vector<4096x128xi32>
    %sign3A_49 = arith.constant 0 : i32
    %sign3A_50 = vector.broadcast %sign3A_49 : i32 to vector<4096x128xi32>
    %sign3A_51 = arith.cmpi slt, %iota3A_42, %sign3A_50 : vector<4096x128xi32>
    %sign3A_52 = arith.extui %sign3A_51 : vector<4096x128xi1> to vector<4096x128xi32>
    %sign3A_53 = arith.subi %sign3A_48, %sign3A_52 : vector<4096x128xi32>
    %sign3A_54 = arith.constant 0 : i32
    %sign3A_55 = arith.cmpi sgt, %jit3A, %sign3A_54 : i32
    %sign3A_56 = arith.extui %sign3A_55 : i1 to i32
    %sign3A_57 = arith.constant 0 : i32
    %sign3A_58 = arith.cmpi slt, %jit3A, %sign3A_57 : i32
    %sign3A_59 = arith.extui %sign3A_58 : i1 to i32
    %sign3A_60 = arith.subi %sign3A_56, %sign3A_59 : i32
    %ne3A = vector.broadcast %sign3A_60 : i32 to vector<4096x128xi32>
    %ne3A_61 = arith.cmpi ne, %sign3A_53, %ne3A : vector<4096x128xi32>
    %rem3A = vector.broadcast %jit3A : i32 to vector<4096x128xi32>
    %rem3A_62 = arith.remsi %iota3A_42, %rem3A : vector<4096x128xi32>
    %ne3A_63 = arith.constant 0 : i32
    %ne3A_64 = vector.broadcast %ne3A_63 : i32 to vector<4096x128xi32>
    %ne3A_65 = arith.cmpi ne, %rem3A_62, %ne3A_64 : vector<4096x128xi32>
    %and3A = arith.andi %ne3A_61, %ne3A_65 : vector<4096x128xi1>
    %sub3A_66 = arith.constant 1 : i32
    %sub3A_67 = vector.broadcast %sub3A_66 : i32 to vector<4096x128xi32>
    %sub3A_68 = arith.subi %div3A_45, %sub3A_67 : vector<4096x128xi32>
    %select_n3A = arith.select %and3A, %sub3A_68, %div3A_45 : vector<4096x128xi1>, vector<4096x128xi32>
    %jit3A_69 = arith.constant 64 : i32
    %eq3A = arith.constant 0 : i32
    %eq3A_70 = arith.cmpi eq, %jit3A_69, %eq3A : i32
    %jit3A_71 = arith.constant 1 : i32
    %select_n3A_72 = arith.select %eq3A_70, %jit3A_71, %jit3A_69 : i32
    %rem3A_73 = vector.broadcast %select_n3A_72 : i32 to vector<4096x128xi32>
    %rem3A_74 = arith.remsi %iota3A_42, %rem3A_73 : vector<4096x128xi32>
    %ne3A_75 = arith.constant 0 : i32
    %ne3A_76 = vector.broadcast %ne3A_75 : i32 to vector<4096x128xi32>
    %ne3A_77 = arith.cmpi ne, %rem3A_74, %ne3A_76 : vector<4096x128xi32>
    %lt3A_78 = arith.constant 0 : i32
    %lt3A_79 = vector.broadcast %lt3A_78 : i32 to vector<4096x128xi32>
    %lt3A_80 = arith.cmpi slt, %rem3A_74, %lt3A_79 : vector<4096x128xi32>
    %lt3A_81 = arith.constant 0 : i32
    %lt3A_82 = arith.cmpi slt, %select_n3A_72, %lt3A_81 : i32
    %ne3A_83 = vector.broadcast %lt3A_82 : i1 to vector<4096x128xi1>
    %ne3A_84 = vector.broadcast %ne3A_83 : vector<4096x128xi1> to vector<4096x128xi1>
    %ne3A_85 = arith.xori %lt3A_80, %ne3A_84 : vector<4096x128xi1>
    %and3A_86 = arith.andi %ne3A_85, %ne3A_77 : vector<4096x128xi1>
    %add3A_87 = vector.broadcast %select_n3A_72 : i32 to vector<4096x128xi32>
    %add3A_88 = arith.addi %rem3A_74, %add3A_87 : vector<4096x128xi32>
    %select_n3A_89 = arith.select %and3A_86, %add3A_88, %rem3A_74 : vector<4096x128xi1>, vector<4096x128xi32>
    %select_n3A_90 = arith.select %lt3A_44, %select_n3A, %select_n3A_89 : vector<4096x128xi1>, vector<4096x128xi32>
    %convert_element_type3A = arith.sitofp %select_n3A_90 : vector<4096x128xi32> to vector<4096x128xbf16>
    %iota3A_91 = tpu.iota {dimensions = array<i32: 1>} : vector<1x20xi32>
    %mul3A_92 = arith.constant 4096 : i32
    %mul3A_93 = arith.muli %arg0, %mul3A_92 : i32
    %broadcast_in_dim3A_94 = arith.constant 0 : i32
    %broadcast_in_dim3A_95 = vector.broadcast %broadcast_in_dim3A_94 : i32 to vector<1024x20xi32>
    %scan3A = arith.constant 0x7F800000 : f32
    %scan3A_96 = arith.constant 0 : i32
    %scan3A_97 = arith.constant 20 : i32
    %scan3A_98 = arith.addi %scan3A_96, %scan3A_97 : i32
    %scan3A_99 = arith.constant 1 : i32
    %scan3A_100:2 = scf.for %scan3A_108 = %scan3A_96 to %scan3A_98 step %scan3A_99 iter_args(%scan3A_109 = %sub3A_41, %scan3A_110 = %broadcast_in_dim3A_95) -> (vector<1024x4096xf32>, vector<1024x20xi32>)  : i32 {
      %reduce_min3A = arith.constant dense<0x7F800000> : vector<1024xf32>
      %reduce_min3A_111 = vector.multi_reduction <minimumf>, %scan3A_109, %reduce_min3A [1] : vector<1024x4096xf32> to vector<1024xf32>
      %broadcast_in_dim3A_112 = vector.shape_cast %reduce_min3A_111 : vector<1024xf32> to vector<1024x1xf32>
      %eq3A_113 = vector.broadcast %broadcast_in_dim3A_112 : vector<1024x1xf32> to vector<1024x4096xf32>
      %eq3A_114 = arith.cmpf oeq, %scan3A_109, %eq3A_113 : vector<1024x4096xf32>
      %convert_element_type3A_115 = arith.extui %eq3A_114 : vector<1024x4096xi1> to vector<1024x4096xi32>
      %convert_element_type3A_116 = arith.sitofp %convert_element_type3A_115 : vector<1024x4096xi32> to vector<1024x4096xf32>
      %convert_element_type3A_117 = arith.truncf %convert_element_type3A_116 : vector<1024x4096xf32> to vector<1024x4096xbf16>
      %dot_general3A_118 = arith.constant dense<0.000000e+00> : vector<1024x128xf32>
      %dot_general3A_119 = tpu.matmul %convert_element_type3A_117, %convert_element_type3A, %dot_general3A_118 {dimension_numbers = #tpu.dot_dimension_numbers<[1], [0], [0], [1], [0, 0, 1, 1], [], []>, transpose_lhs_hint = false} : vector<1024x4096xbf16>, vector<4096x128xbf16>, vector<1024x128xf32> -> vector<1024x128xf32>
      %slice3A_120 = vector.extract_strided_slice %dot_general3A_119 {offsets = [0, 0], sizes = [1024, 1], strides = [1, 1]} : vector<1024x128xf32> to vector<1024x1xf32>
      %mul3A_121 = arith.constant 6.400000e+01 : f32
      %mul3A_122 = vector.broadcast %mul3A_121 : f32 to vector<1024x1xf32>
      %mul3A_123 = arith.mulf %slice3A_120, %mul3A_122 : vector<1024x1xf32>
      %slice3A_124 = vector.extract_strided_slice %dot_general3A_119 {offsets = [0, 64], sizes = [1024, 1], strides = [1, 1]} : vector<1024x128xf32> to vector<1024x1xf32>
      %add3A_125 = arith.addf %mul3A_123, %slice3A_124 : vector<1024x1xf32>
      %add3A_126 = arith.constant 5.000000e-01 : f32
      %add3A_127 = vector.broadcast %add3A_126 : f32 to vector<1024x1xf32>
      %add3A_128 = arith.addf %add3A_125, %add3A_127 : vector<1024x1xf32>
      %convert_element_type3A_129 = arith.fptosi %add3A_128 : vector<1024x1xf32> to vector<1024x1xi32>
      %min3A = arith.constant 4095 : i32
      %min3A_130 = vector.broadcast %min3A : i32 to vector<1024x1xi32>
      %min3A_131 = arith.minsi %convert_element_type3A_129, %min3A_130 : vector<1024x1xi32>
      %eq3A_132 = vector.broadcast %broadcast_in_dim3A_112 : vector<1024x1xf32> to vector<1024x4096xf32>
      %eq3A_133 = arith.cmpf oeq, %scan3A_109, %eq3A_132 : vector<1024x4096xf32>
      %broadcast_in_dim3A_134 = vector.broadcast %scan3A : f32 to vector<1024x4096xf32>
      %select_n3A_135 = arith.select %eq3A_133, %broadcast_in_dim3A_134, %scan3A_109 : vector<1024x4096xi1>, vector<1024x4096xf32>
      %eq3A_136 = vector.broadcast %scan3A_108 : i32 to vector<1x20xi32>
      %eq3A_137 = arith.cmpi eq, %iota3A_91, %eq3A_136 : vector<1x20xi32>
      %add3A_138 = vector.broadcast %mul3A_93 : i32 to vector<1024x1xi32>
      %add3A_139 = arith.addi %min3A_131, %add3A_138 : vector<1024x1xi32>
      %broadcast_in_dim3A_140 = vector.shape_cast %eq3A_137 : vector<1x20xi1> to vector<1x20xi1>
      %broadcast_in_dim3A_141 = vector.broadcast %broadcast_in_dim3A_140 : vector<1x20xi1> to vector<1024x20xi1>
      %broadcast_in_dim3A_142 = vector.shape_cast %add3A_139 : vector<1024x1xi32> to vector<1024x1xi32>
      %broadcast_in_dim3A_143 = vector.broadcast %broadcast_in_dim3A_142 : vector<1024x1xi32> to vector<1024x20xi32>
      %select_n3A_144 = arith.select %broadcast_in_dim3A_141, %broadcast_in_dim3A_143, %scan3A_110 : vector<1024x20xi1>, vector<1024x20xi32>
      scf.yield %select_n3A_135, %select_n3A_144 : vector<1024x4096xf32>, vector<1024x20xi32>
    }
    %scan3A_101 = arith.constant 20 : i32
    %swap3A_102 = arith.constant 0 : index
    %swap3A_103 = arith.constant 0 : index
    %swap3A_104 = arith.constant 0 : index
    %swap3A_105 = vector.load %arg8[%swap3A_102, %swap3A_103, %swap3A_104] : memref<1x1024x20xi32, #tpu.memory_space<vmem>>, vector<1x1024x20xi32>
    %swap3A_106 = vector.shape_cast %swap3A_105 : vector<1x1024x20xi32> to vector<1024x20xi32>
    %swap3A_107 = vector.shape_cast %scan3A_100#1 : vector<1024x20xi32> to vector<1x1024x20xi32>
    tpu.vector_store %arg8[%swap3A_102, %swap3A_103, %swap3A_104], %swap3A_107 {strides = array<i32>} : memref<1x1024x20xi32, #tpu.memory_space<vmem>>, vector<1x1024x20xi32>,
    return
  }
  func.func @transform_0(%arg0: i32, %arg1: i32) -> (i32, i32, i32) {
    %c0_i32 = arith.constant 0 : i32
    %c0_i32_0 = arith.constant 0 : i32
    %c0_i32_1 = arith.constant 0 : i32
    return %arg0, %c0_i32, %c0_i32_0 : i32, i32, i32
  }
  func.func @transform_1(%arg0: i32, %arg1: i32) -> (i32, i32, i32) {
    %c0_i32 = arith.constant 0 : i32
    %c0_i32_0 = arith.constant 0 : i32
    return %arg0, %c0_i32, %arg1 : i32, i32, i32
  }
  func.func @transform_2(%arg0: i32, %arg1: i32) -> (i32, i32) {
    %c0_i32 = arith.constant 0 : i32
    %c0_i32_0 = arith.constant 0 : i32
    %c0_i32_1 = arith.constant 0 : i32
    return %c0_i32, %c0_i32_0 : i32, i32
  }
  func.func @transform_3(%arg0: i32, %arg1: i32) -> (i32, i32) {
    %c0_i32 = arith.constant 0 : i32
    %c0_i32_0 = arith.constant 0 : i32
    %c0_i32_1 = arith.constant 0 : i32
    return %c0_i32, %c0_i32_0 : i32, i32
  }
  func.func @transform_4(%arg0: i32, %arg1: i32) -> (i32, i32, i32) {
    %c0_i32 = arith.constant 0 : i32
    %c0_i32_0 = arith.constant 0 : i32
    return %arg0, %arg1, %c0_i32 : i32, i32, i32
  }
  func.func @transform_5(%arg0: i32, %arg1: i32) -> (i32, i32, i32) {
    %c0_i32 = arith.constant 0 : i32
    %c0_i32_0 = arith.constant 0 : i32
    return %arg0, %arg1, %c0_i32 : i32, i32, i32
  }
  func.func @transform_6(%arg0: i32, %arg1: i32) -> (i32, i32, i32) {
    %c0_i32 = arith.constant 0 : i32
    %c0_i32_0 = arith.constant 0 : i32
    return %arg0, %arg1, %c0_i32 : i32, i32, i32
  }
}

</mosaic_0001>

<sc_bundles>
// kernel: kernel.5.cloned.1.call-start
scs
__scs_entry_jumppad:
0x0: {  	(pc) =	sbr.rel $0x88, $3  }
0x1: {  	(tag) =	ssettag $0x0;
	lr =	simm.s32 $0x1  }
0x2: {  	[smem:$0x3F9C] =	sst lr;
	_ =	strace $0xD0000000  }
0x3: {  	_ = 	snop  }
0x4: {  	_ = 	snop  }
0x5: {  	_ = 	snop  }
0x6: {  	_ = 	snop  }
0x7: {  	_ = 	snop  }
__scs_overlays_trampoline_lowered:
0x8: {  	[smem:$0x3FAB] =	sst s0  }
0x9: {  	[smem:$0x3FAC] =	sst s1  }
0xa: {  	[smem:$0x3FAD] =	sst s2  }
0xb: {  	[smem:$0x3FAE] =	sst s3  }
0xc: {  	[smem:$0x3FAF] =	sst s4  }
0xd: {  	[smem:$0x3FB0] =	sst s5  }
0xe: {  	[smem:$0x3FB1] =	sst s6  }
0xf: {  	[smem:$0x3FB2] =	sst s7  }
0x10: {  	[smem:$0x3FB3] =	sst s8  }
0x11: {  	[smem:$0x3FB4] =	sst s9;
	s0 =	simm.s32 @!p0 $0x0  }
0x12: {  	s1 =	sld [smem:$0x3F9A];
	s0 =	simm.s32 @p0 $0x1  }
0x13: {  	[smem:$0x3FB5] =	sst s0;
	s0 =	simm.s32 @!p1 $0x0  }
0x14: {  	s2 =	sld [smem:$0x3F99];
	s0 =	simm.s32 @p1 $0x1  }
0x15: {  	[smem:$0x3FB6] =	sst s0;
	s0 =	simm.s32 @!p2 $0x0  }
0x16: {  	s3 =	sld [smem:$0x3FDB];
	s0 =	simm.s32 @p2 $0x1  }
0x17: {  	s4 =	simm.s32 $0x1BF5;
	[smem:$0x3FB8] =	sst s0  }
0x18: {  	s0 =	sld [smem:$0x3F9B];
	_ =	swait.ge [sflag:s4], $0x0  }
0x19: {  	s7 =	sld [smem:$0x3F9C]  }
0x1a: {  	s8 =	sadd.s32 $0xFFFFE003, lr  }
0x1b: {  	s9 =	sadd.s32 $0xFFFFFEF7, lr;
	s5 =	simm.s32 $0xFFFFFFFF;
	p2 =	slt.u32 s8, $0xFFFFF086  }
0x1c: {  	p1 =	slt.u32 s9, $0xF7A;
	s5 =	simm.s32 @!p2 $0x0  }
0x1d: {  	s5 =	simm.s32 @p1 $0x1;
	p0 =	seq.s32 s7, s2  }
0x1e: {  	s7 =	smul.u32 @!p0 $0xF7A, s2;
	p2 =	seq.s32 @!p0 s5, $0x0  }
0x1f: {  	s9 =	smul.u32 $0xF7A, s1;
	s8 =	simm.s32 @!p0 $0x1BF5;
	p2 =	por !p2, p0  }
0x20: {  	[sflag:s8] =	ssyncset.s32 @!p0 $0xFFFFF086;
	s6 =	sadd.s32 @!p0 s3, s7;
	s7 =	simm.s32 @!p0 $0x108  }
0x21: {  	s3 =	sadd.s32 s3, s9;
	s6 =	sadd.s32 @!p0 $0x88, s6;
	s7 =	simm.s32 @p2 $0x1082  }
0x22: {  	[simem:s7], [sflag:s8] =	dma.local @!p0 [hbm:s6], $0xF7A  }
0x23: {  	s9 =	sor.u32 $0xD0000000, s2;
	s6 =	simm.s32 $0x108;
	_ =	swait.ge @!p0 [sflag:s8], $0x0  }
0x24: {  	s3 =	sadd.s32 $0x88, s3;
	s6 =	simm.s32 @!p1 $0x1082;
	[sflag:s4] =	ssyncset.s32 $0xFFFFF086  }
0x25: {  	[simem:s6], [sflag:s4] =	dma.local [hbm:s3], $0xF7A  }
0x26: {  	[smem:$0x3F9C] =	sst s1;
	(tag) =	ssettag s2;
	_ =	strace s9  }
0x27: {  	s1 =	sld [smem:$0x3FAC]  }
0x28: {  	s2 =	sld [smem:$0x3FAD]  }
0x29: {  	s4 =	sld [smem:$0x3FAF]  }
0x2a: {  	p0 =	seq.s32 s5, $0x0;
	s5 =	sld [smem:$0x3FB0]  }
0x2b: {  	s6 =	sld [smem:$0x3FB1]  }
0x2c: {  	s7 =	sld [smem:$0x3FB2]  }
0x2d: {  	s3 =	simm.s32 $0x108;
	s8 =	sld [smem:$0x3FB3]  }
0x2e: {  	s3 =	simm.s32 @!p0 $0x1082;
	s9 =	sld [smem:$0x3FB4]  }
0x2f: {  	lr =	sadd.s32 s0, s3;
	s0 =	sld [smem:$0x3FAB]  }
0x30: {  	s3 =	sld [smem:$0x3FAE]  }
0x31: {  	[smem:$0x3FB7] =	sst s10  }
0x32: {  	s10 =	sld [smem:$0x3FB5];
	_ =	sdelay $0x3  }
0x33: {  	p0 =	seq.s32 s10, $0x1;
	s10 =	sld [smem:$0x3FB7];
	_ =	sdelay $0x3  }
0x34: {  	[smem:$0x3FB7] =	sst s10  }
0x35: {  	s10 =	sld [smem:$0x3FB6];
	_ =	sdelay $0x3  }
0x36: {  	p1 =	seq.s32 s10, $0x1;
	s10 =	sld [smem:$0x3FB7];
	_ =	sdelay $0x3  }
0x37: {  	[smem:$0x3FB7] =	sst s10  }
0x38: {  	s10 =	sld [smem:$0x3FB8]  }
0x39: {  	_ = 	snop;
	(pc) =	sbr.ind lr, $3  }
0x3a: {  	_ = 	snop  }
0x3b: {  	_ = 	snop  }
0x3c: {  	p2 =	seq.s32 s10, $0x1;
	s10 =	sld [smem:$0x3FB7]  }
0x3d: {  	_ =	shalt  }
0x3e: {  	_ =	shalt  }
0x3f: {  	_ =	shalt  }
0x40: {  	_ =	shalt  }
0x41: {  	_ =	shalt  }
0x42: {  	_ =	shalt  }
0x43: {  	_ =	shalt  }
0x44: {  	_ =	shalt  }
0x45: {  	_ =	shalt  }
0x46: {  	_ =	shalt  }
0x47: {  	_ =	shalt  }
0x48: {  	_ =	shalt  }
0x49: {  	_ =	shalt  }
0x4a: {  	_ =	shalt  }
0x4b: {  	_ =	shalt  }
0x4c: {  	_ =	shalt  }
0x4d: {  	_ =	shalt  }
0x4e: {  	_ =	shalt  }
0x4f: {  	_ =	shalt  }
0x50: {  	_ =	shalt  }
0x51: {  	_ =	shalt  }
0x52: {  	_ =	shalt  }
0x53: {  	_ =	shalt  }
0x54: {  	_ =	shalt  }
0x55: {  	_ =	shalt  }
0x56: {  	_ =	shalt  }
0x57: {  	_ =	shalt  }
0x58: {  	_ =	shalt  }
0x59: {  	_ =	shalt  }
0x5a: {  	_ =	shalt  }
0x5b: {  	_ =	shalt  }
0x5c: {  	_ =	shalt  }
0x5d: {  	_ =	shalt  }
0x5e: {  	_ =	shalt  }
0x5f: {  	_ =	shalt  }
0x60: {  	_ =	shalt  }
0x61: {  	_ =	shalt  }
0x62: {  	_ =	shalt  }
0x63: {  	_ =	shalt  }
0x64: {  	_ =	shalt  }
0x65: {  	_ =	shalt  }
0x66: {  	_ =	shalt  }
0x67: {  	_ =	shalt  }
0x68: {  	_ =	shalt  }
0x69: {  	_ =	shalt  }
0x6a: {  	_ =	shalt  }
0x6b: {  	_ =	shalt  }
0x6c: {  	_ =	shalt  }
0x6d: {  	_ =	shalt  }
0x6e: {  	_ =	shalt  }
0x6f: {  	_ =	shalt  }
0x70: {  	_ =	shalt  }
0x71: {  	_ =	shalt  }
0x72: {  	_ =	shalt  }
0x73: {  	_ =	shalt  }
0x74: {  	_ =	shalt  }
0x75: {  	_ =	shalt  }
0x76: {  	_ =	shalt  }
0x77: {  	_ =	shalt  }
0x78: {  	_ =	shalt  }
0x79: {  	_ =	shalt  }
0x7a: {  	_ =	shalt  }
0x7b: {  	_ =	shalt  }
0x7c: {  	_ =	shalt  }
0x7d: {  	_ =	shalt  }
0x7e: {  	_ =	shalt  }
0x7f: {  	_ =	shalt  }
0x80: {  	_ =	shalt  }
0x81: {  	_ =	shalt  }
0x82: {  	_ =	shalt  }
0x83: {  	_ =	shalt  }
0x84: {  	_ =	shalt  }
0x85: {  	_ =	shalt  }
0x86: {  	_ =	shalt  }
0x87: {  	_ =	shalt  }
.Lfunc_end0:
.L_simem_size_0:
called_computation_lowered:
.L_overlay_start_0:
0x88: {  	s2 =	sld [smem:$0x3FD9]  }
0x89: {  	s3 =	sld [smem:$0x3FFE];
	_ =	sdelay $0x1  }
0x8a: {  	s1 =	srdreg.scid  }
0x8b: {  	s0 =	sand.u32 $0x1, s1  }
0x8c: {  	s17 =	sshll.u32 s0, $0xA;
	s2 =	sadd.s32 s3, s2  }
0x8d: {  	s2 =	sadd.s32 s2, s17  }
0x8e: {  	[smem:$0x3FC3] =	sst s2  }
0x8f: {  	_ = 	snop  }
0x90: {  	s2 =	sld [smem:$0x3FD0];
	(tm) =	ssettm $0x1  }
0x91: {  	s18 =	sld [smem:$0x3FFB];
	_ =	sdelay $0x3  }
0x92: {  	_ =	strace s18  }
0x93: {  	s3 =	sld [smem:$0x3FFC];
	_ =	sdelay $0x3  }
0x94: {  	_ =	strace s3  }
0x95: {  	s3 =	sld [smem:$0x3FFD];
	_ =	sdelay $0x3  }
0x96: {  	_ =	strace s3  }
0x97: {  	_ =	strace $0x8FFFFFFF  }
0x98: {  	s19 =	sld [smem:$0x3FDB];
	_ =	sdelay $0x1  }
0x99: {  	s4 =	simm.s32 $_scs_section_size  }
0x9a: {  	s5 =	simm.s32 $_size__tile_overlayer_lowered;
	s6 =	simm.s32 $_tile_overlayer_lowered  }
0x9b: {  	s22 =	simm.s32 $0x1BFF;
	s21 =	sshll.u32 s6, $0x1;
	s3 =	sadd.s32 s4, s19  }
0x9c: {  	s7 =	simm.s32 $0x0;
	s20 =	sshll.u32 s5, $0x1;
	s5 =	sadd.s32 s21, s3  }
0x9d: {  	[timem:s7], [sflag:s22] =	dma.local [hbm:s5], s20  }
0x9e: {  	_ =	swait.ge [sflag:s22], s20  }
0x9f: {  	s4 =	ssub.s32 $0x0, s20;
	[sflag:s22] =	ssyncset.done $0x0  }
0xa0: {  	[sflag:s22] =	ssyncadd.s32 s4;
	_ =	sdelay $0x1  }
0xa1: {  	s23 =	simm.s32 $0x1B8B  }
0xa2: {  	_ =	swait.ge [sflag:s23], $0x1  }
0xa3: {  	[sflag:s23] =	ssyncset.done $0x0  }
0xa4: {  	s25 =	simm.s32 $0x1B8E;
	s24 =	sld [smem:$0x3FFE];
	[sflag:s23] =	ssyncadd.s32 $0xFFFFFFFF  }
0xa5: {  	s26 =	simm.s32 $execute0_lowered;
	[smem:$0x3FD2] =	sst s25  }
0xa6: {  	s5 =	sshll.u32 s26, $0x1;
	_ =	strace $0x80000046;
	[dreg:$0x1] =	wrdreg $0xFFFFFFFF  }
0xa7: {  	s28 =	simm.s32 $_size_execute0_lowered;
	s3 =	sadd.s32 s3, s5;
	[dreg:$0x0] =	wrdreg $0x0  }
0xa8: {  	s5 =	sshll.u32 s28, $0x1;
	[dreg:$0x2] =	wrdreg s3  }
0xa9: {  	[dreg:$0x3] =	wrdreg s5  }
0xaa: {  	[dreg:$0x4] =	wrdreg $0xC0  }
0xab: {  	_ =	task [dreg:s7], $0x5FFFF  }
0xac: {  	[dreg:$0x1] =	wrdreg $0xFFFFFFFF  }
0xad: {  	[dreg:$0x0] =	wrdreg $0x60  }
0xae: {  	[dreg:$0x2] =	wrdreg s24  }
0xaf: {  	[dreg:$0x3] =	wrdreg s2  }
0xb0: {  	[dreg:$0x4] =	wrdreg $0x9  }
0xb1: {  	_ =	task.clear_ibuf [dreg:s7], $0x5FFFF;
	_ =	strace $0x90000046  }
0xb2: {  	s29 =	simm.s32 $0x9;
	_ =	strace $0x80000048  }
0xb3: {  	_ =	swait.ge [sflag:s29], $0x1  }
0xb4: {  	[sflag:s29] =	ssyncadd.s32 $0xFFFFFFFF  }
0xb5: {  	_ =	strace $0x90000048  }
0xb6: {  	_ =	sfence  }
0xb7: {  	s30 =	sld [smem:$0x0];
	_ =	sdelay $0x2  }
0xb8: {  	s31 =	sshll.u32 s1, $0xD;
	s1 =	sshrl.u32 s1, $0x2  }
0xb9: {  	s3 =	sand.u32 $0x4000, s31;
	s1 =	sadd.s32 s1, s30  }
0xba: {  	s0 =	sor.u32 s3, s0;
	s1 =	sshll.u32 s1, $0x11  }
0xbb: {  	s0 =	sor.u32 s1, s0  }
0xbc: {  	s0 =	sadd.s32 $0x8F2B, s0  }
0xbd: {  	[sflag:s0] =	ssyncadd.remote.s32 $0x1  }
0xbe: {  	_ =	sfence.sel $0xFFFF  }
0xbf: {  	[dreg:$0x0] =	wrdreg $0xFFFFFFFF;
	(pc) =	sbr.abs _section_cstart, $3  }
0xc0: {  	[dreg:$0x1] =	wrdreg $0xFFFFFFFF  }
0xc1: {  	_ =	task.clear_ibuf [dreg:s7], $0x2FFFF;
	_ =	strace $0x9FFFFFFF  }
0xc2: {  	(tm) =	ssettm $0x7FFFFFFF  }
0xc3: {  	_ =	shalt  }
tec
execute0_lowered:
.L_overlay_start_1:
0x0: {  	(tag) =	ssettag $0x1  }
0x1: {  	s0 =	rddreg [dreg:$0x0]  }
0x2: {  	s1 =	rddreg [dreg:$0x1];
	s2 =	simm.s32 $0x0;
	s3 =	srdreg.scid  }
0x3: {  	s6 =	stileid.u32;
	s15 =	simm.s32 $0x3;
	s17 =	simm.s32 $0x140  }
0x4: {  	s18 =	simm.s32 $0x300;
	s19 =	simm.s32 $0x180;
	s20 =	simm.s32 $0x14B00  }
0x5: {  	s21 =	simm.s32 $0xA300;
	s22 =	simm.s32 $0x1;
	s23 =	simm.s32 $0x15300  }
0x6: {  	s24 =	simm.s32 $0x15B00;
	s25 =	simm.s32 $0x2;
	s26 =	simm.s32 $0x16300  }
0x7: {  	s28 =	simm.s32 $0x0;
	[smem:$0x7FF] =	sst s2;
	s4 =	sadd.s32 $0x41C00, s0  }
0x8: {  	s5 =	sadd.s32 $0x81C00, s0;
	s3 =	sand.u32 $0x1, s3;
	s7 =	sshll.u32 s6, $0x1  }
0x9: {  	s6 =	sadd.s32 $0xC1C00, s0;
	_ =	strace $0x80000047;
	s9 =	sor.u32 s3, s7  }
0xa: {  	s3 =	ssub.s32 $0x2, s3;
	s7 =	sadd.s32 $0x101C00, s0;
	s8 =	sshll.u32 s9, $0x7  }
0xb: {  	s10 =	sshrl.u32 s3, $0x1;
	s11 =	smul.u32 $0x500, s9;
	s14 =	sshll.u32 s9, $0x9  }
0xc: {  	s9 =	sshll.u32 s9, $0xD;
	s0 =	sadd.s32 s8, s0;
	s3 =	ssub.s32 s3, s10  }
0xd: {  	s10 =	sadd.s32 s5, s9;
	s8 =	sadd.s32 s1, s11;
	s11 =	sor.u32 $0x20, s14  }
0xe: {  	v0 =	vimm.f32 $0.0e+00;
	s12 =	sadd.s32 $0x1C00, s0;
	s13 =	smax.u32 s3, $0x1;
	s14 =	sor.u32 $0x10, s14  }
.LBB2_1:
0xf: {  	[tilespmem:s2], [sflag:$0x3] =	stream.linear.gather [hbm4b:s8+s2], $0x140, $0x38;
	[tilespmem:$0x16700] =	vst v63  }
0x10: {  	_ =	swait.ge [sflag:s15], $0x140  }
0x11: {  	[sflag:s15] =	ssyncset.done $0x0  }
0x12: {  	s0 =	simm.s32 $0x14300;
	[sflag:s15] =	ssyncadd.s32 $0xFFFFFEC0  }
0x13: {  	[tilespmem:s0], [sflag:$0x3] =	stream.linear.gather [hbm4b:s10+s2], $0x800, $0x38;
	[tilespmem:$0x16700] =	vst v63  }
0x14: {  	_ =	swait.ge [sflag:s15], $0x800  }
0x15: {  	v1 =	vimm.f32 $0.0e+00;
	v3 =	vimm.f32 $0.0e+00;
	[sflag:s15] =	ssyncset.done $0x0  }
0x16: {  	v8 =	vimm.f32 $0.0e+00;
	v7 =	vimm.f32 $0.0e+00;
	v2 =	vimm.f32 $0.0e+00;
	s29 =	simm.s32 $0x0;
	[sflag:s15] =	ssyncadd.s32 $0xFFFFF800  }
0x17: {  	v5 =	vimm.f32 $0.0e+00;
	v4 =	vimm.f32 $0.0e+00;
	v6 =	vimm.f32 $0.0e+00;
	[tilespmem:s18], [sflag:$0x1] =	stream.indirect.gather [hbm4b:s4+s17], $0x80, s2, s17, $0xb8;
	[tilespmem:$0x16700] =	vst v63  }
.LBB2_2:
0x18: {  	s31 =	sshll.u32 s29, $0x5  }
0x19: {  	s3 =	sor.u32 s14, s31  }
0x1a: {  	s0 =	smul.u32 $0x14, s3;
	_ =	sdelay $0x1  }
0x1b: {  	s0 =	sshrl.u32 s0, $0x3  }
0x1c: {  	s16 =	sadd.s32 s1, s0;
	s0 =	simm.s32 $0x0  }
0x1d: {  	[tilespmem:s19], [sflag:$0x3] =	stream.linear.gather [hbm4b:s16+s0], $0x140, $0x38;
	[tilespmem:$0x16700] =	vst v63  }
0x1e: {  	_ =	swait.ge [sflag:s15], $0x140  }
0x1f: {  	s30 =	sshll.u32 s3, $0x4;
	[sflag:s15] =	ssyncset.done $0x0  }
0x20: {  	s3 =	sadd.s32 s5, s30;
	[sflag:s15] =	ssyncadd.s32 $0xFFFFFEC0  }
0x21: {  	[tilespmem:s20], [sflag:$0x3] =	stream.linear.gather [hbm4b:s3+s0], $0x800, $0x38;
	[tilespmem:$0x16700] =	vst v63  }
0x22: {  	_ =	swait.ge [sflag:s15], $0x800  }
0x23: {  	[sflag:s15] =	ssyncset.done $0x0  }
0x24: {  	[sflag:s15] =	ssyncadd.s32 $0xFFFFF800  }
0x25: {  	[tilespmem:s21], [sflag:$0x2] =	stream.indirect.gather [hbm4b:s4+s17], $0x80, s19, s17, $0xb8;
	[tilespmem:$0x16700] =	vst v63  }
0x26: {  	_ =	swait.ge [sflag:s22], $0xA000  }
0x27: {  	[sflag:s22] =	ssyncset.done $0x0  }
0x28: {  	s3 =	simm.s32 $0xD00;
	[sflag:s22] =	ssyncadd.s32 $0xFFFF6000  }
.LBB2_3:
0x29: {  	v9 =	vld [tilespmem:s3+$0xFFFFF600]  }
0x2a: {  	v10 =	vld [tilespmem:s3+$0xFFFFF610]  }
0x2b: {  	v11 =	vld [tilespmem:s3+$0xFFFFF620]  }
0x2c: {  	v12 =	vld [tilespmem:s3+$0xFFFFF630]  }
0x2d: {  	v13 =	vld [tilespmem:s3+$0x0]  }
0x2e: {  	v14 =	vld [tilespmem:s3+$0x10]  }
0x2f: {  	v15 =	vld [tilespmem:s3+$0x20]  }
0x30: {  	v16 =	vld [tilespmem:s3+$0xFFFFF680]  }
0x31: {  	v20 =	vld [tilespmem:s3+$0x30]  }
0x32: {  	v24 =	vld [tilespmem:s3+$0xFFFFF690];
	v17 =	vadd.f32 $0.0e+00, v9  }
0x33: {  	v28 =	vld [tilespmem:s3+$0xFFFFF6A0];
	v18 =	vmul.f32 v9, v9;
	v19 =	vadd.f32 $0.0e+00, v10;
	v21 =	vmul.f32 v10, v10  }
0x34: {  	v35 =	vld [tilespmem:s3+$0xFFFFF6B0];
	v22 =	vadd.f32 $0.0e+00, v11;
	v23 =	vmul.f32 v11, v11;
	v25 =	vadd.f32 $0.0e+00, v12  }
0x35: {  	v39 =	vld [tilespmem:s3+$0x80];
	v26 =	vmul.f32 v12, v12;
	v27 =	vadd.f32 $0.0e+00, v13;
	v29 =	vmul.f32 v13, v13  }
0x36: {  	v40 =	vld [tilespmem:s3+$0x90];
	v30 =	vadd.f32 $0.0e+00, v14;
	v31 =	vmul.f32 v14, v14;
	v32 =	vadd.f32 $0.0e+00, v15  }
0x37: {  	v49 =	vld [tilespmem:s3+$0xA0];
	v33 =	vmul.f32 v15, v15;
	v34 =	vmul.f32 v16, v16;
	v36 =	vadd.f32 $0.0e+00, v20  }
0x38: {  	v42 =	vld [tilespmem:s3+$0xB0];
	v37 =	vmul.f32 v20, v20;
	v60 =	vmax.f32 v9, v16;
	v38 =	vmul.f32 v24, v24  }
0x39: {  	v43 =	vld [tilespmem:s3+$0xFFFFF700];
	v9 =	vmin.f32 v9, v16;
	v62 =	vmul.f32 v28, v28;
	v63 =	vmax.f32 v10, v24  }
0x3a: {  	v54 =	vld [tilespmem:s3+$0xFFFFF710];
	v10 =	vmin.f32 v10, v24;
	v48 =	vmul.f32 v35, v35;
	v41 =	vmax.f32 v11, v28  }
0x3b: {  	v11 =	vmin.f32 v11, v28;
	v50 =	vmul.f32 v39, v39;
	v51 =	vmul.f32 v40, v40  }
0x3c: {  	v52 =	vmax.f32 v13, v39;
	v13 =	vmin.f32 v13, v39;
	v53 =	vmul.f32 v49, v49  }
0x3d: {  	v45 =	vld [tilespmem:s3+$0xFFFFF720];
	v44 =	vmax.f32 v14, v40;
	v14 =	vmin.f32 v14, v40;
	v55 =	vmul.f32 v42, v42  }
0x3e: {  	v59 =	vld [tilespmem:s3+$0x100];
	v56 =	vmul.f32 v43, v43;
	v57 =	vmax.f32 v20, v42;
	v20 =	vmin.f32 v20, v42  }
0x3f: {  	v58 =	vmul.f32 v54, v54;
	v17 =	vadd.f32 v16, v17;
	v18 =	vadd.f32 v34, v18  }
0x40: {  	v9 =	vmin.f32 v9, v43;
	v61 =	vadd.f32 v24, v19;
	v21 =	vadd.f32 v38, v21  }
0x41: {  	v10 =	vmin.f32 v10, v54;
	v22 =	vadd.f32 v28, v22;
	v19 =	vadd.f32 v62, v23  }
0x42: {  	v11 =	vmin.f32 v11, v45;
	v25 =	vadd.f32 v35, v25;
	v23 =	vadd.f32 v48, v26  }
0x43: {  	v46 =	vld [tilespmem:s3+$0xFFFFF730];
	v13 =	vmin.f32 v13, v59;
	v27 =	vadd.f32 v39, v27;
	v28 =	vadd.f32 v50, v29  }
0x44: {  	v26 =	vmax.f32 v12, v35;
	v30 =	vadd.f32 v40, v30;
	v31 =	vadd.f32 v51, v31  }
0x45: {  	v47 =	vld [tilespmem:s3+$0x120];
	v12 =	vmin.f32 v12, v35;
	v32 =	vadd.f32 v49, v32;
	v33 =	vadd.f32 v53, v33  }
0x46: {  	v35 =	vmax.f32 v15, v49;
	v15 =	vmin.f32 v15, v49;
	v24 =	vadd.f32 v42, v36  }
0x47: {  	v37 =	vadd.f32 v55, v37;
	v34 =	vmax.f32 v60, v43;
	v36 =	vmax.f32 v63, v54  }
0x48: {  	v60 =	vmul.f32 v45, v45;
	v62 =	vmul.f32 v46, v46;
	v63 =	vmax.f32 v41, v45  }
0x49: {  	v48 =	vmul.f32 v59, v59;
	v29 =	vmax.f32 v52, v59;
	v17 =	vadd.f32 v43, v17  }
0x4a: {  	v49 =	vld [tilespmem:s3+$0x130];
	v52 =	vmul.f32 v47, v47;
	v18 =	vadd.f32 v56, v18;
	v16 =	vadd.f32 v54, v61  }
0x4b: {  	v51 =	vld [tilespmem:s3+$0xFFFFF780];
	v26 =	vmax.f32 v26, v46;
	v21 =	vadd.f32 v58, v21;
	v22 =	vadd.f32 v45, v22  }
0x4c: {  	v53 =	vld [tilespmem:s3+$0xFFFFF790];
	v12 =	vmin.f32 v12, v46;
	v19 =	vadd.f32 v60, v19;
	v25 =	vadd.f32 v46, v25  }
0x4d: {  	v35 =	vmax.f32 v35, v47;
	v23 =	vadd.f32 v62, v23;
	v27 =	vadd.f32 v59, v27  }
0x4e: {  	v15 =	vmin.f32 v15, v47;
	v61 =	vld [tilespmem:s3+$0x110];
	v28 =	vadd.f32 v48, v28;
	v32 =	vadd.f32 v47, v32  }
0x4f: {  	v33 =	vadd.f32 v52, v33;
	v55 =	vmul.f32 v49, v49;
	v24 =	vadd.f32 v49, v24  }
0x50: {  	v56 =	vld [tilespmem:s3+$0xFFFFF7A0];
	v40 =	vmax.f32 v57, v49;
	v57 =	vmul.f32 v51, v51;
	v20 =	vmin.f32 v20, v49  }
0x51: {  	v58 =	vld [tilespmem:s3+$0xFFFFF7B0];
	v17 =	vadd.f32 v51, v17;
	v59 =	vmul.f32 v53, v53;
	v34 =	vmax.f32 v34, v51  }
0x52: {  	v60 =	vld [tilespmem:s3+$0x180];
	v9 =	vmin.f32 v9, v51;
	v16 =	vadd.f32 v53, v16;
	v36 =	vmax.f32 v36, v53  }
0x53: {  	v10 =	vmin.f32 v10, v53;
	v50 =	vmul.f32 v61, v61;
	v30 =	vadd.f32 v61, v30  }
0x54: {  	v62 =	vld [tilespmem:s3+$0x190];
	v54 =	vmax.f32 v44, v61;
	v14 =	vmin.f32 v14, v61;
	v37 =	vadd.f32 v55, v37  }
0x55: {  	v48 =	vld [tilespmem:s3+$0x1A0];
	v18 =	vadd.f32 v57, v18;
	v21 =	vadd.f32 v59, v21;
	v61 =	vmul.f32 v56, v56  }
0x56: {  	v52 =	vld [tilespmem:s3+$0xFFFFF800];
	v22 =	vadd.f32 v56, v22;
	v38 =	vmax.f32 v63, v56;
	v63 =	vmul.f32 v58, v58  }
0x57: {  	v11 =	vmin.f32 v11, v56;
	v25 =	vadd.f32 v58, v25;
	v49 =	vmul.f32 v60, v60  }
0x58: {  	v26 =	vmax.f32 v26, v58;
	v12 =	vmin.f32 v12, v58;
	v27 =	vadd.f32 v60, v27  }
0x59: {  	v51 =	vmul.f32 v62, v62;
	v29 =	vmax.f32 v29, v60;
	v13 =	vmin.f32 v13, v60  }
0x5a: {  	v53 =	vmul.f32 v48, v48;
	v32 =	vadd.f32 v48, v32;
	v56 =	vld [tilespmem:s3+$0xFFFFF820];
	v35 =	vmax.f32 v35, v48  }
0x5b: {  	v15 =	vmin.f32 v15, v48;
	v57 =	vmul.f32 v52, v52;
	v58 =	vld [tilespmem:s3+$0xFFFFF830];
	v17 =	vadd.f32 v52, v17  }
0x5c: {  	v34 =	vmax.f32 v34, v52;
	v31 =	vadd.f32 v50, v31;
	v19 =	vadd.f32 v61, v19  }
0x5d: {  	v60 =	vld [tilespmem:s3+$0x200];
	v9 =	vmin.f32 v9, v52;
	v23 =	vadd.f32 v63, v23;
	v28 =	vadd.f32 v49, v28  }
0x5e: {  	v39 =	vmax.f32 v54, v62;
	v30 =	vadd.f32 v62, v30;
	v33 =	vadd.f32 v53, v33  }
0x5f: {  	v48 =	vld [tilespmem:s3+$0x220];
	v14 =	vmin.f32 v14, v62;
	v18 =	vadd.f32 v57, v18;
	v31 =	vadd.f32 v51, v31  }
0x60: {  	v52 =	vld [tilespmem:s3+$0xFFFFF880];
	v61 =	vmul.f32 v56, v56;
	v22 =	vadd.f32 v56, v22;
	v63 =	vmul.f32 v58, v58  }
0x61: {  	v54 =	vld [tilespmem:s3+$0xFFFFF810];
	v38 =	vmax.f32 v38, v56;
	v11 =	vmin.f32 v11, v56;
	v25 =	vadd.f32 v58, v25  }
0x62: {  	v26 =	vmax.f32 v26, v58;
	v49 =	vmul.f32 v60, v60;
	v12 =	vmin.f32 v12, v58  }
0x63: {  	v50 =	vld [tilespmem:s3+$0x1B0];
	v27 =	vadd.f32 v60, v27;
	v29 =	vmax.f32 v29, v60;
	v13 =	vmin.f32 v13, v60  }
0x64: {  	v53 =	vmul.f32 v48, v48;
	v32 =	vadd.f32 v48, v32;
	v35 =	vmax.f32 v35, v48  }
0x65: {  	v62 =	vld [tilespmem:s3+$0x210];
	v15 =	vmin.f32 v15, v48;
	v57 =	vmul.f32 v52, v52;
	v17 =	vadd.f32 v52, v17  }
0x66: {  	v34 =	vmax.f32 v34, v52;
	v9 =	vmin.f32 v9, v52;
	v59 =	vmul.f32 v54, v54  }
0x67: {  	v16 =	vadd.f32 v54, v16;
	v36 =	vmax.f32 v36, v54;
	v10 =	vmin.f32 v10, v54  }
0x68: {  	v56 =	vld [tilespmem:s3+$0xFFFFF8A0];
	v55 =	vmul.f32 v50, v50;
	v24 =	vadd.f32 v50, v24;
	v40 =	vmax.f32 v40, v50  }
0x69: {  	v58 =	vld [tilespmem:s3+$0xFFFFF8B0];
	v20 =	vmin.f32 v20, v50;
	v19 =	vadd.f32 v61, v19;
	v23 =	vadd.f32 v63, v23  }
0x6a: {  	v60 =	vld [tilespmem:s3+$0x280];
	v51 =	vmul.f32 v62, v62;
	v28 =	vadd.f32 v49, v28;
	v30 =	vadd.f32 v62, v30  }
0x6b: {  	v39 =	vmax.f32 v39, v62;
	v33 =	vadd.f32 v53, v33;
	v18 =	vadd.f32 v57, v18  }
0x6c: {  	v48 =	vld [tilespmem:s3+$0x2A0];
	v14 =	vmin.f32 v14, v62;
	v21 =	vadd.f32 v59, v21;
	v37 =	vadd.f32 v55, v37  }
0x6d: {  	v52 =	vld [tilespmem:s3+$0xFFFFF900];
	v31 =	vadd.f32 v51, v31;
	v61 =	vmul.f32 v56, v56;
	v22 =	vadd.f32 v56, v22  }
0x6e: {  	v63 =	vmul.f32 v58, v58;
	v38 =	vmax.f32 v38, v56;
	v11 =	vmin.f32 v11, v56  }
0x6f: {  	v54 =	vld [tilespmem:s3+$0xFFFFF890];
	v25 =	vadd.f32 v58, v25;
	v49 =	vmul.f32 v60, v60;
	v26 =	vmax.f32 v26, v58  }
0x70: {  	v50 =	vld [tilespmem:s3+$0x230];
	v12 =	vmin.f32 v12, v58;
	v27 =	vadd.f32 v60, v27;
	v29 =	vmax.f32 v29, v60  }
0x71: {  	v13 =	vmin.f32 v13, v60;
	v53 =	vmul.f32 v48, v48;
	v32 =	vadd.f32 v48, v32  }
0x72: {  	v62 =	vld [tilespmem:s3+$0x290];
	v35 =	vmax.f32 v35, v48;
	v15 =	vmin.f32 v15, v48;
	v57 =	vmul.f32 v52, v52  }
0x73: {  	v17 =	vadd.f32 v52, v17;
	v34 =	vmax.f32 v34, v52;
	v9 =	vmin.f32 v9, v52  }
0x74: {  	v59 =	vmul.f32 v54, v54;
	v16 =	vadd.f32 v54, v16;
	v36 =	vmax.f32 v36, v54  }
0x75: {  	v56 =	vld [tilespmem:s3+$0xFFFFF920];
	v10 =	vmin.f32 v10, v54;
	v55 =	vmul.f32 v50, v50;
	v24 =	vadd.f32 v50, v24  }
0x76: {  	v58 =	vld [tilespmem:s3+$0xFFFFF930];
	v40 =	vmax.f32 v40, v50;
	v20 =	vmin.f32 v20, v50;
	v19 =	vadd.f32 v61, v19  }
0x77: {  	v60 =	vld [tilespmem:s3+$0x300];
	v23 =	vadd.f32 v63, v23;
	v28 =	vadd.f32 v49, v28;
	v51 =	vmul.f32 v62, v62  }
0x78: {  	v30 =	vadd.f32 v62, v30;
	v39 =	vmax.f32 v39, v62;
	v33 =	vadd.f32 v53, v33  }
0x79: {  	v48 =	vld [tilespmem:s3+$0x320];
	v14 =	vmin.f32 v14, v62;
	v18 =	vadd.f32 v57, v18;
	v21 =	vadd.f32 v59, v21  }
0x7a: {  	v37 =	vadd.f32 v55, v37;
	v31 =	vadd.f32 v51, v31;
	v61 =	vmul.f32 v56, v56  }
0x7b: {  	v52 =	vld [tilespmem:s3+$0xFFFFF980];
	v22 =	vadd.f32 v56, v22;
	v38 =	vmax.f32 v38, v56;
	v63 =	vmul.f32 v58, v58  }
0x7c: {  	v54 =	vld [tilespmem:s3+$0xFFFFF910];
	v11 =	vmin.f32 v11, v56;
	v25 =	vadd.f32 v58, v25;
	v49 =	vmul.f32 v60, v60  }
0x7d: {  	v50 =	vld [tilespmem:s3+$0x2B0];
	v26 =	vmax.f32 v26, v58;
	v12 =	vmin.f32 v12, v58;
	v27 =	vadd.f32 v60, v27  }
0x7e: {  	v29 =	vmax.f32 v29, v60;
	v13 =	vmin.f32 v13, v60;
	v53 =	vmul.f32 v48, v48  }
0x7f: {  	v32 =	vadd.f32 v48, v32;
	v35 =	vmax.f32 v35, v48;
	v15 =	vmin.f32 v15, v48  }
0x80: {  	v62 =	vld [tilespmem:s3+$0x310];
	v57 =	vmul.f32 v52, v52;
	v17 =	vadd.f32 v52, v17;
	v34 =	vmax.f32 v34, v52  }
0x81: {  	v9 =	vmin.f32 v9, v52;
	v59 =	vmul.f32 v54, v54;
	v16 =	vadd.f32 v54, v16  }
0x82: {  	v56 =	vld [tilespmem:s3+$0xFFFFF9A0];
	v36 =	vmax.f32 v36, v54;
	v10 =	vmin.f32 v10, v54;
	v55 =	vmul.f32 v50, v50  }
0x83: {  	v58 =	vld [tilespmem:s3+$0xFFFFF9B0];
	v24 =	vadd.f32 v50, v24;
	v40 =	vmax.f32 v40, v50;
	v19 =	vadd.f32 v61, v19  }
0x84: {  	v20 =	vmin.f32 v20, v50;
	v23 =	vadd.f32 v63, v23;
	v28 =	vadd.f32 v49, v28  }
0x85: {  	v60 =	vld [tilespmem:s3+$0x380];
	v51 =	vmul.f32 v62, v62;
	v30 =	vadd.f32 v62, v30;
	v33 =	vadd.f32 v53, v33  }
0x86: {  	v39 =	vmax.f32 v39, v62;
	v18 =	vadd.f32 v57, v18;
	v21 =	vadd.f32 v59, v21  }
0x87: {  	v48 =	vld [tilespmem:s3+$0x3A0];
	v14 =	vmin.f32 v14, v62;
	v37 =	vadd.f32 v55, v37;
	v31 =	vadd.f32 v51, v31  }
0x88: {  	v52 =	vld [tilespmem:s3+$0xFFFFFA00];
	v61 =	vmul.f32 v56, v56;
	v22 =	vadd.f32 v56, v22;
	v63 =	vmul.f32 v58, v58  }
0x89: {  	v54 =	vld [tilespmem:s3+$0xFFFFF990];
	v38 =	vmax.f32 v38, v56;
	v11 =	vmin.f32 v11, v56;
	v25 =	vadd.f32 v58, v25  }
0x8a: {  	v26 =	vmax.f32 v26, v58;
	v49 =	vmul.f32 v60, v60;
	v12 =	vmin.f32 v12, v58  }
0x8b: {  	v50 =	vld [tilespmem:s3+$0x330];
	v27 =	vadd.f32 v60, v27;
	v29 =	vmax.f32 v29, v60;
	v13 =	vmin.f32 v13, v60  }
0x8c: {  	v53 =	vmul.f32 v48, v48;
	v32 =	vadd.f32 v48, v32;
	v35 =	vmax.f32 v35, v48  }
0x8d: {  	v62 =	vld [tilespmem:s3+$0x390];
	v15 =	vmin.f32 v15, v48;
	v57 =	vmul.f32 v52, v52;
	v17 =	vadd.f32 v52, v17  }
0x8e: {  	v34 =	vmax.f32 v34, v52;
	v9 =	vmin.f32 v9, v52;
	v59 =	vmul.f32 v54, v54  }
0x8f: {  	v16 =	vadd.f32 v54, v16;
	v36 =	vmax.f32 v36, v54;
	v10 =	vmin.f32 v10, v54  }
0x90: {  	v56 =	vld [tilespmem:s3+$0xFFFFFA20];
	v55 =	vmul.f32 v50, v50;
	v24 =	vadd.f32 v50, v24;
	v40 =	vmax.f32 v40, v50  }
0x91: {  	v58 =	vld [tilespmem:s3+$0xFFFFFA30];
	v20 =	vmin.f32 v20, v50;
	v19 =	vadd.f32 v61, v19;
	v23 =	vadd.f32 v63, v23  }
0x92: {  	v60 =	vld [tilespmem:s3+$0x400];
	v51 =	vmul.f32 v62, v62;
	v28 =	vadd.f32 v49, v28;
	v30 =	vadd.f32 v62, v30  }
0x93: {  	v39 =	vmax.f32 v39, v62;
	v33 =	vadd.f32 v53, v33;
	v18 =	vadd.f32 v57, v18  }
0x94: {  	v48 =	vld [tilespmem:s3+$0x420];
	v14 =	vmin.f32 v14, v62;
	v21 =	vadd.f32 v59, v21;
	v37 =	vadd.f32 v55, v37  }
0x95: {  	v52 =	vld [tilespmem:s3+$0xFFFFFA80];
	v31 =	vadd.f32 v51, v31;
	v61 =	vmul.f32 v56, v56;
	v22 =	vadd.f32 v56, v22  }
0x96: {  	v63 =	vmul.f32 v58, v58;
	v38 =	vmax.f32 v38, v56;
	v11 =	vmin.f32 v11, v56  }
0x97: {  	v54 =	vld [tilespmem:s3+$0xFFFFFA10];
	v25 =	vadd.f32 v58, v25;
	v49 =	vmul.f32 v60, v60;
	v26 =	vmax.f32 v26, v58  }
0x98: {  	v50 =	vld [tilespmem:s3+$0x3B0];
	v12 =	vmin.f32 v12, v58;
	v27 =	vadd.f32 v60, v27;
	v29 =	vmax.f32 v29, v60  }
0x99: {  	v13 =	vmin.f32 v13, v60;
	v53 =	vmul.f32 v48, v48;
	v32 =	vadd.f32 v48, v32  }
0x9a: {  	v62 =	vld [tilespmem:s3+$0x410];
	v35 =	vmax.f32 v35, v48;
	v15 =	vmin.f32 v15, v48;
	v57 =	vmul.f32 v52, v52  }
0x9b: {  	v17 =	vadd.f32 v52, v17;
	v34 =	vmax.f32 v34, v52;
	v9 =	vmin.f32 v9, v52  }
0x9c: {  	v59 =	vmul.f32 v54, v54;
	v16 =	vadd.f32 v54, v16;
	v36 =	vmax.f32 v36, v54  }
0x9d: {  	v56 =	vld [tilespmem:s3+$0xFFFFFAA0];
	v10 =	vmin.f32 v10, v54;
	v55 =	vmul.f32 v50, v50;
	v24 =	vadd.f32 v50, v24  }
0x9e: {  	v58 =	vld [tilespmem:s3+$0xFFFFFAB0];
	v40 =	vmax.f32 v40, v50;
	v20 =	vmin.f32 v20, v50;
	v19 =	vadd.f32 v61, v19  }
0x9f: {  	v60 =	vld [tilespmem:s3+$0x480];
	v23 =	vadd.f32 v63, v23;
	v28 =	vadd.f32 v49, v28;
	v51 =	vmul.f32 v62, v62  }
0xa0: {  	v30 =	vadd.f32 v62, v30;
	v39 =	vmax.f32 v39, v62;
	v33 =	vadd.f32 v53, v33  }
0xa1: {  	v48 =	vld [tilespmem:s3+$0x4A0];
	v14 =	vmin.f32 v14, v62;
	v18 =	vadd.f32 v57, v18;
	v21 =	vadd.f32 v59, v21  }
0xa2: {  	v37 =	vadd.f32 v55, v37;
	v31 =	vadd.f32 v51, v31;
	v61 =	vmul.f32 v56, v56  }
0xa3: {  	v52 =	vld [tilespmem:s3+$0xFFFFFB00];
	v22 =	vadd.f32 v56, v22;
	v38 =	vmax.f32 v38, v56;
	v63 =	vmul.f32 v58, v58  }
0xa4: {  	v54 =	vld [tilespmem:s3+$0xFFFFFA90];
	v11 =	vmin.f32 v11, v56;
	v25 =	vadd.f32 v58, v25;
	v49 =	vmul.f32 v60, v60  }
0xa5: {  	v50 =	vld [tilespmem:s3+$0x430];
	v26 =	vmax.f32 v26, v58;
	v12 =	vmin.f32 v12, v58;
	v27 =	vadd.f32 v60, v27  }
0xa6: {  	v29 =	vmax.f32 v29, v60;
	v13 =	vmin.f32 v13, v60;
	v53 =	vmul.f32 v48, v48  }
0xa7: {  	v32 =	vadd.f32 v48, v32;
	v35 =	vmax.f32 v35, v48;
	v15 =	vmin.f32 v15, v48  }
0xa8: {  	v62 =	vld [tilespmem:s3+$0x490];
	v57 =	vmul.f32 v52, v52;
	v17 =	vadd.f32 v52, v17;
	v34 =	vmax.f32 v34, v52  }
0xa9: {  	v9 =	vmin.f32 v9, v52;
	v59 =	vmul.f32 v54, v54;
	v16 =	vadd.f32 v54, v16  }
0xaa: {  	v56 =	vld [tilespmem:s3+$0xFFFFFB20];
	v36 =	vmax.f32 v36, v54;
	v10 =	vmin.f32 v10, v54;
	v55 =	vmul.f32 v50, v50  }
0xab: {  	v58 =	vld [tilespmem:s3+$0xFFFFFB30];
	v24 =	vadd.f32 v50, v24;
	v40 =	vmax.f32 v40, v50;
	v19 =	vadd.f32 v61, v19  }
0xac: {  	v20 =	vmin.f32 v20, v50;
	v23 =	vadd.f32 v63, v23;
	v28 =	vadd.f32 v49, v28  }
0xad: {  	v60 =	vld [tilespmem:s3+$0x500];
	v51 =	vmul.f32 v62, v62;
	v30 =	vadd.f32 v62, v30;
	v33 =	vadd.f32 v53, v33  }
0xae: {  	v39 =	vmax.f32 v39, v62;
	v18 =	vadd.f32 v57, v18;
	v21 =	vadd.f32 v59, v21  }
0xaf: {  	v48 =	vld [tilespmem:s3+$0x520];
	v14 =	vmin.f32 v14, v62;
	v37 =	vadd.f32 v55, v37;
	v31 =	vadd.f32 v51, v31  }
0xb0: {  	v52 =	vld [tilespmem:s3+$0xFFFFFB80];
	v61 =	vmul.f32 v56, v56;
	v22 =	vadd.f32 v56, v22;
	v63 =	vmul.f32 v58, v58  }
0xb1: {  	v54 =	vld [tilespmem:s3+$0xFFFFFB10];
	v38 =	vmax.f32 v38, v56;
	v11 =	vmin.f32 v11, v56;
	v25 =	vadd.f32 v58, v25  }
0xb2: {  	v26 =	vmax.f32 v26, v58;
	v49 =	vmul.f32 v60, v60;
	v12 =	vmin.f32 v12, v58  }
0xb3: {  	v50 =	vld [tilespmem:s3+$0x4B0];
	v27 =	vadd.f32 v60, v27;
	v29 =	vmax.f32 v29, v60;
	v13 =	vmin.f32 v13, v60  }
0xb4: {  	v53 =	vmul.f32 v48, v48;
	v32 =	vadd.f32 v48, v32;
	v35 =	vmax.f32 v35, v48  }
0xb5: {  	v62 =	vld [tilespmem:s3+$0x510];
	v15 =	vmin.f32 v15, v48;
	v57 =	vmul.f32 v52, v52;
	v17 =	vadd.f32 v52, v17  }
0xb6: {  	v34 =	vmax.f32 v34, v52;
	v9 =	vmin.f32 v9, v52;
	v59 =	vmul.f32 v54, v54  }
0xb7: {  	v16 =	vadd.f32 v54, v16;
	v36 =	vmax.f32 v36, v54;
	v10 =	vmin.f32 v10, v54  }
0xb8: {  	v56 =	vld [tilespmem:s3+$0xFFFFFBA0];
	v55 =	vmul.f32 v50, v50;
	v24 =	vadd.f32 v50, v24;
	v40 =	vmax.f32 v40, v50  }
0xb9: {  	v58 =	vld [tilespmem:s3+$0xFFFFFBB0];
	v20 =	vmin.f32 v20, v50;
	v19 =	vadd.f32 v61, v19;
	v23 =	vadd.f32 v63, v23  }
0xba: {  	v60 =	vld [tilespmem:s3+$0x580];
	v51 =	vmul.f32 v62, v62;
	v28 =	vadd.f32 v49, v28;
	v30 =	vadd.f32 v62, v30  }
0xbb: {  	v39 =	vmax.f32 v39, v62;
	v33 =	vadd.f32 v53, v33;
	v18 =	vadd.f32 v57, v18  }
0xbc: {  	v48 =	vld [tilespmem:s3+$0x5A0];
	v14 =	vmin.f32 v14, v62;
	v21 =	vadd.f32 v59, v21;
	v37 =	vadd.f32 v55, v37  }
0xbd: {  	v52 =	vld [tilespmem:s3+$0xFFFFFC00];
	v31 =	vadd.f32 v51, v31;
	v61 =	vmul.f32 v56, v56;
	v22 =	vadd.f32 v56, v22  }
0xbe: {  	v63 =	vmul.f32 v58, v58;
	v38 =	vmax.f32 v38, v56;
	v11 =	vmin.f32 v11, v56  }
0xbf: {  	v54 =	vld [tilespmem:s3+$0xFFFFFB90];
	v25 =	vadd.f32 v58, v25;
	v49 =	vmul.f32 v60, v60;
	v26 =	vmax.f32 v26, v58  }
0xc0: {  	v50 =	vld [tilespmem:s3+$0x530];
	v12 =	vmin.f32 v12, v58;
	v27 =	vadd.f32 v60, v27;
	v29 =	vmax.f32 v29, v60  }
0xc1: {  	v13 =	vmin.f32 v13, v60;
	v53 =	vmul.f32 v48, v48;
	v32 =	vadd.f32 v48, v32  }
0xc2: {  	v62 =	vld [tilespmem:s3+$0x590];
	v35 =	vmax.f32 v35, v48;
	v15 =	vmin.f32 v15, v48;
	v57 =	vmul.f32 v52, v52  }
0xc3: {  	v17 =	vadd.f32 v52, v17;
	v34 =	vmax.f32 v34, v52;
	v9 =	vmin.f32 v9, v52  }
0xc4: {  	v59 =	vmul.f32 v54, v54;
	v16 =	vadd.f32 v54, v16;
	v36 =	vmax.f32 v36, v54  }
0xc5: {  	v56 =	vld [tilespmem:s3+$0xFFFFFC20];
	v10 =	vmin.f32 v10, v54;
	v55 =	vmul.f32 v50, v50;
	v24 =	vadd.f32 v50, v24  }
0xc6: {  	v58 =	vld [tilespmem:s3+$0xFFFFFC30];
	v40 =	vmax.f32 v40, v50;
	v20 =	vmin.f32 v20, v50;
	v19 =	vadd.f32 v61, v19  }
0xc7: {  	v60 =	vld [tilespmem:s3+$0x600];
	v23 =	vadd.f32 v63, v23;
	v28 =	vadd.f32 v49, v28;
	v51 =	vmul.f32 v62, v62  }
0xc8: {  	v30 =	vadd.f32 v62, v30;
	v39 =	vmax.f32 v39, v62;
	v33 =	vadd.f32 v53, v33  }
0xc9: {  	v48 =	vld [tilespmem:s3+$0x620];
	v14 =	vmin.f32 v14, v62;
	v18 =	vadd.f32 v57, v18;
	v21 =	vadd.f32 v59, v21  }
0xca: {  	v37 =	vadd.f32 v55, v37;
	v31 =	vadd.f32 v51, v31;
	v61 =	vmul.f32 v56, v56  }
0xcb: {  	v52 =	vld [tilespmem:s3+$0xFFFFFC80];
	v22 =	vadd.f32 v56, v22;
	v38 =	vmax.f32 v38, v56;
	v63 =	vmul.f32 v58, v58  }
0xcc: {  	v54 =	vld [tilespmem:s3+$0xFFFFFC10];
	v11 =	vmin.f32 v11, v56;
	v25 =	vadd.f32 v58, v25;
	v49 =	vmul.f32 v60, v60  }
0xcd: {  	v50 =	vld [tilespmem:s3+$0x5B0];
	v26 =	vmax.f32 v26, v58;
	v12 =	vmin.f32 v12, v58;
	v27 =	vadd.f32 v60, v27  }
0xce: {  	v29 =	vmax.f32 v29, v60;
	v13 =	vmin.f32 v13, v60;
	v53 =	vmul.f32 v48, v48  }
0xcf: {  	v32 =	vadd.f32 v48, v32;
	v35 =	vmax.f32 v35, v48;
	v15 =	vmin.f32 v15, v48  }
0xd0: {  	v62 =	vld [tilespmem:s3+$0x610];
	v57 =	vmul.f32 v52, v52;
	v17 =	vadd.f32 v52, v17;
	v34 =	vmax.f32 v34, v52  }
0xd1: {  	v9 =	vmin.f32 v9, v52;
	v59 =	vmul.f32 v54, v54;
	v16 =	vadd.f32 v54, v16  }
0xd2: {  	v56 =	vld [tilespmem:s3+$0xFFFFFCA0];
	v36 =	vmax.f32 v36, v54;
	v10 =	vmin.f32 v10, v54;
	v55 =	vmul.f32 v50, v50  }
0xd3: {  	v58 =	vld [tilespmem:s3+$0xFFFFFCB0];
	v24 =	vadd.f32 v50, v24;
	v40 =	vmax.f32 v40, v50;
	v19 =	vadd.f32 v61, v19  }
0xd4: {  	v20 =	vmin.f32 v20, v50;
	v23 =	vadd.f32 v63, v23;
	v28 =	vadd.f32 v49, v28  }
0xd5: {  	v60 =	vld [tilespmem:s3+$0x680];
	v51 =	vmul.f32 v62, v62;
	v30 =	vadd.f32 v62, v30;
	v33 =	vadd.f32 v53, v33  }
0xd6: {  	v39 =	vmax.f32 v39, v62;
	v18 =	vadd.f32 v57, v18;
	v21 =	vadd.f32 v59, v21  }
0xd7: {  	v48 =	vld [tilespmem:s3+$0x6A0];
	v14 =	vmin.f32 v14, v62;
	v37 =	vadd.f32 v55, v37;
	v31 =	vadd.f32 v51, v31  }
0xd8: {  	v52 =	vld [tilespmem:s3+$0xFFFFFD00];
	v61 =	vmul.f32 v56, v56;
	v22 =	vadd.f32 v56, v22;
	v63 =	vmul.f32 v58, v58  }
0xd9: {  	v54 =	vld [tilespmem:s3+$0xFFFFFC90];
	v38 =	vmax.f32 v38, v56;
	v11 =	vmin.f32 v11, v56;
	v25 =	vadd.f32 v58, v25  }
0xda: {  	v26 =	vmax.f32 v26, v58;
	v49 =	vmul.f32 v60, v60;
	v12 =	vmin.f32 v12, v58  }
0xdb: {  	v50 =	vld [tilespmem:s3+$0x630];
	v27 =	vadd.f32 v60, v27;
	v29 =	vmax.f32 v29, v60;
	v13 =	vmin.f32 v13, v60  }
0xdc: {  	v53 =	vmul.f32 v48, v48;
	v32 =	vadd.f32 v48, v32;
	v35 =	vmax.f32 v35, v48  }
0xdd: {  	v62 =	vld [tilespmem:s3+$0x690];
	v15 =	vmin.f32 v15, v48;
	v57 =	vmul.f32 v52, v52;
	v17 =	vadd.f32 v52, v17  }
0xde: {  	v34 =	vmax.f32 v34, v52;
	v9 =	vmin.f32 v9, v52;
	v59 =	vmul.f32 v54, v54  }
0xdf: {  	v16 =	vadd.f32 v54, v16;
	v36 =	vmax.f32 v36, v54;
	v10 =	vmin.f32 v10, v54  }
0xe0: {  	v56 =	vld [tilespmem:s3+$0xFFFFFD20];
	v55 =	vmul.f32 v50, v50;
	v24 =	vadd.f32 v50, v24;
	v40 =	vmax.f32 v40, v50  }
0xe1: {  	v58 =	vld [tilespmem:s3+$0xFFFFFD30];
	v20 =	vmin.f32 v20, v50;
	v19 =	vadd.f32 v61, v19;
	v23 =	vadd.f32 v63, v23  }
0xe2: {  	v60 =	vld [tilespmem:s3+$0x700];
	v51 =	vmul.f32 v62, v62;
	v28 =	vadd.f32 v49, v28;
	v30 =	vadd.f32 v62, v30  }
0xe3: {  	v39 =	vmax.f32 v39, v62;
	v33 =	vadd.f32 v53, v33;
	v18 =	vadd.f32 v57, v18  }
0xe4: {  	v48 =	vld [tilespmem:s3+$0x720];
	v14 =	vmin.f32 v14, v62;
	v21 =	vadd.f32 v59, v21;
	v37 =	vadd.f32 v55, v37  }
0xe5: {  	v52 =	vld [tilespmem:s3+$0xFFFFFD80];
	v31 =	vadd.f32 v51, v31;
	v61 =	vmul.f32 v56, v56;
	v22 =	vadd.f32 v56, v22  }
0xe6: {  	v63 =	vmul.f32 v58, v58;
	v38 =	vmax.f32 v38, v56;
	v11 =	vmin.f32 v11, v56  }
0xe7: {  	v54 =	vld [tilespmem:s3+$0xFFFFFD10];
	v25 =	vadd.f32 v58, v25;
	v49 =	vmul.f32 v60, v60;
	v26 =	vmax.f32 v26, v58  }
0xe8: {  	v50 =	vld [tilespmem:s3+$0x6B0];
	v12 =	vmin.f32 v12, v58;
	v27 =	vadd.f32 v60, v27;
	v29 =	vmax.f32 v29, v60  }
0xe9: {  	v13 =	vmin.f32 v13, v60;
	v53 =	vmul.f32 v48, v48;
	v32 =	vadd.f32 v48, v32  }
0xea: {  	v62 =	vld [tilespmem:s3+$0x710];
	v35 =	vmax.f32 v35, v48;
	v15 =	vmin.f32 v15, v48;
	v57 =	vmul.f32 v52, v52  }
0xeb: {  	v17 =	vadd.f32 v52, v17;
	v34 =	vmax.f32 v34, v52;
	v9 =	vmin.f32 v9, v52  }
0xec: {  	v59 =	vmul.f32 v54, v54;
	v16 =	vadd.f32 v54, v16;
	v36 =	vmax.f32 v36, v54  }
0xed: {  	v56 =	vld [tilespmem:s3+$0xFFFFFDA0];
	v10 =	vmin.f32 v10, v54;
	v55 =	vmul.f32 v50, v50;
	v24 =	vadd.f32 v50, v24  }
0xee: {  	v58 =	vld [tilespmem:s3+$0xFFFFFDB0];
	v40 =	vmax.f32 v40, v50;
	v20 =	vmin.f32 v20, v50;
	v19 =	vadd.f32 v61, v19  }
0xef: {  	v60 =	vld [tilespmem:s3+$0x780];
	v23 =	vadd.f32 v63, v23;
	v28 =	vadd.f32 v49, v28;
	v51 =	vmul.f32 v62, v62  }
0xf0: {  	v30 =	vadd.f32 v62, v30;
	v39 =	vmax.f32 v39, v62;
	v33 =	vadd.f32 v53, v33  }
0xf1: {  	v48 =	vld [tilespmem:s3+$0x7A0];
	v14 =	vmin.f32 v14, v62;
	v18 =	vadd.f32 v57, v18;
	v21 =	vadd.f32 v59, v21  }
0xf2: {  	v37 =	vadd.f32 v55, v37;
	v31 =	vadd.f32 v51, v31;
	v61 =	vmul.f32 v56, v56  }
0xf3: {  	v52 =	vld [tilespmem:s3+$0xFFFFFE00];
	v22 =	vadd.f32 v56, v22;
	v38 =	vmax.f32 v38, v56;
	v63 =	vmul.f32 v58, v58  }
0xf4: {  	v54 =	vld [tilespmem:s3+$0xFFFFFD90];
	v11 =	vmin.f32 v11, v56;
	v25 =	vadd.f32 v58, v25;
	v49 =	vmul.f32 v60, v60  }
0xf5: {  	v50 =	vld [tilespmem:s3+$0x730];
	v26 =	vmax.f32 v26, v58;
	v12 =	vmin.f32 v12, v58;
	v27 =	vadd.f32 v60, v27  }
0xf6: {  	v29 =	vmax.f32 v29, v60;
	v13 =	vmin.f32 v13, v60;
	v53 =	vmul.f32 v48, v48  }
0xf7: {  	v32 =	vadd.f32 v48, v32;
	v35 =	vmax.f32 v35, v48;
	v15 =	vmin.f32 v15, v48  }
0xf8: {  	v62 =	vld [tilespmem:s3+$0x790];
	v57 =	vmul.f32 v52, v52;
	v17 =	vadd.f32 v52, v17;
	v34 =	vmax.f32 v34, v52  }
0xf9: {  	v9 =	vmin.f32 v9, v52;
	v59 =	vmul.f32 v54, v54;
	v16 =	vadd.f32 v54, v16  }
0xfa: {  	v56 =	vld [tilespmem:s3+$0xFFFFFE20];
	v36 =	vmax.f32 v36, v54;
	v10 =	vmin.f32 v10, v54;
	v55 =	vmul.f32 v50, v50  }
0xfb: {  	v58 =	vld [tilespmem:s3+$0xFFFFFE30];
	v24 =	vadd.f32 v50, v24;
	v40 =	vmax.f32 v40, v50;
	v19 =	vadd.f32 v61, v19  }
0xfc: {  	v20 =	vmin.f32 v20, v50;
	v23 =	vadd.f32 v63, v23;
	v28 =	vadd.f32 v49, v28  }
0xfd: {  	v60 =	vld [tilespmem:s3+$0x800];
	v51 =	vmul.f32 v62, v62;
	v30 =	vadd.f32 v62, v30;
	v33 =	vadd.f32 v53, v33  }
0xfe: {  	v39 =	vmax.f32 v39, v62;
	v18 =	vadd.f32 v57, v18;
	v21 =	vadd.f32 v59, v21  }
0xff: {  	v48 =	vld [tilespmem:s3+$0x820];
	v14 =	vmin.f32 v14, v62;
	v37 =	vadd.f32 v55, v37;
	v31 =	vadd.f32 v51, v31  }
0x100: {  	v52 =	vld [tilespmem:s3+$0xFFFFFE80];
	v61 =	vmul.f32 v56, v56;
	v22 =	vadd.f32 v56, v22;
	v63 =	vmul.f32 v58, v58  }
0x101: {  	v54 =	vld [tilespmem:s3+$0xFFFFFE10];
	v38 =	vmax.f32 v38, v56;
	v11 =	vmin.f32 v11, v56;
	v25 =	vadd.f32 v58, v25  }
0x102: {  	v26 =	vmax.f32 v26, v58;
	v49 =	vmul.f32 v60, v60;
	v12 =	vmin.f32 v12, v58  }
0x103: {  	v50 =	vld [tilespmem:s3+$0x7B0];
	v27 =	vadd.f32 v60, v27;
	v29 =	vmax.f32 v29, v60;
	v13 =	vmin.f32 v13, v60  }
0x104: {  	v53 =	vmul.f32 v48, v48;
	v32 =	vadd.f32 v48, v32;
	v35 =	vmax.f32 v35, v48  }
0x105: {  	v62 =	vld [tilespmem:s3+$0x810];
	v15 =	vmin.f32 v15, v48;
	v57 =	vmul.f32 v52, v52;
	v17 =	vadd.f32 v52, v17  }
0x106: {  	v34 =	vmax.f32 v34, v52;
	v9 =	vmin.f32 v9, v52;
	v59 =	vmul.f32 v54, v54  }
0x107: {  	v16 =	vadd.f32 v54, v16;
	v36 =	vmax.f32 v36, v54;
	v10 =	vmin.f32 v10, v54  }
0x108: {  	v56 =	vld [tilespmem:s3+$0xFFFFFEA0];
	v55 =	vmul.f32 v50, v50;
	v24 =	vadd.f32 v50, v24;
	v40 =	vmax.f32 v40, v50  }
0x109: {  	v58 =	vld [tilespmem:s3+$0xFFFFFEB0];
	v20 =	vmin.f32 v20, v50;
	v19 =	vadd.f32 v61, v19;
	v23 =	vadd.f32 v63, v23  }
0x10a: {  	v60 =	vld [tilespmem:s3+$0x880];
	v51 =	vmul.f32 v62, v62;
	v28 =	vadd.f32 v49, v28;
	v30 =	vadd.f32 v62, v30  }
0x10b: {  	v39 =	vmax.f32 v39, v62;
	v33 =	vadd.f32 v53, v33;
	v18 =	vadd.f32 v57, v18  }
0x10c: {  	v48 =	vld [tilespmem:s3+$0x8A0];
	v14 =	vmin.f32 v14, v62;
	v21 =	vadd.f32 v59, v21;
	v37 =	vadd.f32 v55, v37  }
0x10d: {  	v52 =	vld [tilespmem:s3+$0xFFFFFF00];
	v31 =	vadd.f32 v51, v31;
	v61 =	vmul.f32 v56, v56;
	v22 =	vadd.f32 v56, v22  }
0x10e: {  	v54 =	vld [tilespmem:s3+$0xFFFFFE90];
	v63 =	vmul.f32 v58, v58;
	v38 =	vmax.f32 v38, v56;
	v11 =	vmin.f32 v11, v56  }
0x10f: {  	v25 =	vadd.f32 v58, v25;
	v49 =	vmul.f32 v60, v60;
	v26 =	vmax.f32 v26, v58  }
0x110: {  	v50 =	vld [tilespmem:s3+$0x830];
	v12 =	vmin.f32 v12, v58;
	v27 =	vadd.f32 v60, v27;
	v29 =	vmax.f32 v29, v60  }
0x111: {  	v13 =	vmin.f32 v13, v60;
	v53 =	vmul.f32 v48, v48;
	v32 =	vadd.f32 v48, v32  }
0x112: {  	v62 =	vld [tilespmem:s3+$0x890];
	v35 =	vmax.f32 v35, v48;
	v15 =	vmin.f32 v15, v48;
	v57 =	vmul.f32 v52, v52  }
0x113: {  	v17 =	vadd.f32 v52, v17;
	v34 =	vmax.f32 v34, v52;
	v59 =	vmul.f32 v54, v54  }
0x114: {  	v16 =	vadd.f32 v54, v16;
	v36 =	vmax.f32 v36, v54;
	v10 =	vmin.f32 v10, v54  }
0x115: {  	v56 =	vld [tilespmem:s3+$0xFFFFFF20];
	v55 =	vmul.f32 v50, v50;
	v24 =	vadd.f32 v50, v24;
	v40 =	vmax.f32 v40, v50  }
0x116: {  	v58 =	vld [tilespmem:s3+$0xFFFFFF30];
	v20 =	vmin.f32 v20, v50;
	v19 =	vadd.f32 v61, v19;
	v23 =	vadd.f32 v63, v23  }
0x117: {  	v60 =	vld [tilespmem:s3+$0x900];
	v28 =	vadd.f32 v49, v28;
	v51 =	vmul.f32 v62, v62;
	v30 =	vadd.f32 v62, v30  }
0x118: {  	v39 =	vmax.f32 v39, v62;
	v14 =	vmin.f32 v14, v62;
	v33 =	vadd.f32 v53, v33  }
0x119: {  	v54 =	vld [tilespmem:s3+$0xFFFFFF10];
	v18 =	vadd.f32 v57, v18;
	v61 =	vmin.f32 v9, v52;
	v21 =	vadd.f32 v59, v21  }
0x11a: {  	v50 =	vld [tilespmem:s3+$0x8B0];
	v37 =	vadd.f32 v55, v37;
	v31 =	vadd.f32 v51, v31;
	v9 =	vmul.f32 v56, v56  }
0x11b: {  	v46 =	vld [tilespmem:s3+$0x990];
	v22 =	vadd.f32 v56, v22;
	v38 =	vmax.f32 v38, v56;
	v43 =	vmin.f32 v11, v56  }
0x11c: {  	v62 =	vld [tilespmem:s3+$0x910];
	v25 =	vadd.f32 v58, v25;
	v11 =	vmul.f32 v60, v60;
	v26 =	vmax.f32 v26, v58  }
0x11d: {  	v52 =	vld [tilespmem:s3+$0x930];
	v12 =	vmin.f32 v12, v58;
	v27 =	vadd.f32 v60, v27;
	v29 =	vmax.f32 v29, v60  }
0x11e: {  	s16 =	sshra.s32 s0, $0x2;
	v53 =	vld [tilespmem:s3+$0xFFFFFF80];
	v13 =	vmin.f32 v13, v60;
	v59 =	vmul.f32 v54, v54;
	v16 =	vadd.f32 v54, v16  }
0x11f: {  	v57 =	vld [tilespmem:s16+$0x14300];
	v36 =	vmax.f32 v36, v54;
	v63 =	vmin.f32 v10, v54;
	v55 =	vmul.f32 v50, v50  }
0x120: {  	v49 =	vld [tilespmem:s3+$0x980];
	v24 =	vadd.f32 v50, v24;
	v40 =	vmax.f32 v40, v50;
	v20 =	vmin.f32 v20, v50  }
0x121: {  	v19 =	vadd.f32 v9, v19;
	v9 =	vmul.f32 v58, v58;
	v28 =	vadd.f32 v11, v28  }
0x122: {  	v30 =	vadd.f32 v62, v30;
	v39 =	vmax.f32 v39, v62;
	v14 =	vmin.f32 v14, v62  }
0x123: {  	v56 =	vld [tilespmem:s3+$0xFFFFFFB0];
	v11 =	vmul.f32 v52, v52;
	v48 =	vmul.f32 v53, v53;
	v17 =	vadd.f32 v53, v17  }
0x124: {  	v34 =	vmax.f32 v34, v53;
	v41 =	vmin.f32 v61, v53;
	v61 =	vmul.f32 $2.000000000e+01, v57  }
0x125: {  	v10 =	vld [tilespmem:s3+$0x920];
	v50 =	vmul.f32 v46, v46;
	v13 =	vmin.f32 v13, v49;
	v21 =	vadd.f32 v59, v21  }
0x126: {  	v39 =	vmax.f32 v39, v46;
	v14 =	vmin.f32 v14, v46;
	v37 =	vadd.f32 v55, v37  }
0x127: {  	v54 =	vld [tilespmem:s3+$0xFFFFFF90];
	v23 =	vadd.f32 v9, v23;
	v9 =	vmul.f32 v62, v62;
	v24 =	vadd.f32 v52, v24  }
0x128: {  	v18 =	vadd.f32 v48, v18;
	v6 =	vadd.f32 v61, v6;
	v60 =	vmul.f32 v56, v56  }
0x129: {  	v45 =	vld [tilespmem:s3+$0x9B0];
	v25 =	vadd.f32 v56, v25;
	v26 =	vmax.f32 v26, v56;
	v12 =	vmin.f32 v12, v56  }
0x12a: {  	v31 =	vadd.f32 v9, v31;
	v9 =	vmul.f32 v10, v10;
	v32 =	vadd.f32 v10, v32  }
0x12b: {  	v35 =	vmax.f32 v35, v10;
	v37 =	vadd.f32 v11, v37;
	v11 =	vmax.f32 v40, v52  }
0x12c: {  	v58 =	vmul.f32 v54, v54;
	v16 =	vadd.f32 v54, v16;
	v36 =	vmax.f32 v36, v54  }
0x12d: {  	v55 =	vld [tilespmem:s3+$0xFFFFFFA0];
	v40 =	vmin.f32 v63, v54;
	v63 =	vmul.f32 v49, v49;
	v6 =	vadd.f32 v6, v17  }
0x12e: {  	v62 =	vld [tilespmem:s16+$0x14310];
	v24 =	vadd.f32 v45, v24;
	v23 =	vadd.f32 v60, v23;
	v11 =	vmax.f32 v11, v45  }
0x12f: {  	v48 =	vld [tilespmem:s3+$0x9A0];
	v33 =	vadd.f32 v9, v33;
	v9 =	vmin.f32 v15, v10;
	v10 =	vmin.f32 v20, v52  }
0x130: {  	v56 =	vld [tilespmem:s16+$0x14330];
	v21 =	vadd.f32 v58, v21;
	v52 =	vmul.f32 v61, v57;
	v20 =	vadd.f32 v57, v57  }
0x131: {  	v28 =	vadd.f32 v63, v28;
	v31 =	vadd.f32 v50, v31;
	v50 =	vmul.f32 v45, v45  }
0x132: {  	v15 =	vadd.f32 v49, v27;
	v59 =	vmul.f32 v55, v55;
	v22 =	vadd.f32 v55, v22  }
0x133: {  	v57 =	vld [tilespmem:s16+$0x14380];
	v38 =	vmax.f32 v38, v55;
	v42 =	vmin.f32 v43, v55;
	v54 =	vadd.f32 v62, v62  }
0x134: {  	v63 =	vld [tilespmem:s16+$0x14390];
	v51 =	vmul.f32 v48, v48;
	v32 =	vadd.f32 v48, v32;
	v7 =	vadd.f32 v52, v7  }
0x135: {  	v20 =	vmul.f32 v20, v17;
	v37 =	vadd.f32 v50, v37;
	v60 =	vmul.f32 $2.000000000e+01, v56  }
0x136: {  	v27 =	vadd.f32 v56, v56;
	v33 =	vadd.f32 v51, v33;
	v51 =	vmul.f32 $2.000000000e+01, v62  }
0x137: {  	v19 =	vadd.f32 v59, v19;
	v55 =	vmul.f32 v54, v16;
	v7 =	vadd.f32 v7, v20  }
0x138: {  	v52 =	vld [tilespmem:s16+$0x14320];
	v43 =	vmul.f32 v60, v56;
	v2 =	vadd.f32 v60, v2;
	v53 =	vmul.f32 v51, v62  }
0x139: {  	v4 =	vadd.f32 v51, v4;
	v62 =	vmul.f32 $2.000000000e+01, v57;
	v54 =	vadd.f32 v63, v63  }
0x13a: {  	v50 =	vld [tilespmem:s16+$0x143B0];
	v7 =	vadd.f32 v7, v18;
	v18 =	vmax.f32 v29, v49;
	v29 =	vadd.f32 v46, v30  }
0x13b: {  	v51 =	vmul.f32 $2.000000000e+01, v63;
	v30 =	vadd.f32 v57, v57;
	v1 =	vadd.f32 v43, v1  }
0x13c: {  	v46 =	vmul.f32 v27, v25;
	v2 =	vadd.f32 v2, v25;
	v8 =	vadd.f32 v53, v8  }
0x13d: {  	v58 =	vmul.f32 $2.000000000e+01, v52;
	v4 =	vadd.f32 v4, v16;
	v20 =	vadd.f32 v52, v52  }
0x13e: {  	[tilespmem:s16+$0x15300] =	vst v34;
	v44 =	vmul.f32 v62, v57;
	v6 =	vadd.f32 v62, v6;
	v1 =	vadd.f32 v1, v46  }
0x13f: {  	v47 =	vld [tilespmem:s16+$0x143A0];
	[tilespmem:s16+$0x15B00] =	vst v41;
	v57 =	vmul.f32 $2.000000000e+01, v50;
	v8 =	vadd.f32 v8, v55;
	v5 =	vadd.f32 v58, v5  }
0x140: {  	[tilespmem:s16+$0x15B80] =	vst v13;
	v9 =	vmin.f32 v9, v48;
	v7 =	vadd.f32 v44, v7;
	v6 =	vadd.f32 v6, v15  }
0x141: {  	[tilespmem:s16+$0x15390] =	vst v39;
	v59 =	vmul.f32 v58, v52;
	v4 =	vadd.f32 v51, v4;
	v2 =	vadd.f32 v57, v2  }
0x142: {  	[tilespmem:s16+$0x15B90] =	vst v14;
	v49 =	vmul.f32 v30, v15;
	v1 =	vadd.f32 v1, v23;
	v8 =	vadd.f32 v8, v21  }
0x143: {  	[tilespmem:s16+$0x15330] =	vst v26;
	v61 =	vmul.f32 v20, v22;
	v3 =	vadd.f32 v59, v3;
	v5 =	vadd.f32 v5, v22  }
0x144: {  	[tilespmem:s16+$0x15B30] =	vst v12;
	v60 =	vmul.f32 v57, v50;
	v7 =	vadd.f32 v7, v49;
	v59 =	vadd.f32 v47, v47  }
0x145: {  	[tilespmem:s16+$0x15310] =	vst v36;
	v55 =	vmul.f32 $2.000000000e+01, v47;
	v4 =	vadd.f32 v4, v29;
	v3 =	vadd.f32 v3, v61  }
0x146: {  	[tilespmem:s16+$0x15B10] =	vst v40;
	v53 =	vmul.f32 v51, v63;
	v2 =	vadd.f32 v2, v24;
	v1 =	vadd.f32 v60, v1  }
0x147: {  	[tilespmem:s16+$0x153B0] =	vst v11;
	v58 =	vmul.f32 v55, v47;
	v61 =	vadd.f32 v50, v50;
	v3 =	vadd.f32 v3, v19  }
0x148: {  	p0 =	sne.s32 s0, $0x1C00;
	[tilespmem:s16+$0x15320] =	vst v38;
	v56 =	vmul.f32 v54, v29;
	v7 =	vadd.f32 v7, v28;
	v8 =	vadd.f32 v53, v8  }
.Ltmp0:
0x149: {  	[tilespmem:s16+$0x15B20] =	vst v42;
	v62 =	vmul.f32 v59, v32;
	v63 =	vmul.f32 v61, v24;
	v3 =	vadd.f32 v58, v3;
	(pc) =	sbr.rel @p0 .LBB2_3-.Ltmp0, $4  }
0x14a: {  	[tilespmem:s16+$0x15BA0] =	vst v9;
	v9 =	vmin.f32 v10, v45;
	v5 =	vadd.f32 v55, v5;
	v8 =	vadd.f32 v8, v56  }
0x14b: {  	[tilespmem:s16+$0x15BB0] =	vst v9;
	v1 =	vadd.f32 v1, v63;
	v3 =	vadd.f32 v3, v62  }
0x14c: {  	[tilespmem:s16+$0x15380] =	vst v18;
	v52 =	vmax.f32 v35, v48;
	v5 =	vadd.f32 v5, v32;
	v8 =	vadd.f32 v8, v31  }
0x14d: {  	s0 =	sadd.s32 $0x400, s0;
	s3 =	sadd.s32 $0x1400, s3;
	[tilespmem:s16+$0x153A0] =	vst v52;
	v1 =	vadd.f32 v1, v37;
	v3 =	vadd.f32 v3, v33  }
0x14e: {  	s0 =	sshll.u32 s29, $0x9  }
0x14f: {  	s0 =	sadd.s32 s9, s0  }
0x150: {  	s3 =	sadd.s32 s6, s0  }
0x151: {  	[hbm4b:s3+s2] =	stream.linear.scatter [tilespmem:s23], [sflag:$0x3], $0x800, $0x38;
	[tilespmem:$0x16700] =	vst v63  }
0x152: {  	_ =	swait.ge [sflag:s15], $0x800  }
0x153: {  	[sflag:s15] =	ssyncset.done $0x0  }
0x154: {  	p0 =	seq.s32 s29, $0xF;
	s0 =	sadd.s32 s7, s0;
	[sflag:s15] =	ssyncadd.s32 $0xFFFFF800  }
0x155: {  	[hbm4b:s0+s2] =	stream.linear.scatter [tilespmem:s24], [sflag:$0x3], $0x800, $0x38;
	[tilespmem:$0x16700] =	vst v63  }
0x156: {  	s0 =	sadd.s32 @!p0 s31, s11  }
0x157: {  	s3 =	smul.u32 @!p0 $0x14, s0  }
0x158: {  	_ =	swait.ge [sflag:s15], $0x800  }
0x159: {  	[sflag:s15] =	ssyncset.done $0x0;
	s3 =	sshrl.u32 @!p0 s3, $0x3  }
0x15a: {  	s16 =	simm.s32 @!p0 $0x0;
	[sflag:s15] =	ssyncadd.s32 $0xFFFFF800;
	s3 =	sadd.s32 @!p0 s1, s3  }
0x15b: {  	[tilespmem:s16], [sflag:$0x3] =	stream.linear.gather @!p0 [hbm4b:s3+s16], $0x140, $0x38;
	[tilespmem:$0x16700] =	vst v63  }
0x15c: {  	s3 =	simm.s32 @!p0 $0x3  }
0x15d: {  	_ =	swait.ge @!p0 [sflag:s3], $0x140  }
0x15e: {  	s0 =	sshll.u32 @!p0 s0, $0x4;
	[sflag:s3] =	ssyncset.done @!p0 $0x0  }
0x15f: {  	s31 =	simm.s32 @!p0 $0x14300;
	s0 =	sadd.s32 @!p0 s5, s0;
	[sflag:s3] =	ssyncadd.s32 @!p0 $0xFFFFFEC0  }
0x160: {  	[tilespmem:s31], [sflag:$0x3] =	stream.linear.gather @!p0 [hbm4b:s0+s16], $0x800, $0x38;
	[tilespmem:$0x16700] =	vst v63  }
0x161: {  	_ =	swait.ge @!p0 [sflag:s3], $0x800  }
0x162: {  	[sflag:s3] =	ssyncset.done @!p0 $0x0  }
0x163: {  	s0 =	simm.s32 @!p0 $0x140;
	[sflag:s3] =	ssyncadd.s32 @!p0 $0xFFFFF800;
	s3 =	simm.s32 @!p0 $0x300  }
0x164: {  	[tilespmem:s3], [sflag:$0x1] =	stream.indirect.gather @!p0 [hbm4b:s4+s0], $0x80, s16, s0, $0xb8;
	[tilespmem:$0x16700] =	vst v63  }
0x165: {  	_ =	swait.ge [sflag:s25], $0xA000  }
0x166: {  	[sflag:s25] =	ssyncset.done $0x0  }
0x167: {  	s0 =	simm.s32 $0x0;
	s3 =	simm.s32 $0xAD00;
	[sflag:s25] =	ssyncadd.s32 $0xFFFF6000  }
.LBB2_5:
0x168: {  	v9 =	vld [tilespmem:s3+$0xFFFFF600]  }
0x169: {  	v10 =	vld [tilespmem:s3+$0xFFFFF610]  }
0x16a: {  	v11 =	vld [tilespmem:s3+$0xFFFFF620]  }
0x16b: {  	v12 =	vld [tilespmem:s3+$0xFFFFF630]  }
0x16c: {  	v13 =	vld [tilespmem:s3+$0x0]  }
0x16d: {  	v14 =	vld [tilespmem:s3+$0x10]  }
0x16e: {  	v15 =	vld [tilespmem:s3+$0x20]  }
0x16f: {  	v16 =	vld [tilespmem:s3+$0xFFFFF680]  }
0x170: {  	v20 =	vld [tilespmem:s3+$0x30]  }
0x171: {  	v24 =	vld [tilespmem:s3+$0xFFFFF690];
	v17 =	vadd.f32 $0.0e+00, v9  }
0x172: {  	v28 =	vld [tilespmem:s3+$0xFFFFF6A0];
	v18 =	vmul.f32 v9, v9;
	v19 =	vadd.f32 $0.0e+00, v10;
	v21 =	vmul.f32 v10, v10  }
0x173: {  	v35 =	vld [tilespmem:s3+$0xFFFFF6B0];
	v22 =	vadd.f32 $0.0e+00, v11;
	v23 =	vmul.f32 v11, v11;
	v25 =	vadd.f32 $0.0e+00, v12  }
0x174: {  	v39 =	vld [tilespmem:s3+$0x80];
	v26 =	vmul.f32 v12, v12;
	v27 =	vadd.f32 $0.0e+00, v13;
	v29 =	vmul.f32 v13, v13  }
0x175: {  	v40 =	vld [tilespmem:s3+$0x90];
	v30 =	vadd.f32 $0.0e+00, v14;
	v31 =	vmul.f32 v14, v14;
	v32 =	vadd.f32 $0.0e+00, v15  }
0x176: {  	v49 =	vld [tilespmem:s3+$0xA0];
	v33 =	vmul.f32 v15, v15;
	v34 =	vmul.f32 v16, v16;
	v36 =	vadd.f32 $0.0e+00, v20  }
0x177: {  	v42 =	vld [tilespmem:s3+$0xB0];
	v37 =	vmul.f32 v20, v20;
	v60 =	vmax.f32 v9, v16;
	v38 =	vmul.f32 v24, v24  }
0x178: {  	v43 =	vld [tilespmem:s3+$0xFFFFF700];
	v9 =	vmin.f32 v9, v16;
	v62 =	vmul.f32 v28, v28;
	v63 =	vmax.f32 v10, v24  }
0x179: {  	v54 =	vld [tilespmem:s3+$0xFFFFF710];
	v10 =	vmin.f32 v10, v24;
	v48 =	vmul.f32 v35, v35;
	v41 =	vmax.f32 v11, v28  }
0x17a: {  	v11 =	vmin.f32 v11, v28;
	v50 =	vmul.f32 v39, v39;
	v51 =	vmul.f32 v40, v40  }
0x17b: {  	v52 =	vmax.f32 v13, v39;
	v13 =	vmin.f32 v13, v39;
	v53 =	vmul.f32 v49, v49  }
0x17c: {  	v45 =	vld [tilespmem:s3+$0xFFFFF720];
	v44 =	vmax.f32 v14, v40;
	v14 =	vmin.f32 v14, v40;
	v55 =	vmul.f32 v42, v42  }
0x17d: {  	v59 =	vld [tilespmem:s3+$0x100];
	v56 =	vmul.f32 v43, v43;
	v57 =	vmax.f32 v20, v42;
	v20 =	vmin.f32 v20, v42  }
0x17e: {  	v58 =	vmul.f32 v54, v54;
	v17 =	vadd.f32 v16, v17;
	v18 =	vadd.f32 v34, v18  }
0x17f: {  	v9 =	vmin.f32 v9, v43;
	v61 =	vadd.f32 v24, v19;
	v21 =	vadd.f32 v38, v21  }
0x180: {  	v10 =	vmin.f32 v10, v54;
	v22 =	vadd.f32 v28, v22;
	v19 =	vadd.f32 v62, v23  }
0x181: {  	v11 =	vmin.f32 v11, v45;
	v25 =	vadd.f32 v35, v25;
	v23 =	vadd.f32 v48, v26  }
0x182: {  	v46 =	vld [tilespmem:s3+$0xFFFFF730];
	v13 =	vmin.f32 v13, v59;
	v27 =	vadd.f32 v39, v27;
	v28 =	vadd.f32 v50, v29  }
0x183: {  	v26 =	vmax.f32 v12, v35;
	v30 =	vadd.f32 v40, v30;
	v31 =	vadd.f32 v51, v31  }
0x184: {  	v47 =	vld [tilespmem:s3+$0x120];
	v12 =	vmin.f32 v12, v35;
	v32 =	vadd.f32 v49, v32;
	v33 =	vadd.f32 v53, v33  }
0x185: {  	v35 =	vmax.f32 v15, v49;
	v15 =	vmin.f32 v15, v49;
	v24 =	vadd.f32 v42, v36  }
0x186: {  	v37 =	vadd.f32 v55, v37;
	v34 =	vmax.f32 v60, v43;
	v36 =	vmax.f32 v63, v54  }
0x187: {  	v60 =	vmul.f32 v45, v45;
	v62 =	vmul.f32 v46, v46;
	v63 =	vmax.f32 v41, v45  }
0x188: {  	v48 =	vmul.f32 v59, v59;
	v29 =	vmax.f32 v52, v59;
	v17 =	vadd.f32 v43, v17  }
0x189: {  	v49 =	vld [tilespmem:s3+$0x130];
	v52 =	vmul.f32 v47, v47;
	v18 =	vadd.f32 v56, v18;
	v16 =	vadd.f32 v54, v61  }
0x18a: {  	v51 =	vld [tilespmem:s3+$0xFFFFF780];
	v26 =	vmax.f32 v26, v46;
	v21 =	vadd.f32 v58, v21;
	v22 =	vadd.f32 v45, v22  }
0x18b: {  	v53 =	vld [tilespmem:s3+$0xFFFFF790];
	v12 =	vmin.f32 v12, v46;
	v19 =	vadd.f32 v60, v19;
	v25 =	vadd.f32 v46, v25  }
0x18c: {  	v35 =	vmax.f32 v35, v47;
	v23 =	vadd.f32 v62, v23;
	v27 =	vadd.f32 v59, v27  }
0x18d: {  	v15 =	vmin.f32 v15, v47;
	v61 =	vld [tilespmem:s3+$0x110];
	v28 =	vadd.f32 v48, v28;
	v32 =	vadd.f32 v47, v32  }
0x18e: {  	v33 =	vadd.f32 v52, v33;
	v55 =	vmul.f32 v49, v49;
	v24 =	vadd.f32 v49, v24  }
0x18f: {  	v56 =	vld [tilespmem:s3+$0xFFFFF7A0];
	v40 =	vmax.f32 v57, v49;
	v57 =	vmul.f32 v51, v51;
	v20 =	vmin.f32 v20, v49  }
0x190: {  	v58 =	vld [tilespmem:s3+$0xFFFFF7B0];
	v17 =	vadd.f32 v51, v17;
	v59 =	vmul.f32 v53, v53;
	v34 =	vmax.f32 v34, v51  }
0x191: {  	v60 =	vld [tilespmem:s3+$0x180];
	v9 =	vmin.f32 v9, v51;
	v16 =	vadd.f32 v53, v16;
	v36 =	vmax.f32 v36, v53  }
0x192: {  	v10 =	vmin.f32 v10, v53;
	v50 =	vmul.f32 v61, v61;
	v30 =	vadd.f32 v61, v30  }
0x193: {  	v62 =	vld [tilespmem:s3+$0x190];
	v54 =	vmax.f32 v44, v61;
	v14 =	vmin.f32 v14, v61;
	v37 =	vadd.f32 v55, v37  }
0x194: {  	v48 =	vld [tilespmem:s3+$0x1A0];
	v18 =	vadd.f32 v57, v18;
	v21 =	vadd.f32 v59, v21;
	v61 =	vmul.f32 v56, v56  }
0x195: {  	v52 =	vld [tilespmem:s3+$0xFFFFF800];
	v22 =	vadd.f32 v56, v22;
	v38 =	vmax.f32 v63, v56;
	v63 =	vmul.f32 v58, v58  }
0x196: {  	v11 =	vmin.f32 v11, v56;
	v25 =	vadd.f32 v58, v25;
	v49 =	vmul.f32 v60, v60  }
0x197: {  	v26 =	vmax.f32 v26, v58;
	v12 =	vmin.f32 v12, v58;
	v27 =	vadd.f32 v60, v27  }
0x198: {  	v51 =	vmul.f32 v62, v62;
	v29 =	vmax.f32 v29, v60;
	v13 =	vmin.f32 v13, v60  }
0x199: {  	v53 =	vmul.f32 v48, v48;
	v32 =	vadd.f32 v48, v32;
	v56 =	vld [tilespmem:s3+$0xFFFFF820];
	v35 =	vmax.f32 v35, v48  }
0x19a: {  	v15 =	vmin.f32 v15, v48;
	v57 =	vmul.f32 v52, v52;
	v58 =	vld [tilespmem:s3+$0xFFFFF830];
	v17 =	vadd.f32 v52, v17  }
0x19b: {  	v34 =	vmax.f32 v34, v52;
	v31 =	vadd.f32 v50, v31;
	v19 =	vadd.f32 v61, v19  }
0x19c: {  	v60 =	vld [tilespmem:s3+$0x200];
	v9 =	vmin.f32 v9, v52;
	v23 =	vadd.f32 v63, v23;
	v28 =	vadd.f32 v49, v28  }
0x19d: {  	v39 =	vmax.f32 v54, v62;
	v30 =	vadd.f32 v62, v30;
	v33 =	vadd.f32 v53, v33  }
0x19e: {  	v48 =	vld [tilespmem:s3+$0x220];
	v14 =	vmin.f32 v14, v62;
	v18 =	vadd.f32 v57, v18;
	v31 =	vadd.f32 v51, v31  }
0x19f: {  	v52 =	vld [tilespmem:s3+$0xFFFFF880];
	v61 =	vmul.f32 v56, v56;
	v22 =	vadd.f32 v56, v22;
	v63 =	vmul.f32 v58, v58  }
0x1a0: {  	v54 =	vld [tilespmem:s3+$0xFFFFF810];
	v38 =	vmax.f32 v38, v56;
	v11 =	vmin.f32 v11, v56;
	v25 =	vadd.f32 v58, v25  }
0x1a1: {  	v26 =	vmax.f32 v26, v58;
	v49 =	vmul.f32 v60, v60;
	v12 =	vmin.f32 v12, v58  }
0x1a2: {  	v50 =	vld [tilespmem:s3+$0x1B0];
	v27 =	vadd.f32 v60, v27;
	v29 =	vmax.f32 v29, v60;
	v13 =	vmin.f32 v13, v60  }
0x1a3: {  	v53 =	vmul.f32 v48, v48;
	v32 =	vadd.f32 v48, v32;
	v35 =	vmax.f32 v35, v48  }
0x1a4: {  	v62 =	vld [tilespmem:s3+$0x210];
	v15 =	vmin.f32 v15, v48;
	v57 =	vmul.f32 v52, v52;
	v17 =	vadd.f32 v52, v17  }
0x1a5: {  	v34 =	vmax.f32 v34, v52;
	v9 =	vmin.f32 v9, v52;
	v59 =	vmul.f32 v54, v54  }
0x1a6: {  	v16 =	vadd.f32 v54, v16;
	v36 =	vmax.f32 v36, v54;
	v10 =	vmin.f32 v10, v54  }
0x1a7: {  	v56 =	vld [tilespmem:s3+$0xFFFFF8A0];
	v55 =	vmul.f32 v50, v50;
	v24 =	vadd.f32 v50, v24;
	v40 =	vmax.f32 v40, v50  }
0x1a8: {  	v58 =	vld [tilespmem:s3+$0xFFFFF8B0];
	v20 =	vmin.f32 v20, v50;
	v19 =	vadd.f32 v61, v19;
	v23 =	vadd.f32 v63, v23  }
0x1a9: {  	v60 =	vld [tilespmem:s3+$0x280];
	v51 =	vmul.f32 v62, v62;
	v28 =	vadd.f32 v49, v28;
	v30 =	vadd.f32 v62, v30  }
0x1aa: {  	v39 =	vmax.f32 v39, v62;
	v33 =	vadd.f32 v53, v33;
	v18 =	vadd.f32 v57, v18  }
0x1ab: {  	v48 =	vld [tilespmem:s3+$0x2A0];
	v14 =	vmin.f32 v14, v62;
	v21 =	vadd.f32 v59, v21;
	v37 =	vadd.f32 v55, v37  }
0x1ac: {  	v52 =	vld [tilespmem:s3+$0xFFFFF900];
	v31 =	vadd.f32 v51, v31;
	v61 =	vmul.f32 v56, v56;
	v22 =	vadd.f32 v56, v22  }
0x1ad: {  	v63 =	vmul.f32 v58, v58;
	v38 =	vmax.f32 v38, v56;
	v11 =	vmin.f32 v11, v56  }
0x1ae: {  	v54 =	vld [tilespmem:s3+$0xFFFFF890];
	v25 =	vadd.f32 v58, v25;
	v49 =	vmul.f32 v60, v60;
	v26 =	vmax.f32 v26, v58  }
0x1af: {  	v50 =	vld [tilespmem:s3+$0x230];
	v12 =	vmin.f32 v12, v58;
	v27 =	vadd.f32 v60, v27;
	v29 =	vmax.f32 v29, v60  }
0x1b0: {  	v13 =	vmin.f32 v13, v60;
	v53 =	vmul.f32 v48, v48;
	v32 =	vadd.f32 v48, v32  }
0x1b1: {  	v62 =	vld [tilespmem:s3+$0x290];
	v35 =	vmax.f32 v35, v48;
	v15 =	vmin.f32 v15, v48;
	v57 =	vmul.f32 v52, v52  }
0x1b2: {  	v17 =	vadd.f32 v52, v17;
	v34 =	vmax.f32 v34, v52;
	v9 =	vmin.f32 v9, v52  }
0x1b3: {  	v59 =	vmul.f32 v54, v54;
	v16 =	vadd.f32 v54, v16;
	v36 =	vmax.f32 v36, v54  }
0x1b4: {  	v56 =	vld [tilespmem:s3+$0xFFFFF920];
	v10 =	vmin.f32 v10, v54;
	v55 =	vmul.f32 v50, v50;
	v24 =	vadd.f32 v50, v24  }
0x1b5: {  	v58 =	vld [tilespmem:s3+$0xFFFFF930];
	v40 =	vmax.f32 v40, v50;
	v20 =	vmin.f32 v20, v50;
	v19 =	vadd.f32 v61, v19  }
0x1b6: {  	v60 =	vld [tilespmem:s3+$0x300];
	v23 =	vadd.f32 v63, v23;
	v28 =	vadd.f32 v49, v28;
	v51 =	vmul.f32 v62, v62  }
0x1b7: {  	v30 =	vadd.f32 v62, v30;
	v39 =	vmax.f32 v39, v62;
	v33 =	vadd.f32 v53, v33  }
0x1b8: {  	v48 =	vld [tilespmem:s3+$0x320];
	v14 =	vmin.f32 v14, v62;
	v18 =	vadd.f32 v57, v18;
	v21 =	vadd.f32 v59, v21  }
0x1b9: {  	v37 =	vadd.f32 v55, v37;
	v31 =	vadd.f32 v51, v31;
	v61 =	vmul.f32 v56, v56  }
0x1ba: {  	v52 =	vld [tilespmem:s3+$0xFFFFF980];
	v22 =	vadd.f32 v56, v22;
	v38 =	vmax.f32 v38, v56;
	v63 =	vmul.f32 v58, v58  }
0x1bb: {  	v54 =	vld [tilespmem:s3+$0xFFFFF910];
	v11 =	vmin.f32 v11, v56;
	v25 =	vadd.f32 v58, v25;
	v49 =	vmul.f32 v60, v60  }
0x1bc: {  	v50 =	vld [tilespmem:s3+$0x2B0];
	v26 =	vmax.f32 v26, v58;
	v12 =	vmin.f32 v12, v58;
	v27 =	vadd.f32 v60, v27  }
0x1bd: {  	v29 =	vmax.f32 v29, v60;
	v13 =	vmin.f32 v13, v60;
	v53 =	vmul.f32 v48, v48  }
0x1be: {  	v32 =	vadd.f32 v48, v32;
	v35 =	vmax.f32 v35, v48;
	v15 =	vmin.f32 v15, v48  }
0x1bf: {  	v62 =	vld [tilespmem:s3+$0x310];
	v57 =	vmul.f32 v52, v52;
	v17 =	vadd.f32 v52, v17;
	v34 =	vmax.f32 v34, v52  }
0x1c0: {  	v9 =	vmin.f32 v9, v52;
	v59 =	vmul.f32 v54, v54;
	v16 =	vadd.f32 v54, v16  }
0x1c1: {  	v56 =	vld [tilespmem:s3+$0xFFFFF9A0];
	v36 =	vmax.f32 v36, v54;
	v10 =	vmin.f32 v10, v54;
	v55 =	vmul.f32 v50, v50  }
0x1c2: {  	v58 =	vld [tilespmem:s3+$0xFFFFF9B0];
	v24 =	vadd.f32 v50, v24;
	v40 =	vmax.f32 v40, v50;
	v19 =	vadd.f32 v61, v19  }
0x1c3: {  	v20 =	vmin.f32 v20, v50;
	v23 =	vadd.f32 v63, v23;
	v28 =	vadd.f32 v49, v28  }
0x1c4: {  	v60 =	vld [tilespmem:s3+$0x380];
	v51 =	vmul.f32 v62, v62;
	v30 =	vadd.f32 v62, v30;
	v33 =	vadd.f32 v53, v33  }
0x1c5: {  	v39 =	vmax.f32 v39, v62;
	v18 =	vadd.f32 v57, v18;
	v21 =	vadd.f32 v59, v21  }
0x1c6: {  	v48 =	vld [tilespmem:s3+$0x3A0];
	v14 =	vmin.f32 v14, v62;
	v37 =	vadd.f32 v55, v37;
	v31 =	vadd.f32 v51, v31  }
0x1c7: {  	v52 =	vld [tilespmem:s3+$0xFFFFFA00];
	v61 =	vmul.f32 v56, v56;
	v22 =	vadd.f32 v56, v22;
	v63 =	vmul.f32 v58, v58  }
0x1c8: {  	v54 =	vld [tilespmem:s3+$0xFFFFF990];
	v38 =	vmax.f32 v38, v56;
	v11 =	vmin.f32 v11, v56;
	v25 =	vadd.f32 v58, v25  }
0x1c9: {  	v26 =	vmax.f32 v26, v58;
	v49 =	vmul.f32 v60, v60;
	v12 =	vmin.f32 v12, v58  }
0x1ca: {  	v50 =	vld [tilespmem:s3+$0x330];
	v27 =	vadd.f32 v60, v27;
	v29 =	vmax.f32 v29, v60;
	v13 =	vmin.f32 v13, v60  }
0x1cb: {  	v53 =	vmul.f32 v48, v48;
	v32 =	vadd.f32 v48, v32;
	v35 =	vmax.f32 v35, v48  }
0x1cc: {  	v62 =	vld [tilespmem:s3+$0x390];
	v15 =	vmin.f32 v15, v48;
	v57 =	vmul.f32 v52, v52;
	v17 =	vadd.f32 v52, v17  }
0x1cd: {  	v34 =	vmax.f32 v34, v52;
	v9 =	vmin.f32 v9, v52;
	v59 =	vmul.f32 v54, v54  }
0x1ce: {  	v16 =	vadd.f32 v54, v16;
	v36 =	vmax.f32 v36, v54;
	v10 =	vmin.f32 v10, v54  }
0x1cf: {  	v56 =	vld [tilespmem:s3+$0xFFFFFA20];
	v55 =	vmul.f32 v50, v50;
	v24 =	vadd.f32 v50, v24;
	v40 =	vmax.f32 v40, v50  }
0x1d0: {  	v58 =	vld [tilespmem:s3+$0xFFFFFA30];
	v20 =	vmin.f32 v20, v50;
	v19 =	vadd.f32 v61, v19;
	v23 =	vadd.f32 v63, v23  }
0x1d1: {  	v60 =	vld [tilespmem:s3+$0x400];
	v51 =	vmul.f32 v62, v62;
	v28 =	vadd.f32 v49, v28;
	v30 =	vadd.f32 v62, v30  }
0x1d2: {  	v39 =	vmax.f32 v39, v62;
	v33 =	vadd.f32 v53, v33;
	v18 =	vadd.f32 v57, v18  }
0x1d3: {  	v48 =	vld [tilespmem:s3+$0x420];
	v14 =	vmin.f32 v14, v62;
	v21 =	vadd.f32 v59, v21;
	v37 =	vadd.f32 v55, v37  }
0x1d4: {  	v52 =	vld [tilespmem:s3+$0xFFFFFA80];
	v31 =	vadd.f32 v51, v31;
	v61 =	vmul.f32 v56, v56;
	v22 =	vadd.f32 v56, v22  }
0x1d5: {  	v63 =	vmul.f32 v58, v58;
	v38 =	vmax.f32 v38, v56;
	v11 =	vmin.f32 v11, v56  }
0x1d6: {  	v54 =	vld [tilespmem:s3+$0xFFFFFA10];
	v25 =	vadd.f32 v58, v25;
	v49 =	vmul.f32 v60, v60;
	v26 =	vmax.f32 v26, v58  }
0x1d7: {  	v50 =	vld [tilespmem:s3+$0x3B0];
	v12 =	vmin.f32 v12, v58;
	v27 =	vadd.f32 v60, v27;
	v29 =	vmax.f32 v29, v60  }
0x1d8: {  	v13 =	vmin.f32 v13, v60;
	v53 =	vmul.f32 v48, v48;
	v32 =	vadd.f32 v48, v32  }
0x1d9: {  	v62 =	vld [tilespmem:s3+$0x410];
	v35 =	vmax.f32 v35, v48;
	v15 =	vmin.f32 v15, v48;
	v57 =	vmul.f32 v52, v52  }
0x1da: {  	v17 =	vadd.f32 v52, v17;
	v34 =	vmax.f32 v34, v52;
	v9 =	vmin.f32 v9, v52  }
0x1db: {  	v59 =	vmul.f32 v54, v54;
	v16 =	vadd.f32 v54, v16;
	v36 =	vmax.f32 v36, v54  }
0x1dc: {  	v56 =	vld [tilespmem:s3+$0xFFFFFAA0];
	v10 =	vmin.f32 v10, v54;
	v55 =	vmul.f32 v50, v50;
	v24 =	vadd.f32 v50, v24  }
0x1dd: {  	v58 =	vld [tilespmem:s3+$0xFFFFFAB0];
	v40 =	vmax.f32 v40, v50;
	v20 =	vmin.f32 v20, v50;
	v19 =	vadd.f32 v61, v19  }
0x1de: {  	v60 =	vld [tilespmem:s3+$0x480];
	v23 =	vadd.f32 v63, v23;
	v28 =	vadd.f32 v49, v28;
	v51 =	vmul.f32 v62, v62  }
0x1df: {  	v30 =	vadd.f32 v62, v30;
	v39 =	vmax.f32 v39, v62;
	v33 =	vadd.f32 v53, v33  }
0x1e0: {  	v48 =	vld [tilespmem:s3+$0x4A0];
	v14 =	vmin.f32 v14, v62;
	v18 =	vadd.f32 v57, v18;
	v21 =	vadd.f32 v59, v21  }
0x1e1: {  	v37 =	vadd.f32 v55, v37;
	v31 =	vadd.f32 v51, v31;
	v61 =	vmul.f32 v56, v56  }
0x1e2: {  	v52 =	vld [tilespmem:s3+$0xFFFFFB00];
	v22 =	vadd.f32 v56, v22;
	v38 =	vmax.f32 v38, v56;
	v63 =	vmul.f32 v58, v58  }
0x1e3: {  	v54 =	vld [tilespmem:s3+$0xFFFFFA90];
	v11 =	vmin.f32 v11, v56;
	v25 =	vadd.f32 v58, v25;
	v49 =	vmul.f32 v60, v60  }
0x1e4: {  	v50 =	vld [tilespmem:s3+$0x430];
	v26 =	vmax.f32 v26, v58;
	v12 =	vmin.f32 v12, v58;
	v27 =	vadd.f32 v60, v27  }
0x1e5: {  	v29 =	vmax.f32 v29, v60;
	v13 =	vmin.f32 v13, v60;
	v53 =	vmul.f32 v48, v48  }
0x1e6: {  	v32 =	vadd.f32 v48, v32;
	v35 =	vmax.f32 v35, v48;
	v15 =	vmin.f32 v15, v48  }
0x1e7: {  	v62 =	vld [tilespmem:s3+$0x490];
	v57 =	vmul.f32 v52, v52;
	v17 =	vadd.f32 v52, v17;
	v34 =	vmax.f32 v34, v52  }
0x1e8: {  	v9 =	vmin.f32 v9, v52;
	v59 =	vmul.f32 v54, v54;
	v16 =	vadd.f32 v54, v16  }
0x1e9: {  	v56 =	vld [tilespmem:s3+$0xFFFFFB20];
	v36 =	vmax.f32 v36, v54;
	v10 =	vmin.f32 v10, v54;
	v55 =	vmul.f32 v50, v50  }
0x1ea: {  	v58 =	vld [tilespmem:s3+$0xFFFFFB30];
	v24 =	vadd.f32 v50, v24;
	v40 =	vmax.f32 v40, v50;
	v19 =	vadd.f32 v61, v19  }
0x1eb: {  	v20 =	vmin.f32 v20, v50;
	v23 =	vadd.f32 v63, v23;
	v28 =	vadd.f32 v49, v28  }
0x1ec: {  	v60 =	vld [tilespmem:s3+$0x500];
	v51 =	vmul.f32 v62, v62;
	v30 =	vadd.f32 v62, v30;
	v33 =	vadd.f32 v53, v33  }
0x1ed: {  	v39 =	vmax.f32 v39, v62;
	v18 =	vadd.f32 v57, v18;
	v21 =	vadd.f32 v59, v21  }
0x1ee: {  	v48 =	vld [tilespmem:s3+$0x520];
	v14 =	vmin.f32 v14, v62;
	v37 =	vadd.f32 v55, v37;
	v31 =	vadd.f32 v51, v31  }
0x1ef: {  	v52 =	vld [tilespmem:s3+$0xFFFFFB80];
	v61 =	vmul.f32 v56, v56;
	v22 =	vadd.f32 v56, v22;
	v63 =	vmul.f32 v58, v58  }
0x1f0: {  	v54 =	vld [tilespmem:s3+$0xFFFFFB10];
	v38 =	vmax.f32 v38, v56;
	v11 =	vmin.f32 v11, v56;
	v25 =	vadd.f32 v58, v25  }
0x1f1: {  	v26 =	vmax.f32 v26, v58;
	v49 =	vmul.f32 v60, v60;
	v12 =	vmin.f32 v12, v58  }
0x1f2: {  	v50 =	vld [tilespmem:s3+$0x4B0];
	v27 =	vadd.f32 v60, v27;
	v29 =	vmax.f32 v29, v60;
	v13 =	vmin.f32 v13, v60  }
0x1f3: {  	v53 =	vmul.f32 v48, v48;
	v32 =	vadd.f32 v48, v32;
	v35 =	vmax.f32 v35, v48  }
0x1f4: {  	v62 =	vld [tilespmem:s3+$0x510];
	v15 =	vmin.f32 v15, v48;
	v57 =	vmul.f32 v52, v52;
	v17 =	vadd.f32 v52, v17  }
0x1f5: {  	v34 =	vmax.f32 v34, v52;
	v9 =	vmin.f32 v9, v52;
	v59 =	vmul.f32 v54, v54  }
0x1f6: {  	v16 =	vadd.f32 v54, v16;
	v36 =	vmax.f32 v36, v54;
	v10 =	vmin.f32 v10, v54  }
0x1f7: {  	v56 =	vld [tilespmem:s3+$0xFFFFFBA0];
	v55 =	vmul.f32 v50, v50;
	v24 =	vadd.f32 v50, v24;
	v40 =	vmax.f32 v40, v50  }
0x1f8: {  	v58 =	vld [tilespmem:s3+$0xFFFFFBB0];
	v20 =	vmin.f32 v20, v50;
	v19 =	vadd.f32 v61, v19;
	v23 =	vadd.f32 v63, v23  }
0x1f9: {  	v60 =	vld [tilespmem:s3+$0x580];
	v51 =	vmul.f32 v62, v62;
	v28 =	vadd.f32 v49, v28;
	v30 =	vadd.f32 v62, v30  }
0x1fa: {  	v39 =	vmax.f32 v39, v62;
	v33 =	vadd.f32 v53, v33;
	v18 =	vadd.f32 v57, v18  }
0x1fb: {  	v48 =	vld [tilespmem:s3+$0x5A0];
	v14 =	vmin.f32 v14, v62;
	v21 =	vadd.f32 v59, v21;
	v37 =	vadd.f32 v55, v37  }
0x1fc: {  	v52 =	vld [tilespmem:s3+$0xFFFFFC00];
	v31 =	vadd.f32 v51, v31;
	v61 =	vmul.f32 v56, v56;
	v22 =	vadd.f32 v56, v22  }
0x1fd: {  	v63 =	vmul.f32 v58, v58;
	v38 =	vmax.f32 v38, v56;
	v11 =	vmin.f32 v11, v56  }
0x1fe: {  	v54 =	vld [tilespmem:s3+$0xFFFFFB90];
	v25 =	vadd.f32 v58, v25;
	v49 =	vmul.f32 v60, v60;
	v26 =	vmax.f32 v26, v58  }
0x1ff: {  	v50 =	vld [tilespmem:s3+$0x530];
	v12 =	vmin.f32 v12, v58;
	v27 =	vadd.f32 v60, v27;
	v29 =	vmax.f32 v29, v60  }
0x200: {  	v13 =	vmin.f32 v13, v60;
	v53 =	vmul.f32 v48, v48;
	v32 =	vadd.f32 v48, v32  }
0x201: {  	v62 =	vld [tilespmem:s3+$0x590];
	v35 =	vmax.f32 v35, v48;
	v15 =	vmin.f32 v15, v48;
	v57 =	vmul.f32 v52, v52  }
0x202: {  	v17 =	vadd.f32 v52, v17;
	v34 =	vmax.f32 v34, v52;
	v9 =	vmin.f32 v9, v52  }
0x203: {  	v59 =	vmul.f32 v54, v54;
	v16 =	vadd.f32 v54, v16;
	v36 =	vmax.f32 v36, v54  }
0x204: {  	v56 =	vld [tilespmem:s3+$0xFFFFFC20];
	v10 =	vmin.f32 v10, v54;
	v55 =	vmul.f32 v50, v50;
	v24 =	vadd.f32 v50, v24  }
0x205: {  	v58 =	vld [tilespmem:s3+$0xFFFFFC30];
	v40 =	vmax.f32 v40, v50;
	v20 =	vmin.f32 v20, v50;
	v19 =	vadd.f32 v61, v19  }
0x206: {  	v60 =	vld [tilespmem:s3+$0x600];
	v23 =	vadd.f32 v63, v23;
	v28 =	vadd.f32 v49, v28;
	v51 =	vmul.f32 v62, v62  }
0x207: {  	v30 =	vadd.f32 v62, v30;
	v39 =	vmax.f32 v39, v62;
	v33 =	vadd.f32 v53, v33  }
0x208: {  	v48 =	vld [tilespmem:s3+$0x620];
	v14 =	vmin.f32 v14, v62;
	v18 =	vadd.f32 v57, v18;
	v21 =	vadd.f32 v59, v21  }
0x209: {  	v37 =	vadd.f32 v55, v37;
	v31 =	vadd.f32 v51, v31;
	v61 =	vmul.f32 v56, v56  }
0x20a: {  	v52 =	vld [tilespmem:s3+$0xFFFFFC80];
	v22 =	vadd.f32 v56, v22;
	v38 =	vmax.f32 v38, v56;
	v63 =	vmul.f32 v58, v58  }
0x20b: {  	v54 =	vld [tilespmem:s3+$0xFFFFFC10];
	v11 =	vmin.f32 v11, v56;
	v25 =	vadd.f32 v58, v25;
	v49 =	vmul.f32 v60, v60  }
0x20c: {  	v50 =	vld [tilespmem:s3+$0x5B0];
	v26 =	vmax.f32 v26, v58;
	v12 =	vmin.f32 v12, v58;
	v27 =	vadd.f32 v60, v27  }
0x20d: {  	v29 =	vmax.f32 v29, v60;
	v13 =	vmin.f32 v13, v60;
	v53 =	vmul.f32 v48, v48  }
0x20e: {  	v32 =	vadd.f32 v48, v32;
	v35 =	vmax.f32 v35, v48;
	v15 =	vmin.f32 v15, v48  }
0x20f: {  	v62 =	vld [tilespmem:s3+$0x610];
	v57 =	vmul.f32 v52, v52;
	v17 =	vadd.f32 v52, v17;
	v34 =	vmax.f32 v34, v52  }
0x210: {  	v9 =	vmin.f32 v9, v52;
	v59 =	vmul.f32 v54, v54;
	v16 =	vadd.f32 v54, v16  }
0x211: {  	v56 =	vld [tilespmem:s3+$0xFFFFFCA0];
	v36 =	vmax.f32 v36, v54;
	v10 =	vmin.f32 v10, v54;
	v55 =	vmul.f32 v50, v50  }
0x212: {  	v58 =	vld [tilespmem:s3+$0xFFFFFCB0];
	v24 =	vadd.f32 v50, v24;
	v40 =	vmax.f32 v40, v50;
	v19 =	vadd.f32 v61, v19  }
0x213: {  	v20 =	vmin.f32 v20, v50;
	v23 =	vadd.f32 v63, v23;
	v28 =	vadd.f32 v49, v28  }
0x214: {  	v60 =	vld [tilespmem:s3+$0x680];
	v51 =	vmul.f32 v62, v62;
	v30 =	vadd.f32 v62, v30;
	v33 =	vadd.f32 v53, v33  }
0x215: {  	v39 =	vmax.f32 v39, v62;
	v18 =	vadd.f32 v57, v18;
	v21 =	vadd.f32 v59, v21  }
0x216: {  	v48 =	vld [tilespmem:s3+$0x6A0];
	v14 =	vmin.f32 v14, v62;
	v37 =	vadd.f32 v55, v37;
	v31 =	vadd.f32 v51, v31  }
0x217: {  	v52 =	vld [tilespmem:s3+$0xFFFFFD00];
	v61 =	vmul.f32 v56, v56;
	v22 =	vadd.f32 v56, v22;
	v63 =	vmul.f32 v58, v58  }
0x218: {  	v54 =	vld [tilespmem:s3+$0xFFFFFC90];
	v38 =	vmax.f32 v38, v56;
	v11 =	vmin.f32 v11, v56;
	v25 =	vadd.f32 v58, v25  }
0x219: {  	v26 =	vmax.f32 v26, v58;
	v49 =	vmul.f32 v60, v60;
	v12 =	vmin.f32 v12, v58  }
0x21a: {  	v50 =	vld [tilespmem:s3+$0x630];
	v27 =	vadd.f32 v60, v27;
	v29 =	vmax.f32 v29, v60;
	v13 =	vmin.f32 v13, v60  }
0x21b: {  	v53 =	vmul.f32 v48, v48;
	v32 =	vadd.f32 v48, v32;
	v35 =	vmax.f32 v35, v48  }
0x21c: {  	v62 =	vld [tilespmem:s3+$0x690];
	v15 =	vmin.f32 v15, v48;
	v57 =	vmul.f32 v52, v52;
	v17 =	vadd.f32 v52, v17  }
0x21d: {  	v34 =	vmax.f32 v34, v52;
	v9 =	vmin.f32 v9, v52;
	v59 =	vmul.f32 v54, v54  }
0x21e: {  	v16 =	vadd.f32 v54, v16;
	v36 =	vmax.f32 v36, v54;
	v10 =	vmin.f32 v10, v54  }
0x21f: {  	v56 =	vld [tilespmem:s3+$0xFFFFFD20];
	v55 =	vmul.f32 v50, v50;
	v24 =	vadd.f32 v50, v24;
	v40 =	vmax.f32 v40, v50  }
0x220: {  	v58 =	vld [tilespmem:s3+$0xFFFFFD30];
	v20 =	vmin.f32 v20, v50;
	v19 =	vadd.f32 v61, v19;
	v23 =	vadd.f32 v63, v23  }
0x221: {  	v60 =	vld [tilespmem:s3+$0x700];
	v51 =	vmul.f32 v62, v62;
	v28 =	vadd.f32 v49, v28;
	v30 =	vadd.f32 v62, v30  }
0x222: {  	v39 =	vmax.f32 v39, v62;
	v33 =	vadd.f32 v53, v33;
	v18 =	vadd.f32 v57, v18  }
0x223: {  	v48 =	vld [tilespmem:s3+$0x720];
	v14 =	vmin.f32 v14, v62;
	v21 =	vadd.f32 v59, v21;
	v37 =	vadd.f32 v55, v37  }
0x224: {  	v52 =	vld [tilespmem:s3+$0xFFFFFD80];
	v31 =	vadd.f32 v51, v31;
	v61 =	vmul.f32 v56, v56;
	v22 =	vadd.f32 v56, v22  }
0x225: {  	v63 =	vmul.f32 v58, v58;
	v38 =	vmax.f32 v38, v56;
	v11 =	vmin.f32 v11, v56  }
0x226: {  	v54 =	vld [tilespmem:s3+$0xFFFFFD10];
	v25 =	vadd.f32 v58, v25;
	v49 =	vmul.f32 v60, v60;
	v26 =	vmax.f32 v26, v58  }
0x227: {  	v50 =	vld [tilespmem:s3+$0x6B0];
	v12 =	vmin.f32 v12, v58;
	v27 =	vadd.f32 v60, v27;
	v29 =	vmax.f32 v29, v60  }
0x228: {  	v13 =	vmin.f32 v13, v60;
	v53 =	vmul.f32 v48, v48;
	v32 =	vadd.f32 v48, v32  }
0x229: {  	v62 =	vld [tilespmem:s3+$0x710];
	v35 =	vmax.f32 v35, v48;
	v15 =	vmin.f32 v15, v48;
	v57 =	vmul.f32 v52, v52  }
0x22a: {  	v17 =	vadd.f32 v52, v17;
	v34 =	vmax.f32 v34, v52;
	v9 =	vmin.f32 v9, v52  }
0x22b: {  	v59 =	vmul.f32 v54, v54;
	v16 =	vadd.f32 v54, v16;
	v36 =	vmax.f32 v36, v54  }
0x22c: {  	v56 =	vld [tilespmem:s3+$0xFFFFFDA0];
	v10 =	vmin.f32 v10, v54;
	v55 =	vmul.f32 v50, v50;
	v24 =	vadd.f32 v50, v24  }
0x22d: {  	v58 =	vld [tilespmem:s3+$0xFFFFFDB0];
	v40 =	vmax.f32 v40, v50;
	v20 =	vmin.f32 v20, v50;
	v19 =	vadd.f32 v61, v19  }
0x22e: {  	v60 =	vld [tilespmem:s3+$0x780];
	v23 =	vadd.f32 v63, v23;
	v28 =	vadd.f32 v49, v28;
	v51 =	vmul.f32 v62, v62  }
0x22f: {  	v30 =	vadd.f32 v62, v30;
	v39 =	vmax.f32 v39, v62;
	v33 =	vadd.f32 v53, v33  }
0x230: {  	v48 =	vld [tilespmem:s3+$0x7A0];
	v14 =	vmin.f32 v14, v62;
	v18 =	vadd.f32 v57, v18;
	v21 =	vadd.f32 v59, v21  }
0x231: {  	v37 =	vadd.f32 v55, v37;
	v31 =	vadd.f32 v51, v31;
	v61 =	vmul.f32 v56, v56  }
0x232: {  	v52 =	vld [tilespmem:s3+$0xFFFFFE00];
	v22 =	vadd.f32 v56, v22;
	v38 =	vmax.f32 v38, v56;
	v63 =	vmul.f32 v58, v58  }
0x233: {  	v54 =	vld [tilespmem:s3+$0xFFFFFD90];
	v11 =	vmin.f32 v11, v56;
	v25 =	vadd.f32 v58, v25;
	v49 =	vmul.f32 v60, v60  }
0x234: {  	v50 =	vld [tilespmem:s3+$0x730];
	v26 =	vmax.f32 v26, v58;
	v12 =	vmin.f32 v12, v58;
	v27 =	vadd.f32 v60, v27  }
0x235: {  	v29 =	vmax.f32 v29, v60;
	v13 =	vmin.f32 v13, v60;
	v53 =	vmul.f32 v48, v48  }
0x236: {  	v32 =	vadd.f32 v48, v32;
	v35 =	vmax.f32 v35, v48;
	v15 =	vmin.f32 v15, v48  }
0x237: {  	v62 =	vld [tilespmem:s3+$0x790];
	v57 =	vmul.f32 v52, v52;
	v17 =	vadd.f32 v52, v17;
	v34 =	vmax.f32 v34, v52  }
0x238: {  	v9 =	vmin.f32 v9, v52;
	v59 =	vmul.f32 v54, v54;
	v16 =	vadd.f32 v54, v16  }
0x239: {  	v56 =	vld [tilespmem:s3+$0xFFFFFE20];
	v36 =	vmax.f32 v36, v54;
	v10 =	vmin.f32 v10, v54;
	v55 =	vmul.f32 v50, v50  }
0x23a: {  	v58 =	vld [tilespmem:s3+$0xFFFFFE30];
	v24 =	vadd.f32 v50, v24;
	v40 =	vmax.f32 v40, v50;
	v19 =	vadd.f32 v61, v19  }
0x23b: {  	v20 =	vmin.f32 v20, v50;
	v23 =	vadd.f32 v63, v23;
	v28 =	vadd.f32 v49, v28  }
0x23c: {  	v60 =	vld [tilespmem:s3+$0x800];
	v51 =	vmul.f32 v62, v62;
	v30 =	vadd.f32 v62, v30;
	v33 =	vadd.f32 v53, v33  }
0x23d: {  	v39 =	vmax.f32 v39, v62;
	v18 =	vadd.f32 v57, v18;
	v21 =	vadd.f32 v59, v21  }
0x23e: {  	v48 =	vld [tilespmem:s3+$0x820];
	v14 =	vmin.f32 v14, v62;
	v37 =	vadd.f32 v55, v37;
	v31 =	vadd.f32 v51, v31  }
0x23f: {  	v52 =	vld [tilespmem:s3+$0xFFFFFE80];
	v61 =	vmul.f32 v56, v56;
	v22 =	vadd.f32 v56, v22;
	v63 =	vmul.f32 v58, v58  }
0x240: {  	v54 =	vld [tilespmem:s3+$0xFFFFFE10];
	v38 =	vmax.f32 v38, v56;
	v11 =	vmin.f32 v11, v56;
	v25 =	vadd.f32 v58, v25  }
0x241: {  	v26 =	vmax.f32 v26, v58;
	v49 =	vmul.f32 v60, v60;
	v12 =	vmin.f32 v12, v58  }
0x242: {  	v50 =	vld [tilespmem:s3+$0x7B0];
	v27 =	vadd.f32 v60, v27;
	v29 =	vmax.f32 v29, v60;
	v13 =	vmin.f32 v13, v60  }
0x243: {  	v53 =	vmul.f32 v48, v48;
	v32 =	vadd.f32 v48, v32;
	v35 =	vmax.f32 v35, v48  }
0x244: {  	v62 =	vld [tilespmem:s3+$0x810];
	v15 =	vmin.f32 v15, v48;
	v57 =	vmul.f32 v52, v52;
	v17 =	vadd.f32 v52, v17  }
0x245: {  	v34 =	vmax.f32 v34, v52;
	v9 =	vmin.f32 v9, v52;
	v59 =	vmul.f32 v54, v54  }
0x246: {  	v16 =	vadd.f32 v54, v16;
	v36 =	vmax.f32 v36, v54;
	v10 =	vmin.f32 v10, v54  }
0x247: {  	v56 =	vld [tilespmem:s3+$0xFFFFFEA0];
	v55 =	vmul.f32 v50, v50;
	v24 =	vadd.f32 v50, v24;
	v40 =	vmax.f32 v40, v50  }
0x248: {  	v58 =	vld [tilespmem:s3+$0xFFFFFEB0];
	v20 =	vmin.f32 v20, v50;
	v19 =	vadd.f32 v61, v19;
	v23 =	vadd.f32 v63, v23  }
0x249: {  	v60 =	vld [tilespmem:s3+$0x880];
	v51 =	vmul.f32 v62, v62;
	v28 =	vadd.f32 v49, v28;
	v30 =	vadd.f32 v62, v30  }
0x24a: {  	v39 =	vmax.f32 v39, v62;
	v33 =	vadd.f32 v53, v33;
	v18 =	vadd.f32 v57, v18  }
0x24b: {  	v48 =	vld [tilespmem:s3+$0x8A0];
	v14 =	vmin.f32 v14, v62;
	v21 =	vadd.f32 v59, v21;
	v37 =	vadd.f32 v55, v37  }
0x24c: {  	v52 =	vld [tilespmem:s3+$0xFFFFFF00];
	v31 =	vadd.f32 v51, v31;
	v61 =	vmul.f32 v56, v56;
	v22 =	vadd.f32 v56, v22  }
0x24d: {  	v54 =	vld [tilespmem:s3+$0xFFFFFE90];
	v63 =	vmul.f32 v58, v58;
	v38 =	vmax.f32 v38, v56;
	v11 =	vmin.f32 v11, v56  }
0x24e: {  	v25 =	vadd.f32 v58, v25;
	v49 =	vmul.f32 v60, v60;
	v26 =	vmax.f32 v26, v58  }
0x24f: {  	v50 =	vld [tilespmem:s3+$0x830];
	v12 =	vmin.f32 v12, v58;
	v27 =	vadd.f32 v60, v27;
	v29 =	vmax.f32 v29, v60  }
0x250: {  	v13 =	vmin.f32 v13, v60;
	v53 =	vmul.f32 v48, v48;
	v32 =	vadd.f32 v48, v32  }
0x251: {  	v62 =	vld [tilespmem:s3+$0x890];
	v35 =	vmax.f32 v35, v48;
	v15 =	vmin.f32 v15, v48;
	v57 =	vmul.f32 v52, v52  }
0x252: {  	v17 =	vadd.f32 v52, v17;
	v34 =	vmax.f32 v34, v52;
	v59 =	vmul.f32 v54, v54  }
0x253: {  	v16 =	vadd.f32 v54, v16;
	v36 =	vmax.f32 v36, v54;
	v10 =	vmin.f32 v10, v54  }
0x254: {  	v56 =	vld [tilespmem:s3+$0xFFFFFF20];
	v55 =	vmul.f32 v50, v50;
	v24 =	vadd.f32 v50, v24;
	v40 =	vmax.f32 v40, v50  }
0x255: {  	v58 =	vld [tilespmem:s3+$0xFFFFFF30];
	v20 =	vmin.f32 v20, v50;
	v19 =	vadd.f32 v61, v19;
	v23 =	vadd.f32 v63, v23  }
0x256: {  	v60 =	vld [tilespmem:s3+$0x900];
	v28 =	vadd.f32 v49, v28;
	v51 =	vmul.f32 v62, v62;
	v30 =	vadd.f32 v62, v30  }
0x257: {  	v39 =	vmax.f32 v39, v62;
	v14 =	vmin.f32 v14, v62;
	v33 =	vadd.f32 v53, v33  }
0x258: {  	v54 =	vld [tilespmem:s3+$0xFFFFFF10];
	v18 =	vadd.f32 v57, v18;
	v61 =	vmin.f32 v9, v52;
	v21 =	vadd.f32 v59, v21  }
0x259: {  	v50 =	vld [tilespmem:s3+$0x8B0];
	v37 =	vadd.f32 v55, v37;
	v31 =	vadd.f32 v51, v31;
	v9 =	vmul.f32 v56, v56  }
0x25a: {  	v46 =	vld [tilespmem:s3+$0x990];
	v22 =	vadd.f32 v56, v22;
	v38 =	vmax.f32 v38, v56;
	v43 =	vmin.f32 v11, v56  }
0x25b: {  	v62 =	vld [tilespmem:s3+$0x910];
	v25 =	vadd.f32 v58, v25;
	v11 =	vmul.f32 v60, v60;
	v26 =	vmax.f32 v26, v58  }
0x25c: {  	v52 =	vld [tilespmem:s3+$0x930];
	v12 =	vmin.f32 v12, v58;
	v27 =	vadd.f32 v60, v27;
	v29 =	vmax.f32 v29, v60  }
0x25d: {  	s16 =	sshra.s32 s0, $0x2;
	v53 =	vld [tilespmem:s3+$0xFFFFFF80];
	v13 =	vmin.f32 v13, v60;
	v59 =	vmul.f32 v54, v54;
	v16 =	vadd.f32 v54, v16  }
0x25e: {  	v57 =	vld [tilespmem:s16+$0x14B00];
	v36 =	vmax.f32 v36, v54;
	v63 =	vmin.f32 v10, v54;
	v55 =	vmul.f32 v50, v50  }
0x25f: {  	v49 =	vld [tilespmem:s3+$0x980];
	v24 =	vadd.f32 v50, v24;
	v40 =	vmax.f32 v40, v50;
	v20 =	vmin.f32 v20, v50  }
0x260: {  	v19 =	vadd.f32 v9, v19;
	v9 =	vmul.f32 v58, v58;
	v28 =	vadd.f32 v11, v28  }
0x261: {  	v30 =	vadd.f32 v62, v30;
	v39 =	vmax.f32 v39, v62;
	v14 =	vmin.f32 v14, v62  }
0x262: {  	v56 =	vld [tilespmem:s3+$0xFFFFFFB0];
	v11 =	vmul.f32 v52, v52;
	v48 =	vmul.f32 v53, v53;
	v17 =	vadd.f32 v53, v17  }
0x263: {  	v34 =	vmax.f32 v34, v53;
	v41 =	vmin.f32 v61, v53;
	v61 =	vmul.f32 $2.000000000e+01, v57  }
0x264: {  	v10 =	vld [tilespmem:s3+$0x920];
	v50 =	vmul.f32 v46, v46;
	v13 =	vmin.f32 v13, v49;
	v21 =	vadd.f32 v59, v21  }
0x265: {  	v39 =	vmax.f32 v39, v46;
	v14 =	vmin.f32 v14, v46;
	v37 =	vadd.f32 v55, v37  }
0x266: {  	v54 =	vld [tilespmem:s3+$0xFFFFFF90];
	v23 =	vadd.f32 v9, v23;
	v9 =	vmul.f32 v62, v62;
	v24 =	vadd.f32 v52, v24  }
0x267: {  	v18 =	vadd.f32 v48, v18;
	v6 =	vadd.f32 v61, v6;
	v60 =	vmul.f32 v56, v56  }
0x268: {  	v45 =	vld [tilespmem:s3+$0x9B0];
	v25 =	vadd.f32 v56, v25;
	v26 =	vmax.f32 v26, v56;
	v12 =	vmin.f32 v12, v56  }
0x269: {  	v31 =	vadd.f32 v9, v31;
	v9 =	vmul.f32 v10, v10;
	v32 =	vadd.f32 v10, v32  }
0x26a: {  	v35 =	vmax.f32 v35, v10;
	v37 =	vadd.f32 v11, v37;
	v11 =	vmax.f32 v40, v52  }
0x26b: {  	v58 =	vmul.f32 v54, v54;
	v16 =	vadd.f32 v54, v16;
	v36 =	vmax.f32 v36, v54  }
0x26c: {  	v55 =	vld [tilespmem:s3+$0xFFFFFFA0];
	v40 =	vmin.f32 v63, v54;
	v63 =	vmul.f32 v49, v49;
	v6 =	vadd.f32 v6, v17  }
0x26d: {  	v62 =	vld [tilespmem:s16+$0x14B10];
	v24 =	vadd.f32 v45, v24;
	v23 =	vadd.f32 v60, v23;
	v11 =	vmax.f32 v11, v45  }
0x26e: {  	v48 =	vld [tilespmem:s3+$0x9A0];
	v33 =	vadd.f32 v9, v33;
	v9 =	vmin.f32 v15, v10;
	v10 =	vmin.f32 v20, v52  }
0x26f: {  	v56 =	vld [tilespmem:s16+$0x14B30];
	v21 =	vadd.f32 v58, v21;
	v52 =	vmul.f32 v61, v57;
	v20 =	vadd.f32 v57, v57  }
0x270: {  	v28 =	vadd.f32 v63, v28;
	v31 =	vadd.f32 v50, v31;
	v50 =	vmul.f32 v45, v45  }
0x271: {  	v15 =	vadd.f32 v49, v27;
	v59 =	vmul.f32 v55, v55;
	v22 =	vadd.f32 v55, v22  }
0x272: {  	v57 =	vld [tilespmem:s16+$0x14B80];
	v38 =	vmax.f32 v38, v55;
	v42 =	vmin.f32 v43, v55;
	v54 =	vadd.f32 v62, v62  }
0x273: {  	v63 =	vld [tilespmem:s16+$0x14B90];
	v51 =	vmul.f32 v48, v48;
	v32 =	vadd.f32 v48, v32;
	v7 =	vadd.f32 v52, v7  }
0x274: {  	v20 =	vmul.f32 v20, v17;
	v37 =	vadd.f32 v50, v37;
	v60 =	vmul.f32 $2.000000000e+01, v56  }
0x275: {  	v27 =	vadd.f32 v56, v56;
	v33 =	vadd.f32 v51, v33;
	v51 =	vmul.f32 $2.000000000e+01, v62  }
0x276: {  	v19 =	vadd.f32 v59, v19;
	v55 =	vmul.f32 v54, v16;
	v7 =	vadd.f32 v7, v20  }
0x277: {  	v52 =	vld [tilespmem:s16+$0x14B20];
	v43 =	vmul.f32 v60, v56;
	v2 =	vadd.f32 v60, v2;
	v53 =	vmul.f32 v51, v62  }
0x278: {  	v4 =	vadd.f32 v51, v4;
	v62 =	vmul.f32 $2.000000000e+01, v57;
	v54 =	vadd.f32 v63, v63  }
0x279: {  	v50 =	vld [tilespmem:s16+$0x14BB0];
	v7 =	vadd.f32 v7, v18;
	v18 =	vmax.f32 v29, v49;
	v29 =	vadd.f32 v46, v30  }
0x27a: {  	v51 =	vmul.f32 $2.000000000e+01, v63;
	v30 =	vadd.f32 v57, v57;
	v1 =	vadd.f32 v43, v1  }
0x27b: {  	v46 =	vmul.f32 v27, v25;
	v2 =	vadd.f32 v2, v25;
	v8 =	vadd.f32 v53, v8  }
0x27c: {  	v58 =	vmul.f32 $2.000000000e+01, v52;
	v4 =	vadd.f32 v4, v16;
	v20 =	vadd.f32 v52, v52  }
0x27d: {  	[tilespmem:s16+$0x15300] =	vst v34;
	v44 =	vmul.f32 v62, v57;
	v6 =	vadd.f32 v62, v6;
	v1 =	vadd.f32 v1, v46  }
0x27e: {  	v47 =	vld [tilespmem:s16+$0x14BA0];
	[tilespmem:s16+$0x15B00] =	vst v41;
	v57 =	vmul.f32 $2.000000000e+01, v50;
	v8 =	vadd.f32 v8, v55;
	v5 =	vadd.f32 v58, v5  }
0x27f: {  	[tilespmem:s16+$0x15B80] =	vst v13;
	v9 =	vmin.f32 v9, v48;
	v7 =	vadd.f32 v44, v7;
	v6 =	vadd.f32 v6, v15  }
0x280: {  	[tilespmem:s16+$0x15390] =	vst v39;
	v59 =	vmul.f32 v58, v52;
	v4 =	vadd.f32 v51, v4;
	v2 =	vadd.f32 v57, v2  }
0x281: {  	[tilespmem:s16+$0x15B90] =	vst v14;
	v49 =	vmul.f32 v30, v15;
	v1 =	vadd.f32 v1, v23;
	v8 =	vadd.f32 v8, v21  }
0x282: {  	[tilespmem:s16+$0x15330] =	vst v26;
	v61 =	vmul.f32 v20, v22;
	v3 =	vadd.f32 v59, v3;
	v5 =	vadd.f32 v5, v22  }
0x283: {  	[tilespmem:s16+$0x15B30] =	vst v12;
	v60 =	vmul.f32 v57, v50;
	v7 =	vadd.f32 v7, v49;
	v59 =	vadd.f32 v47, v47  }
0x284: {  	[tilespmem:s16+$0x15310] =	vst v36;
	v55 =	vmul.f32 $2.000000000e+01, v47;
	v4 =	vadd.f32 v4, v29;
	v3 =	vadd.f32 v3, v61  }
0x285: {  	[tilespmem:s16+$0x15B10] =	vst v40;
	v53 =	vmul.f32 v51, v63;
	v2 =	vadd.f32 v2, v24;
	v1 =	vadd.f32 v60, v1  }
0x286: {  	[tilespmem:s16+$0x153B0] =	vst v11;
	v58 =	vmul.f32 v55, v47;
	v61 =	vadd.f32 v50, v50;
	v3 =	vadd.f32 v3, v19  }
0x287: {  	p0 =	sne.s32 s0, $0x1C00;
	[tilespmem:s16+$0x15320] =	vst v38;
	v56 =	vmul.f32 v54, v29;
	v7 =	vadd.f32 v7, v28;
	v8 =	vadd.f32 v53, v8  }
.Ltmp1:
0x288: {  	[tilespmem:s16+$0x15B20] =	vst v42;
	v62 =	vmul.f32 v59, v32;
	v63 =	vmul.f32 v61, v24;
	v3 =	vadd.f32 v58, v3;
	(pc) =	sbr.rel @p0 .LBB2_5-.Ltmp1, $4  }
0x289: {  	[tilespmem:s16+$0x15BA0] =	vst v9;
	v9 =	vmin.f32 v10, v45;
	v5 =	vadd.f32 v55, v5;
	v8 =	vadd.f32 v8, v56  }
0x28a: {  	[tilespmem:s16+$0x15BB0] =	vst v9;
	v1 =	vadd.f32 v1, v63;
	v3 =	vadd.f32 v3, v62  }
0x28b: {  	[tilespmem:s16+$0x15380] =	vst v18;
	v52 =	vmax.f32 v35, v48;
	v5 =	vadd.f32 v5, v32;
	v8 =	vadd.f32 v8, v31  }
0x28c: {  	s0 =	sadd.s32 $0x400, s0;
	s3 =	sadd.s32 $0x1400, s3;
	[tilespmem:s16+$0x153A0] =	vst v52;
	v1 =	vadd.f32 v1, v37;
	v3 =	vadd.f32 v3, v33  }
0x28d: {  	s0 =	sadd.s32 s6, s30  }
0x28e: {  	[hbm4b:s0+s2] =	stream.linear.scatter [tilespmem:s23], [sflag:$0x3], $0x800, $0x38;
	[tilespmem:$0x16700] =	vst v63  }
0x28f: {  	s29 =	sadd.s32 $0x1, s29;
	_ =	swait.ge [sflag:s15], $0x800  }
0x290: {  	p0 =	sne.s32 s29, $0x10;
	[sflag:s15] =	ssyncset.done $0x0  }
.Ltmp2:
0x291: {  	s31 =	sadd.s32 s7, s30;
	[sflag:s15] =	ssyncadd.s32 $0xFFFFF800;
	(pc) =	sbr.rel @p0 .LBB2_2-.Ltmp2, $4  }
0x292: {  	[hbm4b:s31+s2] =	stream.linear.scatter [tilespmem:s24], [sflag:$0x3], $0x800, $0x38;
	[tilespmem:$0x16700] =	vst v63  }
0x293: {  	_ =	swait.ge [sflag:s15], $0x800  }
0x294: {  	[sflag:s15] =	ssyncset.done $0x0  }
0x295: {  	[sflag:s15] =	ssyncadd.s32 $0xFFFFF800  }
0x296: {  	[tilespmem:$0x16400] =	vst v0  }
0x297: {  	[tilespmem:$0x16410] =	vst v0  }
0x298: {  	[tilespmem:$0x16420] =	vst v0  }
0x299: {  	[tilespmem:$0x16430] =	vst v0  }
0x29a: {  	[tilespmem:$0x16480] =	vst v0  }
0x29b: {  	[tilespmem:$0x16490] =	vst v0  }
0x29c: {  	[tilespmem:$0x164A0] =	vst v0  }
0x29d: {  	[tilespmem:$0x164B0] =	vst v0  }
0x29e: {  	[tilespmem:$0x16500] =	vst v0  }
0x29f: {  	[tilespmem:$0x16510] =	vst v0  }
0x2a0: {  	[tilespmem:$0x16520] =	vst v0  }
0x2a1: {  	[tilespmem:$0x16530] =	vst v0  }
0x2a2: {  	[tilespmem:$0x16580] =	vst v0  }
0x2a3: {  	[tilespmem:$0x16590] =	vst v0  }
0x2a4: {  	[tilespmem:$0x165A0] =	vst v0  }
0x2a5: {  	[tilespmem:$0x165B0] =	vst v0  }
0x2a6: {  	[tilespmem:$0x16600] =	vst v0  }
0x2a7: {  	[tilespmem:$0x16610] =	vst v0  }
0x2a8: {  	[tilespmem:$0x16620] =	vst v0  }
0x2a9: {  	[tilespmem:$0x16630] =	vst v0  }
0x2aa: {  	[tilespmem:$0x16680] =	vst v0  }
0x2ab: {  	[tilespmem:$0x16690] =	vst v0  }
0x2ac: {  	[tilespmem:$0x166A0] =	vst v0  }
0x2ad: {  	[tilespmem:$0x166B0] =	vst v0  }
0x2ae: {  	[tilespmem:$0x16300] =	vst v6  }
0x2af: {  	[tilespmem:$0x16380] =	vst v7  }
0x2b0: {  	[tilespmem:$0x16310] =	vst v4  }
0x2b1: {  	[tilespmem:$0x16390] =	vst v8  }
0x2b2: {  	[tilespmem:$0x16320] =	vst v5  }
0x2b3: {  	[tilespmem:$0x163A0] =	vst v3;
	s28 =	sadd.s32 $0x1, s28  }
0x2b4: {  	[tilespmem:$0x16330] =	vst v2;
	p0 =	sne.s32 s28, s13  }
.Ltmp3:
0x2b5: {  	[tilespmem:$0x163B0] =	vst v1;
	(pc) =	sbr.rel @p0 .LBB2_1-.Ltmp3, $4  }
0x2b6: {  	[hbm4b:s12+s2] =	stream.linear.scatter [tilespmem:s26], [sflag:$0x3], $0x400, $0x38;
	[tilespmem:$0x16700] =	vst v63  }
0x2b7: {  	_ =	swait.ge [sflag:s15], $0x400  }
0x2b8: {  	[sflag:s15] =	ssyncset.done $0x0  }
0x2b9: {  	[sflag:s15] =	ssyncadd.s32 $0xFFFFFC00  }
0x2ba: {  	_ =	sfence.sel $0x180000  }
0x2bb: {  	[bflag:$0x0] =	sbarrier.arrive $0xFFFF  }
0x2bc: {  	_ =	strace $0x90000047  }
0x2bd: {  	s0 =	stileid.u32;
	[bflag:$0x2] =	sbarrier.arrive $0xFFFF  }
0x2be: {  	p0 =	sne.s32 s0, $0x0;
	s0 =	rddreg [dreg:$0x2]  }
0x2bf: {  	s0 =	sadd.s32 @!p0 $0x100000, s0  }
0x2c0: {  	[sflag:s0] =	ssyncadd.tile.s32 @!p0 $0x1;
	_ =	shalt  }
.Lfunc_end2:
_tile_overlayer_lowered:
.L_overlay_start_2:
0x2c1: {  	(tag) =	ssettag $0x2  }
0x2c2: {  	s0 =	rddreg [dreg:$0x0];
	s2 =	stileid.u32  }
0x2c3: {  	s1 =	rddreg [dreg:$0x1];
	p0 =	sne.s32 s2, $0x0  }
0x2c4: {  	s3 =	rddreg [dreg:$0x2];
	[bflag:$0x3] =	sbarrier.arrive $0xFFFF;
	s2 =	simm.s32 @!p0 $0x1C03  }
0x2c5: {  	[timem:s3], [sflag:s2] =	dma.local @!p0 [hbm:s0], s1  }
0x2c6: {  	s0 =	simm.s32 @!p0 $0x3  }
0x2c7: {  	_ =	swait.ge @!p0 [sflag:s0], s1  }
0x2c8: {  	s1 =	ssub.s32 @!p0 $0x0, s1;
	[sflag:s0] =	ssyncset.done @!p0 $0x0  }
0x2c9: {  	[sflag:s0] =	ssyncadd.s32 @!p0 s1  }
0x2ca: {  	[bflag:$0x3] =	sbarrier.arrive $0xFFFF  }
0x2cb: {  	_ =	shalt  }

</sc_bundles>
